<compile_context>
chip_gen: v7x
topology: tpu7x:2x2x1
jax: 0.10.2.dev20260603
libtpu: 0.0.44.dev20260713+nightly
codegen_flags: <defaults>
</compile_context>

<pallas_src>
import functools

import jax
import jax.numpy as jnp
from jax import lax
from jax.experimental import pallas as pl
from jax.experimental.pallas import tpu as pltpu
from jax.experimental.pallas import tpu_sc as plsc

NR = 10000
GE = 128
RE = 256
H = 128
E = 160000
NSUB = 16
NCORE = 2
RPT = 624

_MESH = plsc.VectorSubcoreMesh(core_axis_name="c", subcore_axis_name="s")

CD = 80
CE = 80


def _fill_rows(ref, nrows, width, value):
    vec = jnp.full((16,), value, jnp.float32)

    def body(i, carry):
        for f in range(width // 16):
            ref[i, pl.ds(f * 16, 16)] = vec
        return carry

    lax.fori_loop(0, nrows, body, 0)


def _zero_acc(zbuf, acc, s, zrows):
    base = s * RPT
    nfull, rem = RPT // zrows, RPT % zrows
    for r in range(nfull):
        pltpu.sync_copy(zbuf, acc.at[pl.ds(base + r * zrows, zrows)])
    if rem:
        pltpu.sync_copy(zbuf.at[pl.ds(0, rem)],
                        acc.at[pl.ds(base + nfull * zrows, rem)])

    @pl.when(s == 0)
    def _():
        pltpu.sync_copy(zbuf.at[pl.ds(0, 16)], acc.at[pl.ds(NR - 16, 16)])


def _drain_acc(acc, out_hbm, s, c):
    base = s * RPT
    pltpu.sync_copy(acc.at[pl.ds(base, RPT)],
                    out_hbm.at[pl.ds(c * NR + base, RPT)])

    @pl.when(s == 0)
    def _():
        pltpu.sync_copy(acc.at[pl.ds(NR - 16, 16)],
                        out_hbm.at[pl.ds(c * NR + NR - 16, 16)])


@functools.partial(
    pl.kernel,
    out_type=jax.ShapeDtypeStruct((NCORE * NR, H), jnp.float32),
    mesh=_MESH,
    scratch_types=[
        pltpu.VMEM_SHARED((NR, H), jnp.float32),
        pltpu.VMEM((CD,), jnp.int32),
        pltpu.VMEM((CD, H), jnp.float32),
        pltpu.VMEM((CD, H), jnp.float32),
    ],
)
def _sc_degree(dst_hbm, out_hbm, deg_sh, idx_v, ones_v, zbuf):
    c = lax.axis_index("c")
    s = lax.axis_index("s")
    _fill_rows(zbuf, CD, H, 0.0)
    _fill_rows(ones_v, CD, H, 1.0)
    _zero_acc(zbuf, deg_sh, s, CD)
    plsc.subcore_barrier()
    ept = E // NSUB
    base = s * ept

    def chunk(k, carry):
        pltpu.sync_copy(dst_hbm.at[pl.ds(base + k * CD, CD)], idx_v)
        pltpu.sync_copy(ones_v, deg_sh.at[idx_v], add=True)
        return carry

    lax.fori_loop(0, ept // CD, chunk, 0)
    plsc.subcore_barrier()
    _drain_acc(deg_sh, out_hbm, s, c)


@functools.partial(
    pl.kernel,
    out_type=jax.ShapeDtypeStruct((NCORE * NR, H), jnp.float32),
    mesh=_MESH,
    scratch_types=[
        pltpu.VMEM_SHARED((NR, H), jnp.float32),
        pltpu.VMEM((CE,), jnp.int32),
        pltpu.VMEM((CE,), jnp.int32),
        pltpu.VMEM((CE,), jnp.int32),
        pltpu.VMEM((CE, H), jnp.float32),
        pltpu.VMEM((CE, 2 * H), jnp.float32),
        pltpu.VMEM((CE, H), jnp.float32),
        pltpu.SemaphoreType.DMA,
        pltpu.SemaphoreType.DMA,
    ],
)
def _sc_resgated(k_hbm, qv_hbm, dst_hbm, src_hbm, out_hbm,
                 acc, dstv, dstv_adj, srcv_adj, krows, qvrows, msg,
                 sem1, sem2):
    c = lax.axis_index("c")
    s = lax.axis_index("s")
    _fill_rows(msg, CE, H, 0.0)
    _zero_acc(msg, acc, s, CE)
    plsc.subcore_barrier()
    ept = E // NSUB
    base = s * ept
    coff = c * NR

    def chunk(k, carry):
        off = base + k * CE
        pltpu.sync_copy(dst_hbm.at[pl.ds(off, CE)], dstv)
        pltpu.sync_copy(src_hbm.at[pl.ds(off, CE)], srcv_adj)
        for j in range(CE // 16):
            sl = pl.ds(j * 16, 16)
            dstv_adj[sl] = dstv[sl] + coff
            srcv_adj[sl] = srcv_adj[sl] + coff
        cp1 = pltpu.async_copy(k_hbm.at[dstv_adj], krows, sem1)
        cp2 = pltpu.async_copy(qv_hbm.at[srcv_adj], qvrows, sem2)
        cp1.wait()
        cp2.wait()

        def edge(i, icarry):
            for f in range(H // 16):
                sl = pl.ds(f * 16, 16)
                kv = krows[i, sl]
                qv = qvrows[i, sl]
                vv = qvrows[i, pl.ds(H + f * 16, 16)]
                eta = 1.0 / (1.0 + jnp.exp(-(kv + qv)))
                msg[i, sl] = eta * vv
            return icarry

        lax.fori_loop(0, CE, edge, 0)
        pltpu.sync_copy(msg, acc.at[dstv], add=True)
        return carry

    lax.fori_loop(0, ept // CE, chunk, 0)
    plsc.subcore_barrier()
    _drain_acc(acc, out_hbm, s, c)


@functools.partial(
    pl.kernel,
    out_type=jax.ShapeDtypeStruct((NCORE * NR, H), jnp.float32),
    mesh=_MESH,
    scratch_types=[
        pltpu.VMEM_SHARED((NR, H), jnp.float32),
        pltpu.VMEM((CE,), jnp.int32),
        pltpu.VMEM((CE,), jnp.int32),
        pltpu.VMEM((CE, H), jnp.float32),
        pltpu.SemaphoreType.DMA,
    ],
)
def _sc_gcn(xw_hbm, dst_hbm, src_hbm, out_hbm, acc, dstv, srcv_adj, rows, sem1):
    c = lax.axis_index("c")
    s = lax.axis_index("s")
    _fill_rows(rows, CE, H, 0.0)
    _zero_acc(rows, acc, s, CE)
    plsc.subcore_barrier()
    ept = E // NSUB
    base = s * ept
    coff = c * NR

    def chunk(k, carry):
        off = base + k * CE
        pltpu.sync_copy(dst_hbm.at[pl.ds(off, CE)], dstv)
        pltpu.sync_copy(src_hbm.at[pl.ds(off, CE)], srcv_adj)
        for j in range(CE // 16):
            sl = pl.ds(j * 16, 16)
            srcv_adj[sl] = srcv_adj[sl] + coff
        pltpu.async_copy(xw_hbm.at[srcv_adj], rows, sem1).wait()
        pltpu.sync_copy(rows, acc.at[dstv], add=True)
        return carry

    lax.fori_loop(0, ept // CE, chunk, 0)
    plsc.subcore_barrier()
    _drain_acc(acc, out_hbm, s, c)


NB = 10
BN = NR // NB


def _dinv_block(deg_ref):
    deg = 1.0 + (1.0 / (2 * H)) * jnp.sum(jnp.sum(deg_ref[...], axis=0), axis=1)
    return lax.rsqrt(deg)[:, None]


def _tc_pre(xg, xr, deg16, Wk, bk, Wq, bq, Wv, bv, Ws, bs, Wg):
    def body(xg_ref, xr_ref, deg_ref, wk_ref, bk_ref, wq_ref, bq_ref,
             wv_ref, bv_ref, ws_ref, bs_ref, wg_ref,
             k_ref, qv0_ref, qv1_ref, xwp_ref, s_ref):
        xgb = xg_ref[...]
        xrb = xr_ref[...]
        dinv = _dinv_block(deg_ref)
        q0 = xgb @ wq_ref[0] + bq_ref[0, 0][None, :]
        v0 = xgb @ wv_ref[0] + bv_ref[0, 0][None, :]
        q1 = xgb @ wq_ref[1] + bq_ref[1, 0][None, :]
        v1 = xgb @ wv_ref[1] + bv_ref[1, 0][None, :]
        qv0_ref[0] = jnp.concatenate([q0, v0], axis=1)
        qv1_ref[0] = jnp.concatenate([q1, v1], axis=1)
        k_ref[0] = xrb @ wk_ref[0] + bk_ref[0, 0][None, :]
        xwp_ref[0] = (xrb @ wg_ref[0]) * dinv
        s_ref[...] = xrb @ ws_ref[0] + bs_ref[0, 0][None, :]

    return pl.pallas_call(
        body,
        grid=(NB, NCORE),
        in_specs=[
            pl.BlockSpec((BN, GE), lambda i,ic: (i, 0)),
            pl.BlockSpec((BN, RE), lambda i, ic: (i, 0)),
            pl.BlockSpec((NCORE, BN, H), lambda i, ic: (0, i, 0)),
            pl.BlockSpec((1, RE, H), lambda i, ic: (0, 0, ic)),
            pl.BlockSpec((1, 8, H), lambda i, ic: (0, 0, ic)),
            pl.BlockSpec((2, GE, H), lambda i, ic: (0, 0, ic)),
            pl.BlockSpec((2, 8, H), lambda i, ic: (0, 0, ic)),
            pl.BlockSpec((2, GE, H), lambda i, ic: (0, 0, ic)),
            pl.BlockSpec((2, 8, H), lambda i, ic: (0, 0, ic)),
            pl.BlockSpec((1, RE, H), lambda i, ic: (0, 0, ic)),
            pl.BlockSpec((1, 8, H), lambda i, ic: (0, 0, ic)),
            pl.BlockSpec((1, RE, H), lambda i, ic: (0, 0, ic)),
        ],
        out_specs=[
            pl.BlockSpec((1, BN, H), lambda i, ic: (ic, i, 0)),
            pl.BlockSpec((1, BN, 2 * H), lambda i, ic: (ic, i, 0)),
            pl.BlockSpec((1, BN, 2 * H), lambda i, ic: (ic, i, 0)),
            pl.BlockSpec((1, BN, H), lambda i, ic: (ic, i, 0)),
            pl.BlockSpec((BN, H), lambda i, ic: (i, ic)),
        ],
        out_shape=[
            jax.ShapeDtypeStruct((NCORE, NR, H), jnp.float32),
            jax.ShapeDtypeStruct((NCORE, NR, 2 * H), jnp.float32),
            jax.ShapeDtypeStruct((NCORE, NR, 2 * H), jnp.float32),
            jax.ShapeDtypeStruct((NCORE, NR, H), jnp.float32),
            jax.ShapeDtypeStruct((NR, RE), jnp.float32),
        ],
    )(xg, xr, deg16, Wk, bk, Wq, bq, Wv, bv, Ws, bs, Wg)


def _combine(g_ref, r_ref, xwp_ref, s_ref, deg_ref, bg_ref):
    dinv = _dinv_block(deg_ref)
    gfull = jnp.concatenate([g_ref[0], g_ref[1]], axis=1)
    rfull = jnp.concatenate([r_ref[0], r_ref[1]], axis=1)
    xwpfull = jnp.concatenate([xwp_ref[0], xwp_ref[1]], axis=1)
    pre = gfull + s_ref[...] + dinv * (rfull + xwpfull) + bg_ref[0, 0][None, :]
    gelu = 0.5 * pre * (1.0 + lax.erf(pre * (1.0 / jnp.sqrt(2.0).astype(jnp.float32))))
    return gelu, dinv


def _tc_mid(G0, R0, XWP0, S0, deg16, Wk, bk, Ws, bs, Wg, bg):
    def body(g_ref, r_ref, xwp_ref, s_ref, deg_ref, bg_ref,
             wk_ref, bk_ref, ws_ref, bs_ref, wg_ref,
             k1_ref, xwp1_ref, s1_ref):
        xr1, dinv = _combine(g_ref, r_ref, xwp_ref, s_ref, deg_ref, bg_ref)
        k1 = xr1 @ wk_ref[0] + bk_ref[0, 0][None, :]
        k1_ref[0] = k1[:, :H]
        k1_ref[1] = k1[:, H:]
        xwp1 = (xr1 @ wg_ref[0]) * dinv
        xwp1_ref[0] = xwp1[:, :H]
        xwp1_ref[1] = xwp1[:, H:]
        s1_ref[...] = xr1 @ ws_ref[0] + bs_ref[0, 0][None, :]

    return pl.pallas_call(
        body,
        grid=(NB,),
        in_specs=[
            pl.BlockSpec((NCORE, BN, H), lambda i: (0, i, 0)),
            pl.BlockSpec((NCORE, BN, H), lambda i: (0, i, 0)),
            pl.BlockSpec((NCORE, BN, H), lambda i: (0, i, 0)),
            pl.BlockSpec((BN, RE), lambda i: (i, 0)),
            pl.BlockSpec((NCORE, BN, H), lambda i: (0, i, 0)),
            pl.BlockSpec((1, 8, RE), lambda i: (0, 0, 0)),
            pl.BlockSpec((1, RE, RE), lambda i: (1, 0, 0)),
            pl.BlockSpec((1, 8, RE), lambda i: (1, 0, 0)),
            pl.BlockSpec((1, RE, RE), lambda i: (1, 0, 0)),
            pl.BlockSpec((1, 8, RE), lambda i: (1, 0, 0)),
            pl.BlockSpec((1, RE, RE), lambda i: (1, 0, 0)),
        ],
        out_specs=[
            pl.BlockSpec((NCORE, BN, H), lambda i: (0, i, 0)),
            pl.BlockSpec((NCORE, BN, H), lambda i: (0, i, 0)),
            pl.BlockSpec((BN, RE), lambda i: (i, 0)),
        ],
        out_shape=[
            jax.ShapeDtypeStruct((NCORE, NR, H), jnp.float32),
            jax.ShapeDtypeStruct((NCORE, NR, H), jnp.float32),
            jax.ShapeDtypeStruct((NR, RE), jnp.float32),
        ],
    )(G0, R0, XWP0, S0, deg16, bg, Wk, bk, Ws, bs, Wg)


def _tc_post(G1, R1, XWP1, S1, deg16, bg, W_las):
    def body(g_ref, r_ref, xwp_ref, s_ref, deg_ref, bg_ref, wl_ref, out_ref):
        xr2, _ = _combine(g_ref, r_ref, xwp_ref, s_ref, deg_ref, bg_ref)
        t1 = xr2[:, :H]
        t2 = xr2[:, H:]
        wl = wl_ref[...]
        z = (lax.dot_general(t1, wl, (((1,), (0,)), ((), ())))
             - lax.dot_general(t1, wl, (((1,), (1,)), ((), ()))))
        out_ref[...] = jnp.sum(z * t2, axis=1, keepdims=True)

    return pl.pallas_call(
        body,
        grid=(NB,),
        in_specs=[
            pl.BlockSpec((NCORE, BN, H), lambda i: (0, i, 0)),
            pl.BlockSpec((NCORE, BN, H), lambda i: (0, i, 0)),
            pl.BlockSpec((NCORE, BN, H), lambda i: (0, i, 0)),
            pl.BlockSpec((BN, RE), lambda i: (i, 0)),
            pl.BlockSpec((NCORE, BN, H), lambda i: (0, i, 0)),
            pl.BlockSpec((1, 8, RE), lambda i: (1, 0, 0)),
            pl.BlockSpec((H, H), lambda i: (0, 0)),
        ],
        out_specs=pl.BlockSpec((BN, 1), lambda i: (i, 0)),
        out_shape=jax.ShapeDtypeStruct((NR, 1), jnp.float32),
    )(G1, R1, XWP1, S1, deg16, bg, W_las)


def kernel(x_G, x_R, edge_index_GR, edge_index_RR,
           Wk, bk, Wq, bq, Wv, bv, Ws, bs, Wg, bg, W_las):
    xg = x_G[0]
    xr = x_R[0]
    src_gr = edge_index_GR[0]
    dst_gr = edge_index_GR[1]
    src_rr = edge_index_RR[0]
    dst_rr = edge_index_RR[1]
    bk8 = jnp.broadcast_to(bk[:, None, :], (2, 8, RE))
    bq8 = jnp.broadcast_to(bq[:, None, :], (2, 8, RE))
    bv8 = jnp.broadcast_to(bv[:, None, :], (2, 8, RE))
    bs8 = jnp.broadcast_to(bs[:, None, :], (2, 8, RE))
    bg8 = jnp.broadcast_to(bg[:, None, :], (2, 8, RE))

    deg16 = _sc_degree(dst_rr).reshape(NCORE, NR, H)
    K0, QV0, QV1, XWP0, S0 = _tc_pre(xg, xr, deg16,
                                     Wk, bk8, Wq, bq8, Wv, bv8, Ws, bs8, Wg)
    G0 = _sc_resgated(K0.reshape(NCORE * NR, H),
                      QV0.reshape(NCORE * NR, 2 * H),
                      dst_gr, src_gr).reshape(NCORE, NR, H)
    R0 = _sc_gcn(XWP0.reshape(NCORE * NR, H),
                 dst_rr, src_rr).reshape(NCORE, NR, H)
    K1, XWP1, S1 = _tc_mid(G0, R0, XWP0, S0, deg16, Wk, bk8, Ws, bs8, Wg, bg8)
    G1 = _sc_resgated(K1.reshape(NCORE * NR, H),
                      QV1.reshape(NCORE * NR, 2 * H),
                      dst_gr, src_gr).reshape(NCORE, NR, H)
    R1 = _sc_gcn(XWP1.reshape(NCORE * NR, H),
                 dst_rr, src_rr).reshape(NCORE, NR, H)
    out = _tc_post(G1, R1, XWP1, S1, deg16, bg8, W_las)
    return out.reshape(NR)

# --- scband reference (transcript-rebuilt; emitter-appended) ---
"""Pipeline reference for scband-flex-gnn-gcnconv-ggconv-50818053046929 (READ-ONLY COPY).

The authoritative reference and input builder live on the scoring server;
editing this copy changes nothing except your own understanding.
"""

import jax, jax.numpy as jnp
import numpy as np

NR = 10000
RE = 256
GE = 128
NL = 2
B = 1
E_GR = 160000
E_RR = 160000


def setup_inputs(seed: int = 0) -> dict:
    key = jax.random.key(seed)
    ks = jax.random.split(key, 16)
    inp = {}
    inp["x_G"] = jax.random.normal(ks[0], (B, NR, GE), dtype=jnp.float32)
    inp["x_R"] = jax.random.normal(ks[1], (B, NR, RE), dtype=jnp.float32)
    inp["edge_index_GR"] = jax.random.randint(ks[2], (2, E_GR), 0, NR, dtype=jnp.int32)
    inp["edge_index_RR"] = jax.random.randint(ks[3], (2, E_RR), 0, NR, dtype=jnp.int32)
    # ResGatedConv params per layer (PyG ResGatedGraphConv semantics, bipartite (GE, RE) -> RE)
    inp["Wk"] = jax.random.normal(ks[4], (NL, RE, RE), dtype=jnp.float32) / np.sqrt(RE)
    inp["bk"] = jnp.zeros((NL, RE), dtype=jnp.float32)
    inp["Wq"] = jax.random.normal(ks[5], (NL, GE, RE), dtype=jnp.float32) / np.sqrt(GE)
    inp["bq"] = jnp.zeros((NL, RE), dtype=jnp.float32)
    inp["Wv"] = jax.random.normal(ks[6], (NL, GE, RE), dtype=jnp.float32) / np.sqrt(GE)
    inp["bv"] = jnp.zeros((NL, RE), dtype=jnp.float32)
    inp["Ws"] = jax.random.normal(ks[7], (NL, RE, RE), dtype=jnp.float32) / np.sqrt(RE)
    inp["bs"] = jnp.zeros((NL, RE), dtype=jnp.float32)
    # GCNConv params per layer
    inp["Wg"] = jax.random.normal(ks[8], (NL, RE, RE), dtype=jnp.float32) / np.sqrt(RE)
    inp["bg"] = jnp.zeros((NL, RE), dtype=jnp.float32)
    # BiLinAntisymmetricFunc param
    inp["W_las"] = jax.random.normal(ks[9], (RE // 2, RE // 2), dtype=jnp.float32) / np.sqrt(RE // 2)
    return inp


def _gcn_conv(x, edge_index, W, b):
    # GCNConv with added self-loops and symmetric normalization, node_dim=-2
    src = edge_index[0]
    dst = edge_index[1]
    loops = jnp.arange(NR, dtype=src.dtype)
    src = jnp.concatenate([src, loops])
    dst = jnp.concatenate([dst, loops])
    deg = jnp.zeros((NR,), jnp.float32).at[dst].add(jnp.ones(dst.shape[0], jnp.float32))
    dinv = jnp.where(deg > 0.0, jax.lax.rsqrt(jnp.maximum(deg, 1e-12)), 0.0)
    norm = dinv[src] * dinv[dst]
    xw = x @ W
    msg = xw[:, src, :] * norm[None, :, None]
    out = jnp.zeros_like(xw).at[:, dst, :].add(msg)
    return out + b


def _res_gated_conv(x_g, x_r, edge_index, Wk, bk, Wq, bq, Wv, bv, Ws, bs):
    # out_i = Ws x_i + sum_j sigmoid(Wk x_i + Wq x_j) * (Wv x_j), j in G-neighbors of i
    src = edge_index[0]
    dst = edge_index[1]
    k = x_r @ Wk + bk
    q = x_g @ Wq + bq
    v = x_g @ Wv + bv
    eta = jax.nn.sigmoid(k[:, dst, :] + q[:, src, :])
    msg = eta * v[:, src, :]
    agg = jnp.zeros((x_r.shape[0], NR, RE), jnp.float32).at[:, dst, :].add(msg)
    return agg + x_r @ Ws + bs


def _forward(x_G, x_R, edge_index_GR, edge_index_RR, Wk, bk, Wq, bq, Wv, bv, Ws, bs, Wg, bg, W_las):
    xr = x_R
    for l in range(NL):
        # first layer sees the live x_G; subsequent layers see the detached clone ge
        xg = x_G if l == 0 else jax.lax.stop_gradient(x_G)
        out_r = _res_gated_conv(xg, xr, edge_index_GR, Wk[l], bk[l], Wq[l], bq[l], Wv[l], bv[l], Ws[l], bs[l])
        out_r = out_r + _gcn_conv(xr, edge_index_RR, Wg[l], bg[l])  # HeteroConv sum-aggregation on 'R'
        xr = jax.nn.gelu(out_r, approximate=False)
    t1 = xr[:, :, : RE // 2]
    t2 = xr[:, :, RE // 2:]
    A = W_las - W_las.T  # antisymmetric bilinear form: f(a,b) = -f(b,a)
    flx = jnp.einsum('bnd,de,bne->bn', t1, A, t2)
    return jnp.squeeze(flx)


def reference(x_G, x_R, edge_index_GR, edge_index_RR, Wk, bk, Wq, bq, Wv, bv, Ws, bs, Wg, bg, W_las):
    return _forward(x_G, x_R, edge_index_GR, edge_index_RR, Wk, bk, Wq, bq, Wv, bv, Ws, bs, Wg, bg, W_las)

if __name__ == "__main__":
    import jax
    _d = setup_inputs()
    print(jax.jit(kernel)(*tuple(_d.values())))

</pallas_src>

<mosaic_0001>
#map = affine_map<(d0, d1) -> (0)>
#map1 = affine_map<(d0, d1) -> (0, 0)>
module attributes {stable_mosaic.version = 14 : i64} {
  func.func @_sc_degree(%arg0: i32, %arg1: i32, %arg2: memref<160000xi32, #tpu.memory_space<hbm>>, %arg3: memref<20000x128xf32, #tpu.memory_space<hbm>>, %arg4: memref<10000x128xf32, #tpu.memory_space<vmem_shared>>, %arg5: memref<80xi32, #tpu.memory_space<vmem>>, %arg6: memref<80x128xf32, #tpu.memory_space<vmem>>, %arg7: memref<80x128xf32, #tpu.memory_space<vmem>>) attributes {dimension_semantics = [#tpu.dimension_semantics<core_parallel>, #tpu.dimension_semantics<subcore_parallel>], iteration_bounds = array<i64: 2, 16>, scalar_prefetch = 0 : i64, scratch_operands = 4 : i64, tpu.core_type = #tpu.core_type<sc_vector_subcore>, window_params = [{transform_indices = #map}, {transform_indices = #map1}]} {
    %broadcast_in_dim3A = arith.constant 0.000000e+00 : f32
    %broadcast_in_dim3A_0 = vector.broadcast %broadcast_in_dim3A : f32 to vector<16xf32>
    %scan3A = arith.constant 0 : i32
    %scan3A_1 = arith.constant 0 : i32
    %scan3A_2 = arith.constant 80 : i32
    %scan3A_3 = arith.addi %scan3A_1, %scan3A_2 : i32
    %scan3A_4 = arith.constant 1 : i32
    scf.for %scan3A_51 = %scan3A_1 to %scan3A_3 step %scan3A_4  : i32 {
      %swap3A = arith.index_cast %scan3A_51 : i32 to index
      %swap3A_52 = arith.constant 0 : index
      %swap3A_53 = tpu.vector_load %arg7[%swap3A, %swap3A_52] {strides = array<i32>} : memref<80x128xf32, #tpu.memory_space<vmem>>, vector<1x16xf32>,
      %swap3A_54 = vector.shape_cast %swap3A_53 : vector<1x16xf32> to vector<16xf32>
      %swap3A_55 = vector.shape_cast %broadcast_in_dim3A_0 : vector<16xf32> to vector<1x16xf32>
      tpu.vector_store %arg7[%swap3A, %swap3A_52], %swap3A_55 {strides = array<i32>} : memref<80x128xf32, #tpu.memory_space<vmem>>, vector<1x16xf32>,
      %swap3A_56 = arith.index_cast %scan3A_51 : i32 to index
      %swap3A_57 = arith.constant 16 : index
      %swap3A_58 = tpu.vector_load %arg7[%swap3A_56, %swap3A_57] {strides = array<i32>} : memref<80x128xf32, #tpu.memory_space<vmem>>, vector<1x16xf32>,
      %swap3A_59 = vector.shape_cast %swap3A_58 : vector<1x16xf32> to vector<16xf32>
      %swap3A_60 = vector.shape_cast %broadcast_in_dim3A_0 : vector<16xf32> to vector<1x16xf32>
      tpu.vector_store %arg7[%swap3A_56, %swap3A_57], %swap3A_60 {strides = array<i32>} : memref<80x128xf32, #tpu.memory_space<vmem>>, vector<1x16xf32>,
      %swap3A_61 = arith.index_cast %scan3A_51 : i32 to index
      %swap3A_62 = arith.constant 32 : index
      %swap3A_63 = tpu.vector_load %arg7[%swap3A_61, %swap3A_62] {strides = array<i32>} : memref<80x128xf32, #tpu.memory_space<vmem>>, vector<1x16xf32>,
      %swap3A_64 = vector.shape_cast %swap3A_63 : vector<1x16xf32> to vector<16xf32>
      %swap3A_65 = vector.shape_cast %broadcast_in_dim3A_0 : vector<16xf32> to vector<1x16xf32>
      tpu.vector_store %arg7[%swap3A_61, %swap3A_62], %swap3A_65 {strides = array<i32>} : memref<80x128xf32, #tpu.memory_space<vmem>>, vector<1x16xf32>,
      %swap3A_66 = arith.index_cast %scan3A_51 : i32 to index
      %swap3A_67 = arith.constant 48 : index
      %swap3A_68 = tpu.vector_load %arg7[%swap3A_66, %swap3A_67] {strides = array<i32>} : memref<80x128xf32, #tpu.memory_space<vmem>>, vector<1x16xf32>,
      %swap3A_69 = vector.shape_cast %swap3A_68 : vector<1x16xf32> to vector<16xf32>
      %swap3A_70 = vector.shape_cast %broadcast_in_dim3A_0 : vector<16xf32> to vector<1x16xf32>
      tpu.vector_store %arg7[%swap3A_66, %swap3A_67], %swap3A_70 {strides = array<i32>} : memref<80x128xf32, #tpu.memory_space<vmem>>, vector<1x16xf32>,
      %swap3A_71 = arith.index_cast %scan3A_51 : i32 to index
      %swap3A_72 = arith.constant 64 : index
      %swap3A_73 = tpu.vector_load %arg7[%swap3A_71, %swap3A_72] {strides = array<i32>} : memref<80x128xf32, #tpu.memory_space<vmem>>, vector<1x16xf32>,
      %swap3A_74 = vector.shape_cast %swap3A_73 : vector<1x16xf32> to vector<16xf32>
      %swap3A_75 = vector.shape_cast %broadcast_in_dim3A_0 : vector<16xf32> to vector<1x16xf32>
      tpu.vector_store %arg7[%swap3A_71, %swap3A_72], %swap3A_75 {strides = array<i32>} : memref<80x128xf32, #tpu.memory_space<vmem>>, vector<1x16xf32>,
      %swap3A_76 = arith.index_cast %scan3A_51 : i32 to index
      %swap3A_77 = arith.constant 80 : index
      %swap3A_78 = tpu.vector_load %arg7[%swap3A_76, %swap3A_77] {strides = array<i32>} : memref<80x128xf32, #tpu.memory_space<vmem>>, vector<1x16xf32>,
      %swap3A_79 = vector.shape_cast %swap3A_78 : vector<1x16xf32> to vector<16xf32>
      %swap3A_80 = vector.shape_cast %broadcast_in_dim3A_0 : vector<16xf32> to vector<1x16xf32>
      tpu.vector_store %arg7[%swap3A_76, %swap3A_77], %swap3A_80 {strides = array<i32>} : memref<80x128xf32, #tpu.memory_space<vmem>>, vector<1x16xf32>,
      %swap3A_81 = arith.index_cast %scan3A_51 : i32 to index
      %swap3A_82 = arith.constant 96 : index
      %swap3A_83 = tpu.vector_load %arg7[%swap3A_81, %swap3A_82] {strides = array<i32>} : memref<80x128xf32, #tpu.memory_space<vmem>>, vector<1x16xf32>,
      %swap3A_84 = vector.shape_cast %swap3A_83 : vector<1x16xf32> to vector<16xf32>
      %swap3A_85 = vector.shape_cast %broadcast_in_dim3A_0 : vector<16xf32> to vector<1x16xf32>
      tpu.vector_store %arg7[%swap3A_81, %swap3A_82], %swap3A_85 {strides = array<i32>} : memref<80x128xf32, #tpu.memory_space<vmem>>, vector<1x16xf32>,
      %swap3A_86 = arith.index_cast %scan3A_51 : i32 to index
      %swap3A_87 = arith.constant 112 : index
      %swap3A_88 = tpu.vector_load %arg7[%swap3A_86, %swap3A_87] {strides = array<i32>} : memref<80x128xf32, #tpu.memory_space<vmem>>, vector<1x16xf32>,
      %swap3A_89 = vector.shape_cast %swap3A_88 : vector<1x16xf32> to vector<16xf32>
      %swap3A_90 = vector.shape_cast %broadcast_in_dim3A_0 : vector<16xf32> to vector<1x16xf32>
      tpu.vector_store %arg7[%swap3A_86, %swap3A_87], %swap3A_90 {strides = array<i32>} : memref<80x128xf32, #tpu.memory_space<vmem>>, vector<1x16xf32>,
    }
    %scan3A_5 = arith.constant 80 : i32
    %broadcast_in_dim3A_6 = arith.constant 1.000000e+00 : f32
    %broadcast_in_dim3A_7 = vector.broadcast %broadcast_in_dim3A_6 : f32 to vector<16xf32>
    %scan3A_8 = arith.constant 0 : i32
    %scan3A_9 = arith.constant 0 : i32
    %scan3A_10 = arith.constant 80 : i32
    %scan3A_11 = arith.addi %scan3A_9, %scan3A_10 : i32
    %scan3A_12 = arith.constant 1 : i32
    scf.for %scan3A_51 = %scan3A_9 to %scan3A_11 step %scan3A_12  : i32 {
      %swap3A = arith.index_cast %scan3A_51 : i32 to index
      %swap3A_52 = arith.constant 0 : index
      %swap3A_53 = tpu.vector_load %arg6[%swap3A, %swap3A_52] {strides = array<i32>} : memref<80x128xf32, #tpu.memory_space<vmem>>, vector<1x16xf32>,
      %swap3A_54 = vector.shape_cast %swap3A_53 : vector<1x16xf32> to vector<16xf32>
      %swap3A_55 = vector.shape_cast %broadcast_in_dim3A_7 : vector<16xf32> to vector<1x16xf32>
      tpu.vector_store %arg6[%swap3A, %swap3A_52], %swap3A_55 {strides = array<i32>} : memref<80x128xf32, #tpu.memory_space<vmem>>, vector<1x16xf32>,
      %swap3A_56 = arith.index_cast %scan3A_51 : i32 to index
      %swap3A_57 = arith.constant 16 : index
      %swap3A_58 = tpu.vector_load %arg6[%swap3A_56, %swap3A_57] {strides = array<i32>} : memref<80x128xf32, #tpu.memory_space<vmem>>, vector<1x16xf32>,
      %swap3A_59 = vector.shape_cast %swap3A_58 : vector<1x16xf32> to vector<16xf32>
      %swap3A_60 = vector.shape_cast %broadcast_in_dim3A_7 : vector<16xf32> to vector<1x16xf32>
      tpu.vector_store %arg6[%swap3A_56, %swap3A_57], %swap3A_60 {strides = array<i32>} : memref<80x128xf32, #tpu.memory_space<vmem>>, vector<1x16xf32>,
      %swap3A_61 = arith.index_cast %scan3A_51 : i32 to index
      %swap3A_62 = arith.constant 32 : index
      %swap3A_63 = tpu.vector_load %arg6[%swap3A_61, %swap3A_62] {strides = array<i32>} : memref<80x128xf32, #tpu.memory_space<vmem>>, vector<1x16xf32>,
      %swap3A_64 = vector.shape_cast %swap3A_63 : vector<1x16xf32> to vector<16xf32>
      %swap3A_65 = vector.shape_cast %broadcast_in_dim3A_7 : vector<16xf32> to vector<1x16xf32>
      tpu.vector_store %arg6[%swap3A_61, %swap3A_62], %swap3A_65 {strides = array<i32>} : memref<80x128xf32, #tpu.memory_space<vmem>>, vector<1x16xf32>,
      %swap3A_66 = arith.index_cast %scan3A_51 : i32 to index
      %swap3A_67 = arith.constant 48 : index
      %swap3A_68 = tpu.vector_load %arg6[%swap3A_66, %swap3A_67] {strides = array<i32>} : memref<80x128xf32, #tpu.memory_space<vmem>>, vector<1x16xf32>,
      %swap3A_69 = vector.shape_cast %swap3A_68 : vector<1x16xf32> to vector<16xf32>
      %swap3A_70 = vector.shape_cast %broadcast_in_dim3A_7 : vector<16xf32> to vector<1x16xf32>
      tpu.vector_store %arg6[%swap3A_66, %swap3A_67], %swap3A_70 {strides = array<i32>} : memref<80x128xf32, #tpu.memory_space<vmem>>, vector<1x16xf32>,
      %swap3A_71 = arith.index_cast %scan3A_51 : i32 to index
      %swap3A_72 = arith.constant 64 : index
      %swap3A_73 = tpu.vector_load %arg6[%swap3A_71, %swap3A_72] {strides = array<i32>} : memref<80x128xf32, #tpu.memory_space<vmem>>, vector<1x16xf32>,
      %swap3A_74 = vector.shape_cast %swap3A_73 : vector<1x16xf32> to vector<16xf32>
      %swap3A_75 = vector.shape_cast %broadcast_in_dim3A_7 : vector<16xf32> to vector<1x16xf32>
      tpu.vector_store %arg6[%swap3A_71, %swap3A_72], %swap3A_75 {strides = array<i32>} : memref<80x128xf32, #tpu.memory_space<vmem>>, vector<1x16xf32>,
      %swap3A_76 = arith.index_cast %scan3A_51 : i32 to index
      %swap3A_77 = arith.constant 80 : index
      %swap3A_78 = tpu.vector_load %arg6[%swap3A_76, %swap3A_77] {strides = array<i32>} : memref<80x128xf32, #tpu.memory_space<vmem>>, vector<1x16xf32>,
      %swap3A_79 = vector.shape_cast %swap3A_78 : vector<1x16xf32> to vector<16xf32>
      %swap3A_80 = vector.shape_cast %broadcast_in_dim3A_7 : vector<16xf32> to vector<1x16xf32>
      tpu.vector_store %arg6[%swap3A_76, %swap3A_77], %swap3A_80 {strides = array<i32>} : memref<80x128xf32, #tpu.memory_space<vmem>>, vector<1x16xf32>,
      %swap3A_81 = arith.index_cast %scan3A_51 : i32 to index
      %swap3A_82 = arith.constant 96 : index
      %swap3A_83 = tpu.vector_load %arg6[%swap3A_81, %swap3A_82] {strides = array<i32>} : memref<80x128xf32, #tpu.memory_space<vmem>>, vector<1x16xf32>,
      %swap3A_84 = vector.shape_cast %swap3A_83 : vector<1x16xf32> to vector<16xf32>
      %swap3A_85 = vector.shape_cast %broadcast_in_dim3A_7 : vector<16xf32> to vector<1x16xf32>
      tpu.vector_store %arg6[%swap3A_81, %swap3A_82], %swap3A_85 {strides = array<i32>} : memref<80x128xf32, #tpu.memory_space<vmem>>, vector<1x16xf32>,
      %swap3A_86 = arith.index_cast %scan3A_51 : i32 to index
      %swap3A_87 = arith.constant 112 : index
      %swap3A_88 = tpu.vector_load %arg6[%swap3A_86, %swap3A_87] {strides = array<i32>} : memref<80x128xf32, #tpu.memory_space<vmem>>, vector<1x16xf32>,
      %swap3A_89 = vector.shape_cast %swap3A_88 : vector<1x16xf32> to vector<16xf32>
      %swap3A_90 = vector.shape_cast %broadcast_in_dim3A_7 : vector<16xf32> to vector<1x16xf32>
      tpu.vector_store %arg6[%swap3A_86, %swap3A_87], %swap3A_90 {strides = array<i32>} : memref<80x128xf32, #tpu.memory_space<vmem>>, vector<1x16xf32>,
    }
    %scan3A_13 = arith.constant 80 : i32
    %mul3A = arith.constant 624 : i32
    %mul3A_14 = arith.muli %arg1, %mul3A : i32
    %add3A = arith.constant 0 : i32
    %add3A_15 = arith.addi %mul3A_14, %add3A : i32
    "tpu.region"() ({
      %run_scoped3A = tpu.sem_alloc : memref<!tpu.dma_semaphore, #tpu.memory_space<semaphore_mem>>
      %dma_start3A = arith.constant 0 : i32
      %dma_start3A_51 = tpu.memref_slice %arg4[%add3A_15, %dma_start3A] : memref<10000x128xf32, #tpu.memory_space<vmem_shared>> -> memref<80x128xf32, #tpu.memory_space<vmem_shared>>
      %dma_start3A_52 = arith.constant 0 : i32
      %dma_start3A_53 = tpu.memref_slice %arg4[%add3A_15, %dma_start3A_52] : memref<10000x128xf32, #tpu.memory_space<vmem_shared>> -> memref<80x128xf32, #tpu.memory_space<vmem_shared>>
      tpu.enqueue_dma source(%arg7 : memref<80x128xf32, #tpu.memory_space<vmem>>) target(%dma_start3A_53 : memref<80x128xf32, #tpu.memory_space<vmem_shared>>) target_semaphore(%run_scoped3A : memref<!tpu.dma_semaphore, #tpu.memory_space<semaphore_mem>>)
      %dma_wait3A = arith.constant 0 : i32
      %dma_wait3A_54 = tpu.memref_slice %arg4[%add3A_15, %dma_wait3A] : memref<10000x128xf32, #tpu.memory_space<vmem_shared>> -> memref<80x128xf32, #tpu.memory_space<vmem_shared>>
      %dma_wait3A_55 = arith.constant 0 : i32
      %dma_wait3A_56 = tpu.memref_slice %arg4[%add3A_15, %dma_wait3A_55] : memref<10000x128xf32, #tpu.memory_space<vmem_shared>> -> memref<80x128xf32, #tpu.memory_space<vmem_shared>>
      tpu.wait_dma2 semaphore(%run_scoped3A : memref<!tpu.dma_semaphore, #tpu.memory_space<semaphore_mem>>) src(%arg7 : memref<80x128xf32, #tpu.memory_space<vmem>>) dst(%dma_wait3A_56 : memref<80x128xf32, #tpu.memory_space<vmem_shared>>)
      tpu.yield
    }) : () -> ()
    %add3A_16 = arith.constant 80 : i32
    %add3A_17 = arith.addi %mul3A_14, %add3A_16 : i32
    "tpu.region"() ({
      %run_scoped3A = tpu.sem_alloc : memref<!tpu.dma_semaphore, #tpu.memory_space<semaphore_mem>>
      %dma_start3A = arith.constant 0 : i32
      %dma_start3A_51 = tpu.memref_slice %arg4[%add3A_17, %dma_start3A] : memref<10000x128xf32, #tpu.memory_space<vmem_shared>> -> memref<80x128xf32, #tpu.memory_space<vmem_shared>>
      %dma_start3A_52 = arith.constant 0 : i32
      %dma_start3A_53 = tpu.memref_slice %arg4[%add3A_17, %dma_start3A_52] : memref<10000x128xf32, #tpu.memory_space<vmem_shared>> -> memref<80x128xf32, #tpu.memory_space<vmem_shared>>
      tpu.enqueue_dma source(%arg7 : memref<80x128xf32, #tpu.memory_space<vmem>>) target(%dma_start3A_53 : memref<80x128xf32, #tpu.memory_space<vmem_shared>>) target_semaphore(%run_scoped3A : memref<!tpu.dma_semaphore, #tpu.memory_space<semaphore_mem>>)
      %dma_wait3A = arith.constant 0 : i32
      %dma_wait3A_54 = tpu.memref_slice %arg4[%add3A_17, %dma_wait3A] : memref<10000x128xf32, #tpu.memory_space<vmem_shared>> -> memref<80x128xf32, #tpu.memory_space<vmem_shared>>
      %dma_wait3A_55 = arith.constant 0 : i32
      %dma_wait3A_56 = tpu.memref_slice %arg4[%add3A_17, %dma_wait3A_55] : memref<10000x128xf32, #tpu.memory_space<vmem_shared>> -> memref<80x128xf32, #tpu.memory_space<vmem_shared>>
      tpu.wait_dma2 semaphore(%run_scoped3A : memref<!tpu.dma_semaphore, #tpu.memory_space<semaphore_mem>>) src(%arg7 : memref<80x128xf32, #tpu.memory_space<vmem>>) dst(%dma_wait3A_56 : memref<80x128xf32, #tpu.memory_space<vmem_shared>>)
      tpu.yield
    }) : () -> ()
    %add3A_18 = arith.constant 160 : i32
    %add3A_19 = arith.addi %mul3A_14, %add3A_18 : i32
    "tpu.region"() ({
      %run_scoped3A = tpu.sem_alloc : memref<!tpu.dma_semaphore, #tpu.memory_space<semaphore_mem>>
      %dma_start3A = arith.constant 0 : i32
      %dma_start3A_51 = tpu.memref_slice %arg4[%add3A_19, %dma_start3A] : memref<10000x128xf32, #tpu.memory_space<vmem_shared>> -> memref<80x128xf32, #tpu.memory_space<vmem_shared>>
      %dma_start3A_52 = arith.constant 0 : i32
      %dma_start3A_53 = tpu.memref_slice %arg4[%add3A_19, %dma_start3A_52] : memref<10000x128xf32, #tpu.memory_space<vmem_shared>> -> memref<80x128xf32, #tpu.memory_space<vmem_shared>>
      tpu.enqueue_dma source(%arg7 : memref<80x128xf32, #tpu.memory_space<vmem>>) target(%dma_start3A_53 : memref<80x128xf32, #tpu.memory_space<vmem_shared>>) target_semaphore(%run_scoped3A : memref<!tpu.dma_semaphore, #tpu.memory_space<semaphore_mem>>)
      %dma_wait3A = arith.constant 0 : i32
      %dma_wait3A_54 = tpu.memref_slice %arg4[%add3A_19, %dma_wait3A] : memref<10000x128xf32, #tpu.memory_space<vmem_shared>> -> memref<80x128xf32, #tpu.memory_space<vmem_shared>>
      %dma_wait3A_55 = arith.constant 0 : i32
      %dma_wait3A_56 = tpu.memref_slice %arg4[%add3A_19, %dma_wait3A_55] : memref<10000x128xf32, #tpu.memory_space<vmem_shared>> -> memref<80x128xf32, #tpu.memory_space<vmem_shared>>
      tpu.wait_dma2 semaphore(%run_scoped3A : memref<!tpu.dma_semaphore, #tpu.memory_space<semaphore_mem>>) src(%arg7 : memref<80x128xf32, #tpu.memory_space<vmem>>) dst(%dma_wait3A_56 : memref<80x128xf32, #tpu.memory_space<vmem_shared>>)
      tpu.yield
    }) : () -> ()
    %add3A_20 = arith.constant 240 : i32
    %add3A_21 = arith.addi %mul3A_14, %add3A_20 : i32
    "tpu.region"() ({
      %run_scoped3A = tpu.sem_alloc : memref<!tpu.dma_semaphore, #tpu.memory_space<semaphore_mem>>
      %dma_start3A = arith.constant 0 : i32
      %dma_start3A_51 = tpu.memref_slice %arg4[%add3A_21, %dma_start3A] : memref<10000x128xf32, #tpu.memory_space<vmem_shared>> -> memref<80x128xf32, #tpu.memory_space<vmem_shared>>
      %dma_start3A_52 = arith.constant 0 : i32
      %dma_start3A_53 = tpu.memref_slice %arg4[%add3A_21, %dma_start3A_52] : memref<10000x128xf32, #tpu.memory_space<vmem_shared>> -> memref<80x128xf32, #tpu.memory_space<vmem_shared>>
      tpu.enqueue_dma source(%arg7 : memref<80x128xf32, #tpu.memory_space<vmem>>) target(%dma_start3A_53 : memref<80x128xf32, #tpu.memory_space<vmem_shared>>) target_semaphore(%run_scoped3A : memref<!tpu.dma_semaphore, #tpu.memory_space<semaphore_mem>>)
      %dma_wait3A = arith.constant 0 : i32
      %dma_wait3A_54 = tpu.memref_slice %arg4[%add3A_21, %dma_wait3A] : memref<10000x128xf32, #tpu.memory_space<vmem_shared>> -> memref<80x128xf32, #tpu.memory_space<vmem_shared>>
      %dma_wait3A_55 = arith.constant 0 : i32
      %dma_wait3A_56 = tpu.memref_slice %arg4[%add3A_21, %dma_wait3A_55] : memref<10000x128xf32, #tpu.memory_space<vmem_shared>> -> memref<80x128xf32, #tpu.memory_space<vmem_shared>>
      tpu.wait_dma2 semaphore(%run_scoped3A : memref<!tpu.dma_semaphore, #tpu.memory_space<semaphore_mem>>) src(%arg7 : memref<80x128xf32, #tpu.memory_space<vmem>>) dst(%dma_wait3A_56 : memref<80x128xf32, #tpu.memory_space<vmem_shared>>)
      tpu.yield
    }) : () -> ()
    %add3A_22 = arith.constant 320 : i32
    %add3A_23 = arith.addi %mul3A_14, %add3A_22 : i32
    "tpu.region"() ({
      %run_scoped3A = tpu.sem_alloc : memref<!tpu.dma_semaphore, #tpu.memory_space<semaphore_mem>>
      %dma_start3A = arith.constant 0 : i32
      %dma_start3A_51 = tpu.memref_slice %arg4[%add3A_23, %dma_start3A] : memref<10000x128xf32, #tpu.memory_space<vmem_shared>> -> memref<80x128xf32, #tpu.memory_space<vmem_shared>>
      %dma_start3A_52 = arith.constant 0 : i32
      %dma_start3A_53 = tpu.memref_slice %arg4[%add3A_23, %dma_start3A_52] : memref<10000x128xf32, #tpu.memory_space<vmem_shared>> -> memref<80x128xf32, #tpu.memory_space<vmem_shared>>
      tpu.enqueue_dma source(%arg7 : memref<80x128xf32, #tpu.memory_space<vmem>>) target(%dma_start3A_53 : memref<80x128xf32, #tpu.memory_space<vmem_shared>>) target_semaphore(%run_scoped3A : memref<!tpu.dma_semaphore, #tpu.memory_space<semaphore_mem>>)
      %dma_wait3A = arith.constant 0 : i32
      %dma_wait3A_54 = tpu.memref_slice %arg4[%add3A_23, %dma_wait3A] : memref<10000x128xf32, #tpu.memory_space<vmem_shared>> -> memref<80x128xf32, #tpu.memory_space<vmem_shared>>
      %dma_wait3A_55 = arith.constant 0 : i32
      %dma_wait3A_56 = tpu.memref_slice %arg4[%add3A_23, %dma_wait3A_55] : memref<10000x128xf32, #tpu.memory_space<vmem_shared>> -> memref<80x128xf32, #tpu.memory_space<vmem_shared>>
      tpu.wait_dma2 semaphore(%run_scoped3A : memref<!tpu.dma_semaphore, #tpu.memory_space<semaphore_mem>>) src(%arg7 : memref<80x128xf32, #tpu.memory_space<vmem>>) dst(%dma_wait3A_56 : memref<80x128xf32, #tpu.memory_space<vmem_shared>>)
      tpu.yield
    }) : () -> ()
    %add3A_24 = arith.constant 400 : i32
    %add3A_25 = arith.addi %mul3A_14, %add3A_24 : i32
    "tpu.region"() ({
      %run_scoped3A = tpu.sem_alloc : memref<!tpu.dma_semaphore, #tpu.memory_space<semaphore_mem>>
      %dma_start3A = arith.constant 0 : i32
      %dma_start3A_51 = tpu.memref_slice %arg4[%add3A_25, %dma_start3A] : memref<10000x128xf32, #tpu.memory_space<vmem_shared>> -> memref<80x128xf32, #tpu.memory_space<vmem_shared>>
      %dma_start3A_52 = arith.constant 0 : i32
      %dma_start3A_53 = tpu.memref_slice %arg4[%add3A_25, %dma_start3A_52] : memref<10000x128xf32, #tpu.memory_space<vmem_shared>> -> memref<80x128xf32, #tpu.memory_space<vmem_shared>>
      tpu.enqueue_dma source(%arg7 : memref<80x128xf32, #tpu.memory_space<vmem>>) target(%dma_start3A_53 : memref<80x128xf32, #tpu.memory_space<vmem_shared>>) target_semaphore(%run_scoped3A : memref<!tpu.dma_semaphore, #tpu.memory_space<semaphore_mem>>)
      %dma_wait3A = arith.constant 0 : i32
      %dma_wait3A_54 = tpu.memref_slice %arg4[%add3A_25, %dma_wait3A] : memref<10000x128xf32, #tpu.memory_space<vmem_shared>> -> memref<80x128xf32, #tpu.memory_space<vmem_shared>>
      %dma_wait3A_55 = arith.constant 0 : i32
      %dma_wait3A_56 = tpu.memref_slice %arg4[%add3A_25, %dma_wait3A_55] : memref<10000x128xf32, #tpu.memory_space<vmem_shared>> -> memref<80x128xf32, #tpu.memory_space<vmem_shared>>
      tpu.wait_dma2 semaphore(%run_scoped3A : memref<!tpu.dma_semaphore, #tpu.memory_space<semaphore_mem>>) src(%arg7 : memref<80x128xf32, #tpu.memory_space<vmem>>) dst(%dma_wait3A_56 : memref<80x128xf32, #tpu.memory_space<vmem_shared>>)
      tpu.yield
    }) : () -> ()
    %add3A_26 = arith.constant 480 : i32
    %add3A_27 = arith.addi %mul3A_14, %add3A_26 : i32
    "tpu.region"() ({
      %run_scoped3A = tpu.sem_alloc : memref<!tpu.dma_semaphore, #tpu.memory_space<semaphore_mem>>
      %dma_start3A = arith.constant 0 : i32
      %dma_start3A_51 = tpu.memref_slice %arg4[%add3A_27, %dma_start3A] : memref<10000x128xf32, #tpu.memory_space<vmem_shared>> -> memref<80x128xf32, #tpu.memory_space<vmem_shared>>
      %dma_start3A_52 = arith.constant 0 : i32
      %dma_start3A_53 = tpu.memref_slice %arg4[%add3A_27, %dma_start3A_52] : memref<10000x128xf32, #tpu.memory_space<vmem_shared>> -> memref<80x128xf32, #tpu.memory_space<vmem_shared>>
      tpu.enqueue_dma source(%arg7 : memref<80x128xf32, #tpu.memory_space<vmem>>) target(%dma_start3A_53 : memref<80x128xf32, #tpu.memory_space<vmem_shared>>) target_semaphore(%run_scoped3A : memref<!tpu.dma_semaphore, #tpu.memory_space<semaphore_mem>>)
      %dma_wait3A = arith.constant 0 : i32
      %dma_wait3A_54 = tpu.memref_slice %arg4[%add3A_27, %dma_wait3A] : memref<10000x128xf32, #tpu.memory_space<vmem_shared>> -> memref<80x128xf32, #tpu.memory_space<vmem_shared>>
      %dma_wait3A_55 = arith.constant 0 : i32
      %dma_wait3A_56 = tpu.memref_slice %arg4[%add3A_27, %dma_wait3A_55] : memref<10000x128xf32, #tpu.memory_space<vmem_shared>> -> memref<80x128xf32, #tpu.memory_space<vmem_shared>>
      tpu.wait_dma2 semaphore(%run_scoped3A : memref<!tpu.dma_semaphore, #tpu.memory_space<semaphore_mem>>) src(%arg7 : memref<80x128xf32, #tpu.memory_space<vmem>>) dst(%dma_wait3A_56 : memref<80x128xf32, #tpu.memory_space<vmem_shared>>)
      tpu.yield
    }) : () -> ()
    %add3A_28 = arith.constant 560 : i32
    %add3A_29 = arith.addi %mul3A_14, %add3A_28 : i32
    "tpu.region"() ({
      %run_scoped3A = tpu.sem_alloc : memref<!tpu.dma_semaphore, #tpu.memory_space<semaphore_mem>>
      %dma_start3A = arith.constant 0 : i32
      %dma_start3A_51 = arith.constant 0 : i32
      %dma_start3A_52 = tpu.memref_slice %arg7[%dma_start3A, %dma_start3A_51] : memref<80x128xf32, #tpu.memory_space<vmem>> -> memref<64x128xf32, #tpu.memory_space<vmem>>
      %dma_start3A_53 = arith.constant 0 : i32
      %dma_start3A_54 = tpu.memref_slice %arg4[%add3A_29, %dma_start3A_53] : memref<10000x128xf32, #tpu.memory_space<vmem_shared>> -> memref<64x128xf32, #tpu.memory_space<vmem_shared>>
      %dma_start3A_55 = arith.constant 0 : i32
      %dma_start3A_56 = tpu.memref_slice %arg4[%add3A_29, %dma_start3A_55] : memref<10000x128xf32, #tpu.memory_space<vmem_shared>> -> memref<64x128xf32, #tpu.memory_space<vmem_shared>>
      %dma_start3A_57 = arith.constant 0 : i32
      %dma_start3A_58 = arith.constant 0 : i32
      %dma_start3A_59 = tpu.memref_slice %arg7[%dma_start3A_57, %dma_start3A_58] : memref<80x128xf32, #tpu.memory_space<vmem>> -> memref<64x128xf32, #tpu.memory_space<vmem>>
      tpu.enqueue_dma source(%dma_start3A_59 : memref<64x128xf32, #tpu.memory_space<vmem>>) target(%dma_start3A_56 : memref<64x128xf32, #tpu.memory_space<vmem_shared>>) target_semaphore(%run_scoped3A : memref<!tpu.dma_semaphore, #tpu.memory_space<semaphore_mem>>)
      %dma_wait3A = arith.constant 0 : i32
      %dma_wait3A_60 = arith.constant 0 : i32
      %dma_wait3A_61 = tpu.memref_slice %arg7[%dma_wait3A, %dma_wait3A_60] : memref<80x128xf32, #tpu.memory_space<vmem>> -> memref<64x128xf32, #tpu.memory_space<vmem>>
      %dma_wait3A_62 = arith.constant 0 : i32
      %dma_wait3A_63 = tpu.memref_slice %arg4[%add3A_29, %dma_wait3A_62] : memref<10000x128xf32, #tpu.memory_space<vmem_shared>> -> memref<64x128xf32, #tpu.memory_space<vmem_shared>>
      %dma_wait3A_64 = arith.constant 0 : i32
      %dma_wait3A_65 = tpu.memref_slice %arg4[%add3A_29, %dma_wait3A_64] : memref<10000x128xf32, #tpu.memory_space<vmem_shared>> -> memref<64x128xf32, #tpu.memory_space<vmem_shared>>
      %dma_wait3A_66 = arith.constant 0 : i32
      %dma_wait3A_67 = arith.constant 0 : i32
      %dma_wait3A_68 = tpu.memref_slice %arg7[%dma_wait3A_66, %dma_wait3A_67] : memref<80x128xf32, #tpu.memory_space<vmem>> -> memref<64x128xf32, #tpu.memory_space<vmem>>
      tpu.wait_dma2 semaphore(%run_scoped3A : memref<!tpu.dma_semaphore, #tpu.memory_space<semaphore_mem>>) src(%dma_wait3A_68 : memref<64x128xf32, #tpu.memory_space<vmem>>) dst(%dma_wait3A_65 : memref<64x128xf32, #tpu.memory_space<vmem_shared>>)
      tpu.yield
    }) : () -> ()
    %eq3A = arith.constant 0 : i32
    %eq3A_30 = arith.cmpi eq, %arg1, %eq3A : i32
    %convert_element_type3A = arith.extui %eq3A_30 : i1 to i32
    %cond3A = arith.constant 0 : i32
    %cond3A_31 = arith.cmpi ne, %convert_element_type3A, %cond3A : i32
    scf.if %cond3A_31 {
      "tpu.region"() ({
        %run_scoped3A = tpu.sem_alloc : memref<!tpu.dma_semaphore, #tpu.memory_space<semaphore_mem>>
        %dma_start3A = arith.constant 0 : i32
        %dma_start3A_51 = arith.constant 0 : i32
        %dma_start3A_52 = tpu.memref_slice %arg7[%dma_start3A, %dma_start3A_51] : memref<80x128xf32, #tpu.memory_space<vmem>> -> memref<16x128xf32, #tpu.memory_space<vmem>>
        %dma_start3A_53 = arith.constant 9984 : i32
        %dma_start3A_54 = arith.constant 0 : i32
        %dma_start3A_55 = tpu.memref_slice %arg4[%dma_start3A_53, %dma_start3A_54] : memref<10000x128xf32, #tpu.memory_space<vmem_shared>> -> memref<16x128xf32, #tpu.memory_space<vmem_shared>>
        %dma_start3A_56 = arith.constant 9984 : i32
        %dma_start3A_57 = arith.constant 0 : i32
        %dma_start3A_58 = tpu.memref_slice %arg4[%dma_start3A_56, %dma_start3A_57] : memref<10000x128xf32, #tpu.memory_space<vmem_shared>> -> memref<16x128xf32, #tpu.memory_space<vmem_shared>>
        %dma_start3A_59 = arith.constant 0 : i32
        %dma_start3A_60 = arith.constant 0 : i32
        %dma_start3A_61 = tpu.memref_slice %arg7[%dma_start3A_59, %dma_start3A_60] : memref<80x128xf32, #tpu.memory_space<vmem>> -> memref<16x128xf32, #tpu.memory_space<vmem>>
        tpu.enqueue_dma source(%dma_start3A_61 : memref<16x128xf32, #tpu.memory_space<vmem>>) target(%dma_start3A_58 : memref<16x128xf32, #tpu.memory_space<vmem_shared>>) target_semaphore(%run_scoped3A : memref<!tpu.dma_semaphore, #tpu.memory_space<semaphore_mem>>)
        %dma_wait3A = arith.constant 0 : i32
        %dma_wait3A_62 = arith.constant 0 : i32
        %dma_wait3A_63 = tpu.memref_slice %arg7[%dma_wait3A, %dma_wait3A_62] : memref<80x128xf32, #tpu.memory_space<vmem>> -> memref<16x128xf32, #tpu.memory_space<vmem>>
        %dma_wait3A_64 = arith.constant 9984 : i32
        %dma_wait3A_65 = arith.constant 0 : i32
        %dma_wait3A_66 = tpu.memref_slice %arg4[%dma_wait3A_64, %dma_wait3A_65] : memref<10000x128xf32, #tpu.memory_space<vmem_shared>> -> memref<16x128xf32, #tpu.memory_space<vmem_shared>>
        %dma_wait3A_67 = arith.constant 9984 : i32
        %dma_wait3A_68 = arith.constant 0 : i32
        %dma_wait3A_69 = tpu.memref_slice %arg4[%dma_wait3A_67, %dma_wait3A_68] : memref<10000x128xf32, #tpu.memory_space<vmem_shared>> -> memref<16x128xf32, #tpu.memory_space<vmem_shared>>
        %dma_wait3A_70 = arith.constant 0 : i32
        %dma_wait3A_71 = arith.constant 0 : i32
        %dma_wait3A_72 = tpu.memref_slice %arg7[%dma_wait3A_70, %dma_wait3A_71] : memref<80x128xf32, #tpu.memory_space<vmem>> -> memref<16x128xf32, #tpu.memory_space<vmem>>
        tpu.wait_dma2 semaphore(%run_scoped3A : memref<!tpu.dma_semaphore, #tpu.memory_space<semaphore_mem>>) src(%dma_wait3A_72 : memref<16x128xf32, #tpu.memory_space<vmem>>) dst(%dma_wait3A_69 : memref<16x128xf32, #tpu.memory_space<vmem_shared>>)
        tpu.yield
      }) : () -> ()
    } else {
    }
    %barrier3A = arith.constant 0 : index
    tpu.barrier barrier_id(%barrier3A)
    %mul3A_32 = arith.constant 10000 : i32
    %mul3A_33 = arith.muli %arg1, %mul3A_32 : i32
    %scan3A_34 = arith.constant 0 : i32
    %scan3A_35 = arith.constant 0 : i32
    %scan3A_36 = arith.constant 125 : i32
    %scan3A_37 = arith.addi %scan3A_35, %scan3A_36 : i32
    %scan3A_38 = arith.constant 1 : i32
    scf.for %scan3A_51 = %scan3A_35 to %scan3A_37 step %scan3A_38  : i32 {
      %mul3A_52 = arith.constant 80 : i32
      %mul3A_53 = arith.muli %scan3A_51, %mul3A_52 : i32
      %add3A_54 = arith.addi %mul3A_33, %mul3A_53 : i32
      "tpu.region"() ({
        %run_scoped3A = tpu.sem_alloc : memref<!tpu.dma_semaphore, #tpu.memory_space<semaphore_mem>>
        %dma_start3A = tpu.memref_slice %arg2[%add3A_54] : memref<160000xi32, #tpu.memory_space<hbm>> -> memref<80xi32, #tpu.memory_space<hbm>>
        %dma_start3A_55 = tpu.memref_slice %arg2[%add3A_54] : memref<160000xi32, #tpu.memory_space<hbm>> -> memref<80xi32, #tpu.memory_space<hbm>>
        tpu.enqueue_dma source(%dma_start3A_55 : memref<80xi32, #tpu.memory_space<hbm>>) target(%arg5 : memref<80xi32, #tpu.memory_space<vmem>>) target_semaphore(%run_scoped3A : memref<!tpu.dma_semaphore, #tpu.memory_space<semaphore_mem>>)
        %dma_wait3A = tpu.memref_slice %arg2[%add3A_54] : memref<160000xi32, #tpu.memory_space<hbm>> -> memref<80xi32, #tpu.memory_space<hbm>>
        %dma_wait3A_56 = tpu.memref_slice %arg2[%add3A_54] : memref<160000xi32, #tpu.memory_space<hbm>> -> memref<80xi32, #tpu.memory_space<hbm>>
        tpu.wait_dma2 semaphore(%run_scoped3A : memref<!tpu.dma_semaphore, #tpu.memory_space<semaphore_mem>>) src(%dma_wait3A_56 : memref<80xi32, #tpu.memory_space<hbm>>) dst(%arg5 : memref<80xi32, #tpu.memory_space<vmem>>)
        tpu.yield
      }) : () -> ()
      "tpu.region"() ({
        %run_scoped3A = tpu.sem_alloc : memref<!tpu.dma_semaphore, #tpu.memory_space<semaphore_mem>>
        %dma_start3A = arith.constant 0 : i32
        %dma_start3A_55 = arith.constant 0 : i32
        %dma_start3A_56 = tpu.memref_slice %arg4[%dma_start3A, %dma_start3A_55] : memref<10000x128xf32, #tpu.memory_space<vmem_shared>> -> memref<10000x128xf32, #tpu.memory_space<vmem_shared>>
        tpu.enqueue_indirect_dma source(%arg6 : memref<80x128xf32, #tpu.memory_space<vmem>>) target(%dma_start3A_56 : memref<10000x128xf32, #tpu.memory_space<vmem_shared>>) offsets(%arg5 : memref<80xi32, #tpu.memory_space<vmem>>) semaphore(%run_scoped3A : memref<!tpu.dma_semaphore, #tpu.memory_space<semaphore_mem>>) {add = true}
        %dma_wait3A = arith.constant 0 : i32
        %dma_wait3A_57 = arith.constant 0 : i32
        %dma_wait3A_58 = tpu.memref_slice %arg4[%dma_wait3A, %dma_wait3A_57] : memref<10000x128xf32, #tpu.memory_space<vmem_shared>> -> memref<10000x128xf32, #tpu.memory_space<vmem_shared>>
        tpu.wait_indirect_dma semaphore(%run_scoped3A : memref<!tpu.dma_semaphore, #tpu.memory_space<semaphore_mem>>) src(%arg6 : memref<80x128xf32, #tpu.memory_space<vmem>>) dst(%dma_wait3A_58 : memref<10000x128xf32, #tpu.memory_space<vmem_shared>>)
        tpu.yield
      }) : () -> ()
    }
    %scan3A_39 = arith.constant 125 : i32
    %barrier3A_40 = arith.constant 0 : index
    tpu.barrier barrier_id(%barrier3A_40)
    %mul3A_41 = arith.constant 624 : i32
    %mul3A_42 = arith.muli %arg1, %mul3A_41 : i32
    %mul3A_43 = arith.constant 10000 : i32
    %mul3A_44 = arith.muli %arg0, %mul3A_43 : i32
    %add3A_45 = arith.addi %mul3A_44, %mul3A_42 : i32
    "tpu.region"() ({
      %run_scoped3A = tpu.sem_alloc : memref<!tpu.dma_semaphore, #tpu.memory_space<semaphore_mem>>
      %dma_start3A = arith.constant 0 : i32
      %dma_start3A_51 = tpu.memref_slice %arg3[%add3A_45, %dma_start3A] : memref<20000x128xf32, #tpu.memory_space<hbm>> -> memref<624x128xf32, #tpu.memory_space<hbm>>
      %dma_start3A_52 = arith.constant 0 : i32
      %dma_start3A_53 = tpu.memref_slice %arg4[%mul3A_42, %dma_start3A_52] : memref<10000x128xf32, #tpu.memory_space<vmem_shared>> -> memref<624x128xf32, #tpu.memory_space<vmem_shared>>
      tpu.enqueue_dma source(%dma_start3A_53 : memref<624x128xf32, #tpu.memory_space<vmem_shared>>) target(%dma_start3A_51 : memref<624x128xf32, #tpu.memory_space<hbm>>) target_semaphore(%run_scoped3A : memref<!tpu.dma_semaphore, #tpu.memory_space<semaphore_mem>>)
      %dma_wait3A = arith.constant 0 : i32
      %dma_wait3A_54 = tpu.memref_slice %arg3[%add3A_45, %dma_wait3A] : memref<20000x128xf32, #tpu.memory_space<hbm>> -> memref<624x128xf32, #tpu.memory_space<hbm>>
      %dma_wait3A_55 = arith.constant 0 : i32
      %dma_wait3A_56 = tpu.memref_slice %arg4[%mul3A_42, %dma_wait3A_55] : memref<10000x128xf32, #tpu.memory_space<vmem_shared>> -> memref<624x128xf32, #tpu.memory_space<vmem_shared>>
      tpu.wait_dma2 semaphore(%run_scoped3A : memref<!tpu.dma_semaphore, #tpu.memory_space<semaphore_mem>>) src(%dma_wait3A_56 : memref<624x128xf32, #tpu.memory_space<vmem_shared>>) dst(%dma_wait3A_54 : memref<624x128xf32, #tpu.memory_space<hbm>>)
      tpu.yield
    }) : () -> ()
    %eq3A_46 = arith.constant 0 : i32
    %eq3A_47 = arith.cmpi eq, %arg1, %eq3A_46 : i32
    %convert_element_type3A_48 = arith.extui %eq3A_47 : i1 to i32
    %cond3A_49 = arith.constant 0 : i32
    %cond3A_50 = arith.cmpi ne, %convert_element_type3A_48, %cond3A_49 : i32
    scf.if %cond3A_50 {
      %mul3A_51 = arith.constant 10000 : i32
      %mul3A_52 = arith.muli %arg0, %mul3A_51 : i32
      %add3A_53 = arith.constant 10000 : i32
      %add3A_54 = arith.addi %mul3A_52, %add3A_53 : i32
      %sub3A = arith.constant 16 : i32
      %sub3A_55 = arith.subi %add3A_54, %sub3A : i32
      "tpu.region"() ({
        %run_scoped3A = tpu.sem_alloc : memref<!tpu.dma_semaphore, #tpu.memory_space<semaphore_mem>>
        %dma_start3A = arith.constant 0 : i32
        %dma_start3A_56 = tpu.memref_slice %arg3[%sub3A_55, %dma_start3A] : memref<20000x128xf32, #tpu.memory_space<hbm>> -> memref<16x128xf32, #tpu.memory_space<hbm>>
        %dma_start3A_57 = arith.constant 9984 : i32
        %dma_start3A_58 = arith.constant 0 : i32
        %dma_start3A_59 = tpu.memref_slice %arg4[%dma_start3A_57, %dma_start3A_58] : memref<10000x128xf32, #tpu.memory_space<vmem_shared>> -> memref<16x128xf32, #tpu.memory_space<vmem_shared>>
        tpu.enqueue_dma source(%dma_start3A_59 : memref<16x128xf32, #tpu.memory_space<vmem_shared>>) target(%dma_start3A_56 : memref<16x128xf32, #tpu.memory_space<hbm>>) target_semaphore(%run_scoped3A : memref<!tpu.dma_semaphore, #tpu.memory_space<semaphore_mem>>)
        %dma_wait3A = arith.constant 0 : i32
        %dma_wait3A_60 = tpu.memref_slice %arg3[%sub3A_55, %dma_wait3A] : memref<20000x128xf32, #tpu.memory_space<hbm>> -> memref<16x128xf32, #tpu.memory_space<hbm>>
        %dma_wait3A_61 = arith.constant 9984 : i32
        %dma_wait3A_62 = arith.constant 0 : i32
        %dma_wait3A_63 = tpu.memref_slice %arg4[%dma_wait3A_61, %dma_wait3A_62] : memref<10000x128xf32, #tpu.memory_space<vmem_shared>> -> memref<16x128xf32, #tpu.memory_space<vmem_shared>>
        tpu.wait_dma2 semaphore(%run_scoped3A : memref<!tpu.dma_semaphore, #tpu.memory_space<semaphore_mem>>) src(%dma_wait3A_63 : memref<16x128xf32, #tpu.memory_space<vmem_shared>>) dst(%dma_wait3A_60 : memref<16x128xf32, #tpu.memory_space<hbm>>)
        tpu.yield
      }) : () -> ()
    } else {
    }
    return
  }
}

#map = affine_map<(d0, d1) -> (0, 0)>
#map1 = affine_map<(d0, d1) -> (0)>
module attributes {stable_mosaic.version = 14 : i64} {
  func.func @_sc_resgated(%arg0: i32, %arg1: i32, %arg2: memref<20000x128xf32, #tpu.memory_space<hbm>>, %arg3: memref<20000x256xf32, #tpu.memory_space<hbm>>, %arg4: memref<160000xi32, #tpu.memory_space<hbm>>, %arg5: memref<160000xi32, #tpu.memory_space<hbm>>, %arg6: memref<20000x128xf32, #tpu.memory_space<hbm>>, %arg7: memref<10000x128xf32, #tpu.memory_space<vmem_shared>>, %arg8: memref<80xi32, #tpu.memory_space<vmem>>, %arg9: memref<80xi32, #tpu.memory_space<vmem>>, %arg10: memref<80xi32, #tpu.memory_space<vmem>>, %arg11: memref<80x128xf32, #tpu.memory_space<vmem>>, %arg12: memref<80x256xf32, #tpu.memory_space<vmem>>, %arg13: memref<80x128xf32, #tpu.memory_space<vmem>>, %arg14: memref<!tpu.dma_semaphore, #tpu.memory_space<semaphore_mem>>, %arg15: memref<!tpu.dma_semaphore, #tpu.memory_space<semaphore_mem>>) attributes {dimension_semantics = [#tpu.dimension_semantics<core_parallel>, #tpu.dimension_semantics<subcore_parallel>], iteration_bounds = array<i64: 2, 16>, scalar_prefetch = 0 : i64, scratch_operands = 9 : i64, tpu.core_type = #tpu.core_type<sc_vector_subcore>, window_params = [{transform_indices = #map}, {transform_indices = #map}, {transform_indices = #map1}, {transform_indices = #map1}, {transform_indices = #map}]} {
    %broadcast_in_dim3A = arith.constant 0.000000e+00 : f32
    %broadcast_in_dim3A_0 = vector.broadcast %broadcast_in_dim3A : f32 to vector<16xf32>
    %scan3A = arith.constant 0 : i32
    %scan3A_1 = arith.constant 0 : i32
    %scan3A_2 = arith.constant 80 : i32
    %scan3A_3 = arith.addi %scan3A_1, %scan3A_2 : i32
    %scan3A_4 = arith.constant 1 : i32
    scf.for %scan3A_45 = %scan3A_1 to %scan3A_3 step %scan3A_4  : i32 {
      %swap3A = arith.index_cast %scan3A_45 : i32 to index
      %swap3A_46 = arith.constant 0 : index
      %swap3A_47 = tpu.vector_load %arg13[%swap3A, %swap3A_46] {strides = array<i32>} : memref<80x128xf32, #tpu.memory_space<vmem>>, vector<1x16xf32>,
      %swap3A_48 = vector.shape_cast %swap3A_47 : vector<1x16xf32> to vector<16xf32>
      %swap3A_49 = vector.shape_cast %broadcast_in_dim3A_0 : vector<16xf32> to vector<1x16xf32>
      tpu.vector_store %arg13[%swap3A, %swap3A_46], %swap3A_49 {strides = array<i32>} : memref<80x128xf32, #tpu.memory_space<vmem>>, vector<1x16xf32>,
      %swap3A_50 = arith.index_cast %scan3A_45 : i32 to index
      %swap3A_51 = arith.constant 16 : index
      %swap3A_52 = tpu.vector_load %arg13[%swap3A_50, %swap3A_51] {strides = array<i32>} : memref<80x128xf32, #tpu.memory_space<vmem>>, vector<1x16xf32>,
      %swap3A_53 = vector.shape_cast %swap3A_52 : vector<1x16xf32> to vector<16xf32>
      %swap3A_54 = vector.shape_cast %broadcast_in_dim3A_0 : vector<16xf32> to vector<1x16xf32>
      tpu.vector_store %arg13[%swap3A_50, %swap3A_51], %swap3A_54 {strides = array<i32>} : memref<80x128xf32, #tpu.memory_space<vmem>>, vector<1x16xf32>,
      %swap3A_55 = arith.index_cast %scan3A_45 : i32 to index
      %swap3A_56 = arith.constant 32 : index
      %swap3A_57 = tpu.vector_load %arg13[%swap3A_55, %swap3A_56] {strides = array<i32>} : memref<80x128xf32, #tpu.memory_space<vmem>>, vector<1x16xf32>,
      %swap3A_58 = vector.shape_cast %swap3A_57 : vector<1x16xf32> to vector<16xf32>
      %swap3A_59 = vector.shape_cast %broadcast_in_dim3A_0 : vector<16xf32> to vector<1x16xf32>
      tpu.vector_store %arg13[%swap3A_55, %swap3A_56], %swap3A_59 {strides = array<i32>} : memref<80x128xf32, #tpu.memory_space<vmem>>, vector<1x16xf32>,
      %swap3A_60 = arith.index_cast %scan3A_45 : i32 to index
      %swap3A_61 = arith.constant 48 : index
      %swap3A_62 = tpu.vector_load %arg13[%swap3A_60, %swap3A_61] {strides = array<i32>} : memref<80x128xf32, #tpu.memory_space<vmem>>, vector<1x16xf32>,
      %swap3A_63 = vector.shape_cast %swap3A_62 : vector<1x16xf32> to vector<16xf32>
      %swap3A_64 = vector.shape_cast %broadcast_in_dim3A_0 : vector<16xf32> to vector<1x16xf32>
      tpu.vector_store %arg13[%swap3A_60, %swap3A_61], %swap3A_64 {strides = array<i32>} : memref<80x128xf32, #tpu.memory_space<vmem>>, vector<1x16xf32>,
      %swap3A_65 = arith.index_cast %scan3A_45 : i32 to index
      %swap3A_66 = arith.constant 64 : index
      %swap3A_67 = tpu.vector_load %arg13[%swap3A_65, %swap3A_66] {strides = array<i32>} : memref<80x128xf32, #tpu.memory_space<vmem>>, vector<1x16xf32>,
      %swap3A_68 = vector.shape_cast %swap3A_67 : vector<1x16xf32> to vector<16xf32>
      %swap3A_69 = vector.shape_cast %broadcast_in_dim3A_0 : vector<16xf32> to vector<1x16xf32>
      tpu.vector_store %arg13[%swap3A_65, %swap3A_66], %swap3A_69 {strides = array<i32>} : memref<80x128xf32, #tpu.memory_space<vmem>>, vector<1x16xf32>,
      %swap3A_70 = arith.index_cast %scan3A_45 : i32 to index
      %swap3A_71 = arith.constant 80 : index
      %swap3A_72 = tpu.vector_load %arg13[%swap3A_70, %swap3A_71] {strides = array<i32>} : memref<80x128xf32, #tpu.memory_space<vmem>>, vector<1x16xf32>,
      %swap3A_73 = vector.shape_cast %swap3A_72 : vector<1x16xf32> to vector<16xf32>
      %swap3A_74 = vector.shape_cast %broadcast_in_dim3A_0 : vector<16xf32> to vector<1x16xf32>
      tpu.vector_store %arg13[%swap3A_70, %swap3A_71], %swap3A_74 {strides = array<i32>} : memref<80x128xf32, #tpu.memory_space<vmem>>, vector<1x16xf32>,
      %swap3A_75 = arith.index_cast %scan3A_45 : i32 to index
      %swap3A_76 = arith.constant 96 : index
      %swap3A_77 = tpu.vector_load %arg13[%swap3A_75, %swap3A_76] {strides = array<i32>} : memref<80x128xf32, #tpu.memory_space<vmem>>, vector<1x16xf32>,
      %swap3A_78 = vector.shape_cast %swap3A_77 : vector<1x16xf32> to vector<16xf32>
      %swap3A_79 = vector.shape_cast %broadcast_in_dim3A_0 : vector<16xf32> to vector<1x16xf32>
      tpu.vector_store %arg13[%swap3A_75, %swap3A_76], %swap3A_79 {strides = array<i32>} : memref<80x128xf32, #tpu.memory_space<vmem>>, vector<1x16xf32>,
      %swap3A_80 = arith.index_cast %scan3A_45 : i32 to index
      %swap3A_81 = arith.constant 112 : index
      %swap3A_82 = tpu.vector_load %arg13[%swap3A_80, %swap3A_81] {strides = array<i32>} : memref<80x128xf32, #tpu.memory_space<vmem>>, vector<1x16xf32>,
      %swap3A_83 = vector.shape_cast %swap3A_82 : vector<1x16xf32> to vector<16xf32>
      %swap3A_84 = vector.shape_cast %broadcast_in_dim3A_0 : vector<16xf32> to vector<1x16xf32>
      tpu.vector_store %arg13[%swap3A_80, %swap3A_81], %swap3A_84 {strides = array<i32>} : memref<80x128xf32, #tpu.memory_space<vmem>>, vector<1x16xf32>,
    }
    %scan3A_5 = arith.constant 80 : i32
    %mul3A = arith.constant 624 : i32
    %mul3A_6 = arith.muli %arg1, %mul3A : i32
    %add3A = arith.constant 0 : i32
    %add3A_7 = arith.addi %mul3A_6, %add3A : i32
    "tpu.region"() ({
      %run_scoped3A = tpu.sem_alloc : memref<!tpu.dma_semaphore, #tpu.memory_space<semaphore_mem>>
      %dma_start3A = arith.constant 0 : i32
      %dma_start3A_45 = tpu.memref_slice %arg7[%add3A_7, %dma_start3A] : memref<10000x128xf32, #tpu.memory_space<vmem_shared>> -> memref<80x128xf32, #tpu.memory_space<vmem_shared>>
      %dma_start3A_46 = arith.constant 0 : i32
      %dma_start3A_47 = tpu.memref_slice %arg7[%add3A_7, %dma_start3A_46] : memref<10000x128xf32, #tpu.memory_space<vmem_shared>> -> memref<80x128xf32, #tpu.memory_space<vmem_shared>>
      tpu.enqueue_dma source(%arg13 : memref<80x128xf32, #tpu.memory_space<vmem>>) target(%dma_start3A_47 : memref<80x128xf32, #tpu.memory_space<vmem_shared>>) target_semaphore(%run_scoped3A : memref<!tpu.dma_semaphore, #tpu.memory_space<semaphore_mem>>)
      %dma_wait3A = arith.constant 0 : i32
      %dma_wait3A_48 = tpu.memref_slice %arg7[%add3A_7, %dma_wait3A] : memref<10000x128xf32, #tpu.memory_space<vmem_shared>> -> memref<80x128xf32, #tpu.memory_space<vmem_shared>>
      %dma_wait3A_49 = arith.constant 0 : i32
      %dma_wait3A_50 = tpu.memref_slice %arg7[%add3A_7, %dma_wait3A_49] : memref<10000x128xf32, #tpu.memory_space<vmem_shared>> -> memref<80x128xf32, #tpu.memory_space<vmem_shared>>
      tpu.wait_dma2 semaphore(%run_scoped3A : memref<!tpu.dma_semaphore, #tpu.memory_space<semaphore_mem>>) src(%arg13 : memref<80x128xf32, #tpu.memory_space<vmem>>) dst(%dma_wait3A_50 : memref<80x128xf32, #tpu.memory_space<vmem_shared>>)
      tpu.yield
    }) : () -> ()
    %add3A_8 = arith.constant 80 : i32
    %add3A_9 = arith.addi %mul3A_6, %add3A_8 : i32
    "tpu.region"() ({
      %run_scoped3A = tpu.sem_alloc : memref<!tpu.dma_semaphore, #tpu.memory_space<semaphore_mem>>
      %dma_start3A = arith.constant 0 : i32
      %dma_start3A_45 = tpu.memref_slice %arg7[%add3A_9, %dma_start3A] : memref<10000x128xf32, #tpu.memory_space<vmem_shared>> -> memref<80x128xf32, #tpu.memory_space<vmem_shared>>
      %dma_start3A_46 = arith.constant 0 : i32
      %dma_start3A_47 = tpu.memref_slice %arg7[%add3A_9, %dma_start3A_46] : memref<10000x128xf32, #tpu.memory_space<vmem_shared>> -> memref<80x128xf32, #tpu.memory_space<vmem_shared>>
      tpu.enqueue_dma source(%arg13 : memref<80x128xf32, #tpu.memory_space<vmem>>) target(%dma_start3A_47 : memref<80x128xf32, #tpu.memory_space<vmem_shared>>) target_semaphore(%run_scoped3A : memref<!tpu.dma_semaphore, #tpu.memory_space<semaphore_mem>>)
      %dma_wait3A = arith.constant 0 : i32
      %dma_wait3A_48 = tpu.memref_slice %arg7[%add3A_9, %dma_wait3A] : memref<10000x128xf32, #tpu.memory_space<vmem_shared>> -> memref<80x128xf32, #tpu.memory_space<vmem_shared>>
      %dma_wait3A_49 = arith.constant 0 : i32
      %dma_wait3A_50 = tpu.memref_slice %arg7[%add3A_9, %dma_wait3A_49] : memref<10000x128xf32, #tpu.memory_space<vmem_shared>> -> memref<80x128xf32, #tpu.memory_space<vmem_shared>>
      tpu.wait_dma2 semaphore(%run_scoped3A : memref<!tpu.dma_semaphore, #tpu.memory_space<semaphore_mem>>) src(%arg13 : memref<80x128xf32, #tpu.memory_space<vmem>>) dst(%dma_wait3A_50 : memref<80x128xf32, #tpu.memory_space<vmem_shared>>)
      tpu.yield
    }) : () -> ()
    %add3A_10 = arith.constant 160 : i32
    %add3A_11 = arith.addi %mul3A_6, %add3A_10 : i32
    "tpu.region"() ({
      %run_scoped3A = tpu.sem_alloc : memref<!tpu.dma_semaphore, #tpu.memory_space<semaphore_mem>>
      %dma_start3A = arith.constant 0 : i32
      %dma_start3A_45 = tpu.memref_slice %arg7[%add3A_11, %dma_start3A] : memref<10000x128xf32, #tpu.memory_space<vmem_shared>> -> memref<80x128xf32, #tpu.memory_space<vmem_shared>>
      %dma_start3A_46 = arith.constant 0 : i32
      %dma_start3A_47 = tpu.memref_slice %arg7[%add3A_11, %dma_start3A_46] : memref<10000x128xf32, #tpu.memory_space<vmem_shared>> -> memref<80x128xf32, #tpu.memory_space<vmem_shared>>
      tpu.enqueue_dma source(%arg13 : memref<80x128xf32, #tpu.memory_space<vmem>>) target(%dma_start3A_47 : memref<80x128xf32, #tpu.memory_space<vmem_shared>>) target_semaphore(%run_scoped3A : memref<!tpu.dma_semaphore, #tpu.memory_space<semaphore_mem>>)
      %dma_wait3A = arith.constant 0 : i32
      %dma_wait3A_48 = tpu.memref_slice %arg7[%add3A_11, %dma_wait3A] : memref<10000x128xf32, #tpu.memory_space<vmem_shared>> -> memref<80x128xf32, #tpu.memory_space<vmem_shared>>
      %dma_wait3A_49 = arith.constant 0 : i32
      %dma_wait3A_50 = tpu.memref_slice %arg7[%add3A_11, %dma_wait3A_49] : memref<10000x128xf32, #tpu.memory_space<vmem_shared>> -> memref<80x128xf32, #tpu.memory_space<vmem_shared>>
      tpu.wait_dma2 semaphore(%run_scoped3A : memref<!tpu.dma_semaphore, #tpu.memory_space<semaphore_mem>>) src(%arg13 : memref<80x128xf32, #tpu.memory_space<vmem>>) dst(%dma_wait3A_50 : memref<80x128xf32, #tpu.memory_space<vmem_shared>>)
      tpu.yield
    }) : () -> ()
    %add3A_12 = arith.constant 240 : i32
    %add3A_13 = arith.addi %mul3A_6, %add3A_12 : i32
    "tpu.region"() ({
      %run_scoped3A = tpu.sem_alloc : memref<!tpu.dma_semaphore, #tpu.memory_space<semaphore_mem>>
      %dma_start3A = arith.constant 0 : i32
      %dma_start3A_45 = tpu.memref_slice %arg7[%add3A_13, %dma_start3A] : memref<10000x128xf32, #tpu.memory_space<vmem_shared>> -> memref<80x128xf32, #tpu.memory_space<vmem_shared>>
      %dma_start3A_46 = arith.constant 0 : i32
      %dma_start3A_47 = tpu.memref_slice %arg7[%add3A_13, %dma_start3A_46] : memref<10000x128xf32, #tpu.memory_space<vmem_shared>> -> memref<80x128xf32, #tpu.memory_space<vmem_shared>>
      tpu.enqueue_dma source(%arg13 : memref<80x128xf32, #tpu.memory_space<vmem>>) target(%dma_start3A_47 : memref<80x128xf32, #tpu.memory_space<vmem_shared>>) target_semaphore(%run_scoped3A : memref<!tpu.dma_semaphore, #tpu.memory_space<semaphore_mem>>)
      %dma_wait3A = arith.constant 0 : i32
      %dma_wait3A_48 = tpu.memref_slice %arg7[%add3A_13, %dma_wait3A] : memref<10000x128xf32, #tpu.memory_space<vmem_shared>> -> memref<80x128xf32, #tpu.memory_space<vmem_shared>>
      %dma_wait3A_49 = arith.constant 0 : i32
      %dma_wait3A_50 = tpu.memref_slice %arg7[%add3A_13, %dma_wait3A_49] : memref<10000x128xf32, #tpu.memory_space<vmem_shared>> -> memref<80x128xf32, #tpu.memory_space<vmem_shared>>
      tpu.wait_dma2 semaphore(%run_scoped3A : memref<!tpu.dma_semaphore, #tpu.memory_space<semaphore_mem>>) src(%arg13 : memref<80x128xf32, #tpu.memory_space<vmem>>) dst(%dma_wait3A_50 : memref<80x128xf32, #tpu.memory_space<vmem_shared>>)
      tpu.yield
    }) : () -> ()
    %add3A_14 = arith.constant 320 : i32
    %add3A_15 = arith.addi %mul3A_6, %add3A_14 : i32
    "tpu.region"() ({
      %run_scoped3A = tpu.sem_alloc : memref<!tpu.dma_semaphore, #tpu.memory_space<semaphore_mem>>
      %dma_start3A = arith.constant 0 : i32
      %dma_start3A_45 = tpu.memref_slice %arg7[%add3A_15, %dma_start3A] : memref<10000x128xf32, #tpu.memory_space<vmem_shared>> -> memref<80x128xf32, #tpu.memory_space<vmem_shared>>
      %dma_start3A_46 = arith.constant 0 : i32
      %dma_start3A_47 = tpu.memref_slice %arg7[%add3A_15, %dma_start3A_46] : memref<10000x128xf32, #tpu.memory_space<vmem_shared>> -> memref<80x128xf32, #tpu.memory_space<vmem_shared>>
      tpu.enqueue_dma source(%arg13 : memref<80x128xf32, #tpu.memory_space<vmem>>) target(%dma_start3A_47 : memref<80x128xf32, #tpu.memory_space<vmem_shared>>) target_semaphore(%run_scoped3A : memref<!tpu.dma_semaphore, #tpu.memory_space<semaphore_mem>>)
      %dma_wait3A = arith.constant 0 : i32
      %dma_wait3A_48 = tpu.memref_slice %arg7[%add3A_15, %dma_wait3A] : memref<10000x128xf32, #tpu.memory_space<vmem_shared>> -> memref<80x128xf32, #tpu.memory_space<vmem_shared>>
      %dma_wait3A_49 = arith.constant 0 : i32
      %dma_wait3A_50 = tpu.memref_slice %arg7[%add3A_15, %dma_wait3A_49] : memref<10000x128xf32, #tpu.memory_space<vmem_shared>> -> memref<80x128xf32, #tpu.memory_space<vmem_shared>>
      tpu.wait_dma2 semaphore(%run_scoped3A : memref<!tpu.dma_semaphore, #tpu.memory_space<semaphore_mem>>) src(%arg13 : memref<80x128xf32, #tpu.memory_space<vmem>>) dst(%dma_wait3A_50 : memref<80x128xf32, #tpu.memory_space<vmem_shared>>)
      tpu.yield
    }) : () -> ()
    %add3A_16 = arith.constant 400 : i32
    %add3A_17 = arith.addi %mul3A_6, %add3A_16 : i32
    "tpu.region"() ({
      %run_scoped3A = tpu.sem_alloc : memref<!tpu.dma_semaphore, #tpu.memory_space<semaphore_mem>>
      %dma_start3A = arith.constant 0 : i32
      %dma_start3A_45 = tpu.memref_slice %arg7[%add3A_17, %dma_start3A] : memref<10000x128xf32, #tpu.memory_space<vmem_shared>> -> memref<80x128xf32, #tpu.memory_space<vmem_shared>>
      %dma_start3A_46 = arith.constant 0 : i32
      %dma_start3A_47 = tpu.memref_slice %arg7[%add3A_17, %dma_start3A_46] : memref<10000x128xf32, #tpu.memory_space<vmem_shared>> -> memref<80x128xf32, #tpu.memory_space<vmem_shared>>
      tpu.enqueue_dma source(%arg13 : memref<80x128xf32, #tpu.memory_space<vmem>>) target(%dma_start3A_47 : memref<80x128xf32, #tpu.memory_space<vmem_shared>>) target_semaphore(%run_scoped3A : memref<!tpu.dma_semaphore, #tpu.memory_space<semaphore_mem>>)
      %dma_wait3A = arith.constant 0 : i32
      %dma_wait3A_48 = tpu.memref_slice %arg7[%add3A_17, %dma_wait3A] : memref<10000x128xf32, #tpu.memory_space<vmem_shared>> -> memref<80x128xf32, #tpu.memory_space<vmem_shared>>
      %dma_wait3A_49 = arith.constant 0 : i32
      %dma_wait3A_50 = tpu.memref_slice %arg7[%add3A_17, %dma_wait3A_49] : memref<10000x128xf32, #tpu.memory_space<vmem_shared>> -> memref<80x128xf32, #tpu.memory_space<vmem_shared>>
      tpu.wait_dma2 semaphore(%run_scoped3A : memref<!tpu.dma_semaphore, #tpu.memory_space<semaphore_mem>>) src(%arg13 : memref<80x128xf32, #tpu.memory_space<vmem>>) dst(%dma_wait3A_50 : memref<80x128xf32, #tpu.memory_space<vmem_shared>>)
      tpu.yield
    }) : () -> ()
    %add3A_18 = arith.constant 480 : i32
    %add3A_19 = arith.addi %mul3A_6, %add3A_18 : i32
    "tpu.region"() ({
      %run_scoped3A = tpu.sem_alloc : memref<!tpu.dma_semaphore, #tpu.memory_space<semaphore_mem>>
      %dma_start3A = arith.constant 0 : i32
      %dma_start3A_45 = tpu.memref_slice %arg7[%add3A_19, %dma_start3A] : memref<10000x128xf32, #tpu.memory_space<vmem_shared>> -> memref<80x128xf32, #tpu.memory_space<vmem_shared>>
      %dma_start3A_46 = arith.constant 0 : i32
      %dma_start3A_47 = tpu.memref_slice %arg7[%add3A_19, %dma_start3A_46] : memref<10000x128xf32, #tpu.memory_space<vmem_shared>> -> memref<80x128xf32, #tpu.memory_space<vmem_shared>>
      tpu.enqueue_dma source(%arg13 : memref<80x128xf32, #tpu.memory_space<vmem>>) target(%dma_start3A_47 : memref<80x128xf32, #tpu.memory_space<vmem_shared>>) target_semaphore(%run_scoped3A : memref<!tpu.dma_semaphore, #tpu.memory_space<semaphore_mem>>)
      %dma_wait3A = arith.constant 0 : i32
      %dma_wait3A_48 = tpu.memref_slice %arg7[%add3A_19, %dma_wait3A] : memref<10000x128xf32, #tpu.memory_space<vmem_shared>> -> memref<80x128xf32, #tpu.memory_space<vmem_shared>>
      %dma_wait3A_49 = arith.constant 0 : i32
      %dma_wait3A_50 = tpu.memref_slice %arg7[%add3A_19, %dma_wait3A_49] : memref<10000x128xf32, #tpu.memory_space<vmem_shared>> -> memref<80x128xf32, #tpu.memory_space<vmem_shared>>
      tpu.wait_dma2 semaphore(%run_scoped3A : memref<!tpu.dma_semaphore, #tpu.memory_space<semaphore_mem>>) src(%arg13 : memref<80x128xf32, #tpu.memory_space<vmem>>) dst(%dma_wait3A_50 : memref<80x128xf32, #tpu.memory_space<vmem_shared>>)
      tpu.yield
    }) : () -> ()
    %add3A_20 = arith.constant 560 : i32
    %add3A_21 = arith.addi %mul3A_6, %add3A_20 : i32
    "tpu.region"() ({
      %run_scoped3A = tpu.sem_alloc : memref<!tpu.dma_semaphore, #tpu.memory_space<semaphore_mem>>
      %dma_start3A = arith.constant 0 : i32
      %dma_start3A_45 = arith.constant 0 : i32
      %dma_start3A_46 = tpu.memref_slice %arg13[%dma_start3A, %dma_start3A_45] : memref<80x128xf32, #tpu.memory_space<vmem>> -> memref<64x128xf32, #tpu.memory_space<vmem>>
      %dma_start3A_47 = arith.constant 0 : i32
      %dma_start3A_48 = tpu.memref_slice %arg7[%add3A_21, %dma_start3A_47] : memref<10000x128xf32, #tpu.memory_space<vmem_shared>> -> memref<64x128xf32, #tpu.memory_space<vmem_shared>>
      %dma_start3A_49 = arith.constant 0 : i32
      %dma_start3A_50 = tpu.memref_slice %arg7[%add3A_21, %dma_start3A_49] : memref<10000x128xf32, #tpu.memory_space<vmem_shared>> -> memref<64x128xf32, #tpu.memory_space<vmem_shared>>
      %dma_start3A_51 = arith.constant 0 : i32
      %dma_start3A_52 = arith.constant 0 : i32
      %dma_start3A_53 = tpu.memref_slice %arg13[%dma_start3A_51, %dma_start3A_52] : memref<80x128xf32, #tpu.memory_space<vmem>> -> memref<64x128xf32, #tpu.memory_space<vmem>>
      tpu.enqueue_dma source(%dma_start3A_53 : memref<64x128xf32, #tpu.memory_space<vmem>>) target(%dma_start3A_50 : memref<64x128xf32, #tpu.memory_space<vmem_shared>>) target_semaphore(%run_scoped3A : memref<!tpu.dma_semaphore, #tpu.memory_space<semaphore_mem>>)
      %dma_wait3A = arith.constant 0 : i32
      %dma_wait3A_54 = arith.constant 0 : i32
      %dma_wait3A_55 = tpu.memref_slice %arg13[%dma_wait3A, %dma_wait3A_54] : memref<80x128xf32, #tpu.memory_space<vmem>> -> memref<64x128xf32, #tpu.memory_space<vmem>>
      %dma_wait3A_56 = arith.constant 0 : i32
      %dma_wait3A_57 = tpu.memref_slice %arg7[%add3A_21, %dma_wait3A_56] : memref<10000x128xf32, #tpu.memory_space<vmem_shared>> -> memref<64x128xf32, #tpu.memory_space<vmem_shared>>
      %dma_wait3A_58 = arith.constant 0 : i32
      %dma_wait3A_59 = tpu.memref_slice %arg7[%add3A_21, %dma_wait3A_58] : memref<10000x128xf32, #tpu.memory_space<vmem_shared>> -> memref<64x128xf32, #tpu.memory_space<vmem_shared>>
      %dma_wait3A_60 = arith.constant 0 : i32
      %dma_wait3A_61 = arith.constant 0 : i32
      %dma_wait3A_62 = tpu.memref_slice %arg13[%dma_wait3A_60, %dma_wait3A_61] : memref<80x128xf32, #tpu.memory_space<vmem>> -> memref<64x128xf32, #tpu.memory_space<vmem>>
      tpu.wait_dma2 semaphore(%run_scoped3A : memref<!tpu.dma_semaphore, #tpu.memory_space<semaphore_mem>>) src(%dma_wait3A_62 : memref<64x128xf32, #tpu.memory_space<vmem>>) dst(%dma_wait3A_59 : memref<64x128xf32, #tpu.memory_space<vmem_shared>>)
      tpu.yield
    }) : () -> ()
    %eq3A = arith.constant 0 : i32
    %eq3A_22 = arith.cmpi eq, %arg1, %eq3A : i32
    %convert_element_type3A = arith.extui %eq3A_22 : i1 to i32
    %cond3A = arith.constant 0 : i32
    %cond3A_23 = arith.cmpi ne, %convert_element_type3A, %cond3A : i32
    scf.if %cond3A_23 {
      "tpu.region"() ({
        %run_scoped3A = tpu.sem_alloc : memref<!tpu.dma_semaphore, #tpu.memory_space<semaphore_mem>>
        %dma_start3A = arith.constant 0 : i32
        %dma_start3A_45 = arith.constant 0 : i32
        %dma_start3A_46 = tpu.memref_slice %arg13[%dma_start3A, %dma_start3A_45] : memref<80x128xf32, #tpu.memory_space<vmem>> -> memref<16x128xf32, #tpu.memory_space<vmem>>
        %dma_start3A_47 = arith.constant 9984 : i32
        %dma_start3A_48 = arith.constant 0 : i32
        %dma_start3A_49 = tpu.memref_slice %arg7[%dma_start3A_47, %dma_start3A_48] : memref<10000x128xf32, #tpu.memory_space<vmem_shared>> -> memref<16x128xf32, #tpu.memory_space<vmem_shared>>
        %dma_start3A_50 = arith.constant 9984 : i32
        %dma_start3A_51 = arith.constant 0 : i32
        %dma_start3A_52 = tpu.memref_slice %arg7[%dma_start3A_50, %dma_start3A_51] : memref<10000x128xf32, #tpu.memory_space<vmem_shared>> -> memref<16x128xf32, #tpu.memory_space<vmem_shared>>
        %dma_start3A_53 = arith.constant 0 : i32
        %dma_start3A_54 = arith.constant 0 : i32
        %dma_start3A_55 = tpu.memref_slice %arg13[%dma_start3A_53, %dma_start3A_54] : memref<80x128xf32, #tpu.memory_space<vmem>> -> memref<16x128xf32, #tpu.memory_space<vmem>>
        tpu.enqueue_dma source(%dma_start3A_55 : memref<16x128xf32, #tpu.memory_space<vmem>>) target(%dma_start3A_52 : memref<16x128xf32, #tpu.memory_space<vmem_shared>>) target_semaphore(%run_scoped3A : memref<!tpu.dma_semaphore, #tpu.memory_space<semaphore_mem>>)
        %dma_wait3A = arith.constant 0 : i32
        %dma_wait3A_56 = arith.constant 0 : i32
        %dma_wait3A_57 = tpu.memref_slice %arg13[%dma_wait3A, %dma_wait3A_56] : memref<80x128xf32, #tpu.memory_space<vmem>> -> memref<16x128xf32, #tpu.memory_space<vmem>>
        %dma_wait3A_58 = arith.constant 9984 : i32
        %dma_wait3A_59 = arith.constant 0 : i32
        %dma_wait3A_60 = tpu.memref_slice %arg7[%dma_wait3A_58, %dma_wait3A_59] : memref<10000x128xf32, #tpu.memory_space<vmem_shared>> -> memref<16x128xf32, #tpu.memory_space<vmem_shared>>
        %dma_wait3A_61 = arith.constant 9984 : i32
        %dma_wait3A_62 = arith.constant 0 : i32
        %dma_wait3A_63 = tpu.memref_slice %arg7[%dma_wait3A_61, %dma_wait3A_62] : memref<10000x128xf32, #tpu.memory_space<vmem_shared>> -> memref<16x128xf32, #tpu.memory_space<vmem_shared>>
        %dma_wait3A_64 = arith.constant 0 : i32
        %dma_wait3A_65 = arith.constant 0 : i32
        %dma_wait3A_66 = tpu.memref_slice %arg13[%dma_wait3A_64, %dma_wait3A_65] : memref<80x128xf32, #tpu.memory_space<vmem>> -> memref<16x128xf32, #tpu.memory_space<vmem>>
        tpu.wait_dma2 semaphore(%run_scoped3A : memref<!tpu.dma_semaphore, #tpu.memory_space<semaphore_mem>>) src(%dma_wait3A_66 : memref<16x128xf32, #tpu.memory_space<vmem>>) dst(%dma_wait3A_63 : memref<16x128xf32, #tpu.memory_space<vmem_shared>>)
        tpu.yield
      }) : () -> ()
    } else {
    }
    %barrier3A = arith.constant 0 : index
    tpu.barrier barrier_id(%barrier3A)
    %mul3A_24 = arith.constant 10000 : i32
    %mul3A_25 = arith.muli %arg1, %mul3A_24 : i32
    %mul3A_26 = arith.constant 10000 : i32
    %mul3A_27 = arith.muli %arg0, %mul3A_26 : i32
    %scan3A_28 = arith.constant 0 : i32
    %scan3A_29 = arith.constant 0 : i32
    %scan3A_30 = arith.constant 125 : i32
    %scan3A_31 = arith.addi %scan3A_29, %scan3A_30 : i32
    %scan3A_32 = arith.constant 1 : i32
    scf.for %scan3A_45 = %scan3A_29 to %scan3A_31 step %scan3A_32  : i32 {
      %mul3A_46 = arith.constant 80 : i32
      %mul3A_47 = arith.muli %scan3A_45, %mul3A_46 : i32
      %add3A_48 = arith.addi %mul3A_25, %mul3A_47 : i32
      "tpu.region"() ({
        %run_scoped3A = tpu.sem_alloc : memref<!tpu.dma_semaphore, #tpu.memory_space<semaphore_mem>>
        %dma_start3A_153 = tpu.memref_slice %arg4[%add3A_48] : memref<160000xi32, #tpu.memory_space<hbm>> -> memref<80xi32, #tpu.memory_space<hbm>>
        %dma_start3A_154 = tpu.memref_slice %arg4[%add3A_48] : memref<160000xi32, #tpu.memory_space<hbm>> -> memref<80xi32, #tpu.memory_space<hbm>>
        tpu.enqueue_dma source(%dma_start3A_154 : memref<80xi32, #tpu.memory_space<hbm>>) target(%arg8 : memref<80xi32, #tpu.memory_space<vmem>>) target_semaphore(%run_scoped3A : memref<!tpu.dma_semaphore, #tpu.memory_space<semaphore_mem>>)
        %dma_wait3A_155 = tpu.memref_slice %arg4[%add3A_48] : memref<160000xi32, #tpu.memory_space<hbm>> -> memref<80xi32, #tpu.memory_space<hbm>>
        %dma_wait3A_156 = tpu.memref_slice %arg4[%add3A_48] : memref<160000xi32, #tpu.memory_space<hbm>> -> memref<80xi32, #tpu.memory_space<hbm>>
        tpu.wait_dma2 semaphore(%run_scoped3A : memref<!tpu.dma_semaphore, #tpu.memory_space<semaphore_mem>>) src(%dma_wait3A_156 : memref<80xi32, #tpu.memory_space<hbm>>) dst(%arg8 : memref<80xi32, #tpu.memory_space<vmem>>)
        tpu.yield
      }) : () -> ()
      "tpu.region"() ({
        %run_scoped3A = tpu.sem_alloc : memref<!tpu.dma_semaphore, #tpu.memory_space<semaphore_mem>>
        %dma_start3A_153 = tpu.memref_slice %arg5[%add3A_48] : memref<160000xi32, #tpu.memory_space<hbm>> -> memref<80xi32, #tpu.memory_space<hbm>>
        %dma_start3A_154 = tpu.memref_slice %arg5[%add3A_48] : memref<160000xi32, #tpu.memory_space<hbm>> -> memref<80xi32, #tpu.memory_space<hbm>>
        tpu.enqueue_dma source(%dma_start3A_154 : memref<80xi32, #tpu.memory_space<hbm>>) target(%arg10 : memref<80xi32, #tpu.memory_space<vmem>>) target_semaphore(%run_scoped3A : memref<!tpu.dma_semaphore, #tpu.memory_space<semaphore_mem>>)
        %dma_wait3A_155 = tpu.memref_slice %arg5[%add3A_48] : memref<160000xi32, #tpu.memory_space<hbm>> -> memref<80xi32, #tpu.memory_space<hbm>>
        %dma_wait3A_156 = tpu.memref_slice %arg5[%add3A_48] : memref<160000xi32, #tpu.memory_space<hbm>> -> memref<80xi32, #tpu.memory_space<hbm>>
        tpu.wait_dma2 semaphore(%run_scoped3A : memref<!tpu.dma_semaphore, #tpu.memory_space<semaphore_mem>>) src(%dma_wait3A_156 : memref<80xi32, #tpu.memory_space<hbm>>) dst(%arg10 : memref<80xi32, #tpu.memory_space<vmem>>)
        tpu.yield
      }) : () -> ()
      %get3A = arith.constant 0 : index
      %get3A_49 = tpu.vector_load %arg8[%get3A] {strides = array<i32>} : memref<80xi32, #tpu.memory_space<vmem>>, vector<16xi32>,
      %get3A_50 = vector.shape_cast %get3A_49 : vector<16xi32> to vector<16xi32>
      %add3A_51 = vector.broadcast %mul3A_27 : i32 to vector<16xi32>
      %add3A_52 = arith.addi %get3A_50, %add3A_51 : vector<16xi32>
      %swap3A = arith.constant 0 : index
      %swap3A_53 = tpu.vector_load %arg9[%swap3A] {strides = array<i32>} : memref<80xi32, #tpu.memory_space<vmem>>, vector<16xi32>,
      %swap3A_54 = vector.shape_cast %swap3A_53 : vector<16xi32> to vector<16xi32>
      %swap3A_55 = vector.shape_cast %add3A_52 : vector<16xi32> to vector<16xi32>
      tpu.vector_store %arg9[%swap3A], %swap3A_55 {strides = array<i32>} : memref<80xi32, #tpu.memory_space<vmem>>, vector<16xi32>,
      %get3A_56 = arith.constant 0 : index
      %get3A_57 = tpu.vector_load %arg10[%get3A_56] {strides = array<i32>} : memref<80xi32, #tpu.memory_space<vmem>>, vector<16xi32>,
      %get3A_58 = vector.shape_cast %get3A_57 : vector<16xi32> to vector<16xi32>
      %add3A_59 = vector.broadcast %mul3A_27 : i32 to vector<16xi32>
      %add3A_60 = arith.addi %get3A_58, %add3A_59 : vector<16xi32>
      %swap3A_61 = arith.constant 0 : index
      %swap3A_62 = tpu.vector_load %arg10[%swap3A_61] {strides = array<i32>} : memref<80xi32, #tpu.memory_space<vmem>>, vector<16xi32>,
      %swap3A_63 = vector.shape_cast %swap3A_62 : vector<16xi32> to vector<16xi32>
      %swap3A_64 = vector.shape_cast %add3A_60 : vector<16xi32> to vector<16xi32>
      tpu.vector_store %arg10[%swap3A_61], %swap3A_64 {strides = array<i32>} : memref<80xi32, #tpu.memory_space<vmem>>, vector<16xi32>,
      %get3A_65 = arith.constant 16 : index
      %get3A_66 = tpu.vector_load %arg8[%get3A_65] {strides = array<i32>} : memref<80xi32, #tpu.memory_space<vmem>>, vector<16xi32>,
      %get3A_67 = vector.shape_cast %get3A_66 : vector<16xi32> to vector<16xi32>
      %add3A_68 = vector.broadcast %mul3A_27 : i32 to vector<16xi32>
      %add3A_69 = arith.addi %get3A_67, %add3A_68 : vector<16xi32>
      %swap3A_70 = arith.constant 16 : index
      %swap3A_71 = tpu.vector_load %arg9[%swap3A_70] {strides = array<i32>} : memref<80xi32, #tpu.memory_space<vmem>>, vector<16xi32>,
      %swap3A_72 = vector.shape_cast %swap3A_71 : vector<16xi32> to vector<16xi32>
      %swap3A_73 = vector.shape_cast %add3A_69 : vector<16xi32> to vector<16xi32>
      tpu.vector_store %arg9[%swap3A_70], %swap3A_73 {strides = array<i32>} : memref<80xi32, #tpu.memory_space<vmem>>, vector<16xi32>,
      %get3A_74 = arith.constant 16 : index
      %get3A_75 = tpu.vector_load %arg10[%get3A_74] {strides = array<i32>} : memref<80xi32, #tpu.memory_space<vmem>>, vector<16xi32>,
      %get3A_76 = vector.shape_cast %get3A_75 : vector<16xi32> to vector<16xi32>
      %add3A_77 = vector.broadcast %mul3A_27 : i32 to vector<16xi32>
      %add3A_78 = arith.addi %get3A_76, %add3A_77 : vector<16xi32>
      %swap3A_79 = arith.constant 16 : index
      %swap3A_80 = tpu.vector_load %arg10[%swap3A_79] {strides = array<i32>} : memref<80xi32, #tpu.memory_space<vmem>>, vector<16xi32>,
      %swap3A_81 = vector.shape_cast %swap3A_80 : vector<16xi32> to vector<16xi32>
      %swap3A_82 = vector.shape_cast %add3A_78 : vector<16xi32> to vector<16xi32>
      tpu.vector_store %arg10[%swap3A_79], %swap3A_82 {strides = array<i32>} : memref<80xi32, #tpu.memory_space<vmem>>, vector<16xi32>,
      %get3A_83 = arith.constant 32 : index
      %get3A_84 = tpu.vector_load %arg8[%get3A_83] {strides = array<i32>} : memref<80xi32, #tpu.memory_space<vmem>>, vector<16xi32>,
      %get3A_85 = vector.shape_cast %get3A_84 : vector<16xi32> to vector<16xi32>
      %add3A_86 = vector.broadcast %mul3A_27 : i32 to vector<16xi32>
      %add3A_87 = arith.addi %get3A_85, %add3A_86 : vector<16xi32>
      %swap3A_88 = arith.constant 32 : index
      %swap3A_89 = tpu.vector_load %arg9[%swap3A_88] {strides = array<i32>} : memref<80xi32, #tpu.memory_space<vmem>>, vector<16xi32>,
      %swap3A_90 = vector.shape_cast %swap3A_89 : vector<16xi32> to vector<16xi32>
      %swap3A_91 = vector.shape_cast %add3A_87 : vector<16xi32> to vector<16xi32>
      tpu.vector_store %arg9[%swap3A_88], %swap3A_91 {strides = array<i32>} : memref<80xi32, #tpu.memory_space<vmem>>, vector<16xi32>,
      %get3A_92 = arith.constant 32 : index
      %get3A_93 = tpu.vector_load %arg10[%get3A_92] {strides = array<i32>} : memref<80xi32, #tpu.memory_space<vmem>>, vector<16xi32>,
      %get3A_94 = vector.shape_cast %get3A_93 : vector<16xi32> to vector<16xi32>
      %add3A_95 = vector.broadcast %mul3A_27 : i32 to vector<16xi32>
      %add3A_96 = arith.addi %get3A_94, %add3A_95 : vector<16xi32>
      %swap3A_97 = arith.constant 32 : index
      %swap3A_98 = tpu.vector_load %arg10[%swap3A_97] {strides = array<i32>} : memref<80xi32, #tpu.memory_space<vmem>>, vector<16xi32>,
      %swap3A_99 = vector.shape_cast %swap3A_98 : vector<16xi32> to vector<16xi32>
      %swap3A_100 = vector.shape_cast %add3A_96 : vector<16xi32> to vector<16xi32>
      tpu.vector_store %arg10[%swap3A_97], %swap3A_100 {strides = array<i32>} : memref<80xi32, #tpu.memory_space<vmem>>, vector<16xi32>,
      %get3A_101 = arith.constant 48 : index
      %get3A_102 = tpu.vector_load %arg8[%get3A_101] {strides = array<i32>} : memref<80xi32, #tpu.memory_space<vmem>>, vector<16xi32>,
      %get3A_103 = vector.shape_cast %get3A_102 : vector<16xi32> to vector<16xi32>
      %add3A_104 = vector.broadcast %mul3A_27 : i32 to vector<16xi32>
      %add3A_105 = arith.addi %get3A_103, %add3A_104 : vector<16xi32>
      %swap3A_106 = arith.constant 48 : index
      %swap3A_107 = tpu.vector_load %arg9[%swap3A_106] {strides = array<i32>} : memref<80xi32, #tpu.memory_space<vmem>>, vector<16xi32>,
      %swap3A_108 = vector.shape_cast %swap3A_107 : vector<16xi32> to vector<16xi32>
      %swap3A_109 = vector.shape_cast %add3A_105 : vector<16xi32> to vector<16xi32>
      tpu.vector_store %arg9[%swap3A_106], %swap3A_109 {strides = array<i32>} : memref<80xi32, #tpu.memory_space<vmem>>, vector<16xi32>,
      %get3A_110 = arith.constant 48 : index
      %get3A_111 = tpu.vector_load %arg10[%get3A_110] {strides = array<i32>} : memref<80xi32, #tpu.memory_space<vmem>>, vector<16xi32>,
      %get3A_112 = vector.shape_cast %get3A_111 : vector<16xi32> to vector<16xi32>
      %add3A_113 = vector.broadcast %mul3A_27 : i32 to vector<16xi32>
      %add3A_114 = arith.addi %get3A_112, %add3A_113 : vector<16xi32>
      %swap3A_115 = arith.constant 48 : index
      %swap3A_116 = tpu.vector_load %arg10[%swap3A_115] {strides = array<i32>} : memref<80xi32, #tpu.memory_space<vmem>>, vector<16xi32>,
      %swap3A_117 = vector.shape_cast %swap3A_116 : vector<16xi32> to vector<16xi32>
      %swap3A_118 = vector.shape_cast %add3A_114 : vector<16xi32> to vector<16xi32>
      tpu.vector_store %arg10[%swap3A_115], %swap3A_118 {strides = array<i32>} : memref<80xi32, #tpu.memory_space<vmem>>, vector<16xi32>,
      %get3A_119 = arith.constant 64 : index
      %get3A_120 = tpu.vector_load %arg8[%get3A_119] {strides = array<i32>} : memref<80xi32, #tpu.memory_space<vmem>>, vector<16xi32>,
      %get3A_121 = vector.shape_cast %get3A_120 : vector<16xi32> to vector<16xi32>
      %add3A_122 = vector.broadcast %mul3A_27 : i32 to vector<16xi32>
      %add3A_123 = arith.addi %get3A_121, %add3A_122 : vector<16xi32>
      %swap3A_124 = arith.constant 64 : index
      %swap3A_125 = tpu.vector_load %arg9[%swap3A_124] {strides = array<i32>} : memref<80xi32, #tpu.memory_space<vmem>>, vector<16xi32>,
      %swap3A_126 = vector.shape_cast %swap3A_125 : vector<16xi32> to vector<16xi32>
      %swap3A_127 = vector.shape_cast %add3A_123 : vector<16xi32> to vector<16xi32>
      tpu.vector_store %arg9[%swap3A_124], %swap3A_127 {strides = array<i32>} : memref<80xi32, #tpu.memory_space<vmem>>, vector<16xi32>,
      %get3A_128 = arith.constant 64 : index
      %get3A_129 = tpu.vector_load %arg10[%get3A_128] {strides = array<i32>} : memref<80xi32, #tpu.memory_space<vmem>>, vector<16xi32>,
      %get3A_130 = vector.shape_cast %get3A_129 : vector<16xi32> to vector<16xi32>
      %add3A_131 = vector.broadcast %mul3A_27 : i32 to vector<16xi32>
      %add3A_132 = arith.addi %get3A_130, %add3A_131 : vector<16xi32>
      %swap3A_133 = arith.constant 64 : index
      %swap3A_134 = tpu.vector_load %arg10[%swap3A_133] {strides = array<i32>} : memref<80xi32, #tpu.memory_space<vmem>>, vector<16xi32>,
      %swap3A_135 = vector.shape_cast %swap3A_134 : vector<16xi32> to vector<16xi32>
      %swap3A_136 = vector.shape_cast %add3A_132 : vector<16xi32> to vector<16xi32>
      tpu.vector_store %arg10[%swap3A_133], %swap3A_136 {strides = array<i32>} : memref<80xi32, #tpu.memory_space<vmem>>, vector<16xi32>,
      %dma_start3A = arith.constant 0 : i32
      %dma_start3A_137 = arith.constant 0 : i32
      %dma_start3A_138 = tpu.memref_slice %arg2[%dma_start3A, %dma_start3A_137] : memref<20000x128xf32, #tpu.memory_space<hbm>> -> memref<20000x128xf32, #tpu.memory_space<hbm>>
      tpu.enqueue_indirect_dma source(%dma_start3A_138 : memref<20000x128xf32, #tpu.memory_space<hbm>>) target(%arg11 : memref<80x128xf32, #tpu.memory_space<vmem>>) offsets(%arg9 : memref<80xi32, #tpu.memory_space<vmem>>) semaphore(%arg14 : memref<!tpu.dma_semaphore, #tpu.memory_space<semaphore_mem>>)
      %dma_start3A_139 = arith.constant 0 : i32
      %dma_start3A_140 = arith.constant 0 : i32
      %dma_start3A_141 = tpu.memref_slice %arg3[%dma_start3A_139, %dma_start3A_140] : memref<20000x256xf32, #tpu.memory_space<hbm>> -> memref<20000x256xf32, #tpu.memory_space<hbm>>
      tpu.enqueue_indirect_dma source(%dma_start3A_141 : memref<20000x256xf32, #tpu.memory_space<hbm>>) target(%arg12 : memref<80x256xf32, #tpu.memory_space<vmem>>) offsets(%arg10 : memref<80xi32, #tpu.memory_space<vmem>>) semaphore(%arg15 : memref<!tpu.dma_semaphore, #tpu.memory_space<semaphore_mem>>)
      %dma_wait3A = arith.constant 0 : i32
      %dma_wait3A_142 = arith.constant 0 : i32
      %dma_wait3A_143 = tpu.memref_slice %arg2[%dma_wait3A, %dma_wait3A_142] : memref<20000x128xf32, #tpu.memory_space<hbm>> -> memref<20000x128xf32, #tpu.memory_space<hbm>>
      tpu.wait_indirect_dma semaphore(%arg14 : memref<!tpu.dma_semaphore, #tpu.memory_space<semaphore_mem>>) src(%dma_wait3A_143 : memref<20000x128xf32, #tpu.memory_space<hbm>>) dst(%arg11 : memref<80x128xf32, #tpu.memory_space<vmem>>)
      %dma_wait3A_144 = arith.constant 0 : i32
      %dma_wait3A_145 = arith.constant 0 : i32
      %dma_wait3A_146 = tpu.memref_slice %arg3[%dma_wait3A_144, %dma_wait3A_145] : memref<20000x256xf32, #tpu.memory_space<hbm>> -> memref<20000x256xf32, #tpu.memory_space<hbm>>
      tpu.wait_indirect_dma semaphore(%arg15 : memref<!tpu.dma_semaphore, #tpu.memory_space<semaphore_mem>>) src(%dma_wait3A_146 : memref<20000x256xf32, #tpu.memory_space<hbm>>) dst(%arg12 : memref<80x256xf32, #tpu.memory_space<vmem>>)
      %scan3A_147 = arith.constant 0 : i32
      %scan3A_148 = arith.constant 0 : i32
      %scan3A_149 = arith.constant 80 : i32
      %scan3A_150 = arith.addi %scan3A_148, %scan3A_149 : i32
      %scan3A_151 = arith.constant 1 : i32
      scf.for %scan3A_153 = %scan3A_148 to %scan3A_150 step %scan3A_151  : i32 {
        %get3A_154 = arith.index_cast %scan3A_153 : i32 to index
        %get3A_155 = arith.constant 0 : index
        %get3A_156 = tpu.vector_load %arg11[%get3A_154, %get3A_155] {strides = array<i32>} : memref<80x128xf32, #tpu.memory_space<vmem>>, vector<1x16xf32>,
        %get3A_157 = vector.shape_cast %get3A_156 : vector<1x16xf32> to vector<16xf32>
        %get3A_158 = arith.index_cast %scan3A_153 : i32 to index
        %get3A_159 = arith.constant 0 : index
        %get3A_160 = tpu.vector_load %arg12[%get3A_158, %get3A_159] {strides = array<i32>} : memref<80x256xf32, #tpu.memory_space<vmem>>, vector<1x16xf32>,
        %get3A_161 = vector.shape_cast %get3A_160 : vector<1x16xf32> to vector<16xf32>
        %get3A_162 = arith.index_cast %scan3A_153 : i32 to index
        %get3A_163 = arith.constant 128 : index
        %get3A_164 = tpu.vector_load %arg12[%get3A_162, %get3A_163] {strides = array<i32>} : memref<80x256xf32, #tpu.memory_space<vmem>>, vector<1x16xf32>,
        %get3A_165 = vector.shape_cast %get3A_164 : vector<1x16xf32> to vector<16xf32>
        %add3A_166 = arith.addf %get3A_157, %get3A_161 : vector<16xf32>
        %neg3A = arith.constant 0.000000e+00 : f32
        %neg3A_167 = vector.broadcast %neg3A : f32 to vector<16xf32>
        %neg3A_168 = arith.subf %neg3A_167, %add3A_166 : vector<16xf32>
        %exp3A = math.exp %neg3A_168 : vector<16xf32>
        %add3A_169 = arith.constant 1.000000e+00 : f32
        %add3A_170 = vector.broadcast %add3A_169 : f32 to vector<16xf32>
        %add3A_171 = arith.addf %add3A_170, %exp3A : vector<16xf32>
        %div3A = arith.constant 1.000000e+00 : f32
        %div3A_172 = vector.broadcast %div3A : f32 to vector<16xf32>
        %div3A_173 = arith.divf %div3A_172, %add3A_171 : vector<16xf32>
        %mul3A_174 = arith.mulf %div3A_173, %get3A_165 : vector<16xf32>
        %swap3A_175 = arith.index_cast %scan3A_153 : i32 to index
        %swap3A_176 = arith.constant 0 : index
        %swap3A_177 = tpu.vector_load %arg13[%swap3A_175, %swap3A_176] {strides = array<i32>} : memref<80x128xf32, #tpu.memory_space<vmem>>, vector<1x16xf32>,
        %swap3A_178 = vector.shape_cast %swap3A_177 : vector<1x16xf32> to vector<16xf32>
        %swap3A_179 = vector.shape_cast %mul3A_174 : vector<16xf32> to vector<1x16xf32>
        tpu.vector_store %arg13[%swap3A_175, %swap3A_176], %swap3A_179 {strides = array<i32>} : memref<80x128xf32, #tpu.memory_space<vmem>>, vector<1x16xf32>,
        %get3A_180 = arith.index_cast %scan3A_153 : i32 to index
        %get3A_181 = arith.constant 16 : index
        %get3A_182 = tpu.vector_load %arg11[%get3A_180, %get3A_181] {strides = array<i32>} : memref<80x128xf32, #tpu.memory_space<vmem>>, vector<1x16xf32>,
        %get3A_183 = vector.shape_cast %get3A_182 : vector<1x16xf32> to vector<16xf32>
        %get3A_184 = arith.index_cast %scan3A_153 : i32 to index
        %get3A_185 = arith.constant 16 : index
        %get3A_186 = tpu.vector_load %arg12[%get3A_184, %get3A_185] {strides = array<i32>} : memref<80x256xf32, #tpu.memory_space<vmem>>, vector<1x16xf32>,
        %get3A_187 = vector.shape_cast %get3A_186 : vector<1x16xf32> to vector<16xf32>
        %get3A_188 = arith.index_cast %scan3A_153 : i32 to index
        %get3A_189 = arith.constant 144 : index
        %get3A_190 = tpu.vector_load %arg12[%get3A_188, %get3A_189] {strides = array<i32>} : memref<80x256xf32, #tpu.memory_space<vmem>>, vector<1x16xf32>,
        %get3A_191 = vector.shape_cast %get3A_190 : vector<1x16xf32> to vector<16xf32>
        %add3A_192 = arith.addf %get3A_183, %get3A_187 : vector<16xf32>
        %neg3A_193 = arith.constant 0.000000e+00 : f32
        %neg3A_194 = vector.broadcast %neg3A_193 : f32 to vector<16xf32>
        %neg3A_195 = arith.subf %neg3A_194, %add3A_192 : vector<16xf32>
        %exp3A_196 = math.exp %neg3A_195 : vector<16xf32>
        %add3A_197 = arith.constant 1.000000e+00 : f32
        %add3A_198 = vector.broadcast %add3A_197 : f32 to vector<16xf32>
        %add3A_199 = arith.addf %add3A_198, %exp3A_196 : vector<16xf32>
        %div3A_200 = arith.constant 1.000000e+00 : f32
        %div3A_201 = vector.broadcast %div3A_200 : f32 to vector<16xf32>
        %div3A_202 = arith.divf %div3A_201, %add3A_199 : vector<16xf32>
        %mul3A_203 = arith.mulf %div3A_202, %get3A_191 : vector<16xf32>
        %swap3A_204 = arith.index_cast %scan3A_153 : i32 to index
        %swap3A_205 = arith.constant 16 : index
        %swap3A_206 = tpu.vector_load %arg13[%swap3A_204, %swap3A_205] {strides = array<i32>} : memref<80x128xf32, #tpu.memory_space<vmem>>, vector<1x16xf32>,
        %swap3A_207 = vector.shape_cast %swap3A_206 : vector<1x16xf32> to vector<16xf32>
        %swap3A_208 = vector.shape_cast %mul3A_203 : vector<16xf32> to vector<1x16xf32>
        tpu.vector_store %arg13[%swap3A_204, %swap3A_205], %swap3A_208 {strides = array<i32>} : memref<80x128xf32, #tpu.memory_space<vmem>>, vector<1x16xf32>,
        %get3A_209 = arith.index_cast %scan3A_153 : i32 to index
        %get3A_210 = arith.constant 32 : index
        %get3A_211 = tpu.vector_load %arg11[%get3A_209, %get3A_210] {strides = array<i32>} : memref<80x128xf32, #tpu.memory_space<vmem>>, vector<1x16xf32>,
        %get3A_212 = vector.shape_cast %get3A_211 : vector<1x16xf32> to vector<16xf32>
        %get3A_213 = arith.index_cast %scan3A_153 : i32 to index
        %get3A_214 = arith.constant 32 : index
        %get3A_215 = tpu.vector_load %arg12[%get3A_213, %get3A_214] {strides = array<i32>} : memref<80x256xf32, #tpu.memory_space<vmem>>, vector<1x16xf32>,
        %get3A_216 = vector.shape_cast %get3A_215 : vector<1x16xf32> to vector<16xf32>
        %get3A_217 = arith.index_cast %scan3A_153 : i32 to index
        %get3A_218 = arith.constant 160 : index
        %get3A_219 = tpu.vector_load %arg12[%get3A_217, %get3A_218] {strides = array<i32>} : memref<80x256xf32, #tpu.memory_space<vmem>>, vector<1x16xf32>,
        %get3A_220 = vector.shape_cast %get3A_219 : vector<1x16xf32> to vector<16xf32>
        %add3A_221 = arith.addf %get3A_212, %get3A_216 : vector<16xf32>
        %neg3A_222 = arith.constant 0.000000e+00 : f32
        %neg3A_223 = vector.broadcast %neg3A_222 : f32 to vector<16xf32>
        %neg3A_224 = arith.subf %neg3A_223, %add3A_221 : vector<16xf32>
        %exp3A_225 = math.exp %neg3A_224 : vector<16xf32>
        %add3A_226 = arith.constant 1.000000e+00 : f32
        %add3A_227 = vector.broadcast %add3A_226 : f32 to vector<16xf32>
        %add3A_228 = arith.addf %add3A_227, %exp3A_225 : vector<16xf32>
        %div3A_229 = arith.constant 1.000000e+00 : f32
        %div3A_230 = vector.broadcast %div3A_229 : f32 to vector<16xf32>
        %div3A_231 = arith.divf %div3A_230, %add3A_228 : vector<16xf32>
        %mul3A_232 = arith.mulf %div3A_231, %get3A_220 : vector<16xf32>
        %swap3A_233 = arith.index_cast %scan3A_153 : i32 to index
        %swap3A_234 = arith.constant 32 : index
        %swap3A_235 = tpu.vector_load %arg13[%swap3A_233, %swap3A_234] {strides = array<i32>} : memref<80x128xf32, #tpu.memory_space<vmem>>, vector<1x16xf32>,
        %swap3A_236 = vector.shape_cast %swap3A_235 : vector<1x16xf32> to vector<16xf32>
        %swap3A_237 = vector.shape_cast %mul3A_232 : vector<16xf32> to vector<1x16xf32>
        tpu.vector_store %arg13[%swap3A_233, %swap3A_234], %swap3A_237 {strides = array<i32>} : memref<80x128xf32, #tpu.memory_space<vmem>>, vector<1x16xf32>,
        %get3A_238 = arith.index_cast %scan3A_153 : i32 to index
        %get3A_239 = arith.constant 48 : index
        %get3A_240 = tpu.vector_load %arg11[%get3A_238, %get3A_239] {strides = array<i32>} : memref<80x128xf32, #tpu.memory_space<vmem>>, vector<1x16xf32>,
        %get3A_241 = vector.shape_cast %get3A_240 : vector<1x16xf32> to vector<16xf32>
        %get3A_242 = arith.index_cast %scan3A_153 : i32 to index
        %get3A_243 = arith.constant 48 : index
        %get3A_244 = tpu.vector_load %arg12[%get3A_242, %get3A_243] {strides = array<i32>} : memref<80x256xf32, #tpu.memory_space<vmem>>, vector<1x16xf32>,
        %get3A_245 = vector.shape_cast %get3A_244 : vector<1x16xf32> to vector<16xf32>
        %get3A_246 = arith.index_cast %scan3A_153 : i32 to index
        %get3A_247 = arith.constant 176 : index
        %get3A_248 = tpu.vector_load %arg12[%get3A_246, %get3A_247] {strides = array<i32>} : memref<80x256xf32, #tpu.memory_space<vmem>>, vector<1x16xf32>,
        %get3A_249 = vector.shape_cast %get3A_248 : vector<1x16xf32> to vector<16xf32>
        %add3A_250 = arith.addf %get3A_241, %get3A_245 : vector<16xf32>
        %neg3A_251 = arith.constant 0.000000e+00 : f32
        %neg3A_252 = vector.broadcast %neg3A_251 : f32 to vector<16xf32>
        %neg3A_253 = arith.subf %neg3A_252, %add3A_250 : vector<16xf32>
        %exp3A_254 = math.exp %neg3A_253 : vector<16xf32>
        %add3A_255 = arith.constant 1.000000e+00 : f32
        %add3A_256 = vector.broadcast %add3A_255 : f32 to vector<16xf32>
        %add3A_257 = arith.addf %add3A_256, %exp3A_254 : vector<16xf32>
        %div3A_258 = arith.constant 1.000000e+00 : f32
        %div3A_259 = vector.broadcast %div3A_258 : f32 to vector<16xf32>
        %div3A_260 = arith.divf %div3A_259, %add3A_257 : vector<16xf32>
        %mul3A_261 = arith.mulf %div3A_260, %get3A_249 : vector<16xf32>
        %swap3A_262 = arith.index_cast %scan3A_153 : i32 to index
        %swap3A_263 = arith.constant 48 : index
        %swap3A_264 = tpu.vector_load %arg13[%swap3A_262, %swap3A_263] {strides = array<i32>} : memref<80x128xf32, #tpu.memory_space<vmem>>, vector<1x16xf32>,
        %swap3A_265 = vector.shape_cast %swap3A_264 : vector<1x16xf32> to vector<16xf32>
        %swap3A_266 = vector.shape_cast %mul3A_261 : vector<16xf32> to vector<1x16xf32>
        tpu.vector_store %arg13[%swap3A_262, %swap3A_263], %swap3A_266 {strides = array<i32>} : memref<80x128xf32, #tpu.memory_space<vmem>>, vector<1x16xf32>,
        %get3A_267 = arith.index_cast %scan3A_153 : i32 to index
        %get3A_268 = arith.constant 64 : index
        %get3A_269 = tpu.vector_load %arg11[%get3A_267, %get3A_268] {strides = array<i32>} : memref<80x128xf32, #tpu.memory_space<vmem>>, vector<1x16xf32>,
        %get3A_270 = vector.shape_cast %get3A_269 : vector<1x16xf32> to vector<16xf32>
        %get3A_271 = arith.index_cast %scan3A_153 : i32 to index
        %get3A_272 = arith.constant 64 : index
        %get3A_273 = tpu.vector_load %arg12[%get3A_271, %get3A_272] {strides = array<i32>} : memref<80x256xf32, #tpu.memory_space<vmem>>, vector<1x16xf32>,
        %get3A_274 = vector.shape_cast %get3A_273 : vector<1x16xf32> to vector<16xf32>
        %get3A_275 = arith.index_cast %scan3A_153 : i32 to index
        %get3A_276 = arith.constant 192 : index
        %get3A_277 = tpu.vector_load %arg12[%get3A_275, %get3A_276] {strides = array<i32>} : memref<80x256xf32, #tpu.memory_space<vmem>>, vector<1x16xf32>,
        %get3A_278 = vector.shape_cast %get3A_277 : vector<1x16xf32> to vector<16xf32>
        %add3A_279 = arith.addf %get3A_270, %get3A_274 : vector<16xf32>
        %neg3A_280 = arith.constant 0.000000e+00 : f32
        %neg3A_281 = vector.broadcast %neg3A_280 : f32 to vector<16xf32>
        %neg3A_282 = arith.subf %neg3A_281, %add3A_279 : vector<16xf32>
        %exp3A_283 = math.exp %neg3A_282 : vector<16xf32>
        %add3A_284 = arith.constant 1.000000e+00 : f32
        %add3A_285 = vector.broadcast %add3A_284 : f32 to vector<16xf32>
        %add3A_286 = arith.addf %add3A_285, %exp3A_283 : vector<16xf32>
        %div3A_287 = arith.constant 1.000000e+00 : f32
        %div3A_288 = vector.broadcast %div3A_287 : f32 to vector<16xf32>
        %div3A_289 = arith.divf %div3A_288, %add3A_286 : vector<16xf32>
        %mul3A_290 = arith.mulf %div3A_289, %get3A_278 : vector<16xf32>
        %swap3A_291 = arith.index_cast %scan3A_153 : i32 to index
        %swap3A_292 = arith.constant 64 : index
        %swap3A_293 = tpu.vector_load %arg13[%swap3A_291, %swap3A_292] {strides = array<i32>} : memref<80x128xf32, #tpu.memory_space<vmem>>, vector<1x16xf32>,
        %swap3A_294 = vector.shape_cast %swap3A_293 : vector<1x16xf32> to vector<16xf32>
        %swap3A_295 = vector.shape_cast %mul3A_290 : vector<16xf32> to vector<1x16xf32>
        tpu.vector_store %arg13[%swap3A_291, %swap3A_292], %swap3A_295 {strides = array<i32>} : memref<80x128xf32, #tpu.memory_space<vmem>>, vector<1x16xf32>,
        %get3A_296 = arith.index_cast %scan3A_153 : i32 to index
        %get3A_297 = arith.constant 80 : index
        %get3A_298 = tpu.vector_load %arg11[%get3A_296, %get3A_297] {strides = array<i32>} : memref<80x128xf32, #tpu.memory_space<vmem>>, vector<1x16xf32>,
        %get3A_299 = vector.shape_cast %get3A_298 : vector<1x16xf32> to vector<16xf32>
        %get3A_300 = arith.index_cast %scan3A_153 : i32 to index
        %get3A_301 = arith.constant 80 : index
        %get3A_302 = tpu.vector_load %arg12[%get3A_300, %get3A_301] {strides = array<i32>} : memref<80x256xf32, #tpu.memory_space<vmem>>, vector<1x16xf32>,
        %get3A_303 = vector.shape_cast %get3A_302 : vector<1x16xf32> to vector<16xf32>
        %get3A_304 = arith.index_cast %scan3A_153 : i32 to index
        %get3A_305 = arith.constant 208 : index
        %get3A_306 = tpu.vector_load %arg12[%get3A_304, %get3A_305] {strides = array<i32>} : memref<80x256xf32, #tpu.memory_space<vmem>>, vector<1x16xf32>,
        %get3A_307 = vector.shape_cast %get3A_306 : vector<1x16xf32> to vector<16xf32>
        %add3A_308 = arith.addf %get3A_299, %get3A_303 : vector<16xf32>
        %neg3A_309 = arith.constant 0.000000e+00 : f32
        %neg3A_310 = vector.broadcast %neg3A_309 : f32 to vector<16xf32>
        %neg3A_311 = arith.subf %neg3A_310, %add3A_308 : vector<16xf32>
        %exp3A_312 = math.exp %neg3A_311 : vector<16xf32>
        %add3A_313 = arith.constant 1.000000e+00 : f32
        %add3A_314 = vector.broadcast %add3A_313 : f32 to vector<16xf32>
        %add3A_315 = arith.addf %add3A_314, %exp3A_312 : vector<16xf32>
        %div3A_316 = arith.constant 1.000000e+00 : f32
        %div3A_317 = vector.broadcast %div3A_316 : f32 to vector<16xf32>
        %div3A_318 = arith.divf %div3A_317, %add3A_315 : vector<16xf32>
        %mul3A_319 = arith.mulf %div3A_318, %get3A_307 : vector<16xf32>
        %swap3A_320 = arith.index_cast %scan3A_153 : i32 to index
        %swap3A_321 = arith.constant 80 : index
        %swap3A_322 = tpu.vector_load %arg13[%swap3A_320, %swap3A_321] {strides = array<i32>} : memref<80x128xf32, #tpu.memory_space<vmem>>, vector<1x16xf32>,
        %swap3A_323 = vector.shape_cast %swap3A_322 : vector<1x16xf32> to vector<16xf32>
        %swap3A_324 = vector.shape_cast %mul3A_319 : vector<16xf32> to vector<1x16xf32>
        tpu.vector_store %arg13[%swap3A_320, %swap3A_321], %swap3A_324 {strides = array<i32>} : memref<80x128xf32, #tpu.memory_space<vmem>>, vector<1x16xf32>,
        %get3A_325 = arith.index_cast %scan3A_153 : i32 to index
        %get3A_326 = arith.constant 96 : index
        %get3A_327 = tpu.vector_load %arg11[%get3A_325, %get3A_326] {strides = array<i32>} : memref<80x128xf32, #tpu.memory_space<vmem>>, vector<1x16xf32>,
        %get3A_328 = vector.shape_cast %get3A_327 : vector<1x16xf32> to vector<16xf32>
        %get3A_329 = arith.index_cast %scan3A_153 : i32 to index
        %get3A_330 = arith.constant 96 : index
        %get3A_331 = tpu.vector_load %arg12[%get3A_329, %get3A_330] {strides = array<i32>} : memref<80x256xf32, #tpu.memory_space<vmem>>, vector<1x16xf32>,
        %get3A_332 = vector.shape_cast %get3A_331 : vector<1x16xf32> to vector<16xf32>
        %get3A_333 = arith.index_cast %scan3A_153 : i32 to index
        %get3A_334 = arith.constant 224 : index
        %get3A_335 = tpu.vector_load %arg12[%get3A_333, %get3A_334] {strides = array<i32>} : memref<80x256xf32, #tpu.memory_space<vmem>>, vector<1x16xf32>,
        %get3A_336 = vector.shape_cast %get3A_335 : vector<1x16xf32> to vector<16xf32>
        %add3A_337 = arith.addf %get3A_328, %get3A_332 : vector<16xf32>
        %neg3A_338 = arith.constant 0.000000e+00 : f32
        %neg3A_339 = vector.broadcast %neg3A_338 : f32 to vector<16xf32>
        %neg3A_340 = arith.subf %neg3A_339, %add3A_337 : vector<16xf32>
        %exp3A_341 = math.exp %neg3A_340 : vector<16xf32>
        %add3A_342 = arith.constant 1.000000e+00 : f32
        %add3A_343 = vector.broadcast %add3A_342 : f32 to vector<16xf32>
        %add3A_344 = arith.addf %add3A_343, %exp3A_341 : vector<16xf32>
        %div3A_345 = arith.constant 1.000000e+00 : f32
        %div3A_346 = vector.broadcast %div3A_345 : f32 to vector<16xf32>
        %div3A_347 = arith.divf %div3A_346, %add3A_344 : vector<16xf32>
        %mul3A_348 = arith.mulf %div3A_347, %get3A_336 : vector<16xf32>
        %swap3A_349 = arith.index_cast %scan3A_153 : i32 to index
        %swap3A_350 = arith.constant 96 : index
        %swap3A_351 = tpu.vector_load %arg13[%swap3A_349, %swap3A_350] {strides = array<i32>} : memref<80x128xf32, #tpu.memory_space<vmem>>, vector<1x16xf32>,
        %swap3A_352 = vector.shape_cast %swap3A_351 : vector<1x16xf32> to vector<16xf32>
        %swap3A_353 = vector.shape_cast %mul3A_348 : vector<16xf32> to vector<1x16xf32>
        tpu.vector_store %arg13[%swap3A_349, %swap3A_350], %swap3A_353 {strides = array<i32>} : memref<80x128xf32, #tpu.memory_space<vmem>>, vector<1x16xf32>,
        %get3A_354 = arith.index_cast %scan3A_153 : i32 to index
        %get3A_355 = arith.constant 112 : index
        %get3A_356 = tpu.vector_load %arg11[%get3A_354, %get3A_355] {strides = array<i32>} : memref<80x128xf32, #tpu.memory_space<vmem>>, vector<1x16xf32>,
        %get3A_357 = vector.shape_cast %get3A_356 : vector<1x16xf32> to vector<16xf32>
        %get3A_358 = arith.index_cast %scan3A_153 : i32 to index
        %get3A_359 = arith.constant 112 : index
        %get3A_360 = tpu.vector_load %arg12[%get3A_358, %get3A_359] {strides = array<i32>} : memref<80x256xf32, #tpu.memory_space<vmem>>, vector<1x16xf32>,
        %get3A_361 = vector.shape_cast %get3A_360 : vector<1x16xf32> to vector<16xf32>
        %get3A_362 = arith.index_cast %scan3A_153 : i32 to index
        %get3A_363 = arith.constant 240 : index
        %get3A_364 = tpu.vector_load %arg12[%get3A_362, %get3A_363] {strides = array<i32>} : memref<80x256xf32, #tpu.memory_space<vmem>>, vector<1x16xf32>,
        %get3A_365 = vector.shape_cast %get3A_364 : vector<1x16xf32> to vector<16xf32>
        %add3A_366 = arith.addf %get3A_357, %get3A_361 : vector<16xf32>
        %neg3A_367 = arith.constant 0.000000e+00 : f32
        %neg3A_368 = vector.broadcast %neg3A_367 : f32 to vector<16xf32>
        %neg3A_369 = arith.subf %neg3A_368, %add3A_366 : vector<16xf32>
        %exp3A_370 = math.exp %neg3A_369 : vector<16xf32>
        %add3A_371 = arith.constant 1.000000e+00 : f32
        %add3A_372 = vector.broadcast %add3A_371 : f32 to vector<16xf32>
        %add3A_373 = arith.addf %add3A_372, %exp3A_370 : vector<16xf32>
        %div3A_374 = arith.constant 1.000000e+00 : f32
        %div3A_375 = vector.broadcast %div3A_374 : f32 to vector<16xf32>
        %div3A_376 = arith.divf %div3A_375, %add3A_373 : vector<16xf32>
        %mul3A_377 = arith.mulf %div3A_376, %get3A_365 : vector<16xf32>
        %swap3A_378 = arith.index_cast %scan3A_153 : i32 to index
        %swap3A_379 = arith.constant 112 : index
        %swap3A_380 = tpu.vector_load %arg13[%swap3A_378, %swap3A_379] {strides = array<i32>} : memref<80x128xf32, #tpu.memory_space<vmem>>, vector<1x16xf32>,
        %swap3A_381 = vector.shape_cast %swap3A_380 : vector<1x16xf32> to vector<16xf32>
        %swap3A_382 = vector.shape_cast %mul3A_377 : vector<16xf32> to vector<1x16xf32>
        tpu.vector_store %arg13[%swap3A_378, %swap3A_379], %swap3A_382 {strides = array<i32>} : memref<80x128xf32, #tpu.memory_space<vmem>>, vector<1x16xf32>,
      }
      %scan3A_152 = arith.constant 80 : i32
      "tpu.region"() ({
        %run_scoped3A = tpu.sem_alloc : memref<!tpu.dma_semaphore, #tpu.memory_space<semaphore_mem>>
        %dma_start3A_153 = arith.constant 0 : i32
        %dma_start3A_154 = arith.constant 0 : i32
        %dma_start3A_155 = tpu.memref_slice %arg7[%dma_start3A_153, %dma_start3A_154] : memref<10000x128xf32, #tpu.memory_space<vmem_shared>> -> memref<10000x128xf32, #tpu.memory_space<vmem_shared>>
        tpu.enqueue_indirect_dma source(%arg13 : memref<80x128xf32, #tpu.memory_space<vmem>>) target(%dma_start3A_155 : memref<10000x128xf32, #tpu.memory_space<vmem_shared>>) offsets(%arg8 : memref<80xi32, #tpu.memory_space<vmem>>) semaphore(%run_scoped3A : memref<!tpu.dma_semaphore, #tpu.memory_space<semaphore_mem>>) {add = true}
        %dma_wait3A_156 = arith.constant 0 : i32
        %dma_wait3A_157 = arith.constant 0 : i32
        %dma_wait3A_158 = tpu.memref_slice %arg7[%dma_wait3A_156, %dma_wait3A_157] : memref<10000x128xf32, #tpu.memory_space<vmem_shared>> -> memref<10000x128xf32, #tpu.memory_space<vmem_shared>>
        tpu.wait_indirect_dma semaphore(%run_scoped3A : memref<!tpu.dma_semaphore, #tpu.memory_space<semaphore_mem>>) src(%arg13 : memref<80x128xf32, #tpu.memory_space<vmem>>) dst(%dma_wait3A_158 : memref<10000x128xf32, #tpu.memory_space<vmem_shared>>)
        tpu.yield
      }) : () -> ()
    }
    %scan3A_33 = arith.constant 125 : i32
    %barrier3A_34 = arith.constant 0 : index
    tpu.barrier barrier_id(%barrier3A_34)
    %mul3A_35 = arith.constant 624 : i32
    %mul3A_36 = arith.muli %arg1, %mul3A_35 : i32
    %mul3A_37 = arith.constant 10000 : i32
    %mul3A_38 = arith.muli %arg0, %mul3A_37 : i32
    %add3A_39 = arith.addi %mul3A_38, %mul3A_36 : i32
    "tpu.region"() ({
      %run_scoped3A = tpu.sem_alloc : memref<!tpu.dma_semaphore, #tpu.memory_space<semaphore_mem>>
      %dma_start3A = arith.constant 0 : i32
      %dma_start3A_45 = tpu.memref_slice %arg6[%add3A_39, %dma_start3A] : memref<20000x128xf32, #tpu.memory_space<hbm>> -> memref<624x128xf32, #tpu.memory_space<hbm>>
      %dma_start3A_46 = arith.constant 0 : i32
      %dma_start3A_47 = tpu.memref_slice %arg7[%mul3A_36, %dma_start3A_46] : memref<10000x128xf32, #tpu.memory_space<vmem_shared>> -> memref<624x128xf32, #tpu.memory_space<vmem_shared>>
      tpu.enqueue_dma source(%dma_start3A_47 : memref<624x128xf32, #tpu.memory_space<vmem_shared>>) target(%dma_start3A_45 : memref<624x128xf32, #tpu.memory_space<hbm>>) target_semaphore(%run_scoped3A : memref<!tpu.dma_semaphore, #tpu.memory_space<semaphore_mem>>)
      %dma_wait3A = arith.constant 0 : i32
      %dma_wait3A_48 = tpu.memref_slice %arg6[%add3A_39, %dma_wait3A] : memref<20000x128xf32, #tpu.memory_space<hbm>> -> memref<624x128xf32, #tpu.memory_space<hbm>>
      %dma_wait3A_49 = arith.constant 0 : i32
      %dma_wait3A_50 = tpu.memref_slice %arg7[%mul3A_36, %dma_wait3A_49] : memref<10000x128xf32, #tpu.memory_space<vmem_shared>> -> memref<624x128xf32, #tpu.memory_space<vmem_shared>>
      tpu.wait_dma2 semaphore(%run_scoped3A : memref<!tpu.dma_semaphore, #tpu.memory_space<semaphore_mem>>) src(%dma_wait3A_50 : memref<624x128xf32, #tpu.memory_space<vmem_shared>>) dst(%dma_wait3A_48 : memref<624x128xf32, #tpu.memory_space<hbm>>)
      tpu.yield
    }) : () -> ()
    %eq3A_40 = arith.constant 0 : i32
    %eq3A_41 = arith.cmpi eq, %arg1, %eq3A_40 : i32
    %convert_element_type3A_42 = arith.extui %eq3A_41 : i1 to i32
    %cond3A_43 = arith.constant 0 : i32
    %cond3A_44 = arith.cmpi ne, %convert_element_type3A_42, %cond3A_43 : i32
    scf.if %cond3A_44 {
      %mul3A_45 = arith.constant 10000 : i32
      %mul3A_46 = arith.muli %arg0, %mul3A_45 : i32
      %add3A_47 = arith.constant 10000 : i32
      %add3A_48 = arith.addi %mul3A_46, %add3A_47 : i32
      %sub3A = arith.constant 16 : i32
      %sub3A_49 = arith.subi %add3A_48, %sub3A : i32
      "tpu.region"() ({
        %run_scoped3A = tpu.sem_alloc : memref<!tpu.dma_semaphore, #tpu.memory_space<semaphore_mem>>
        %dma_start3A = arith.constant 0 : i32
        %dma_start3A_50 = tpu.memref_slice %arg6[%sub3A_49, %dma_start3A] : memref<20000x128xf32, #tpu.memory_space<hbm>> -> memref<16x128xf32, #tpu.memory_space<hbm>>
        %dma_start3A_51 = arith.constant 9984 : i32
        %dma_start3A_52 = arith.constant 0 : i32
        %dma_start3A_53 = tpu.memref_slice %arg7[%dma_start3A_51, %dma_start3A_52] : memref<10000x128xf32, #tpu.memory_space<vmem_shared>> -> memref<16x128xf32, #tpu.memory_space<vmem_shared>>
        tpu.enqueue_dma source(%dma_start3A_53 : memref<16x128xf32, #tpu.memory_space<vmem_shared>>) target(%dma_start3A_50 : memref<16x128xf32, #tpu.memory_space<hbm>>) target_semaphore(%run_scoped3A : memref<!tpu.dma_semaphore, #tpu.memory_space<semaphore_mem>>)
        %dma_wait3A = arith.constant 0 : i32
        %dma_wait3A_54 = tpu.memref_slice %arg6[%sub3A_49, %dma_wait3A] : memref<20000x128xf32, #tpu.memory_space<hbm>> -> memref<16x128xf32, #tpu.memory_space<hbm>>
        %dma_wait3A_55 = arith.constant 9984 : i32
        %dma_wait3A_56 = arith.constant 0 : i32
        %dma_wait3A_57 = tpu.memref_slice %arg7[%dma_wait3A_55, %dma_wait3A_56] : memref<10000x128xf32, #tpu.memory_space<vmem_shared>> -> memref<16x128xf32, #tpu.memory_space<vmem_shared>>
        tpu.wait_dma2 semaphore(%run_scoped3A : memref<!tpu.dma_semaphore, #tpu.memory_space<semaphore_mem>>) src(%dma_wait3A_57 : memref<16x128xf32, #tpu.memory_space<vmem_shared>>) dst(%dma_wait3A_54 : memref<16x128xf32, #tpu.memory_space<hbm>>)
        tpu.yield
      }) : () -> ()
    } else {
    }
    return
  }
}

#map = affine_map<(d0, d1) -> (0, 0)>
#map1 = affine_map<(d0, d1) -> (0)>
module attributes {stable_mosaic.version = 14 : i64} {
  func.func @_sc_resgated(%arg0: i32, %arg1: i32, %arg2: memref<20000x128xf32, #tpu.memory_space<hbm>>, %arg3: memref<20000x256xf32, #tpu.memory_space<hbm>>, %arg4: memref<160000xi32, #tpu.memory_space<hbm>>, %arg5: memref<160000xi32, #tpu.memory_space<hbm>>, %arg6: memref<20000x128xf32, #tpu.memory_space<hbm>>, %arg7: memref<10000x128xf32, #tpu.memory_space<vmem_shared>>, %arg8: memref<80xi32, #tpu.memory_space<vmem>>, %arg9: memref<80xi32, #tpu.memory_space<vmem>>, %arg10: memref<80xi32, #tpu.memory_space<vmem>>, %arg11: memref<80x128xf32, #tpu.memory_space<vmem>>, %arg12: memref<80x256xf32, #tpu.memory_space<vmem>>, %arg13: memref<80x128xf32, #tpu.memory_space<vmem>>, %arg14: memref<!tpu.dma_semaphore, #tpu.memory_space<semaphore_mem>>, %arg15: memref<!tpu.dma_semaphore, #tpu.memory_space<semaphore_mem>>) attributes {dimension_semantics = [#tpu.dimension_semantics<core_parallel>, #tpu.dimension_semantics<subcore_parallel>], iteration_bounds = array<i64: 2, 16>, scalar_prefetch = 0 : i64, scratch_operands = 9 : i64, tpu.core_type = #tpu.core_type<sc_vector_subcore>, window_params = [{transform_indices = #map}, {transform_indices = #map}, {transform_indices = #map1}, {transform_indices = #map1}, {transform_indices = #map}]} {
    %broadcast_in_dim3A = arith.constant 0.000000e+00 : f32
    %broadcast_in_dim3A_0 = vector.broadcast %broadcast_in_dim3A : f32 to vector<16xf32>
    %scan3A = arith.constant 0 : i32
    %scan3A_1 = arith.constant 0 : i32
    %scan3A_2 = arith.constant 80 : i32
    %scan3A_3 = arith.addi %scan3A_1, %scan3A_2 : i32
    %scan3A_4 = arith.constant 1 : i32
    scf.for %scan3A_45 = %scan3A_1 to %scan3A_3 step %scan3A_4  : i32 {
      %swap3A = arith.index_cast %scan3A_45 : i32 to index
      %swap3A_46 = arith.constant 0 : index
      %swap3A_47 = tpu.vector_load %arg13[%swap3A, %swap3A_46] {strides = array<i32>} : memref<80x128xf32, #tpu.memory_space<vmem>>, vector<1x16xf32>,
      %swap3A_48 = vector.shape_cast %swap3A_47 : vector<1x16xf32> to vector<16xf32>
      %swap3A_49 = vector.shape_cast %broadcast_in_dim3A_0 : vector<16xf32> to vector<1x16xf32>
      tpu.vector_store %arg13[%swap3A, %swap3A_46], %swap3A_49 {strides = array<i32>} : memref<80x128xf32, #tpu.memory_space<vmem>>, vector<1x16xf32>,
      %swap3A_50 = arith.index_cast %scan3A_45 : i32 to index
      %swap3A_51 = arith.constant 16 : index
      %swap3A_52 = tpu.vector_load %arg13[%swap3A_50, %swap3A_51] {strides = array<i32>} : memref<80x128xf32, #tpu.memory_space<vmem>>, vector<1x16xf32>,
      %swap3A_53 = vector.shape_cast %swap3A_52 : vector<1x16xf32> to vector<16xf32>
      %swap3A_54 = vector.shape_cast %broadcast_in_dim3A_0 : vector<16xf32> to vector<1x16xf32>
      tpu.vector_store %arg13[%swap3A_50, %swap3A_51], %swap3A_54 {strides = array<i32>} : memref<80x128xf32, #tpu.memory_space<vmem>>, vector<1x16xf32>,
      %swap3A_55 = arith.index_cast %scan3A_45 : i32 to index
      %swap3A_56 = arith.constant 32 : index
      %swap3A_57 = tpu.vector_load %arg13[%swap3A_55, %swap3A_56] {strides = array<i32>} : memref<80x128xf32, #tpu.memory_space<vmem>>, vector<1x16xf32>,
      %swap3A_58 = vector.shape_cast %swap3A_57 : vector<1x16xf32> to vector<16xf32>
      %swap3A_59 = vector.shape_cast %broadcast_in_dim3A_0 : vector<16xf32> to vector<1x16xf32>
      tpu.vector_store %arg13[%swap3A_55, %swap3A_56], %swap3A_59 {strides = array<i32>} : memref<80x128xf32, #tpu.memory_space<vmem>>, vector<1x16xf32>,
      %swap3A_60 = arith.index_cast %scan3A_45 : i32 to index
      %swap3A_61 = arith.constant 48 : index
      %swap3A_62 = tpu.vector_load %arg13[%swap3A_60, %swap3A_61] {strides = array<i32>} : memref<80x128xf32, #tpu.memory_space<vmem>>, vector<1x16xf32>,
      %swap3A_63 = vector.shape_cast %swap3A_62 : vector<1x16xf32> to vector<16xf32>
      %swap3A_64 = vector.shape_cast %broadcast_in_dim3A_0 : vector<16xf32> to vector<1x16xf32>
      tpu.vector_store %arg13[%swap3A_60, %swap3A_61], %swap3A_64 {strides = array<i32>} : memref<80x128xf32, #tpu.memory_space<vmem>>, vector<1x16xf32>,
      %swap3A_65 = arith.index_cast %scan3A_45 : i32 to index
      %swap3A_66 = arith.constant 64 : index
      %swap3A_67 = tpu.vector_load %arg13[%swap3A_65, %swap3A_66] {strides = array<i32>} : memref<80x128xf32, #tpu.memory_space<vmem>>, vector<1x16xf32>,
      %swap3A_68 = vector.shape_cast %swap3A_67 : vector<1x16xf32> to vector<16xf32>
      %swap3A_69 = vector.shape_cast %broadcast_in_dim3A_0 : vector<16xf32> to vector<1x16xf32>
      tpu.vector_store %arg13[%swap3A_65, %swap3A_66], %swap3A_69 {strides = array<i32>} : memref<80x128xf32, #tpu.memory_space<vmem>>, vector<1x16xf32>,
      %swap3A_70 = arith.index_cast %scan3A_45 : i32 to index
      %swap3A_71 = arith.constant 80 : index
      %swap3A_72 = tpu.vector_load %arg13[%swap3A_70, %swap3A_71] {strides = array<i32>} : memref<80x128xf32, #tpu.memory_space<vmem>>, vector<1x16xf32>,
      %swap3A_73 = vector.shape_cast %swap3A_72 : vector<1x16xf32> to vector<16xf32>
      %swap3A_74 = vector.shape_cast %broadcast_in_dim3A_0 : vector<16xf32> to vector<1x16xf32>
      tpu.vector_store %arg13[%swap3A_70, %swap3A_71], %swap3A_74 {strides = array<i32>} : memref<80x128xf32, #tpu.memory_space<vmem>>, vector<1x16xf32>,
      %swap3A_75 = arith.index_cast %scan3A_45 : i32 to index
      %swap3A_76 = arith.constant 96 : index
      %swap3A_77 = tpu.vector_load %arg13[%swap3A_75, %swap3A_76] {strides = array<i32>} : memref<80x128xf32, #tpu.memory_space<vmem>>, vector<1x16xf32>,
      %swap3A_78 = vector.shape_cast %swap3A_77 : vector<1x16xf32> to vector<16xf32>
      %swap3A_79 = vector.shape_cast %broadcast_in_dim3A_0 : vector<16xf32> to vector<1x16xf32>
      tpu.vector_store %arg13[%swap3A_75, %swap3A_76], %swap3A_79 {strides = array<i32>} : memref<80x128xf32, #tpu.memory_space<vmem>>, vector<1x16xf32>,
      %swap3A_80 = arith.index_cast %scan3A_45 : i32 to index
      %swap3A_81 = arith.constant 112 : index
      %swap3A_82 = tpu.vector_load %arg13[%swap3A_80, %swap3A_81] {strides = array<i32>} : memref<80x128xf32, #tpu.memory_space<vmem>>, vector<1x16xf32>,
      %swap3A_83 = vector.shape_cast %swap3A_82 : vector<1x16xf32> to vector<16xf32>
      %swap3A_84 = vector.shape_cast %broadcast_in_dim3A_0 : vector<16xf32> to vector<1x16xf32>
      tpu.vector_store %arg13[%swap3A_80, %swap3A_81], %swap3A_84 {strides = array<i32>} : memref<80x128xf32, #tpu.memory_space<vmem>>, vector<1x16xf32>,
    }
    %scan3A_5 = arith.constant 80 : i32
    %mul3A = arith.constant 624 : i32
    %mul3A_6 = arith.muli %arg1, %mul3A : i32
    %add3A = arith.constant 0 : i32
    %add3A_7 = arith.addi %mul3A_6, %add3A : i32
    "tpu.region"() ({
      %run_scoped3A = tpu.sem_alloc : memref<!tpu.dma_semaphore, #tpu.memory_space<semaphore_mem>>
      %dma_start3A = arith.constant 0 : i32
      %dma_start3A_45 = tpu.memref_slice %arg7[%add3A_7, %dma_start3A] : memref<10000x128xf32, #tpu.memory_space<vmem_shared>> -> memref<80x128xf32, #tpu.memory_space<vmem_shared>>
      %dma_start3A_46 = arith.constant 0 : i32
      %dma_start3A_47 = tpu.memref_slice %arg7[%add3A_7, %dma_start3A_46] : memref<10000x128xf32, #tpu.memory_space<vmem_shared>> -> memref<80x128xf32, #tpu.memory_space<vmem_shared>>
      tpu.enqueue_dma source(%arg13 : memref<80x128xf32, #tpu.memory_space<vmem>>) target(%dma_start3A_47 : memref<80x128xf32, #tpu.memory_space<vmem_shared>>) target_semaphore(%run_scoped3A : memref<!tpu.dma_semaphore, #tpu.memory_space<semaphore_mem>>)
      %dma_wait3A = arith.constant 0 : i32
      %dma_wait3A_48 = tpu.memref_slice %arg7[%add3A_7, %dma_wait3A] : memref<10000x128xf32, #tpu.memory_space<vmem_shared>> -> memref<80x128xf32, #tpu.memory_space<vmem_shared>>
      %dma_wait3A_49 = arith.constant 0 : i32
      %dma_wait3A_50 = tpu.memref_slice %arg7[%add3A_7, %dma_wait3A_49] : memref<10000x128xf32, #tpu.memory_space<vmem_shared>> -> memref<80x128xf32, #tpu.memory_space<vmem_shared>>
      tpu.wait_dma2 semaphore(%run_scoped3A : memref<!tpu.dma_semaphore, #tpu.memory_space<semaphore_mem>>) src(%arg13 : memref<80x128xf32, #tpu.memory_space<vmem>>) dst(%dma_wait3A_50 : memref<80x128xf32, #tpu.memory_space<vmem_shared>>)
      tpu.yield
    }) : () -> ()
    %add3A_8 = arith.constant 80 : i32
    %add3A_9 = arith.addi %mul3A_6, %add3A_8 : i32
    "tpu.region"() ({
      %run_scoped3A = tpu.sem_alloc : memref<!tpu.dma_semaphore, #tpu.memory_space<semaphore_mem>>
      %dma_start3A = arith.constant 0 : i32
      %dma_start3A_45 = tpu.memref_slice %arg7[%add3A_9, %dma_start3A] : memref<10000x128xf32, #tpu.memory_space<vmem_shared>> -> memref<80x128xf32, #tpu.memory_space<vmem_shared>>
      %dma_start3A_46 = arith.constant 0 : i32
      %dma_start3A_47 = tpu.memref_slice %arg7[%add3A_9, %dma_start3A_46] : memref<10000x128xf32, #tpu.memory_space<vmem_shared>> -> memref<80x128xf32, #tpu.memory_space<vmem_shared>>
      tpu.enqueue_dma source(%arg13 : memref<80x128xf32, #tpu.memory_space<vmem>>) target(%dma_start3A_47 : memref<80x128xf32, #tpu.memory_space<vmem_shared>>) target_semaphore(%run_scoped3A : memref<!tpu.dma_semaphore, #tpu.memory_space<semaphore_mem>>)
      %dma_wait3A = arith.constant 0 : i32
      %dma_wait3A_48 = tpu.memref_slice %arg7[%add3A_9, %dma_wait3A] : memref<10000x128xf32, #tpu.memory_space<vmem_shared>> -> memref<80x128xf32, #tpu.memory_space<vmem_shared>>
      %dma_wait3A_49 = arith.constant 0 : i32
      %dma_wait3A_50 = tpu.memref_slice %arg7[%add3A_9, %dma_wait3A_49] : memref<10000x128xf32, #tpu.memory_space<vmem_shared>> -> memref<80x128xf32, #tpu.memory_space<vmem_shared>>
      tpu.wait_dma2 semaphore(%run_scoped3A : memref<!tpu.dma_semaphore, #tpu.memory_space<semaphore_mem>>) src(%arg13 : memref<80x128xf32, #tpu.memory_space<vmem>>) dst(%dma_wait3A_50 : memref<80x128xf32, #tpu.memory_space<vmem_shared>>)
      tpu.yield
    }) : () -> ()
    %add3A_10 = arith.constant 160 : i32
    %add3A_11 = arith.addi %mul3A_6, %add3A_10 : i32
    "tpu.region"() ({
      %run_scoped3A = tpu.sem_alloc : memref<!tpu.dma_semaphore, #tpu.memory_space<semaphore_mem>>
      %dma_start3A = arith.constant 0 : i32
      %dma_start3A_45 = tpu.memref_slice %arg7[%add3A_11, %dma_start3A] : memref<10000x128xf32, #tpu.memory_space<vmem_shared>> -> memref<80x128xf32, #tpu.memory_space<vmem_shared>>
      %dma_start3A_46 = arith.constant 0 : i32
      %dma_start3A_47 = tpu.memref_slice %arg7[%add3A_11, %dma_start3A_46] : memref<10000x128xf32, #tpu.memory_space<vmem_shared>> -> memref<80x128xf32, #tpu.memory_space<vmem_shared>>
      tpu.enqueue_dma source(%arg13 : memref<80x128xf32, #tpu.memory_space<vmem>>) target(%dma_start3A_47 : memref<80x128xf32, #tpu.memory_space<vmem_shared>>) target_semaphore(%run_scoped3A : memref<!tpu.dma_semaphore, #tpu.memory_space<semaphore_mem>>)
      %dma_wait3A = arith.constant 0 : i32
      %dma_wait3A_48 = tpu.memref_slice %arg7[%add3A_11, %dma_wait3A] : memref<10000x128xf32, #tpu.memory_space<vmem_shared>> -> memref<80x128xf32, #tpu.memory_space<vmem_shared>>
      %dma_wait3A_49 = arith.constant 0 : i32
      %dma_wait3A_50 = tpu.memref_slice %arg7[%add3A_11, %dma_wait3A_49] : memref<10000x128xf32, #tpu.memory_space<vmem_shared>> -> memref<80x128xf32, #tpu.memory_space<vmem_shared>>
      tpu.wait_dma2 semaphore(%run_scoped3A : memref<!tpu.dma_semaphore, #tpu.memory_space<semaphore_mem>>) src(%arg13 : memref<80x128xf32, #tpu.memory_space<vmem>>) dst(%dma_wait3A_50 : memref<80x128xf32, #tpu.memory_space<vmem_shared>>)
      tpu.yield
    }) : () -> ()
    %add3A_12 = arith.constant 240 : i32
    %add3A_13 = arith.addi %mul3A_6, %add3A_12 : i32
    "tpu.region"() ({
      %run_scoped3A = tpu.sem_alloc : memref<!tpu.dma_semaphore, #tpu.memory_space<semaphore_mem>>
      %dma_start3A = arith.constant 0 : i32
      %dma_start3A_45 = tpu.memref_slice %arg7[%add3A_13, %dma_start3A] : memref<10000x128xf32, #tpu.memory_space<vmem_shared>> -> memref<80x128xf32, #tpu.memory_space<vmem_shared>>
      %dma_start3A_46 = arith.constant 0 : i32
      %dma_start3A_47 = tpu.memref_slice %arg7[%add3A_13, %dma_start3A_46] : memref<10000x128xf32, #tpu.memory_space<vmem_shared>> -> memref<80x128xf32, #tpu.memory_space<vmem_shared>>
      tpu.enqueue_dma source(%arg13 : memref<80x128xf32, #tpu.memory_space<vmem>>) target(%dma_start3A_47 : memref<80x128xf32, #tpu.memory_space<vmem_shared>>) target_semaphore(%run_scoped3A : memref<!tpu.dma_semaphore, #tpu.memory_space<semaphore_mem>>)
      %dma_wait3A = arith.constant 0 : i32
      %dma_wait3A_48 = tpu.memref_slice %arg7[%add3A_13, %dma_wait3A] : memref<10000x128xf32, #tpu.memory_space<vmem_shared>> -> memref<80x128xf32, #tpu.memory_space<vmem_shared>>
      %dma_wait3A_49 = arith.constant 0 : i32
      %dma_wait3A_50 = tpu.memref_slice %arg7[%add3A_13, %dma_wait3A_49] : memref<10000x128xf32, #tpu.memory_space<vmem_shared>> -> memref<80x128xf32, #tpu.memory_space<vmem_shared>>
      tpu.wait_dma2 semaphore(%run_scoped3A : memref<!tpu.dma_semaphore, #tpu.memory_space<semaphore_mem>>) src(%arg13 : memref<80x128xf32, #tpu.memory_space<vmem>>) dst(%dma_wait3A_50 : memref<80x128xf32, #tpu.memory_space<vmem_shared>>)
      tpu.yield
    }) : () -> ()
    %add3A_14 = arith.constant 320 : i32
    %add3A_15 = arith.addi %mul3A_6, %add3A_14 : i32
    "tpu.region"() ({
      %run_scoped3A = tpu.sem_alloc : memref<!tpu.dma_semaphore, #tpu.memory_space<semaphore_mem>>
      %dma_start3A = arith.constant 0 : i32
      %dma_start3A_45 = tpu.memref_slice %arg7[%add3A_15, %dma_start3A] : memref<10000x128xf32, #tpu.memory_space<vmem_shared>> -> memref<80x128xf32, #tpu.memory_space<vmem_shared>>
      %dma_start3A_46 = arith.constant 0 : i32
      %dma_start3A_47 = tpu.memref_slice %arg7[%add3A_15, %dma_start3A_46] : memref<10000x128xf32, #tpu.memory_space<vmem_shared>> -> memref<80x128xf32, #tpu.memory_space<vmem_shared>>
      tpu.enqueue_dma source(%arg13 : memref<80x128xf32, #tpu.memory_space<vmem>>) target(%dma_start3A_47 : memref<80x128xf32, #tpu.memory_space<vmem_shared>>) target_semaphore(%run_scoped3A : memref<!tpu.dma_semaphore, #tpu.memory_space<semaphore_mem>>)
      %dma_wait3A = arith.constant 0 : i32
      %dma_wait3A_48 = tpu.memref_slice %arg7[%add3A_15, %dma_wait3A] : memref<10000x128xf32, #tpu.memory_space<vmem_shared>> -> memref<80x128xf32, #tpu.memory_space<vmem_shared>>
      %dma_wait3A_49 = arith.constant 0 : i32
      %dma_wait3A_50 = tpu.memref_slice %arg7[%add3A_15, %dma_wait3A_49] : memref<10000x128xf32, #tpu.memory_space<vmem_shared>> -> memref<80x128xf32, #tpu.memory_space<vmem_shared>>
      tpu.wait_dma2 semaphore(%run_scoped3A : memref<!tpu.dma_semaphore, #tpu.memory_space<semaphore_mem>>) src(%arg13 : memref<80x128xf32, #tpu.memory_space<vmem>>) dst(%dma_wait3A_50 : memref<80x128xf32, #tpu.memory_space<vmem_shared>>)
      tpu.yield
    }) : () -> ()
    %add3A_16 = arith.constant 400 : i32
    %add3A_17 = arith.addi %mul3A_6, %add3A_16 : i32
    "tpu.region"() ({
      %run_scoped3A = tpu.sem_alloc : memref<!tpu.dma_semaphore, #tpu.memory_space<semaphore_mem>>
      %dma_start3A = arith.constant 0 : i32
      %dma_start3A_45 = tpu.memref_slice %arg7[%add3A_17, %dma_start3A] : memref<10000x128xf32, #tpu.memory_space<vmem_shared>> -> memref<80x128xf32, #tpu.memory_space<vmem_shared>>
      %dma_start3A_46 = arith.constant 0 : i32
      %dma_start3A_47 = tpu.memref_slice %arg7[%add3A_17, %dma_start3A_46] : memref<10000x128xf32, #tpu.memory_space<vmem_shared>> -> memref<80x128xf32, #tpu.memory_space<vmem_shared>>
      tpu.enqueue_dma source(%arg13 : memref<80x128xf32, #tpu.memory_space<vmem>>) target(%dma_start3A_47 : memref<80x128xf32, #tpu.memory_space<vmem_shared>>) target_semaphore(%run_scoped3A : memref<!tpu.dma_semaphore, #tpu.memory_space<semaphore_mem>>)
      %dma_wait3A = arith.constant 0 : i32
      %dma_wait3A_48 = tpu.memref_slice %arg7[%add3A_17, %dma_wait3A] : memref<10000x128xf32, #tpu.memory_space<vmem_shared>> -> memref<80x128xf32, #tpu.memory_space<vmem_shared>>
      %dma_wait3A_49 = arith.constant 0 : i32
      %dma_wait3A_50 = tpu.memref_slice %arg7[%add3A_17, %dma_wait3A_49] : memref<10000x128xf32, #tpu.memory_space<vmem_shared>> -> memref<80x128xf32, #tpu.memory_space<vmem_shared>>
      tpu.wait_dma2 semaphore(%run_scoped3A : memref<!tpu.dma_semaphore, #tpu.memory_space<semaphore_mem>>) src(%arg13 : memref<80x128xf32, #tpu.memory_space<vmem>>) dst(%dma_wait3A_50 : memref<80x128xf32, #tpu.memory_space<vmem_shared>>)
      tpu.yield
    }) : () -> ()
    %add3A_18 = arith.constant 480 : i32
    %add3A_19 = arith.addi %mul3A_6, %add3A_18 : i32
    "tpu.region"() ({
      %run_scoped3A = tpu.sem_alloc : memref<!tpu.dma_semaphore, #tpu.memory_space<semaphore_mem>>
      %dma_start3A = arith.constant 0 : i32
      %dma_start3A_45 = tpu.memref_slice %arg7[%add3A_19, %dma_start3A] : memref<10000x128xf32, #tpu.memory_space<vmem_shared>> -> memref<80x128xf32, #tpu.memory_space<vmem_shared>>
      %dma_start3A_46 = arith.constant 0 : i32
      %dma_start3A_47 = tpu.memref_slice %arg7[%add3A_19, %dma_start3A_46] : memref<10000x128xf32, #tpu.memory_space<vmem_shared>> -> memref<80x128xf32, #tpu.memory_space<vmem_shared>>
      tpu.enqueue_dma source(%arg13 : memref<80x128xf32, #tpu.memory_space<vmem>>) target(%dma_start3A_47 : memref<80x128xf32, #tpu.memory_space<vmem_shared>>) target_semaphore(%run_scoped3A : memref<!tpu.dma_semaphore, #tpu.memory_space<semaphore_mem>>)
      %dma_wait3A = arith.constant 0 : i32
      %dma_wait3A_48 = tpu.memref_slice %arg7[%add3A_19, %dma_wait3A] : memref<10000x128xf32, #tpu.memory_space<vmem_shared>> -> memref<80x128xf32, #tpu.memory_space<vmem_shared>>
      %dma_wait3A_49 = arith.constant 0 : i32
      %dma_wait3A_50 = tpu.memref_slice %arg7[%add3A_19, %dma_wait3A_49] : memref<10000x128xf32, #tpu.memory_space<vmem_shared>> -> memref<80x128xf32, #tpu.memory_space<vmem_shared>>
      tpu.wait_dma2 semaphore(%run_scoped3A : memref<!tpu.dma_semaphore, #tpu.memory_space<semaphore_mem>>) src(%arg13 : memref<80x128xf32, #tpu.memory_space<vmem>>) dst(%dma_wait3A_50 : memref<80x128xf32, #tpu.memory_space<vmem_shared>>)
      tpu.yield
    }) : () -> ()
    %add3A_20 = arith.constant 560 : i32
    %add3A_21 = arith.addi %mul3A_6, %add3A_20 : i32
    "tpu.region"() ({
      %run_scoped3A = tpu.sem_alloc : memref<!tpu.dma_semaphore, #tpu.memory_space<semaphore_mem>>
      %dma_start3A = arith.constant 0 : i32
      %dma_start3A_45 = arith.constant 0 : i32
      %dma_start3A_46 = tpu.memref_slice %arg13[%dma_start3A, %dma_start3A_45] : memref<80x128xf32, #tpu.memory_space<vmem>> -> memref<64x128xf32, #tpu.memory_space<vmem>>
      %dma_start3A_47 = arith.constant 0 : i32
      %dma_start3A_48 = tpu.memref_slice %arg7[%add3A_21, %dma_start3A_47] : memref<10000x128xf32, #tpu.memory_space<vmem_shared>> -> memref<64x128xf32, #tpu.memory_space<vmem_shared>>
      %dma_start3A_49 = arith.constant 0 : i32
      %dma_start3A_50 = tpu.memref_slice %arg7[%add3A_21, %dma_start3A_49] : memref<10000x128xf32, #tpu.memory_space<vmem_shared>> -> memref<64x128xf32, #tpu.memory_space<vmem_shared>>
      %dma_start3A_51 = arith.constant 0 : i32
      %dma_start3A_52 = arith.constant 0 : i32
      %dma_start3A_53 = tpu.memref_slice %arg13[%dma_start3A_51, %dma_start3A_52] : memref<80x128xf32, #tpu.memory_space<vmem>> -> memref<64x128xf32, #tpu.memory_space<vmem>>
      tpu.enqueue_dma source(%dma_start3A_53 : memref<64x128xf32, #tpu.memory_space<vmem>>) target(%dma_start3A_50 : memref<64x128xf32, #tpu.memory_space<vmem_shared>>) target_semaphore(%run_scoped3A : memref<!tpu.dma_semaphore, #tpu.memory_space<semaphore_mem>>)
      %dma_wait3A = arith.constant 0 : i32
      %dma_wait3A_54 = arith.constant 0 : i32
      %dma_wait3A_55 = tpu.memref_slice %arg13[%dma_wait3A, %dma_wait3A_54] : memref<80x128xf32, #tpu.memory_space<vmem>> -> memref<64x128xf32, #tpu.memory_space<vmem>>
      %dma_wait3A_56 = arith.constant 0 : i32
      %dma_wait3A_57 = tpu.memref_slice %arg7[%add3A_21, %dma_wait3A_56] : memref<10000x128xf32, #tpu.memory_space<vmem_shared>> -> memref<64x128xf32, #tpu.memory_space<vmem_shared>>
      %dma_wait3A_58 = arith.constant 0 : i32
      %dma_wait3A_59 = tpu.memref_slice %arg7[%add3A_21, %dma_wait3A_58] : memref<10000x128xf32, #tpu.memory_space<vmem_shared>> -> memref<64x128xf32, #tpu.memory_space<vmem_shared>>
      %dma_wait3A_60 = arith.constant 0 : i32
      %dma_wait3A_61 = arith.constant 0 : i32
      %dma_wait3A_62 = tpu.memref_slice %arg13[%dma_wait3A_60, %dma_wait3A_61] : memref<80x128xf32, #tpu.memory_space<vmem>> -> memref<64x128xf32, #tpu.memory_space<vmem>>
      tpu.wait_dma2 semaphore(%run_scoped3A : memref<!tpu.dma_semaphore, #tpu.memory_space<semaphore_mem>>) src(%dma_wait3A_62 : memref<64x128xf32, #tpu.memory_space<vmem>>) dst(%dma_wait3A_59 : memref<64x128xf32, #tpu.memory_space<vmem_shared>>)
      tpu.yield
    }) : () -> ()
    %eq3A = arith.constant 0 : i32
    %eq3A_22 = arith.cmpi eq, %arg1, %eq3A : i32
    %convert_element_type3A = arith.extui %eq3A_22 : i1 to i32
    %cond3A = arith.constant 0 : i32
    %cond3A_23 = arith.cmpi ne, %convert_element_type3A, %cond3A : i32
    scf.if %cond3A_23 {
      "tpu.region"() ({
        %run_scoped3A = tpu.sem_alloc : memref<!tpu.dma_semaphore, #tpu.memory_space<semaphore_mem>>
        %dma_start3A = arith.constant 0 : i32
        %dma_start3A_45 = arith.constant 0 : i32
        %dma_start3A_46 = tpu.memref_slice %arg13[%dma_start3A, %dma_start3A_45] : memref<80x128xf32, #tpu.memory_space<vmem>> -> memref<16x128xf32, #tpu.memory_space<vmem>>
        %dma_start3A_47 = arith.constant 9984 : i32
        %dma_start3A_48 = arith.constant 0 : i32
        %dma_start3A_49 = tpu.memref_slice %arg7[%dma_start3A_47, %dma_start3A_48] : memref<10000x128xf32, #tpu.memory_space<vmem_shared>> -> memref<16x128xf32, #tpu.memory_space<vmem_shared>>
        %dma_start3A_50 = arith.constant 9984 : i32
        %dma_start3A_51 = arith.constant 0 : i32
        %dma_start3A_52 = tpu.memref_slice %arg7[%dma_start3A_50, %dma_start3A_51] : memref<10000x128xf32, #tpu.memory_space<vmem_shared>> -> memref<16x128xf32, #tpu.memory_space<vmem_shared>>
        %dma_start3A_53 = arith.constant 0 : i32
        %dma_start3A_54 = arith.constant 0 : i32
        %dma_start3A_55 = tpu.memref_slice %arg13[%dma_start3A_53, %dma_start3A_54] : memref<80x128xf32, #tpu.memory_space<vmem>> -> memref<16x128xf32, #tpu.memory_space<vmem>>
        tpu.enqueue_dma source(%dma_start3A_55 : memref<16x128xf32, #tpu.memory_space<vmem>>) target(%dma_start3A_52 : memref<16x128xf32, #tpu.memory_space<vmem_shared>>) target_semaphore(%run_scoped3A : memref<!tpu.dma_semaphore, #tpu.memory_space<semaphore_mem>>)
        %dma_wait3A = arith.constant 0 : i32
        %dma_wait3A_56 = arith.constant 0 : i32
        %dma_wait3A_57 = tpu.memref_slice %arg13[%dma_wait3A, %dma_wait3A_56] : memref<80x128xf32, #tpu.memory_space<vmem>> -> memref<16x128xf32, #tpu.memory_space<vmem>>
        %dma_wait3A_58 = arith.constant 9984 : i32
        %dma_wait3A_59 = arith.constant 0 : i32
        %dma_wait3A_60 = tpu.memref_slice %arg7[%dma_wait3A_58, %dma_wait3A_59] : memref<10000x128xf32, #tpu.memory_space<vmem_shared>> -> memref<16x128xf32, #tpu.memory_space<vmem_shared>>
        %dma_wait3A_61 = arith.constant 9984 : i32
        %dma_wait3A_62 = arith.constant 0 : i32
        %dma_wait3A_63 = tpu.memref_slice %arg7[%dma_wait3A_61, %dma_wait3A_62] : memref<10000x128xf32, #tpu.memory_space<vmem_shared>> -> memref<16x128xf32, #tpu.memory_space<vmem_shared>>
        %dma_wait3A_64 = arith.constant 0 : i32
        %dma_wait3A_65 = arith.constant 0 : i32
        %dma_wait3A_66 = tpu.memref_slice %arg13[%dma_wait3A_64, %dma_wait3A_65] : memref<80x128xf32, #tpu.memory_space<vmem>> -> memref<16x128xf32, #tpu.memory_space<vmem>>
        tpu.wait_dma2 semaphore(%run_scoped3A : memref<!tpu.dma_semaphore, #tpu.memory_space<semaphore_mem>>) src(%dma_wait3A_66 : memref<16x128xf32, #tpu.memory_space<vmem>>) dst(%dma_wait3A_63 : memref<16x128xf32, #tpu.memory_space<vmem_shared>>)
        tpu.yield
      }) : () -> ()
    } else {
    }
    %barrier3A = arith.constant 0 : index
    tpu.barrier barrier_id(%barrier3A)
    %mul3A_24 = arith.constant 10000 : i32
    %mul3A_25 = arith.muli %arg1, %mul3A_24 : i32
    %mul3A_26 = arith.constant 10000 : i32
    %mul3A_27 = arith.muli %arg0, %mul3A_26 : i32
    %scan3A_28 = arith.constant 0 : i32
    %scan3A_29 = arith.constant 0 : i32
    %scan3A_30 = arith.constant 125 : i32
    %scan3A_31 = arith.addi %scan3A_29, %scan3A_30 : i32
    %scan3A_32 = arith.constant 1 : i32
    scf.for %scan3A_45 = %scan3A_29 to %scan3A_31 step %scan3A_32  : i32 {
      %mul3A_46 = arith.constant 80 : i32
      %mul3A_47 = arith.muli %scan3A_45, %mul3A_46 : i32
      %add3A_48 = arith.addi %mul3A_25, %mul3A_47 : i32
      "tpu.region"() ({
        %run_scoped3A = tpu.sem_alloc : memref<!tpu.dma_semaphore, #tpu.memory_space<semaphore_mem>>
        %dma_start3A_153 = tpu.memref_slice %arg4[%add3A_48] : memref<160000xi32, #tpu.memory_space<hbm>> -> memref<80xi32, #tpu.memory_space<hbm>>
        %dma_start3A_154 = tpu.memref_slice %arg4[%add3A_48] : memref<160000xi32, #tpu.memory_space<hbm>> -> memref<80xi32, #tpu.memory_space<hbm>>
        tpu.enqueue_dma source(%dma_start3A_154 : memref<80xi32, #tpu.memory_space<hbm>>) target(%arg8 : memref<80xi32, #tpu.memory_space<vmem>>) target_semaphore(%run_scoped3A : memref<!tpu.dma_semaphore, #tpu.memory_space<semaphore_mem>>)
        %dma_wait3A_155 = tpu.memref_slice %arg4[%add3A_48] : memref<160000xi32, #tpu.memory_space<hbm>> -> memref<80xi32, #tpu.memory_space<hbm>>
        %dma_wait3A_156 = tpu.memref_slice %arg4[%add3A_48] : memref<160000xi32, #tpu.memory_space<hbm>> -> memref<80xi32, #tpu.memory_space<hbm>>
        tpu.wait_dma2 semaphore(%run_scoped3A : memref<!tpu.dma_semaphore, #tpu.memory_space<semaphore_mem>>) src(%dma_wait3A_156 : memref<80xi32, #tpu.memory_space<hbm>>) dst(%arg8 : memref<80xi32, #tpu.memory_space<vmem>>)
        tpu.yield
      }) : () -> ()
      "tpu.region"() ({
        %run_scoped3A = tpu.sem_alloc : memref<!tpu.dma_semaphore, #tpu.memory_space<semaphore_mem>>
        %dma_start3A_153 = tpu.memref_slice %arg5[%add3A_48] : memref<160000xi32, #tpu.memory_space<hbm>> -> memref<80xi32, #tpu.memory_space<hbm>>
        %dma_start3A_154 = tpu.memref_slice %arg5[%add3A_48] : memref<160000xi32, #tpu.memory_space<hbm>> -> memref<80xi32, #tpu.memory_space<hbm>>
        tpu.enqueue_dma source(%dma_start3A_154 : memref<80xi32, #tpu.memory_space<hbm>>) target(%arg10 : memref<80xi32, #tpu.memory_space<vmem>>) target_semaphore(%run_scoped3A : memref<!tpu.dma_semaphore, #tpu.memory_space<semaphore_mem>>)
        %dma_wait3A_155 = tpu.memref_slice %arg5[%add3A_48] : memref<160000xi32, #tpu.memory_space<hbm>> -> memref<80xi32, #tpu.memory_space<hbm>>
        %dma_wait3A_156 = tpu.memref_slice %arg5[%add3A_48] : memref<160000xi32, #tpu.memory_space<hbm>> -> memref<80xi32, #tpu.memory_space<hbm>>
        tpu.wait_dma2 semaphore(%run_scoped3A : memref<!tpu.dma_semaphore, #tpu.memory_space<semaphore_mem>>) src(%dma_wait3A_156 : memref<80xi32, #tpu.memory_space<hbm>>) dst(%arg10 : memref<80xi32, #tpu.memory_space<vmem>>)
        tpu.yield
      }) : () -> ()
      %get3A = arith.constant 0 : index
      %get3A_49 = tpu.vector_load %arg8[%get3A] {strides = array<i32>} : memref<80xi32, #tpu.memory_space<vmem>>, vector<16xi32>,
      %get3A_50 = vector.shape_cast %get3A_49 : vector<16xi32> to vector<16xi32>
      %add3A_51 = vector.broadcast %mul3A_27 : i32 to vector<16xi32>
      %add3A_52 = arith.addi %get3A_50, %add3A_51 : vector<16xi32>
      %swap3A = arith.constant 0 : index
      %swap3A_53 = tpu.vector_load %arg9[%swap3A] {strides = array<i32>} : memref<80xi32, #tpu.memory_space<vmem>>, vector<16xi32>,
      %swap3A_54 = vector.shape_cast %swap3A_53 : vector<16xi32> to vector<16xi32>
      %swap3A_55 = vector.shape_cast %add3A_52 : vector<16xi32> to vector<16xi32>
      tpu.vector_store %arg9[%swap3A], %swap3A_55 {strides = array<i32>} : memref<80xi32, #tpu.memory_space<vmem>>, vector<16xi32>,
      %get3A_56 = arith.constant 0 : index
      %get3A_57 = tpu.vector_load %arg10[%get3A_56] {strides = array<i32>} : memref<80xi32, #tpu.memory_space<vmem>>, vector<16xi32>,
      %get3A_58 = vector.shape_cast %get3A_57 : vector<16xi32> to vector<16xi32>
      %add3A_59 = vector.broadcast %mul3A_27 : i32 to vector<16xi32>
      %add3A_60 = arith.addi %get3A_58, %add3A_59 : vector<16xi32>
      %swap3A_61 = arith.constant 0 : index
      %swap3A_62 = tpu.vector_load %arg10[%swap3A_61] {strides = array<i32>} : memref<80xi32, #tpu.memory_space<vmem>>, vector<16xi32>,
      %swap3A_63 = vector.shape_cast %swap3A_62 : vector<16xi32> to vector<16xi32>
      %swap3A_64 = vector.shape_cast %add3A_60 : vector<16xi32> to vector<16xi32>
      tpu.vector_store %arg10[%swap3A_61], %swap3A_64 {strides = array<i32>} : memref<80xi32, #tpu.memory_space<vmem>>, vector<16xi32>,
      %get3A_65 = arith.constant 16 : index
      %get3A_66 = tpu.vector_load %arg8[%get3A_65] {strides = array<i32>} : memref<80xi32, #tpu.memory_space<vmem>>, vector<16xi32>,
      %get3A_67 = vector.shape_cast %get3A_66 : vector<16xi32> to vector<16xi32>
      %add3A_68 = vector.broadcast %mul3A_27 : i32 to vector<16xi32>
      %add3A_69 = arith.addi %get3A_67, %add3A_68 : vector<16xi32>
      %swap3A_70 = arith.constant 16 : index
      %swap3A_71 = tpu.vector_load %arg9[%swap3A_70] {strides = array<i32>} : memref<80xi32, #tpu.memory_space<vmem>>, vector<16xi32>,
      %swap3A_72 = vector.shape_cast %swap3A_71 : vector<16xi32> to vector<16xi32>
      %swap3A_73 = vector.shape_cast %add3A_69 : vector<16xi32> to vector<16xi32>
      tpu.vector_store %arg9[%swap3A_70], %swap3A_73 {strides = array<i32>} : memref<80xi32, #tpu.memory_space<vmem>>, vector<16xi32>,
      %get3A_74 = arith.constant 16 : index
      %get3A_75 = tpu.vector_load %arg10[%get3A_74] {strides = array<i32>} : memref<80xi32, #tpu.memory_space<vmem>>, vector<16xi32>,
      %get3A_76 = vector.shape_cast %get3A_75 : vector<16xi32> to vector<16xi32>
      %add3A_77 = vector.broadcast %mul3A_27 : i32 to vector<16xi32>
      %add3A_78 = arith.addi %get3A_76, %add3A_77 : vector<16xi32>
      %swap3A_79 = arith.constant 16 : index
      %swap3A_80 = tpu.vector_load %arg10[%swap3A_79] {strides = array<i32>} : memref<80xi32, #tpu.memory_space<vmem>>, vector<16xi32>,
      %swap3A_81 = vector.shape_cast %swap3A_80 : vector<16xi32> to vector<16xi32>
      %swap3A_82 = vector.shape_cast %add3A_78 : vector<16xi32> to vector<16xi32>
      tpu.vector_store %arg10[%swap3A_79], %swap3A_82 {strides = array<i32>} : memref<80xi32, #tpu.memory_space<vmem>>, vector<16xi32>,
      %get3A_83 = arith.constant 32 : index
      %get3A_84 = tpu.vector_load %arg8[%get3A_83] {strides = array<i32>} : memref<80xi32, #tpu.memory_space<vmem>>, vector<16xi32>,
      %get3A_85 = vector.shape_cast %get3A_84 : vector<16xi32> to vector<16xi32>
      %add3A_86 = vector.broadcast %mul3A_27 : i32 to vector<16xi32>
      %add3A_87 = arith.addi %get3A_85, %add3A_86 : vector<16xi32>
      %swap3A_88 = arith.constant 32 : index
      %swap3A_89 = tpu.vector_load %arg9[%swap3A_88] {strides = array<i32>} : memref<80xi32, #tpu.memory_space<vmem>>, vector<16xi32>,
      %swap3A_90 = vector.shape_cast %swap3A_89 : vector<16xi32> to vector<16xi32>
      %swap3A_91 = vector.shape_cast %add3A_87 : vector<16xi32> to vector<16xi32>
      tpu.vector_store %arg9[%swap3A_88], %swap3A_91 {strides = array<i32>} : memref<80xi32, #tpu.memory_space<vmem>>, vector<16xi32>,
      %get3A_92 = arith.constant 32 : index
      %get3A_93 = tpu.vector_load %arg10[%get3A_92] {strides = array<i32>} : memref<80xi32, #tpu.memory_space<vmem>>, vector<16xi32>,
      %get3A_94 = vector.shape_cast %get3A_93 : vector<16xi32> to vector<16xi32>
      %add3A_95 = vector.broadcast %mul3A_27 : i32 to vector<16xi32>
      %add3A_96 = arith.addi %get3A_94, %add3A_95 : vector<16xi32>
      %swap3A_97 = arith.constant 32 : index
      %swap3A_98 = tpu.vector_load %arg10[%swap3A_97] {strides = array<i32>} : memref<80xi32, #tpu.memory_space<vmem>>, vector<16xi32>,
      %swap3A_99 = vector.shape_cast %swap3A_98 : vector<16xi32> to vector<16xi32>
      %swap3A_100 = vector.shape_cast %add3A_96 : vector<16xi32> to vector<16xi32>
      tpu.vector_store %arg10[%swap3A_97], %swap3A_100 {strides = array<i32>} : memref<80xi32, #tpu.memory_space<vmem>>, vector<16xi32>,
      %get3A_101 = arith.constant 48 : index
      %get3A_102 = tpu.vector_load %arg8[%get3A_101] {strides = array<i32>} : memref<80xi32, #tpu.memory_space<vmem>>, vector<16xi32>,
      %get3A_103 = vector.shape_cast %get3A_102 : vector<16xi32> to vector<16xi32>
      %add3A_104 = vector.broadcast %mul3A_27 : i32 to vector<16xi32>
      %add3A_105 = arith.addi %get3A_103, %add3A_104 : vector<16xi32>
      %swap3A_106 = arith.constant 48 : index
      %swap3A_107 = tpu.vector_load %arg9[%swap3A_106] {strides = array<i32>} : memref<80xi32, #tpu.memory_space<vmem>>, vector<16xi32>,
      %swap3A_108 = vector.shape_cast %swap3A_107 : vector<16xi32> to vector<16xi32>
      %swap3A_109 = vector.shape_cast %add3A_105 : vector<16xi32> to vector<16xi32>
      tpu.vector_store %arg9[%swap3A_106], %swap3A_109 {strides = array<i32>} : memref<80xi32, #tpu.memory_space<vmem>>, vector<16xi32>,
      %get3A_110 = arith.constant 48 : index
      %get3A_111 = tpu.vector_load %arg10[%get3A_110] {strides = array<i32>} : memref<80xi32, #tpu.memory_space<vmem>>, vector<16xi32>,
      %get3A_112 = vector.shape_cast %get3A_111 : vector<16xi32> to vector<16xi32>
      %add3A_113 = vector.broadcast %mul3A_27 : i32 to vector<16xi32>
      %add3A_114 = arith.addi %get3A_112, %add3A_113 : vector<16xi32>
      %swap3A_115 = arith.constant 48 : index
      %swap3A_116 = tpu.vector_load %arg10[%swap3A_115] {strides = array<i32>} : memref<80xi32, #tpu.memory_space<vmem>>, vector<16xi32>,
      %swap3A_117 = vector.shape_cast %swap3A_116 : vector<16xi32> to vector<16xi32>
      %swap3A_118 = vector.shape_cast %add3A_114 : vector<16xi32> to vector<16xi32>
      tpu.vector_store %arg10[%swap3A_115], %swap3A_118 {strides = array<i32>} : memref<80xi32, #tpu.memory_space<vmem>>, vector<16xi32>,
      %get3A_119 = arith.constant 64 : index
      %get3A_120 = tpu.vector_load %arg8[%get3A_119] {strides = array<i32>} : memref<80xi32, #tpu.memory_space<vmem>>, vector<16xi32>,
      %get3A_121 = vector.shape_cast %get3A_120 : vector<16xi32> to vector<16xi32>
      %add3A_122 = vector.broadcast %mul3A_27 : i32 to vector<16xi32>
      %add3A_123 = arith.addi %get3A_121, %add3A_122 : vector<16xi32>
      %swap3A_124 = arith.constant 64 : index
      %swap3A_125 = tpu.vector_load %arg9[%swap3A_124] {strides = array<i32>} : memref<80xi32, #tpu.memory_space<vmem>>, vector<16xi32>,
      %swap3A_126 = vector.shape_cast %swap3A_125 : vector<16xi32> to vector<16xi32>
      %swap3A_127 = vector.shape_cast %add3A_123 : vector<16xi32> to vector<16xi32>
      tpu.vector_store %arg9[%swap3A_124], %swap3A_127 {strides = array<i32>} : memref<80xi32, #tpu.memory_space<vmem>>, vector<16xi32>,
      %get3A_128 = arith.constant 64 : index
      %get3A_129 = tpu.vector_load %arg10[%get3A_128] {strides = array<i32>} : memref<80xi32, #tpu.memory_space<vmem>>, vector<16xi32>,
      %get3A_130 = vector.shape_cast %get3A_129 : vector<16xi32> to vector<16xi32>
      %add3A_131 = vector.broadcast %mul3A_27 : i32 to vector<16xi32>
      %add3A_132 = arith.addi %get3A_130, %add3A_131 : vector<16xi32>
      %swap3A_133 = arith.constant 64 : index
      %swap3A_134 = tpu.vector_load %arg10[%swap3A_133] {strides = array<i32>} : memref<80xi32, #tpu.memory_space<vmem>>, vector<16xi32>,
      %swap3A_135 = vector.shape_cast %swap3A_134 : vector<16xi32> to vector<16xi32>
      %swap3A_136 = vector.shape_cast %add3A_132 : vector<16xi32> to vector<16xi32>
      tpu.vector_store %arg10[%swap3A_133], %swap3A_136 {strides = array<i32>} : memref<80xi32, #tpu.memory_space<vmem>>, vector<16xi32>,
      %dma_start3A = arith.constant 0 : i32
      %dma_start3A_137 = arith.constant 0 : i32
      %dma_start3A_138 = tpu.memref_slice %arg2[%dma_start3A, %dma_start3A_137] : memref<20000x128xf32, #tpu.memory_space<hbm>> -> memref<20000x128xf32, #tpu.memory_space<hbm>>
      tpu.enqueue_indirect_dma source(%dma_start3A_138 : memref<20000x128xf32, #tpu.memory_space<hbm>>) target(%arg11 : memref<80x128xf32, #tpu.memory_space<vmem>>) offsets(%arg9 : memref<80xi32, #tpu.memory_space<vmem>>) semaphore(%arg14 : memref<!tpu.dma_semaphore, #tpu.memory_space<semaphore_mem>>)
      %dma_start3A_139 = arith.constant 0 : i32
      %dma_start3A_140 = arith.constant 0 : i32
      %dma_start3A_141 = tpu.memref_slice %arg3[%dma_start3A_139, %dma_start3A_140] : memref<20000x256xf32, #tpu.memory_space<hbm>> -> memref<20000x256xf32, #tpu.memory_space<hbm>>
      tpu.enqueue_indirect_dma source(%dma_start3A_141 : memref<20000x256xf32, #tpu.memory_space<hbm>>) target(%arg12 : memref<80x256xf32, #tpu.memory_space<vmem>>) offsets(%arg10 : memref<80xi32, #tpu.memory_space<vmem>>) semaphore(%arg15 : memref<!tpu.dma_semaphore, #tpu.memory_space<semaphore_mem>>)
      %dma_wait3A = arith.constant 0 : i32
      %dma_wait3A_142 = arith.constant 0 : i32
      %dma_wait3A_143 = tpu.memref_slice %arg2[%dma_wait3A, %dma_wait3A_142] : memref<20000x128xf32, #tpu.memory_space<hbm>> -> memref<20000x128xf32, #tpu.memory_space<hbm>>
      tpu.wait_indirect_dma semaphore(%arg14 : memref<!tpu.dma_semaphore, #tpu.memory_space<semaphore_mem>>) src(%dma_wait3A_143 : memref<20000x128xf32, #tpu.memory_space<hbm>>) dst(%arg11 : memref<80x128xf32, #tpu.memory_space<vmem>>)
      %dma_wait3A_144 = arith.constant 0 : i32
      %dma_wait3A_145 = arith.constant 0 : i32
      %dma_wait3A_146 = tpu.memref_slice %arg3[%dma_wait3A_144, %dma_wait3A_145] : memref<20000x256xf32, #tpu.memory_space<hbm>> -> memref<20000x256xf32, #tpu.memory_space<hbm>>
      tpu.wait_indirect_dma semaphore(%arg15 : memref<!tpu.dma_semaphore, #tpu.memory_space<semaphore_mem>>) src(%dma_wait3A_146 : memref<20000x256xf32, #tpu.memory_space<hbm>>) dst(%arg12 : memref<80x256xf32, #tpu.memory_space<vmem>>)
      %scan3A_147 = arith.constant 0 : i32
      %scan3A_148 = arith.constant 0 : i32
      %scan3A_149 = arith.constant 80 : i32
      %scan3A_150 = arith.addi %scan3A_148, %scan3A_149 : i32
      %scan3A_151 = arith.constant 1 : i32
      scf.for %scan3A_153 = %scan3A_148 to %scan3A_150 step %scan3A_151  : i32 {
        %get3A_154 = arith.index_cast %scan3A_153 : i32 to index
        %get3A_155 = arith.constant 0 : index
        %get3A_156 = tpu.vector_load %arg11[%get3A_154, %get3A_155] {strides = array<i32>} : memref<80x128xf32, #tpu.memory_space<vmem>>, vector<1x16xf32>,
        %get3A_157 = vector.shape_cast %get3A_156 : vector<1x16xf32> to vector<16xf32>
        %get3A_158 = arith.index_cast %scan3A_153 : i32 to index
        %get3A_159 = arith.constant 0 : index
        %get3A_160 = tpu.vector_load %arg12[%get3A_158, %get3A_159] {strides = array<i32>} : memref<80x256xf32, #tpu.memory_space<vmem>>, vector<1x16xf32>,
        %get3A_161 = vector.shape_cast %get3A_160 : vector<1x16xf32> to vector<16xf32>
        %get3A_162 = arith.index_cast %scan3A_153 : i32 to index
        %get3A_163 = arith.constant 128 : index
        %get3A_164 = tpu.vector_load %arg12[%get3A_162, %get3A_163] {strides = array<i32>} : memref<80x256xf32, #tpu.memory_space<vmem>>, vector<1x16xf32>,
        %get3A_165 = vector.shape_cast %get3A_164 : vector<1x16xf32> to vector<16xf32>
        %add3A_166 = arith.addf %get3A_157, %get3A_161 : vector<16xf32>
        %neg3A = arith.constant 0.000000e+00 : f32
        %neg3A_167 = vector.broadcast %neg3A : f32 to vector<16xf32>
        %neg3A_168 = arith.subf %neg3A_167, %add3A_166 : vector<16xf32>
        %exp3A = math.exp %neg3A_168 : vector<16xf32>
        %add3A_169 = arith.constant 1.000000e+00 : f32
        %add3A_170 = vector.broadcast %add3A_169 : f32 to vector<16xf32>
        %add3A_171 = arith.addf %add3A_170, %exp3A : vector<16xf32>
        %div3A = arith.constant 1.000000e+00 : f32
        %div3A_172 = vector.broadcast %div3A : f32 to vector<16xf32>
        %div3A_173 = arith.divf %div3A_172, %add3A_171 : vector<16xf32>
        %mul3A_174 = arith.mulf %div3A_173, %get3A_165 : vector<16xf32>
        %swap3A_175 = arith.index_cast %scan3A_153 : i32 to index
        %swap3A_176 = arith.constant 0 : index
        %swap3A_177 = tpu.vector_load %arg13[%swap3A_175, %swap3A_176] {strides = array<i32>} : memref<80x128xf32, #tpu.memory_space<vmem>>, vector<1x16xf32>,
        %swap3A_178 = vector.shape_cast %swap3A_177 : vector<1x16xf32> to vector<16xf32>
        %swap3A_179 = vector.shape_cast %mul3A_174 : vector<16xf32> to vector<1x16xf32>
        tpu.vector_store %arg13[%swap3A_175, %swap3A_176], %swap3A_179 {strides = array<i32>} : memref<80x128xf32, #tpu.memory_space<vmem>>, vector<1x16xf32>,
        %get3A_180 = arith.index_cast %scan3A_153 : i32 to index
        %get3A_181 = arith.constant 16 : index
        %get3A_182 = tpu.vector_load %arg11[%get3A_180, %get3A_181] {strides = array<i32>} : memref<80x128xf32, #tpu.memory_space<vmem>>, vector<1x16xf32>,
        %get3A_183 = vector.shape_cast %get3A_182 : vector<1x16xf32> to vector<16xf32>
        %get3A_184 = arith.index_cast %scan3A_153 : i32 to index
        %get3A_185 = arith.constant 16 : index
        %get3A_186 = tpu.vector_load %arg12[%get3A_184, %get3A_185] {strides = array<i32>} : memref<80x256xf32, #tpu.memory_space<vmem>>, vector<1x16xf32>,
        %get3A_187 = vector.shape_cast %get3A_186 : vector<1x16xf32> to vector<16xf32>
        %get3A_188 = arith.index_cast %scan3A_153 : i32 to index
        %get3A_189 = arith.constant 144 : index
        %get3A_190 = tpu.vector_load %arg12[%get3A_188, %get3A_189] {strides = array<i32>} : memref<80x256xf32, #tpu.memory_space<vmem>>, vector<1x16xf32>,
        %get3A_191 = vector.shape_cast %get3A_190 : vector<1x16xf32> to vector<16xf32>
        %add3A_192 = arith.addf %get3A_183, %get3A_187 : vector<16xf32>
        %neg3A_193 = arith.constant 0.000000e+00 : f32
        %neg3A_194 = vector.broadcast %neg3A_193 : f32 to vector<16xf32>
        %neg3A_195 = arith.subf %neg3A_194, %add3A_192 : vector<16xf32>
        %exp3A_196 = math.exp %neg3A_195 : vector<16xf32>
        %add3A_197 = arith.constant 1.000000e+00 : f32
        %add3A_198 = vector.broadcast %add3A_197 : f32 to vector<16xf32>
        %add3A_199 = arith.addf %add3A_198, %exp3A_196 : vector<16xf32>
        %div3A_200 = arith.constant 1.000000e+00 : f32
        %div3A_201 = vector.broadcast %div3A_200 : f32 to vector<16xf32>
        %div3A_202 = arith.divf %div3A_201, %add3A_199 : vector<16xf32>
        %mul3A_203 = arith.mulf %div3A_202, %get3A_191 : vector<16xf32>
        %swap3A_204 = arith.index_cast %scan3A_153 : i32 to index
        %swap3A_205 = arith.constant 16 : index
        %swap3A_206 = tpu.vector_load %arg13[%swap3A_204, %swap3A_205] {strides = array<i32>} : memref<80x128xf32, #tpu.memory_space<vmem>>, vector<1x16xf32>,
        %swap3A_207 = vector.shape_cast %swap3A_206 : vector<1x16xf32> to vector<16xf32>
        %swap3A_208 = vector.shape_cast %mul3A_203 : vector<16xf32> to vector<1x16xf32>
        tpu.vector_store %arg13[%swap3A_204, %swap3A_205], %swap3A_208 {strides = array<i32>} : memref<80x128xf32, #tpu.memory_space<vmem>>, vector<1x16xf32>,
        %get3A_209 = arith.index_cast %scan3A_153 : i32 to index
        %get3A_210 = arith.constant 32 : index
        %get3A_211 = tpu.vector_load %arg11[%get3A_209, %get3A_210] {strides = array<i32>} : memref<80x128xf32, #tpu.memory_space<vmem>>, vector<1x16xf32>,
        %get3A_212 = vector.shape_cast %get3A_211 : vector<1x16xf32> to vector<16xf32>
        %get3A_213 = arith.index_cast %scan3A_153 : i32 to index
        %get3A_214 = arith.constant 32 : index
        %get3A_215 = tpu.vector_load %arg12[%get3A_213, %get3A_214] {strides = array<i32>} : memref<80x256xf32, #tpu.memory_space<vmem>>, vector<1x16xf32>,
        %get3A_216 = vector.shape_cast %get3A_215 : vector<1x16xf32> to vector<16xf32>
        %get3A_217 = arith.index_cast %scan3A_153 : i32 to index
        %get3A_218 = arith.constant 160 : index
        %get3A_219 = tpu.vector_load %arg12[%get3A_217, %get3A_218] {strides = array<i32>} : memref<80x256xf32, #tpu.memory_space<vmem>>, vector<1x16xf32>,
        %get3A_220 = vector.shape_cast %get3A_219 : vector<1x16xf32> to vector<16xf32>
        %add3A_221 = arith.addf %get3A_212, %get3A_216 : vector<16xf32>
        %neg3A_222 = arith.constant 0.000000e+00 : f32
        %neg3A_223 = vector.broadcast %neg3A_222 : f32 to vector<16xf32>
        %neg3A_224 = arith.subf %neg3A_223, %add3A_221 : vector<16xf32>
        %exp3A_225 = math.exp %neg3A_224 : vector<16xf32>
        %add3A_226 = arith.constant 1.000000e+00 : f32
        %add3A_227 = vector.broadcast %add3A_226 : f32 to vector<16xf32>
        %add3A_228 = arith.addf %add3A_227, %exp3A_225 : vector<16xf32>
        %div3A_229 = arith.constant 1.000000e+00 : f32
        %div3A_230 = vector.broadcast %div3A_229 : f32 to vector<16xf32>
        %div3A_231 = arith.divf %div3A_230, %add3A_228 : vector<16xf32>
        %mul3A_232 = arith.mulf %div3A_231, %get3A_220 : vector<16xf32>
        %swap3A_233 = arith.index_cast %scan3A_153 : i32 to index
        %swap3A_234 = arith.constant 32 : index
        %swap3A_235 = tpu.vector_load %arg13[%swap3A_233, %swap3A_234] {strides = array<i32>} : memref<80x128xf32, #tpu.memory_space<vmem>>, vector<1x16xf32>,
        %swap3A_236 = vector.shape_cast %swap3A_235 : vector<1x16xf32> to vector<16xf32>
        %swap3A_237 = vector.shape_cast %mul3A_232 : vector<16xf32> to vector<1x16xf32>
        tpu.vector_store %arg13[%swap3A_233, %swap3A_234], %swap3A_237 {strides = array<i32>} : memref<80x128xf32, #tpu.memory_space<vmem>>, vector<1x16xf32>,
        %get3A_238 = arith.index_cast %scan3A_153 : i32 to index
        %get3A_239 = arith.constant 48 : index
        %get3A_240 = tpu.vector_load %arg11[%get3A_238, %get3A_239] {strides = array<i32>} : memref<80x128xf32, #tpu.memory_space<vmem>>, vector<1x16xf32>,
        %get3A_241 = vector.shape_cast %get3A_240 : vector<1x16xf32> to vector<16xf32>
        %get3A_242 = arith.index_cast %scan3A_153 : i32 to index
        %get3A_243 = arith.constant 48 : index
        %get3A_244 = tpu.vector_load %arg12[%get3A_242, %get3A_243] {strides = array<i32>} : memref<80x256xf32, #tpu.memory_space<vmem>>, vector<1x16xf32>,
        %get3A_245 = vector.shape_cast %get3A_244 : vector<1x16xf32> to vector<16xf32>
        %get3A_246 = arith.index_cast %scan3A_153 : i32 to index
        %get3A_247 = arith.constant 176 : index
        %get3A_248 = tpu.vector_load %arg12[%get3A_246, %get3A_247] {strides = array<i32>} : memref<80x256xf32, #tpu.memory_space<vmem>>, vector<1x16xf32>,
        %get3A_249 = vector.shape_cast %get3A_248 : vector<1x16xf32> to vector<16xf32>
        %add3A_250 = arith.addf %get3A_241, %get3A_245 : vector<16xf32>
        %neg3A_251 = arith.constant 0.000000e+00 : f32
        %neg3A_252 = vector.broadcast %neg3A_251 : f32 to vector<16xf32>
        %neg3A_253 = arith.subf %neg3A_252, %add3A_250 : vector<16xf32>
        %exp3A_254 = math.exp %neg3A_253 : vector<16xf32>
        %add3A_255 = arith.constant 1.000000e+00 : f32
        %add3A_256 = vector.broadcast %add3A_255 : f32 to vector<16xf32>
        %add3A_257 = arith.addf %add3A_256, %exp3A_254 : vector<16xf32>
        %div3A_258 = arith.constant 1.000000e+00 : f32
        %div3A_259 = vector.broadcast %div3A_258 : f32 to vector<16xf32>
        %div3A_260 = arith.divf %div3A_259, %add3A_257 : vector<16xf32>
        %mul3A_261 = arith.mulf %div3A_260, %get3A_249 : vector<16xf32>
        %swap3A_262 = arith.index_cast %scan3A_153 : i32 to index
        %swap3A_263 = arith.constant 48 : index
        %swap3A_264 = tpu.vector_load %arg13[%swap3A_262, %swap3A_263] {strides = array<i32>} : memref<80x128xf32, #tpu.memory_space<vmem>>, vector<1x16xf32>,
        %swap3A_265 = vector.shape_cast %swap3A_264 : vector<1x16xf32> to vector<16xf32>
        %swap3A_266 = vector.shape_cast %mul3A_261 : vector<16xf32> to vector<1x16xf32>
        tpu.vector_store %arg13[%swap3A_262, %swap3A_263], %swap3A_266 {strides = array<i32>} : memref<80x128xf32, #tpu.memory_space<vmem>>, vector<1x16xf32>,
        %get3A_267 = arith.index_cast %scan3A_153 : i32 to index
        %get3A_268 = arith.constant 64 : index
        %get3A_269 = tpu.vector_load %arg11[%get3A_267, %get3A_268] {strides = array<i32>} : memref<80x128xf32, #tpu.memory_space<vmem>>, vector<1x16xf32>,
        %get3A_270 = vector.shape_cast %get3A_269 : vector<1x16xf32> to vector<16xf32>
        %get3A_271 = arith.index_cast %scan3A_153 : i32 to index
        %get3A_272 = arith.constant 64 : index
        %get3A_273 = tpu.vector_load %arg12[%get3A_271, %get3A_272] {strides = array<i32>} : memref<80x256xf32, #tpu.memory_space<vmem>>, vector<1x16xf32>,
        %get3A_274 = vector.shape_cast %get3A_273 : vector<1x16xf32> to vector<16xf32>
        %get3A_275 = arith.index_cast %scan3A_153 : i32 to index
        %get3A_276 = arith.constant 192 : index
        %get3A_277 = tpu.vector_load %arg12[%get3A_275, %get3A_276] {strides = array<i32>} : memref<80x256xf32, #tpu.memory_space<vmem>>, vector<1x16xf32>,
        %get3A_278 = vector.shape_cast %get3A_277 : vector<1x16xf32> to vector<16xf32>
        %add3A_279 = arith.addf %get3A_270, %get3A_274 : vector<16xf32>
        %neg3A_280 = arith.constant 0.000000e+00 : f32
        %neg3A_281 = vector.broadcast %neg3A_280 : f32 to vector<16xf32>
        %neg3A_282 = arith.subf %neg3A_281, %add3A_279 : vector<16xf32>
        %exp3A_283 = math.exp %neg3A_282 : vector<16xf32>
        %add3A_284 = arith.constant 1.000000e+00 : f32
        %add3A_285 = vector.broadcast %add3A_284 : f32 to vector<16xf32>
        %add3A_286 = arith.addf %add3A_285, %exp3A_283 : vector<16xf32>
        %div3A_287 = arith.constant 1.000000e+00 : f32
        %div3A_288 = vector.broadcast %div3A_287 : f32 to vector<16xf32>
        %div3A_289 = arith.divf %div3A_288, %add3A_286 : vector<16xf32>
        %mul3A_290 = arith.mulf %div3A_289, %get3A_278 : vector<16xf32>
        %swap3A_291 = arith.index_cast %scan3A_153 : i32 to index
        %swap3A_292 = arith.constant 64 : index
        %swap3A_293 = tpu.vector_load %arg13[%swap3A_291, %swap3A_292] {strides = array<i32>} : memref<80x128xf32, #tpu.memory_space<vmem>>, vector<1x16xf32>,
        %swap3A_294 = vector.shape_cast %swap3A_293 : vector<1x16xf32> to vector<16xf32>
        %swap3A_295 = vector.shape_cast %mul3A_290 : vector<16xf32> to vector<1x16xf32>
        tpu.vector_store %arg13[%swap3A_291, %swap3A_292], %swap3A_295 {strides = array<i32>} : memref<80x128xf32, #tpu.memory_space<vmem>>, vector<1x16xf32>,
        %get3A_296 = arith.index_cast %scan3A_153 : i32 to index
        %get3A_297 = arith.constant 80 : index
        %get3A_298 = tpu.vector_load %arg11[%get3A_296, %get3A_297] {strides = array<i32>} : memref<80x128xf32, #tpu.memory_space<vmem>>, vector<1x16xf32>,
        %get3A_299 = vector.shape_cast %get3A_298 : vector<1x16xf32> to vector<16xf32>
        %get3A_300 = arith.index_cast %scan3A_153 : i32 to index
        %get3A_301 = arith.constant 80 : index
        %get3A_302 = tpu.vector_load %arg12[%get3A_300, %get3A_301] {strides = array<i32>} : memref<80x256xf32, #tpu.memory_space<vmem>>, vector<1x16xf32>,
        %get3A_303 = vector.shape_cast %get3A_302 : vector<1x16xf32> to vector<16xf32>
        %get3A_304 = arith.index_cast %scan3A_153 : i32 to index
        %get3A_305 = arith.constant 208 : index
        %get3A_306 = tpu.vector_load %arg12[%get3A_304, %get3A_305] {strides = array<i32>} : memref<80x256xf32, #tpu.memory_space<vmem>>, vector<1x16xf32>,
        %get3A_307 = vector.shape_cast %get3A_306 : vector<1x16xf32> to vector<16xf32>
        %add3A_308 = arith.addf %get3A_299, %get3A_303 : vector<16xf32>
        %neg3A_309 = arith.constant 0.000000e+00 : f32
        %neg3A_310 = vector.broadcast %neg3A_309 : f32 to vector<16xf32>
        %neg3A_311 = arith.subf %neg3A_310, %add3A_308 : vector<16xf32>
        %exp3A_312 = math.exp %neg3A_311 : vector<16xf32>
        %add3A_313 = arith.constant 1.000000e+00 : f32
        %add3A_314 = vector.broadcast %add3A_313 : f32 to vector<16xf32>
        %add3A_315 = arith.addf %add3A_314, %exp3A_312 : vector<16xf32>
        %div3A_316 = arith.constant 1.000000e+00 : f32
        %div3A_317 = vector.broadcast %div3A_316 : f32 to vector<16xf32>
        %div3A_318 = arith.divf %div3A_317, %add3A_315 : vector<16xf32>
        %mul3A_319 = arith.mulf %div3A_318, %get3A_307 : vector<16xf32>
        %swap3A_320 = arith.index_cast %scan3A_153 : i32 to index
        %swap3A_321 = arith.constant 80 : index
        %swap3A_322 = tpu.vector_load %arg13[%swap3A_320, %swap3A_321] {strides = array<i32>} : memref<80x128xf32, #tpu.memory_space<vmem>>, vector<1x16xf32>,
        %swap3A_323 = vector.shape_cast %swap3A_322 : vector<1x16xf32> to vector<16xf32>
        %swap3A_324 = vector.shape_cast %mul3A_319 : vector<16xf32> to vector<1x16xf32>
        tpu.vector_store %arg13[%swap3A_320, %swap3A_321], %swap3A_324 {strides = array<i32>} : memref<80x128xf32, #tpu.memory_space<vmem>>, vector<1x16xf32>,
        %get3A_325 = arith.index_cast %scan3A_153 : i32 to index
        %get3A_326 = arith.constant 96 : index
        %get3A_327 = tpu.vector_load %arg11[%get3A_325, %get3A_326] {strides = array<i32>} : memref<80x128xf32, #tpu.memory_space<vmem>>, vector<1x16xf32>,
        %get3A_328 = vector.shape_cast %get3A_327 : vector<1x16xf32> to vector<16xf32>
        %get3A_329 = arith.index_cast %scan3A_153 : i32 to index
        %get3A_330 = arith.constant 96 : index
        %get3A_331 = tpu.vector_load %arg12[%get3A_329, %get3A_330] {strides = array<i32>} : memref<80x256xf32, #tpu.memory_space<vmem>>, vector<1x16xf32>,
        %get3A_332 = vector.shape_cast %get3A_331 : vector<1x16xf32> to vector<16xf32>
        %get3A_333 = arith.index_cast %scan3A_153 : i32 to index
        %get3A_334 = arith.constant 224 : index
        %get3A_335 = tpu.vector_load %arg12[%get3A_333, %get3A_334] {strides = array<i32>} : memref<80x256xf32, #tpu.memory_space<vmem>>, vector<1x16xf32>,
        %get3A_336 = vector.shape_cast %get3A_335 : vector<1x16xf32> to vector<16xf32>
        %add3A_337 = arith.addf %get3A_328, %get3A_332 : vector<16xf32>
        %neg3A_338 = arith.constant 0.000000e+00 : f32
        %neg3A_339 = vector.broadcast %neg3A_338 : f32 to vector<16xf32>
        %neg3A_340 = arith.subf %neg3A_339, %add3A_337 : vector<16xf32>
        %exp3A_341 = math.exp %neg3A_340 : vector<16xf32>
        %add3A_342 = arith.constant 1.000000e+00 : f32
        %add3A_343 = vector.broadcast %add3A_342 : f32 to vector<16xf32>
        %add3A_344 = arith.addf %add3A_343, %exp3A_341 : vector<16xf32>
        %div3A_345 = arith.constant 1.000000e+00 : f32
        %div3A_346 = vector.broadcast %div3A_345 : f32 to vector<16xf32>
        %div3A_347 = arith.divf %div3A_346, %add3A_344 : vector<16xf32>
        %mul3A_348 = arith.mulf %div3A_347, %get3A_336 : vector<16xf32>
        %swap3A_349 = arith.index_cast %scan3A_153 : i32 to index
        %swap3A_350 = arith.constant 96 : index
        %swap3A_351 = tpu.vector_load %arg13[%swap3A_349, %swap3A_350] {strides = array<i32>} : memref<80x128xf32, #tpu.memory_space<vmem>>, vector<1x16xf32>,
        %swap3A_352 = vector.shape_cast %swap3A_351 : vector<1x16xf32> to vector<16xf32>
        %swap3A_353 = vector.shape_cast %mul3A_348 : vector<16xf32> to vector<1x16xf32>
        tpu.vector_store %arg13[%swap3A_349, %swap3A_350], %swap3A_353 {strides = array<i32>} : memref<80x128xf32, #tpu.memory_space<vmem>>, vector<1x16xf32>,
        %get3A_354 = arith.index_cast %scan3A_153 : i32 to index
        %get3A_355 = arith.constant 112 : index
        %get3A_356 = tpu.vector_load %arg11[%get3A_354, %get3A_355] {strides = array<i32>} : memref<80x128xf32, #tpu.memory_space<vmem>>, vector<1x16xf32>,
        %get3A_357 = vector.shape_cast %get3A_356 : vector<1x16xf32> to vector<16xf32>
        %get3A_358 = arith.index_cast %scan3A_153 : i32 to index
        %get3A_359 = arith.constant 112 : index
        %get3A_360 = tpu.vector_load %arg12[%get3A_358, %get3A_359] {strides = array<i32>} : memref<80x256xf32, #tpu.memory_space<vmem>>, vector<1x16xf32>,
        %get3A_361 = vector.shape_cast %get3A_360 : vector<1x16xf32> to vector<16xf32>
        %get3A_362 = arith.index_cast %scan3A_153 : i32 to index
        %get3A_363 = arith.constant 240 : index
        %get3A_364 = tpu.vector_load %arg12[%get3A_362, %get3A_363] {strides = array<i32>} : memref<80x256xf32, #tpu.memory_space<vmem>>, vector<1x16xf32>,
        %get3A_365 = vector.shape_cast %get3A_364 : vector<1x16xf32> to vector<16xf32>
        %add3A_366 = arith.addf %get3A_357, %get3A_361 : vector<16xf32>
        %neg3A_367 = arith.constant 0.000000e+00 : f32
        %neg3A_368 = vector.broadcast %neg3A_367 : f32 to vector<16xf32>
        %neg3A_369 = arith.subf %neg3A_368, %add3A_366 : vector<16xf32>
        %exp3A_370 = math.exp %neg3A_369 : vector<16xf32>
        %add3A_371 = arith.constant 1.000000e+00 : f32
        %add3A_372 = vector.broadcast %add3A_371 : f32 to vector<16xf32>
        %add3A_373 = arith.addf %add3A_372, %exp3A_370 : vector<16xf32>
        %div3A_374 = arith.constant 1.000000e+00 : f32
        %div3A_375 = vector.broadcast %div3A_374 : f32 to vector<16xf32>
        %div3A_376 = arith.divf %div3A_375, %add3A_373 : vector<16xf32>
        %mul3A_377 = arith.mulf %div3A_376, %get3A_365 : vector<16xf32>
        %swap3A_378 = arith.index_cast %scan3A_153 : i32 to index
        %swap3A_379 = arith.constant 112 : index
        %swap3A_380 = tpu.vector_load %arg13[%swap3A_378, %swap3A_379] {strides = array<i32>} : memref<80x128xf32, #tpu.memory_space<vmem>>, vector<1x16xf32>,
        %swap3A_381 = vector.shape_cast %swap3A_380 : vector<1x16xf32> to vector<16xf32>
        %swap3A_382 = vector.shape_cast %mul3A_377 : vector<16xf32> to vector<1x16xf32>
        tpu.vector_store %arg13[%swap3A_378, %swap3A_379], %swap3A_382 {strides = array<i32>} : memref<80x128xf32, #tpu.memory_space<vmem>>, vector<1x16xf32>,
      }
      %scan3A_152 = arith.constant 80 : i32
      "tpu.region"() ({
        %run_scoped3A = tpu.sem_alloc : memref<!tpu.dma_semaphore, #tpu.memory_space<semaphore_mem>>
        %dma_start3A_153 = arith.constant 0 : i32
        %dma_start3A_154 = arith.constant 0 : i32
        %dma_start3A_155 = tpu.memref_slice %arg7[%dma_start3A_153, %dma_start3A_154] : memref<10000x128xf32, #tpu.memory_space<vmem_shared>> -> memref<10000x128xf32, #tpu.memory_space<vmem_shared>>
        tpu.enqueue_indirect_dma source(%arg13 : memref<80x128xf32, #tpu.memory_space<vmem>>) target(%dma_start3A_155 : memref<10000x128xf32, #tpu.memory_space<vmem_shared>>) offsets(%arg8 : memref<80xi32, #tpu.memory_space<vmem>>) semaphore(%run_scoped3A : memref<!tpu.dma_semaphore, #tpu.memory_space<semaphore_mem>>) {add = true}
        %dma_wait3A_156 = arith.constant 0 : i32
        %dma_wait3A_157 = arith.constant 0 : i32
        %dma_wait3A_158 = tpu.memref_slice %arg7[%dma_wait3A_156, %dma_wait3A_157] : memref<10000x128xf32, #tpu.memory_space<vmem_shared>> -> memref<10000x128xf32, #tpu.memory_space<vmem_shared>>
        tpu.wait_indirect_dma semaphore(%run_scoped3A : memref<!tpu.dma_semaphore, #tpu.memory_space<semaphore_mem>>) src(%arg13 : memref<80x128xf32, #tpu.memory_space<vmem>>) dst(%dma_wait3A_158 : memref<10000x128xf32, #tpu.memory_space<vmem_shared>>)
        tpu.yield
      }) : () -> ()
    }
    %scan3A_33 = arith.constant 125 : i32
    %barrier3A_34 = arith.constant 0 : index
    tpu.barrier barrier_id(%barrier3A_34)
    %mul3A_35 = arith.constant 624 : i32
    %mul3A_36 = arith.muli %arg1, %mul3A_35 : i32
    %mul3A_37 = arith.constant 10000 : i32
    %mul3A_38 = arith.muli %arg0, %mul3A_37 : i32
    %add3A_39 = arith.addi %mul3A_38, %mul3A_36 : i32
    "tpu.region"() ({
      %run_scoped3A = tpu.sem_alloc : memref<!tpu.dma_semaphore, #tpu.memory_space<semaphore_mem>>
      %dma_start3A = arith.constant 0 : i32
      %dma_start3A_45 = tpu.memref_slice %arg6[%add3A_39, %dma_start3A] : memref<20000x128xf32, #tpu.memory_space<hbm>> -> memref<624x128xf32, #tpu.memory_space<hbm>>
      %dma_start3A_46 = arith.constant 0 : i32
      %dma_start3A_47 = tpu.memref_slice %arg7[%mul3A_36, %dma_start3A_46] : memref<10000x128xf32, #tpu.memory_space<vmem_shared>> -> memref<624x128xf32, #tpu.memory_space<vmem_shared>>
      tpu.enqueue_dma source(%dma_start3A_47 : memref<624x128xf32, #tpu.memory_space<vmem_shared>>) target(%dma_start3A_45 : memref<624x128xf32, #tpu.memory_space<hbm>>) target_semaphore(%run_scoped3A : memref<!tpu.dma_semaphore, #tpu.memory_space<semaphore_mem>>)
      %dma_wait3A = arith.constant 0 : i32
      %dma_wait3A_48 = tpu.memref_slice %arg6[%add3A_39, %dma_wait3A] : memref<20000x128xf32, #tpu.memory_space<hbm>> -> memref<624x128xf32, #tpu.memory_space<hbm>>
      %dma_wait3A_49 = arith.constant 0 : i32
      %dma_wait3A_50 = tpu.memref_slice %arg7[%mul3A_36, %dma_wait3A_49] : memref<10000x128xf32, #tpu.memory_space<vmem_shared>> -> memref<624x128xf32, #tpu.memory_space<vmem_shared>>
      tpu.wait_dma2 semaphore(%run_scoped3A : memref<!tpu.dma_semaphore, #tpu.memory_space<semaphore_mem>>) src(%dma_wait3A_50 : memref<624x128xf32, #tpu.memory_space<vmem_shared>>) dst(%dma_wait3A_48 : memref<624x128xf32, #tpu.memory_space<hbm>>)
      tpu.yield
    }) : () -> ()
    %eq3A_40 = arith.constant 0 : i32
    %eq3A_41 = arith.cmpi eq, %arg1, %eq3A_40 : i32
    %convert_element_type3A_42 = arith.extui %eq3A_41 : i1 to i32
    %cond3A_43 = arith.constant 0 : i32
    %cond3A_44 = arith.cmpi ne, %convert_element_type3A_42, %cond3A_43 : i32
    scf.if %cond3A_44 {
      %mul3A_45 = arith.constant 10000 : i32
      %mul3A_46 = arith.muli %arg0, %mul3A_45 : i32
      %add3A_47 = arith.constant 10000 : i32
      %add3A_48 = arith.addi %mul3A_46, %add3A_47 : i32
      %sub3A = arith.constant 16 : i32
      %sub3A_49 = arith.subi %add3A_48, %sub3A : i32
      "tpu.region"() ({
        %run_scoped3A = tpu.sem_alloc : memref<!tpu.dma_semaphore, #tpu.memory_space<semaphore_mem>>
        %dma_start3A = arith.constant 0 : i32
        %dma_start3A_50 = tpu.memref_slice %arg6[%sub3A_49, %dma_start3A] : memref<20000x128xf32, #tpu.memory_space<hbm>> -> memref<16x128xf32, #tpu.memory_space<hbm>>
        %dma_start3A_51 = arith.constant 9984 : i32
        %dma_start3A_52 = arith.constant 0 : i32
        %dma_start3A_53 = tpu.memref_slice %arg7[%dma_start3A_51, %dma_start3A_52] : memref<10000x128xf32, #tpu.memory_space<vmem_shared>> -> memref<16x128xf32, #tpu.memory_space<vmem_shared>>
        tpu.enqueue_dma source(%dma_start3A_53 : memref<16x128xf32, #tpu.memory_space<vmem_shared>>) target(%dma_start3A_50 : memref<16x128xf32, #tpu.memory_space<hbm>>) target_semaphore(%run_scoped3A : memref<!tpu.dma_semaphore, #tpu.memory_space<semaphore_mem>>)
        %dma_wait3A = arith.constant 0 : i32
        %dma_wait3A_54 = tpu.memref_slice %arg6[%sub3A_49, %dma_wait3A] : memref<20000x128xf32, #tpu.memory_space<hbm>> -> memref<16x128xf32, #tpu.memory_space<hbm>>
        %dma_wait3A_55 = arith.constant 9984 : i32
        %dma_wait3A_56 = arith.constant 0 : i32
        %dma_wait3A_57 = tpu.memref_slice %arg7[%dma_wait3A_55, %dma_wait3A_56] : memref<10000x128xf32, #tpu.memory_space<vmem_shared>> -> memref<16x128xf32, #tpu.memory_space<vmem_shared>>
        tpu.wait_dma2 semaphore(%run_scoped3A : memref<!tpu.dma_semaphore, #tpu.memory_space<semaphore_mem>>) src(%dma_wait3A_57 : memref<16x128xf32, #tpu.memory_space<vmem_shared>>) dst(%dma_wait3A_54 : memref<16x128xf32, #tpu.memory_space<hbm>>)
        tpu.yield
      }) : () -> ()
    } else {
    }
    return
  }
}

#map = affine_map<(d0, d1) -> (0, 0)>
#map1 = affine_map<(d0, d1) -> (0)>
module attributes {stable_mosaic.version = 14 : i64} {
  func.func @_sc_gcn(%arg0: i32, %arg1: i32, %arg2: memref<20000x128xf32, #tpu.memory_space<hbm>>, %arg3: memref<160000xi32, #tpu.memory_space<hbm>>, %arg4: memref<160000xi32, #tpu.memory_space<hbm>>, %arg5: memref<20000x128xf32, #tpu.memory_space<hbm>>, %arg6: memref<10000x128xf32, #tpu.memory_space<vmem_shared>>, %arg7: memref<80xi32, #tpu.memory_space<vmem>>, %arg8: memref<80xi32, #tpu.memory_space<vmem>>, %arg9: memref<80x128xf32, #tpu.memory_space<vmem>>, %arg10: memref<!tpu.dma_semaphore, #tpu.memory_space<semaphore_mem>>) attributes {dimension_semantics = [#tpu.dimension_semantics<core_parallel>, #tpu.dimension_semantics<subcore_parallel>], iteration_bounds = array<i64: 2, 16>, scalar_prefetch = 0 : i64, scratch_operands = 5 : i64, tpu.core_type = #tpu.core_type<sc_vector_subcore>, window_params = [{transform_indices = #map}, {transform_indices = #map1}, {transform_indices = #map1}, {transform_indices = #map}]} {
    %broadcast_in_dim3A = arith.constant 0.000000e+00 : f32
    %broadcast_in_dim3A_0 = vector.broadcast %broadcast_in_dim3A : f32 to vector<16xf32>
    %scan3A = arith.constant 0 : i32
    %scan3A_1 = arith.constant 0 : i32
    %scan3A_2 = arith.constant 80 : i32
    %scan3A_3 = arith.addi %scan3A_1, %scan3A_2 : i32
    %scan3A_4 = arith.constant 1 : i32
    scf.for %scan3A_45 = %scan3A_1 to %scan3A_3 step %scan3A_4  : i32 {
      %swap3A = arith.index_cast %scan3A_45 : i32 to index
      %swap3A_46 = arith.constant 0 : index
      %swap3A_47 = tpu.vector_load %arg9[%swap3A, %swap3A_46] {strides = array<i32>} : memref<80x128xf32, #tpu.memory_space<vmem>>, vector<1x16xf32>,
      %swap3A_48 = vector.shape_cast %swap3A_47 : vector<1x16xf32> to vector<16xf32>
      %swap3A_49 = vector.shape_cast %broadcast_in_dim3A_0 : vector<16xf32> to vector<1x16xf32>
      tpu.vector_store %arg9[%swap3A, %swap3A_46], %swap3A_49 {strides = array<i32>} : memref<80x128xf32, #tpu.memory_space<vmem>>, vector<1x16xf32>,
      %swap3A_50 = arith.index_cast %scan3A_45 : i32 to index
      %swap3A_51 = arith.constant 16 : index
      %swap3A_52 = tpu.vector_load %arg9[%swap3A_50, %swap3A_51] {strides = array<i32>} : memref<80x128xf32, #tpu.memory_space<vmem>>, vector<1x16xf32>,
      %swap3A_53 = vector.shape_cast %swap3A_52 : vector<1x16xf32> to vector<16xf32>
      %swap3A_54 = vector.shape_cast %broadcast_in_dim3A_0 : vector<16xf32> to vector<1x16xf32>
      tpu.vector_store %arg9[%swap3A_50, %swap3A_51], %swap3A_54 {strides = array<i32>} : memref<80x128xf32, #tpu.memory_space<vmem>>, vector<1x16xf32>,
      %swap3A_55 = arith.index_cast %scan3A_45 : i32 to index
      %swap3A_56 = arith.constant 32 : index
      %swap3A_57 = tpu.vector_load %arg9[%swap3A_55, %swap3A_56] {strides = array<i32>} : memref<80x128xf32, #tpu.memory_space<vmem>>, vector<1x16xf32>,
      %swap3A_58 = vector.shape_cast %swap3A_57 : vector<1x16xf32> to vector<16xf32>
      %swap3A_59 = vector.shape_cast %broadcast_in_dim3A_0 : vector<16xf32> to vector<1x16xf32>
      tpu.vector_store %arg9[%swap3A_55, %swap3A_56], %swap3A_59 {strides = array<i32>} : memref<80x128xf32, #tpu.memory_space<vmem>>, vector<1x16xf32>,
      %swap3A_60 = arith.index_cast %scan3A_45 : i32 to index
      %swap3A_61 = arith.constant 48 : index
      %swap3A_62 = tpu.vector_load %arg9[%swap3A_60, %swap3A_61] {strides = array<i32>} : memref<80x128xf32, #tpu.memory_space<vmem>>, vector<1x16xf32>,
      %swap3A_63 = vector.shape_cast %swap3A_62 : vector<1x16xf32> to vector<16xf32>
      %swap3A_64 = vector.shape_cast %broadcast_in_dim3A_0 : vector<16xf32> to vector<1x16xf32>
      tpu.vector_store %arg9[%swap3A_60, %swap3A_61], %swap3A_64 {strides = array<i32>} : memref<80x128xf32, #tpu.memory_space<vmem>>, vector<1x16xf32>,
      %swap3A_65 = arith.index_cast %scan3A_45 : i32 to index
      %swap3A_66 = arith.constant 64 : index
      %swap3A_67 = tpu.vector_load %arg9[%swap3A_65, %swap3A_66] {strides = array<i32>} : memref<80x128xf32, #tpu.memory_space<vmem>>, vector<1x16xf32>,
      %swap3A_68 = vector.shape_cast %swap3A_67 : vector<1x16xf32> to vector<16xf32>
      %swap3A_69 = vector.shape_cast %broadcast_in_dim3A_0 : vector<16xf32> to vector<1x16xf32>
      tpu.vector_store %arg9[%swap3A_65, %swap3A_66], %swap3A_69 {strides = array<i32>} : memref<80x128xf32, #tpu.memory_space<vmem>>, vector<1x16xf32>,
      %swap3A_70 = arith.index_cast %scan3A_45 : i32 to index
      %swap3A_71 = arith.constant 80 : index
      %swap3A_72 = tpu.vector_load %arg9[%swap3A_70, %swap3A_71] {strides = array<i32>} : memref<80x128xf32, #tpu.memory_space<vmem>>, vector<1x16xf32>,
      %swap3A_73 = vector.shape_cast %swap3A_72 : vector<1x16xf32> to vector<16xf32>
      %swap3A_74 = vector.shape_cast %broadcast_in_dim3A_0 : vector<16xf32> to vector<1x16xf32>
      tpu.vector_store %arg9[%swap3A_70, %swap3A_71], %swap3A_74 {strides = array<i32>} : memref<80x128xf32, #tpu.memory_space<vmem>>, vector<1x16xf32>,
      %swap3A_75 = arith.index_cast %scan3A_45 : i32 to index
      %swap3A_76 = arith.constant 96 : index
      %swap3A_77 = tpu.vector_load %arg9[%swap3A_75, %swap3A_76] {strides = array<i32>} : memref<80x128xf32, #tpu.memory_space<vmem>>, vector<1x16xf32>,
      %swap3A_78 = vector.shape_cast %swap3A_77 : vector<1x16xf32> to vector<16xf32>
      %swap3A_79 = vector.shape_cast %broadcast_in_dim3A_0 : vector<16xf32> to vector<1x16xf32>
      tpu.vector_store %arg9[%swap3A_75, %swap3A_76], %swap3A_79 {strides = array<i32>} : memref<80x128xf32, #tpu.memory_space<vmem>>, vector<1x16xf32>,
      %swap3A_80 = arith.index_cast %scan3A_45 : i32 to index
      %swap3A_81 = arith.constant 112 : index
      %swap3A_82 = tpu.vector_load %arg9[%swap3A_80, %swap3A_81] {strides = array<i32>} : memref<80x128xf32, #tpu.memory_space<vmem>>, vector<1x16xf32>,
      %swap3A_83 = vector.shape_cast %swap3A_82 : vector<1x16xf32> to vector<16xf32>
      %swap3A_84 = vector.shape_cast %broadcast_in_dim3A_0 : vector<16xf32> to vector<1x16xf32>
      tpu.vector_store %arg9[%swap3A_80, %swap3A_81], %swap3A_84 {strides = array<i32>} : memref<80x128xf32, #tpu.memory_space<vmem>>, vector<1x16xf32>,
    }
    %scan3A_5 = arith.constant 80 : i32
    %mul3A = arith.constant 624 : i32
    %mul3A_6 = arith.muli %arg1, %mul3A : i32
    %add3A = arith.constant 0 : i32
    %add3A_7 = arith.addi %mul3A_6, %add3A : i32
    "tpu.region"() ({
      %run_scoped3A = tpu.sem_alloc : memref<!tpu.dma_semaphore, #tpu.memory_space<semaphore_mem>>
      %dma_start3A = arith.constant 0 : i32
      %dma_start3A_45 = tpu.memref_slice %arg6[%add3A_7, %dma_start3A] : memref<10000x128xf32, #tpu.memory_space<vmem_shared>> -> memref<80x128xf32, #tpu.memory_space<vmem_shared>>
      %dma_start3A_46 = arith.constant 0 : i32
      %dma_start3A_47 = tpu.memref_slice %arg6[%add3A_7, %dma_start3A_46] : memref<10000x128xf32, #tpu.memory_space<vmem_shared>> -> memref<80x128xf32, #tpu.memory_space<vmem_shared>>
      tpu.enqueue_dma source(%arg9 : memref<80x128xf32, #tpu.memory_space<vmem>>) target(%dma_start3A_47 : memref<80x128xf32, #tpu.memory_space<vmem_shared>>) target_semaphore(%run_scoped3A : memref<!tpu.dma_semaphore, #tpu.memory_space<semaphore_mem>>)
      %dma_wait3A = arith.constant 0 : i32
      %dma_wait3A_48 = tpu.memref_slice %arg6[%add3A_7, %dma_wait3A] : memref<10000x128xf32, #tpu.memory_space<vmem_shared>> -> memref<80x128xf32, #tpu.memory_space<vmem_shared>>
      %dma_wait3A_49 = arith.constant 0 : i32
      %dma_wait3A_50 = tpu.memref_slice %arg6[%add3A_7, %dma_wait3A_49] : memref<10000x128xf32, #tpu.memory_space<vmem_shared>> -> memref<80x128xf32, #tpu.memory_space<vmem_shared>>
      tpu.wait_dma2 semaphore(%run_scoped3A : memref<!tpu.dma_semaphore, #tpu.memory_space<semaphore_mem>>) src(%arg9 : memref<80x128xf32, #tpu.memory_space<vmem>>) dst(%dma_wait3A_50 : memref<80x128xf32, #tpu.memory_space<vmem_shared>>)
      tpu.yield
    }) : () -> ()
    %add3A_8 = arith.constant 80 : i32
    %add3A_9 = arith.addi %mul3A_6, %add3A_8 : i32
    "tpu.region"() ({
      %run_scoped3A = tpu.sem_alloc : memref<!tpu.dma_semaphore, #tpu.memory_space<semaphore_mem>>
      %dma_start3A = arith.constant 0 : i32
      %dma_start3A_45 = tpu.memref_slice %arg6[%add3A_9, %dma_start3A] : memref<10000x128xf32, #tpu.memory_space<vmem_shared>> -> memref<80x128xf32, #tpu.memory_space<vmem_shared>>
      %dma_start3A_46 = arith.constant 0 : i32
      %dma_start3A_47 = tpu.memref_slice %arg6[%add3A_9, %dma_start3A_46] : memref<10000x128xf32, #tpu.memory_space<vmem_shared>> -> memref<80x128xf32, #tpu.memory_space<vmem_shared>>
      tpu.enqueue_dma source(%arg9 : memref<80x128xf32, #tpu.memory_space<vmem>>) target(%dma_start3A_47 : memref<80x128xf32, #tpu.memory_space<vmem_shared>>) target_semaphore(%run_scoped3A : memref<!tpu.dma_semaphore, #tpu.memory_space<semaphore_mem>>)
      %dma_wait3A = arith.constant 0 : i32
      %dma_wait3A_48 = tpu.memref_slice %arg6[%add3A_9, %dma_wait3A] : memref<10000x128xf32, #tpu.memory_space<vmem_shared>> -> memref<80x128xf32, #tpu.memory_space<vmem_shared>>
      %dma_wait3A_49 = arith.constant 0 : i32
      %dma_wait3A_50 = tpu.memref_slice %arg6[%add3A_9, %dma_wait3A_49] : memref<10000x128xf32, #tpu.memory_space<vmem_shared>> -> memref<80x128xf32, #tpu.memory_space<vmem_shared>>
      tpu.wait_dma2 semaphore(%run_scoped3A : memref<!tpu.dma_semaphore, #tpu.memory_space<semaphore_mem>>) src(%arg9 : memref<80x128xf32, #tpu.memory_space<vmem>>) dst(%dma_wait3A_50 : memref<80x128xf32, #tpu.memory_space<vmem_shared>>)
      tpu.yield
    }) : () -> ()
    %add3A_10 = arith.constant 160 : i32
    %add3A_11 = arith.addi %mul3A_6, %add3A_10 : i32
    "tpu.region"() ({
      %run_scoped3A = tpu.sem_alloc : memref<!tpu.dma_semaphore, #tpu.memory_space<semaphore_mem>>
      %dma_start3A = arith.constant 0 : i32
      %dma_start3A_45 = tpu.memref_slice %arg6[%add3A_11, %dma_start3A] : memref<10000x128xf32, #tpu.memory_space<vmem_shared>> -> memref<80x128xf32, #tpu.memory_space<vmem_shared>>
      %dma_start3A_46 = arith.constant 0 : i32
      %dma_start3A_47 = tpu.memref_slice %arg6[%add3A_11, %dma_start3A_46] : memref<10000x128xf32, #tpu.memory_space<vmem_shared>> -> memref<80x128xf32, #tpu.memory_space<vmem_shared>>
      tpu.enqueue_dma source(%arg9 : memref<80x128xf32, #tpu.memory_space<vmem>>) target(%dma_start3A_47 : memref<80x128xf32, #tpu.memory_space<vmem_shared>>) target_semaphore(%run_scoped3A : memref<!tpu.dma_semaphore, #tpu.memory_space<semaphore_mem>>)
      %dma_wait3A = arith.constant 0 : i32
      %dma_wait3A_48 = tpu.memref_slice %arg6[%add3A_11, %dma_wait3A] : memref<10000x128xf32, #tpu.memory_space<vmem_shared>> -> memref<80x128xf32, #tpu.memory_space<vmem_shared>>
      %dma_wait3A_49 = arith.constant 0 : i32
      %dma_wait3A_50 = tpu.memref_slice %arg6[%add3A_11, %dma_wait3A_49] : memref<10000x128xf32, #tpu.memory_space<vmem_shared>> -> memref<80x128xf32, #tpu.memory_space<vmem_shared>>
      tpu.wait_dma2 semaphore(%run_scoped3A : memref<!tpu.dma_semaphore, #tpu.memory_space<semaphore_mem>>) src(%arg9 : memref<80x128xf32, #tpu.memory_space<vmem>>) dst(%dma_wait3A_50 : memref<80x128xf32, #tpu.memory_space<vmem_shared>>)
      tpu.yield
    }) : () -> ()
    %add3A_12 = arith.constant 240 : i32
    %add3A_13 = arith.addi %mul3A_6, %add3A_12 : i32
    "tpu.region"() ({
      %run_scoped3A = tpu.sem_alloc : memref<!tpu.dma_semaphore, #tpu.memory_space<semaphore_mem>>
      %dma_start3A = arith.constant 0 : i32
      %dma_start3A_45 = tpu.memref_slice %arg6[%add3A_13, %dma_start3A] : memref<10000x128xf32, #tpu.memory_space<vmem_shared>> -> memref<80x128xf32, #tpu.memory_space<vmem_shared>>
      %dma_start3A_46 = arith.constant 0 : i32
      %dma_start3A_47 = tpu.memref_slice %arg6[%add3A_13, %dma_start3A_46] : memref<10000x128xf32, #tpu.memory_space<vmem_shared>> -> memref<80x128xf32, #tpu.memory_space<vmem_shared>>
      tpu.enqueue_dma source(%arg9 : memref<80x128xf32, #tpu.memory_space<vmem>>) target(%dma_start3A_47 : memref<80x128xf32, #tpu.memory_space<vmem_shared>>) target_semaphore(%run_scoped3A : memref<!tpu.dma_semaphore, #tpu.memory_space<semaphore_mem>>)
      %dma_wait3A = arith.constant 0 : i32
      %dma_wait3A_48 = tpu.memref_slice %arg6[%add3A_13, %dma_wait3A] : memref<10000x128xf32, #tpu.memory_space<vmem_shared>> -> memref<80x128xf32, #tpu.memory_space<vmem_shared>>
      %dma_wait3A_49 = arith.constant 0 : i32
      %dma_wait3A_50 = tpu.memref_slice %arg6[%add3A_13, %dma_wait3A_49] : memref<10000x128xf32, #tpu.memory_space<vmem_shared>> -> memref<80x128xf32, #tpu.memory_space<vmem_shared>>
      tpu.wait_dma2 semaphore(%run_scoped3A : memref<!tpu.dma_semaphore, #tpu.memory_space<semaphore_mem>>) src(%arg9 : memref<80x128xf32, #tpu.memory_space<vmem>>) dst(%dma_wait3A_50 : memref<80x128xf32, #tpu.memory_space<vmem_shared>>)
      tpu.yield
    }) : () -> ()
    %add3A_14 = arith.constant 320 : i32
    %add3A_15 = arith.addi %mul3A_6, %add3A_14 : i32
    "tpu.region"() ({
      %run_scoped3A = tpu.sem_alloc : memref<!tpu.dma_semaphore, #tpu.memory_space<semaphore_mem>>
      %dma_start3A = arith.constant 0 : i32
      %dma_start3A_45 = tpu.memref_slice %arg6[%add3A_15, %dma_start3A] : memref<10000x128xf32, #tpu.memory_space<vmem_shared>> -> memref<80x128xf32, #tpu.memory_space<vmem_shared>>
      %dma_start3A_46 = arith.constant 0 : i32
      %dma_start3A_47 = tpu.memref_slice %arg6[%add3A_15, %dma_start3A_46] : memref<10000x128xf32, #tpu.memory_space<vmem_shared>> -> memref<80x128xf32, #tpu.memory_space<vmem_shared>>
      tpu.enqueue_dma source(%arg9 : memref<80x128xf32, #tpu.memory_space<vmem>>) target(%dma_start3A_47 : memref<80x128xf32, #tpu.memory_space<vmem_shared>>) target_semaphore(%run_scoped3A : memref<!tpu.dma_semaphore, #tpu.memory_space<semaphore_mem>>)
      %dma_wait3A = arith.constant 0 : i32
      %dma_wait3A_48 = tpu.memref_slice %arg6[%add3A_15, %dma_wait3A] : memref<10000x128xf32, #tpu.memory_space<vmem_shared>> -> memref<80x128xf32, #tpu.memory_space<vmem_shared>>
      %dma_wait3A_49 = arith.constant 0 : i32
      %dma_wait3A_50 = tpu.memref_slice %arg6[%add3A_15, %dma_wait3A_49] : memref<10000x128xf32, #tpu.memory_space<vmem_shared>> -> memref<80x128xf32, #tpu.memory_space<vmem_shared>>
      tpu.wait_dma2 semaphore(%run_scoped3A : memref<!tpu.dma_semaphore, #tpu.memory_space<semaphore_mem>>) src(%arg9 : memref<80x128xf32, #tpu.memory_space<vmem>>) dst(%dma_wait3A_50 : memref<80x128xf32, #tpu.memory_space<vmem_shared>>)
      tpu.yield
    }) : () -> ()
    %add3A_16 = arith.constant 400 : i32
    %add3A_17 = arith.addi %mul3A_6, %add3A_16 : i32
    "tpu.region"() ({
      %run_scoped3A = tpu.sem_alloc : memref<!tpu.dma_semaphore, #tpu.memory_space<semaphore_mem>>
      %dma_start3A = arith.constant 0 : i32
      %dma_start3A_45 = tpu.memref_slice %arg6[%add3A_17, %dma_start3A] : memref<10000x128xf32, #tpu.memory_space<vmem_shared>> -> memref<80x128xf32, #tpu.memory_space<vmem_shared>>
      %dma_start3A_46 = arith.constant 0 : i32
      %dma_start3A_47 = tpu.memref_slice %arg6[%add3A_17, %dma_start3A_46] : memref<10000x128xf32, #tpu.memory_space<vmem_shared>> -> memref<80x128xf32, #tpu.memory_space<vmem_shared>>
      tpu.enqueue_dma source(%arg9 : memref<80x128xf32, #tpu.memory_space<vmem>>) target(%dma_start3A_47 : memref<80x128xf32, #tpu.memory_space<vmem_shared>>) target_semaphore(%run_scoped3A : memref<!tpu.dma_semaphore, #tpu.memory_space<semaphore_mem>>)
      %dma_wait3A = arith.constant 0 : i32
      %dma_wait3A_48 = tpu.memref_slice %arg6[%add3A_17, %dma_wait3A] : memref<10000x128xf32, #tpu.memory_space<vmem_shared>> -> memref<80x128xf32, #tpu.memory_space<vmem_shared>>
      %dma_wait3A_49 = arith.constant 0 : i32
      %dma_wait3A_50 = tpu.memref_slice %arg6[%add3A_17, %dma_wait3A_49] : memref<10000x128xf32, #tpu.memory_space<vmem_shared>> -> memref<80x128xf32, #tpu.memory_space<vmem_shared>>
      tpu.wait_dma2 semaphore(%run_scoped3A : memref<!tpu.dma_semaphore, #tpu.memory_space<semaphore_mem>>) src(%arg9 : memref<80x128xf32, #tpu.memory_space<vmem>>) dst(%dma_wait3A_50 : memref<80x128xf32, #tpu.memory_space<vmem_shared>>)
      tpu.yield
    }) : () -> ()
    %add3A_18 = arith.constant 480 : i32
    %add3A_19 = arith.addi %mul3A_6, %add3A_18 : i32
    "tpu.region"() ({
      %run_scoped3A = tpu.sem_alloc : memref<!tpu.dma_semaphore, #tpu.memory_space<semaphore_mem>>
      %dma_start3A = arith.constant 0 : i32
      %dma_start3A_45 = tpu.memref_slice %arg6[%add3A_19, %dma_start3A] : memref<10000x128xf32, #tpu.memory_space<vmem_shared>> -> memref<80x128xf32, #tpu.memory_space<vmem_shared>>
      %dma_start3A_46 = arith.constant 0 : i32
      %dma_start3A_47 = tpu.memref_slice %arg6[%add3A_19, %dma_start3A_46] : memref<10000x128xf32, #tpu.memory_space<vmem_shared>> -> memref<80x128xf32, #tpu.memory_space<vmem_shared>>
      tpu.enqueue_dma source(%arg9 : memref<80x128xf32, #tpu.memory_space<vmem>>) target(%dma_start3A_47 : memref<80x128xf32, #tpu.memory_space<vmem_shared>>) target_semaphore(%run_scoped3A : memref<!tpu.dma_semaphore, #tpu.memory_space<semaphore_mem>>)
      %dma_wait3A = arith.constant 0 : i32
      %dma_wait3A_48 = tpu.memref_slice %arg6[%add3A_19, %dma_wait3A] : memref<10000x128xf32, #tpu.memory_space<vmem_shared>> -> memref<80x128xf32, #tpu.memory_space<vmem_shared>>
      %dma_wait3A_49 = arith.constant 0 : i32
      %dma_wait3A_50 = tpu.memref_slice %arg6[%add3A_19, %dma_wait3A_49] : memref<10000x128xf32, #tpu.memory_space<vmem_shared>> -> memref<80x128xf32, #tpu.memory_space<vmem_shared>>
      tpu.wait_dma2 semaphore(%run_scoped3A : memref<!tpu.dma_semaphore, #tpu.memory_space<semaphore_mem>>) src(%arg9 : memref<80x128xf32, #tpu.memory_space<vmem>>) dst(%dma_wait3A_50 : memref<80x128xf32, #tpu.memory_space<vmem_shared>>)
      tpu.yield
    }) : () -> ()
    %add3A_20 = arith.constant 560 : i32
    %add3A_21 = arith.addi %mul3A_6, %add3A_20 : i32
    "tpu.region"() ({
      %run_scoped3A = tpu.sem_alloc : memref<!tpu.dma_semaphore, #tpu.memory_space<semaphore_mem>>
      %dma_start3A = arith.constant 0 : i32
      %dma_start3A_45 = arith.constant 0 : i32
      %dma_start3A_46 = tpu.memref_slice %arg9[%dma_start3A, %dma_start3A_45] : memref<80x128xf32, #tpu.memory_space<vmem>> -> memref<64x128xf32, #tpu.memory_space<vmem>>
      %dma_start3A_47 = arith.constant 0 : i32
      %dma_start3A_48 = tpu.memref_slice %arg6[%add3A_21, %dma_start3A_47] : memref<10000x128xf32, #tpu.memory_space<vmem_shared>> -> memref<64x128xf32, #tpu.memory_space<vmem_shared>>
      %dma_start3A_49 = arith.constant 0 : i32
      %dma_start3A_50 = tpu.memref_slice %arg6[%add3A_21, %dma_start3A_49] : memref<10000x128xf32, #tpu.memory_space<vmem_shared>> -> memref<64x128xf32, #tpu.memory_space<vmem_shared>>
      %dma_start3A_51 = arith.constant 0 : i32
      %dma_start3A_52 = arith.constant 0 : i32
      %dma_start3A_53 = tpu.memref_slice %arg9[%dma_start3A_51, %dma_start3A_52] : memref<80x128xf32, #tpu.memory_space<vmem>> -> memref<64x128xf32, #tpu.memory_space<vmem>>
      tpu.enqueue_dma source(%dma_start3A_53 : memref<64x128xf32, #tpu.memory_space<vmem>>) target(%dma_start3A_50 : memref<64x128xf32, #tpu.memory_space<vmem_shared>>) target_semaphore(%run_scoped3A : memref<!tpu.dma_semaphore, #tpu.memory_space<semaphore_mem>>)
      %dma_wait3A = arith.constant 0 : i32
      %dma_wait3A_54 = arith.constant 0 : i32
      %dma_wait3A_55 = tpu.memref_slice %arg9[%dma_wait3A, %dma_wait3A_54] : memref<80x128xf32, #tpu.memory_space<vmem>> -> memref<64x128xf32, #tpu.memory_space<vmem>>
      %dma_wait3A_56 = arith.constant 0 : i32
      %dma_wait3A_57 = tpu.memref_slice %arg6[%add3A_21, %dma_wait3A_56] : memref<10000x128xf32, #tpu.memory_space<vmem_shared>> -> memref<64x128xf32, #tpu.memory_space<vmem_shared>>
      %dma_wait3A_58 = arith.constant 0 : i32
      %dma_wait3A_59 = tpu.memref_slice %arg6[%add3A_21, %dma_wait3A_58] : memref<10000x128xf32, #tpu.memory_space<vmem_shared>> -> memref<64x128xf32, #tpu.memory_space<vmem_shared>>
      %dma_wait3A_60 = arith.constant 0 : i32
      %dma_wait3A_61 = arith.constant 0 : i32
      %dma_wait3A_62 = tpu.memref_slice %arg9[%dma_wait3A_60, %dma_wait3A_61] : memref<80x128xf32, #tpu.memory_space<vmem>> -> memref<64x128xf32, #tpu.memory_space<vmem>>
      tpu.wait_dma2 semaphore(%run_scoped3A : memref<!tpu.dma_semaphore, #tpu.memory_space<semaphore_mem>>) src(%dma_wait3A_62 : memref<64x128xf32, #tpu.memory_space<vmem>>) dst(%dma_wait3A_59 : memref<64x128xf32, #tpu.memory_space<vmem_shared>>)
      tpu.yield
    }) : () -> ()
    %eq3A = arith.constant 0 : i32
    %eq3A_22 = arith.cmpi eq, %arg1, %eq3A : i32
    %convert_element_type3A = arith.extui %eq3A_22 : i1 to i32
    %cond3A = arith.constant 0 : i32
    %cond3A_23 = arith.cmpi ne, %convert_element_type3A, %cond3A : i32
    scf.if %cond3A_23 {
      "tpu.region"() ({
        %run_scoped3A = tpu.sem_alloc : memref<!tpu.dma_semaphore, #tpu.memory_space<semaphore_mem>>
        %dma_start3A = arith.constant 0 : i32
        %dma_start3A_45 = arith.constant 0 : i32
        %dma_start3A_46 = tpu.memref_slice %arg9[%dma_start3A, %dma_start3A_45] : memref<80x128xf32, #tpu.memory_space<vmem>> -> memref<16x128xf32, #tpu.memory_space<vmem>>
        %dma_start3A_47 = arith.constant 9984 : i32
        %dma_start3A_48 = arith.constant 0 : i32
        %dma_start3A_49 = tpu.memref_slice %arg6[%dma_start3A_47, %dma_start3A_48] : memref<10000x128xf32, #tpu.memory_space<vmem_shared>> -> memref<16x128xf32, #tpu.memory_space<vmem_shared>>
        %dma_start3A_50 = arith.constant 9984 : i32
        %dma_start3A_51 = arith.constant 0 : i32
        %dma_start3A_52 = tpu.memref_slice %arg6[%dma_start3A_50, %dma_start3A_51] : memref<10000x128xf32, #tpu.memory_space<vmem_shared>> -> memref<16x128xf32, #tpu.memory_space<vmem_shared>>
        %dma_start3A_53 = arith.constant 0 : i32
        %dma_start3A_54 = arith.constant 0 : i32
        %dma_start3A_55 = tpu.memref_slice %arg9[%dma_start3A_53, %dma_start3A_54] : memref<80x128xf32, #tpu.memory_space<vmem>> -> memref<16x128xf32, #tpu.memory_space<vmem>>
        tpu.enqueue_dma source(%dma_start3A_55 : memref<16x128xf32, #tpu.memory_space<vmem>>) target(%dma_start3A_52 : memref<16x128xf32, #tpu.memory_space<vmem_shared>>) target_semaphore(%run_scoped3A : memref<!tpu.dma_semaphore, #tpu.memory_space<semaphore_mem>>)
        %dma_wait3A = arith.constant 0 : i32
        %dma_wait3A_56 = arith.constant 0 : i32
        %dma_wait3A_57 = tpu.memref_slice %arg9[%dma_wait3A, %dma_wait3A_56] : memref<80x128xf32, #tpu.memory_space<vmem>> -> memref<16x128xf32, #tpu.memory_space<vmem>>
        %dma_wait3A_58 = arith.constant 9984 : i32
        %dma_wait3A_59 = arith.constant 0 : i32
        %dma_wait3A_60 = tpu.memref_slice %arg6[%dma_wait3A_58, %dma_wait3A_59] : memref<10000x128xf32, #tpu.memory_space<vmem_shared>> -> memref<16x128xf32, #tpu.memory_space<vmem_shared>>
        %dma_wait3A_61 = arith.constant 9984 : i32
        %dma_wait3A_62 = arith.constant 0 : i32
        %dma_wait3A_63 = tpu.memref_slice %arg6[%dma_wait3A_61, %dma_wait3A_62] : memref<10000x128xf32, #tpu.memory_space<vmem_shared>> -> memref<16x128xf32, #tpu.memory_space<vmem_shared>>
        %dma_wait3A_64 = arith.constant 0 : i32
        %dma_wait3A_65 = arith.constant 0 : i32
        %dma_wait3A_66 = tpu.memref_slice %arg9[%dma_wait3A_64, %dma_wait3A_65] : memref<80x128xf32, #tpu.memory_space<vmem>> -> memref<16x128xf32, #tpu.memory_space<vmem>>
        tpu.wait_dma2 semaphore(%run_scoped3A : memref<!tpu.dma_semaphore, #tpu.memory_space<semaphore_mem>>) src(%dma_wait3A_66 : memref<16x128xf32, #tpu.memory_space<vmem>>) dst(%dma_wait3A_63 : memref<16x128xf32, #tpu.memory_space<vmem_shared>>)
        tpu.yield
      }) : () -> ()
    } else {
    }
    %barrier3A = arith.constant 0 : index
    tpu.barrier barrier_id(%barrier3A)
    %mul3A_24 = arith.constant 10000 : i32
    %mul3A_25 = arith.muli %arg1, %mul3A_24 : i32
    %mul3A_26 = arith.constant 10000 : i32
    %mul3A_27 = arith.muli %arg0, %mul3A_26 : i32
    %scan3A_28 = arith.constant 0 : i32
    %scan3A_29 = arith.constant 0 : i32
    %scan3A_30 = arith.constant 125 : i32
    %scan3A_31 = arith.addi %scan3A_29, %scan3A_30 : i32
    %scan3A_32 = arith.constant 1 : i32
    scf.for %scan3A_45 = %scan3A_29 to %scan3A_31 step %scan3A_32  : i32 {
      %mul3A_46 = arith.constant 80 : i32
      %mul3A_47 = arith.muli %scan3A_45, %mul3A_46 : i32
      %add3A_48 = arith.addi %mul3A_25, %mul3A_47 : i32
      "tpu.region"() ({
        %run_scoped3A = tpu.sem_alloc : memref<!tpu.dma_semaphore, #tpu.memory_space<semaphore_mem>>
        %dma_start3A_96 = tpu.memref_slice %arg3[%add3A_48] : memref<160000xi32, #tpu.memory_space<hbm>> -> memref<80xi32, #tpu.memory_space<hbm>>
        %dma_start3A_97 = tpu.memref_slice %arg3[%add3A_48] : memref<160000xi32, #tpu.memory_space<hbm>> -> memref<80xi32, #tpu.memory_space<hbm>>
        tpu.enqueue_dma source(%dma_start3A_97 : memref<80xi32, #tpu.memory_space<hbm>>) target(%arg7 : memref<80xi32, #tpu.memory_space<vmem>>) target_semaphore(%run_scoped3A : memref<!tpu.dma_semaphore, #tpu.memory_space<semaphore_mem>>)
        %dma_wait3A_98 = tpu.memref_slice %arg3[%add3A_48] : memref<160000xi32, #tpu.memory_space<hbm>> -> memref<80xi32, #tpu.memory_space<hbm>>
        %dma_wait3A_99 = tpu.memref_slice %arg3[%add3A_48] : memref<160000xi32, #tpu.memory_space<hbm>> -> memref<80xi32, #tpu.memory_space<hbm>>
        tpu.wait_dma2 semaphore(%run_scoped3A : memref<!tpu.dma_semaphore, #tpu.memory_space<semaphore_mem>>) src(%dma_wait3A_99 : memref<80xi32, #tpu.memory_space<hbm>>) dst(%arg7 : memref<80xi32, #tpu.memory_space<vmem>>)
        tpu.yield
      }) : () -> ()
      "tpu.region"() ({
        %run_scoped3A = tpu.sem_alloc : memref<!tpu.dma_semaphore, #tpu.memory_space<semaphore_mem>>
        %dma_start3A_96 = tpu.memref_slice %arg4[%add3A_48] : memref<160000xi32, #tpu.memory_space<hbm>> -> memref<80xi32, #tpu.memory_space<hbm>>
        %dma_start3A_97 = tpu.memref_slice %arg4[%add3A_48] : memref<160000xi32, #tpu.memory_space<hbm>> -> memref<80xi32, #tpu.memory_space<hbm>>
        tpu.enqueue_dma source(%dma_start3A_97 : memref<80xi32, #tpu.memory_space<hbm>>) target(%arg8 : memref<80xi32, #tpu.memory_space<vmem>>) target_semaphore(%run_scoped3A : memref<!tpu.dma_semaphore, #tpu.memory_space<semaphore_mem>>)
        %dma_wait3A_98 = tpu.memref_slice %arg4[%add3A_48] : memref<160000xi32, #tpu.memory_space<hbm>> -> memref<80xi32, #tpu.memory_space<hbm>>
        %dma_wait3A_99 = tpu.memref_slice %arg4[%add3A_48] : memref<160000xi32, #tpu.memory_space<hbm>> -> memref<80xi32, #tpu.memory_space<hbm>>
        tpu.wait_dma2 semaphore(%run_scoped3A : memref<!tpu.dma_semaphore, #tpu.memory_space<semaphore_mem>>) src(%dma_wait3A_99 : memref<80xi32, #tpu.memory_space<hbm>>) dst(%arg8 : memref<80xi32, #tpu.memory_space<vmem>>)
        tpu.yield
      }) : () -> ()
      %get3A = arith.constant 0 : index
      %get3A_49 = tpu.vector_load %arg8[%get3A] {strides = array<i32>} : memref<80xi32, #tpu.memory_space<vmem>>, vector<16xi32>,
      %get3A_50 = vector.shape_cast %get3A_49 : vector<16xi32> to vector<16xi32>
      %add3A_51 = vector.broadcast %mul3A_27 : i32 to vector<16xi32>
      %add3A_52 = arith.addi %get3A_50, %add3A_51 : vector<16xi32>
      %swap3A = arith.constant 0 : index
      %swap3A_53 = tpu.vector_load %arg8[%swap3A] {strides = array<i32>} : memref<80xi32, #tpu.memory_space<vmem>>, vector<16xi32>,
      %swap3A_54 = vector.shape_cast %swap3A_53 : vector<16xi32> to vector<16xi32>
      %swap3A_55 = vector.shape_cast %add3A_52 : vector<16xi32> to vector<16xi32>
      tpu.vector_store %arg8[%swap3A], %swap3A_55 {strides = array<i32>} : memref<80xi32, #tpu.memory_space<vmem>>, vector<16xi32>,
      %get3A_56 = arith.constant 16 : index
      %get3A_57 = tpu.vector_load %arg8[%get3A_56] {strides = array<i32>} : memref<80xi32, #tpu.memory_space<vmem>>, vector<16xi32>,
      %get3A_58 = vector.shape_cast %get3A_57 : vector<16xi32> to vector<16xi32>
      %add3A_59 = vector.broadcast %mul3A_27 : i32 to vector<16xi32>
      %add3A_60 = arith.addi %get3A_58, %add3A_59 : vector<16xi32>
      %swap3A_61 = arith.constant 16 : index
      %swap3A_62 = tpu.vector_load %arg8[%swap3A_61] {strides = array<i32>} : memref<80xi32, #tpu.memory_space<vmem>>, vector<16xi32>,
      %swap3A_63 = vector.shape_cast %swap3A_62 : vector<16xi32> to vector<16xi32>
      %swap3A_64 = vector.shape_cast %add3A_60 : vector<16xi32> to vector<16xi32>
      tpu.vector_store %arg8[%swap3A_61], %swap3A_64 {strides = array<i32>} : memref<80xi32, #tpu.memory_space<vmem>>, vector<16xi32>,
      %get3A_65 = arith.constant 32 : index
      %get3A_66 = tpu.vector_load %arg8[%get3A_65] {strides = array<i32>} : memref<80xi32, #tpu.memory_space<vmem>>, vector<16xi32>,
      %get3A_67 = vector.shape_cast %get3A_66 : vector<16xi32> to vector<16xi32>
      %add3A_68 = vector.broadcast %mul3A_27 : i32 to vector<16xi32>
      %add3A_69 = arith.addi %get3A_67, %add3A_68 : vector<16xi32>
      %swap3A_70 = arith.constant 32 : index
      %swap3A_71 = tpu.vector_load %arg8[%swap3A_70] {strides = array<i32>} : memref<80xi32, #tpu.memory_space<vmem>>, vector<16xi32>,
      %swap3A_72 = vector.shape_cast %swap3A_71 : vector<16xi32> to vector<16xi32>
      %swap3A_73 = vector.shape_cast %add3A_69 : vector<16xi32> to vector<16xi32>
      tpu.vector_store %arg8[%swap3A_70], %swap3A_73 {strides = array<i32>} : memref<80xi32, #tpu.memory_space<vmem>>, vector<16xi32>,
      %get3A_74 = arith.constant 48 : index
      %get3A_75 = tpu.vector_load %arg8[%get3A_74] {strides = array<i32>} : memref<80xi32, #tpu.memory_space<vmem>>, vector<16xi32>,
      %get3A_76 = vector.shape_cast %get3A_75 : vector<16xi32> to vector<16xi32>
      %add3A_77 = vector.broadcast %mul3A_27 : i32 to vector<16xi32>
      %add3A_78 = arith.addi %get3A_76, %add3A_77 : vector<16xi32>
      %swap3A_79 = arith.constant 48 : index
      %swap3A_80 = tpu.vector_load %arg8[%swap3A_79] {strides = array<i32>} : memref<80xi32, #tpu.memory_space<vmem>>, vector<16xi32>,
      %swap3A_81 = vector.shape_cast %swap3A_80 : vector<16xi32> to vector<16xi32>
      %swap3A_82 = vector.shape_cast %add3A_78 : vector<16xi32> to vector<16xi32>
      tpu.vector_store %arg8[%swap3A_79], %swap3A_82 {strides = array<i32>} : memref<80xi32, #tpu.memory_space<vmem>>, vector<16xi32>,
      %get3A_83 = arith.constant 64 : index
      %get3A_84 = tpu.vector_load %arg8[%get3A_83] {strides = array<i32>} : memref<80xi32, #tpu.memory_space<vmem>>, vector<16xi32>,
      %get3A_85 = vector.shape_cast %get3A_84 : vector<16xi32> to vector<16xi32>
      %add3A_86 = vector.broadcast %mul3A_27 : i32 to vector<16xi32>
      %add3A_87 = arith.addi %get3A_85, %add3A_86 : vector<16xi32>
      %swap3A_88 = arith.constant 64 : index
      %swap3A_89 = tpu.vector_load %arg8[%swap3A_88] {strides = array<i32>} : memref<80xi32, #tpu.memory_space<vmem>>, vector<16xi32>,
      %swap3A_90 = vector.shape_cast %swap3A_89 : vector<16xi32> to vector<16xi32>
      %swap3A_91 = vector.shape_cast %add3A_87 : vector<16xi32> to vector<16xi32>
      tpu.vector_store %arg8[%swap3A_88], %swap3A_91 {strides = array<i32>} : memref<80xi32, #tpu.memory_space<vmem>>, vector<16xi32>,
      %dma_start3A = arith.constant 0 : i32
      %dma_start3A_92 = arith.constant 0 : i32
      %dma_start3A_93 = tpu.memref_slice %arg2[%dma_start3A, %dma_start3A_92] : memref<20000x128xf32, #tpu.memory_space<hbm>> -> memref<20000x128xf32, #tpu.memory_space<hbm>>
      tpu.enqueue_indirect_dma source(%dma_start3A_93 : memref<20000x128xf32, #tpu.memory_space<hbm>>) target(%arg9 : memref<80x128xf32, #tpu.memory_space<vmem>>) offsets(%arg8 : memref<80xi32, #tpu.memory_space<vmem>>) semaphore(%arg10 : memref<!tpu.dma_semaphore, #tpu.memory_space<semaphore_mem>>)
      %dma_wait3A = arith.constant 0 : i32
      %dma_wait3A_94 = arith.constant 0 : i32
      %dma_wait3A_95 = tpu.memref_slice %arg2[%dma_wait3A, %dma_wait3A_94] : memref<20000x128xf32, #tpu.memory_space<hbm>> -> memref<20000x128xf32, #tpu.memory_space<hbm>>
      tpu.wait_indirect_dma semaphore(%arg10 : memref<!tpu.dma_semaphore, #tpu.memory_space<semaphore_mem>>) src(%dma_wait3A_95 : memref<20000x128xf32, #tpu.memory_space<hbm>>) dst(%arg9 : memref<80x128xf32, #tpu.memory_space<vmem>>)
      "tpu.region"() ({
        %run_scoped3A = tpu.sem_alloc : memref<!tpu.dma_semaphore, #tpu.memory_space<semaphore_mem>>
        %dma_start3A_96 = arith.constant 0 : i32
        %dma_start3A_97 = arith.constant 0 : i32
        %dma_start3A_98 = tpu.memref_slice %arg6[%dma_start3A_96, %dma_start3A_97] : memref<10000x128xf32, #tpu.memory_space<vmem_shared>> -> memref<10000x128xf32, #tpu.memory_space<vmem_shared>>
        tpu.enqueue_indirect_dma source(%arg9 : memref<80x128xf32, #tpu.memory_space<vmem>>) target(%dma_start3A_98 : memref<10000x128xf32, #tpu.memory_space<vmem_shared>>) offsets(%arg7 : memref<80xi32, #tpu.memory_space<vmem>>) semaphore(%run_scoped3A : memref<!tpu.dma_semaphore, #tpu.memory_space<semaphore_mem>>) {add = true}
        %dma_wait3A_99 = arith.constant 0 : i32
        %dma_wait3A_100 = arith.constant 0 : i32
        %dma_wait3A_101 = tpu.memref_slice %arg6[%dma_wait3A_99, %dma_wait3A_100] : memref<10000x128xf32, #tpu.memory_space<vmem_shared>> -> memref<10000x128xf32, #tpu.memory_space<vmem_shared>>
        tpu.wait_indirect_dma semaphore(%run_scoped3A : memref<!tpu.dma_semaphore, #tpu.memory_space<semaphore_mem>>) src(%arg9 : memref<80x128xf32, #tpu.memory_space<vmem>>) dst(%dma_wait3A_101 : memref<10000x128xf32, #tpu.memory_space<vmem_shared>>)
        tpu.yield
      }) : () -> ()
    }
    %scan3A_33 = arith.constant 125 : i32
    %barrier3A_34 = arith.constant 0 : index
    tpu.barrier barrier_id(%barrier3A_34)
    %mul3A_35 = arith.constant 624 : i32
    %mul3A_36 = arith.muli %arg1, %mul3A_35 : i32
    %mul3A_37 = arith.constant 10000 : i32
    %mul3A_38 = arith.muli %arg0, %mul3A_37 : i32
    %add3A_39 = arith.addi %mul3A_38, %mul3A_36 : i32
    "tpu.region"() ({
      %run_scoped3A = tpu.sem_alloc : memref<!tpu.dma_semaphore, #tpu.memory_space<semaphore_mem>>
      %dma_start3A = arith.constant 0 : i32
      %dma_start3A_45 = tpu.memref_slice %arg5[%add3A_39, %dma_start3A] : memref<20000x128xf32, #tpu.memory_space<hbm>> -> memref<624x128xf32, #tpu.memory_space<hbm>>
      %dma_start3A_46 = arith.constant 0 : i32
      %dma_start3A_47 = tpu.memref_slice %arg6[%mul3A_36, %dma_start3A_46] : memref<10000x128xf32, #tpu.memory_space<vmem_shared>> -> memref<624x128xf32, #tpu.memory_space<vmem_shared>>
      tpu.enqueue_dma source(%dma_start3A_47 : memref<624x128xf32, #tpu.memory_space<vmem_shared>>) target(%dma_start3A_45 : memref<624x128xf32, #tpu.memory_space<hbm>>) target_semaphore(%run_scoped3A : memref<!tpu.dma_semaphore, #tpu.memory_space<semaphore_mem>>)
      %dma_wait3A = arith.constant 0 : i32
      %dma_wait3A_48 = tpu.memref_slice %arg5[%add3A_39, %dma_wait3A] : memref<20000x128xf32, #tpu.memory_space<hbm>> -> memref<624x128xf32, #tpu.memory_space<hbm>>
      %dma_wait3A_49 = arith.constant 0 : i32
      %dma_wait3A_50 = tpu.memref_slice %arg6[%mul3A_36, %dma_wait3A_49] : memref<10000x128xf32, #tpu.memory_space<vmem_shared>> -> memref<624x128xf32, #tpu.memory_space<vmem_shared>>
      tpu.wait_dma2 semaphore(%run_scoped3A : memref<!tpu.dma_semaphore, #tpu.memory_space<semaphore_mem>>) src(%dma_wait3A_50 : memref<624x128xf32, #tpu.memory_space<vmem_shared>>) dst(%dma_wait3A_48 : memref<624x128xf32, #tpu.memory_space<hbm>>)
      tpu.yield
    }) : () -> ()
    %eq3A_40 = arith.constant 0 : i32
    %eq3A_41 = arith.cmpi eq, %arg1, %eq3A_40 : i32
    %convert_element_type3A_42 = arith.extui %eq3A_41 : i1 to i32
    %cond3A_43 = arith.constant 0 : i32
    %cond3A_44 = arith.cmpi ne, %convert_element_type3A_42, %cond3A_43 : i32
    scf.if %cond3A_44 {
      %mul3A_45 = arith.constant 10000 : i32
      %mul3A_46 = arith.muli %arg0, %mul3A_45 : i32
      %add3A_47 = arith.constant 10000 : i32
      %add3A_48 = arith.addi %mul3A_46, %add3A_47 : i32
      %sub3A = arith.constant 16 : i32
      %sub3A_49 = arith.subi %add3A_48, %sub3A : i32
      "tpu.region"() ({
        %run_scoped3A = tpu.sem_alloc : memref<!tpu.dma_semaphore, #tpu.memory_space<semaphore_mem>>
        %dma_start3A = arith.constant 0 : i32
        %dma_start3A_50 = tpu.memref_slice %arg5[%sub3A_49, %dma_start3A] : memref<20000x128xf32, #tpu.memory_space<hbm>> -> memref<16x128xf32, #tpu.memory_space<hbm>>
        %dma_start3A_51 = arith.constant 9984 : i32
        %dma_start3A_52 = arith.constant 0 : i32
        %dma_start3A_53 = tpu.memref_slice %arg6[%dma_start3A_51, %dma_start3A_52] : memref<10000x128xf32, #tpu.memory_space<vmem_shared>> -> memref<16x128xf32, #tpu.memory_space<vmem_shared>>
        tpu.enqueue_dma source(%dma_start3A_53 : memref<16x128xf32, #tpu.memory_space<vmem_shared>>) target(%dma_start3A_50 : memref<16x128xf32, #tpu.memory_space<hbm>>) target_semaphore(%run_scoped3A : memref<!tpu.dma_semaphore, #tpu.memory_space<semaphore_mem>>)
        %dma_wait3A = arith.constant 0 : i32
        %dma_wait3A_54 = tpu.memref_slice %arg5[%sub3A_49, %dma_wait3A] : memref<20000x128xf32, #tpu.memory_space<hbm>> -> memref<16x128xf32, #tpu.memory_space<hbm>>
        %dma_wait3A_55 = arith.constant 9984 : i32
        %dma_wait3A_56 = arith.constant 0 : i32
        %dma_wait3A_57 = tpu.memref_slice %arg6[%dma_wait3A_55, %dma_wait3A_56] : memref<10000x128xf32, #tpu.memory_space<vmem_shared>> -> memref<16x128xf32, #tpu.memory_space<vmem_shared>>
        tpu.wait_dma2 semaphore(%run_scoped3A : memref<!tpu.dma_semaphore, #tpu.memory_space<semaphore_mem>>) src(%dma_wait3A_57 : memref<16x128xf32, #tpu.memory_space<vmem_shared>>) dst(%dma_wait3A_54 : memref<16x128xf32, #tpu.memory_space<hbm>>)
        tpu.yield
      }) : () -> ()
    } else {
    }
    return
  }
}

#map = affine_map<(d0, d1) -> (0, 0)>
#map1 = affine_map<(d0, d1) -> (0)>
module attributes {stable_mosaic.version = 14 : i64} {
  func.func @_sc_gcn(%arg0: i32, %arg1: i32, %arg2: memref<20000x128xf32, #tpu.memory_space<hbm>>, %arg3: memref<160000xi32, #tpu.memory_space<hbm>>, %arg4: memref<160000xi32, #tpu.memory_space<hbm>>, %arg5: memref<20000x128xf32, #tpu.memory_space<hbm>>, %arg6: memref<10000x128xf32, #tpu.memory_space<vmem_shared>>, %arg7: memref<80xi32, #tpu.memory_space<vmem>>, %arg8: memref<80xi32, #tpu.memory_space<vmem>>, %arg9: memref<80x128xf32, #tpu.memory_space<vmem>>, %arg10: memref<!tpu.dma_semaphore, #tpu.memory_space<semaphore_mem>>) attributes {dimension_semantics = [#tpu.dimension_semantics<core_parallel>, #tpu.dimension_semantics<subcore_parallel>], iteration_bounds = array<i64: 2, 16>, scalar_prefetch = 0 : i64, scratch_operands = 5 : i64, tpu.core_type = #tpu.core_type<sc_vector_subcore>, window_params = [{transform_indices = #map}, {transform_indices = #map1}, {transform_indices = #map1}, {transform_indices = #map}]} {
    %broadcast_in_dim3A = arith.constant 0.000000e+00 : f32
    %broadcast_in_dim3A_0 = vector.broadcast %broadcast_in_dim3A : f32 to vector<16xf32>
    %scan3A = arith.constant 0 : i32
    %scan3A_1 = arith.constant 0 : i32
    %scan3A_2 = arith.constant 80 : i32
    %scan3A_3 = arith.addi %scan3A_1, %scan3A_2 : i32
    %scan3A_4 = arith.constant 1 : i32
    scf.for %scan3A_45 = %scan3A_1 to %scan3A_3 step %scan3A_4  : i32 {
      %swap3A = arith.index_cast %scan3A_45 : i32 to index
      %swap3A_46 = arith.constant 0 : index
      %swap3A_47 = tpu.vector_load %arg9[%swap3A, %swap3A_46] {strides = array<i32>} : memref<80x128xf32, #tpu.memory_space<vmem>>, vector<1x16xf32>,
      %swap3A_48 = vector.shape_cast %swap3A_47 : vector<1x16xf32> to vector<16xf32>
      %swap3A_49 = vector.shape_cast %broadcast_in_dim3A_0 : vector<16xf32> to vector<1x16xf32>
      tpu.vector_store %arg9[%swap3A, %swap3A_46], %swap3A_49 {strides = array<i32>} : memref<80x128xf32, #tpu.memory_space<vmem>>, vector<1x16xf32>,
      %swap3A_50 = arith.index_cast %scan3A_45 : i32 to index
      %swap3A_51 = arith.constant 16 : index
      %swap3A_52 = tpu.vector_load %arg9[%swap3A_50, %swap3A_51] {strides = array<i32>} : memref<80x128xf32, #tpu.memory_space<vmem>>, vector<1x16xf32>,
      %swap3A_53 = vector.shape_cast %swap3A_52 : vector<1x16xf32> to vector<16xf32>
      %swap3A_54 = vector.shape_cast %broadcast_in_dim3A_0 : vector<16xf32> to vector<1x16xf32>
      tpu.vector_store %arg9[%swap3A_50, %swap3A_51], %swap3A_54 {strides = array<i32>} : memref<80x128xf32, #tpu.memory_space<vmem>>, vector<1x16xf32>,
      %swap3A_55 = arith.index_cast %scan3A_45 : i32 to index
      %swap3A_56 = arith.constant 32 : index
      %swap3A_57 = tpu.vector_load %arg9[%swap3A_55, %swap3A_56] {strides = array<i32>} : memref<80x128xf32, #tpu.memory_space<vmem>>, vector<1x16xf32>,
      %swap3A_58 = vector.shape_cast %swap3A_57 : vector<1x16xf32> to vector<16xf32>
      %swap3A_59 = vector.shape_cast %broadcast_in_dim3A_0 : vector<16xf32> to vector<1x16xf32>
      tpu.vector_store %arg9[%swap3A_55, %swap3A_56], %swap3A_59 {strides = array<i32>} : memref<80x128xf32, #tpu.memory_space<vmem>>, vector<1x16xf32>,
      %swap3A_60 = arith.index_cast %scan3A_45 : i32 to index
      %swap3A_61 = arith.constant 48 : index
      %swap3A_62 = tpu.vector_load %arg9[%swap3A_60, %swap3A_61] {strides = array<i32>} : memref<80x128xf32, #tpu.memory_space<vmem>>, vector<1x16xf32>,
      %swap3A_63 = vector.shape_cast %swap3A_62 : vector<1x16xf32> to vector<16xf32>
      %swap3A_64 = vector.shape_cast %broadcast_in_dim3A_0 : vector<16xf32> to vector<1x16xf32>
      tpu.vector_store %arg9[%swap3A_60, %swap3A_61], %swap3A_64 {strides = array<i32>} : memref<80x128xf32, #tpu.memory_space<vmem>>, vector<1x16xf32>,
      %swap3A_65 = arith.index_cast %scan3A_45 : i32 to index
      %swap3A_66 = arith.constant 64 : index
      %swap3A_67 = tpu.vector_load %arg9[%swap3A_65, %swap3A_66] {strides = array<i32>} : memref<80x128xf32, #tpu.memory_space<vmem>>, vector<1x16xf32>,
      %swap3A_68 = vector.shape_cast %swap3A_67 : vector<1x16xf32> to vector<16xf32>
      %swap3A_69 = vector.shape_cast %broadcast_in_dim3A_0 : vector<16xf32> to vector<1x16xf32>
      tpu.vector_store %arg9[%swap3A_65, %swap3A_66], %swap3A_69 {strides = array<i32>} : memref<80x128xf32, #tpu.memory_space<vmem>>, vector<1x16xf32>,
      %swap3A_70 = arith.index_cast %scan3A_45 : i32 to index
      %swap3A_71 = arith.constant 80 : index
      %swap3A_72 = tpu.vector_load %arg9[%swap3A_70, %swap3A_71] {strides = array<i32>} : memref<80x128xf32, #tpu.memory_space<vmem>>, vector<1x16xf32>,
      %swap3A_73 = vector.shape_cast %swap3A_72 : vector<1x16xf32> to vector<16xf32>
      %swap3A_74 = vector.shape_cast %broadcast_in_dim3A_0 : vector<16xf32> to vector<1x16xf32>
      tpu.vector_store %arg9[%swap3A_70, %swap3A_71], %swap3A_74 {strides = array<i32>} : memref<80x128xf32, #tpu.memory_space<vmem>>, vector<1x16xf32>,
      %swap3A_75 = arith.index_cast %scan3A_45 : i32 to index
      %swap3A_76 = arith.constant 96 : index
      %swap3A_77 = tpu.vector_load %arg9[%swap3A_75, %swap3A_76] {strides = array<i32>} : memref<80x128xf32, #tpu.memory_space<vmem>>, vector<1x16xf32>,
      %swap3A_78 = vector.shape_cast %swap3A_77 : vector<1x16xf32> to vector<16xf32>
      %swap3A_79 = vector.shape_cast %broadcast_in_dim3A_0 : vector<16xf32> to vector<1x16xf32>
      tpu.vector_store %arg9[%swap3A_75, %swap3A_76], %swap3A_79 {strides = array<i32>} : memref<80x128xf32, #tpu.memory_space<vmem>>, vector<1x16xf32>,
      %swap3A_80 = arith.index_cast %scan3A_45 : i32 to index
      %swap3A_81 = arith.constant 112 : index
      %swap3A_82 = tpu.vector_load %arg9[%swap3A_80, %swap3A_81] {strides = array<i32>} : memref<80x128xf32, #tpu.memory_space<vmem>>, vector<1x16xf32>,
      %swap3A_83 = vector.shape_cast %swap3A_82 : vector<1x16xf32> to vector<16xf32>
      %swap3A_84 = vector.shape_cast %broadcast_in_dim3A_0 : vector<16xf32> to vector<1x16xf32>
      tpu.vector_store %arg9[%swap3A_80, %swap3A_81], %swap3A_84 {strides = array<i32>} : memref<80x128xf32, #tpu.memory_space<vmem>>, vector<1x16xf32>,
    }
    %scan3A_5 = arith.constant 80 : i32
    %mul3A = arith.constant 624 : i32
    %mul3A_6 = arith.muli %arg1, %mul3A : i32
    %add3A = arith.constant 0 : i32
    %add3A_7 = arith.addi %mul3A_6, %add3A : i32
    "tpu.region"() ({
      %run_scoped3A = tpu.sem_alloc : memref<!tpu.dma_semaphore, #tpu.memory_space<semaphore_mem>>
      %dma_start3A = arith.constant 0 : i32
      %dma_start3A_45 = tpu.memref_slice %arg6[%add3A_7, %dma_start3A] : memref<10000x128xf32, #tpu.memory_space<vmem_shared>> -> memref<80x128xf32, #tpu.memory_space<vmem_shared>>
      %dma_start3A_46 = arith.constant 0 : i32
      %dma_start3A_47 = tpu.memref_slice %arg6[%add3A_7, %dma_start3A_46] : memref<10000x128xf32, #tpu.memory_space<vmem_shared>> -> memref<80x128xf32, #tpu.memory_space<vmem_shared>>
      tpu.enqueue_dma source(%arg9 : memref<80x128xf32, #tpu.memory_space<vmem>>) target(%dma_start3A_47 : memref<80x128xf32, #tpu.memory_space<vmem_shared>>) target_semaphore(%run_scoped3A : memref<!tpu.dma_semaphore, #tpu.memory_space<semaphore_mem>>)
      %dma_wait3A = arith.constant 0 : i32
      %dma_wait3A_48 = tpu.memref_slice %arg6[%add3A_7, %dma_wait3A] : memref<10000x128xf32, #tpu.memory_space<vmem_shared>> -> memref<80x128xf32, #tpu.memory_space<vmem_shared>>
      %dma_wait3A_49 = arith.constant 0 : i32
      %dma_wait3A_50 = tpu.memref_slice %arg6[%add3A_7, %dma_wait3A_49] : memref<10000x128xf32, #tpu.memory_space<vmem_shared>> -> memref<80x128xf32, #tpu.memory_space<vmem_shared>>
      tpu.wait_dma2 semaphore(%run_scoped3A : memref<!tpu.dma_semaphore, #tpu.memory_space<semaphore_mem>>) src(%arg9 : memref<80x128xf32, #tpu.memory_space<vmem>>) dst(%dma_wait3A_50 : memref<80x128xf32, #tpu.memory_space<vmem_shared>>)
      tpu.yield
    }) : () -> ()
    %add3A_8 = arith.constant 80 : i32
    %add3A_9 = arith.addi %mul3A_6, %add3A_8 : i32
    "tpu.region"() ({
      %run_scoped3A = tpu.sem_alloc : memref<!tpu.dma_semaphore, #tpu.memory_space<semaphore_mem>>
      %dma_start3A = arith.constant 0 : i32
      %dma_start3A_45 = tpu.memref_slice %arg6[%add3A_9, %dma_start3A] : memref<10000x128xf32, #tpu.memory_space<vmem_shared>> -> memref<80x128xf32, #tpu.memory_space<vmem_shared>>
      %dma_start3A_46 = arith.constant 0 : i32
      %dma_start3A_47 = tpu.memref_slice %arg6[%add3A_9, %dma_start3A_46] : memref<10000x128xf32, #tpu.memory_space<vmem_shared>> -> memref<80x128xf32, #tpu.memory_space<vmem_shared>>
      tpu.enqueue_dma source(%arg9 : memref<80x128xf32, #tpu.memory_space<vmem>>) target(%dma_start3A_47 : memref<80x128xf32, #tpu.memory_space<vmem_shared>>) target_semaphore(%run_scoped3A : memref<!tpu.dma_semaphore, #tpu.memory_space<semaphore_mem>>)
      %dma_wait3A = arith.constant 0 : i32
      %dma_wait3A_48 = tpu.memref_slice %arg6[%add3A_9, %dma_wait3A] : memref<10000x128xf32, #tpu.memory_space<vmem_shared>> -> memref<80x128xf32, #tpu.memory_space<vmem_shared>>
      %dma_wait3A_49 = arith.constant 0 : i32
      %dma_wait3A_50 = tpu.memref_slice %arg6[%add3A_9, %dma_wait3A_49] : memref<10000x128xf32, #tpu.memory_space<vmem_shared>> -> memref<80x128xf32, #tpu.memory_space<vmem_shared>>
      tpu.wait_dma2 semaphore(%run_scoped3A : memref<!tpu.dma_semaphore, #tpu.memory_space<semaphore_mem>>) src(%arg9 : memref<80x128xf32, #tpu.memory_space<vmem>>) dst(%dma_wait3A_50 : memref<80x128xf32, #tpu.memory_space<vmem_shared>>)
      tpu.yield
    }) : () -> ()
    %add3A_10 = arith.constant 160 : i32
    %add3A_11 = arith.addi %mul3A_6, %add3A_10 : i32
    "tpu.region"() ({
      %run_scoped3A = tpu.sem_alloc : memref<!tpu.dma_semaphore, #tpu.memory_space<semaphore_mem>>
      %dma_start3A = arith.constant 0 : i32
      %dma_start3A_45 = tpu.memref_slice %arg6[%add3A_11, %dma_start3A] : memref<10000x128xf32, #tpu.memory_space<vmem_shared>> -> memref<80x128xf32, #tpu.memory_space<vmem_shared>>
      %dma_start3A_46 = arith.constant 0 : i32
      %dma_start3A_47 = tpu.memref_slice %arg6[%add3A_11, %dma_start3A_46] : memref<10000x128xf32, #tpu.memory_space<vmem_shared>> -> memref<80x128xf32, #tpu.memory_space<vmem_shared>>
      tpu.enqueue_dma source(%arg9 : memref<80x128xf32, #tpu.memory_space<vmem>>) target(%dma_start3A_47 : memref<80x128xf32, #tpu.memory_space<vmem_shared>>) target_semaphore(%run_scoped3A : memref<!tpu.dma_semaphore, #tpu.memory_space<semaphore_mem>>)
      %dma_wait3A = arith.constant 0 : i32
      %dma_wait3A_48 = tpu.memref_slice %arg6[%add3A_11, %dma_wait3A] : memref<10000x128xf32, #tpu.memory_space<vmem_shared>> -> memref<80x128xf32, #tpu.memory_space<vmem_shared>>
      %dma_wait3A_49 = arith.constant 0 : i32
      %dma_wait3A_50 = tpu.memref_slice %arg6[%add3A_11, %dma_wait3A_49] : memref<10000x128xf32, #tpu.memory_space<vmem_shared>> -> memref<80x128xf32, #tpu.memory_space<vmem_shared>>
      tpu.wait_dma2 semaphore(%run_scoped3A : memref<!tpu.dma_semaphore, #tpu.memory_space<semaphore_mem>>) src(%arg9 : memref<80x128xf32, #tpu.memory_space<vmem>>) dst(%dma_wait3A_50 : memref<80x128xf32, #tpu.memory_space<vmem_shared>>)
      tpu.yield
    }) : () -> ()
    %add3A_12 = arith.constant 240 : i32
    %add3A_13 = arith.addi %mul3A_6, %add3A_12 : i32
    "tpu.region"() ({
      %run_scoped3A = tpu.sem_alloc : memref<!tpu.dma_semaphore, #tpu.memory_space<semaphore_mem>>
      %dma_start3A = arith.constant 0 : i32
      %dma_start3A_45 = tpu.memref_slice %arg6[%add3A_13, %dma_start3A] : memref<10000x128xf32, #tpu.memory_space<vmem_shared>> -> memref<80x128xf32, #tpu.memory_space<vmem_shared>>
      %dma_start3A_46 = arith.constant 0 : i32
      %dma_start3A_47 = tpu.memref_slice %arg6[%add3A_13, %dma_start3A_46] : memref<10000x128xf32, #tpu.memory_space<vmem_shared>> -> memref<80x128xf32, #tpu.memory_space<vmem_shared>>
      tpu.enqueue_dma source(%arg9 : memref<80x128xf32, #tpu.memory_space<vmem>>) target(%dma_start3A_47 : memref<80x128xf32, #tpu.memory_space<vmem_shared>>) target_semaphore(%run_scoped3A : memref<!tpu.dma_semaphore, #tpu.memory_space<semaphore_mem>>)
      %dma_wait3A = arith.constant 0 : i32
      %dma_wait3A_48 = tpu.memref_slice %arg6[%add3A_13, %dma_wait3A] : memref<10000x128xf32, #tpu.memory_space<vmem_shared>> -> memref<80x128xf32, #tpu.memory_space<vmem_shared>>
      %dma_wait3A_49 = arith.constant 0 : i32
      %dma_wait3A_50 = tpu.memref_slice %arg6[%add3A_13, %dma_wait3A_49] : memref<10000x128xf32, #tpu.memory_space<vmem_shared>> -> memref<80x128xf32, #tpu.memory_space<vmem_shared>>
      tpu.wait_dma2 semaphore(%run_scoped3A : memref<!tpu.dma_semaphore, #tpu.memory_space<semaphore_mem>>) src(%arg9 : memref<80x128xf32, #tpu.memory_space<vmem>>) dst(%dma_wait3A_50 : memref<80x128xf32, #tpu.memory_space<vmem_shared>>)
      tpu.yield
    }) : () -> ()
    %add3A_14 = arith.constant 320 : i32
    %add3A_15 = arith.addi %mul3A_6, %add3A_14 : i32
    "tpu.region"() ({
      %run_scoped3A = tpu.sem_alloc : memref<!tpu.dma_semaphore, #tpu.memory_space<semaphore_mem>>
      %dma_start3A = arith.constant 0 : i32
      %dma_start3A_45 = tpu.memref_slice %arg6[%add3A_15, %dma_start3A] : memref<10000x128xf32, #tpu.memory_space<vmem_shared>> -> memref<80x128xf32, #tpu.memory_space<vmem_shared>>
      %dma_start3A_46 = arith.constant 0 : i32
      %dma_start3A_47 = tpu.memref_slice %arg6[%add3A_15, %dma_start3A_46] : memref<10000x128xf32, #tpu.memory_space<vmem_shared>> -> memref<80x128xf32, #tpu.memory_space<vmem_shared>>
      tpu.enqueue_dma source(%arg9 : memref<80x128xf32, #tpu.memory_space<vmem>>) target(%dma_start3A_47 : memref<80x128xf32, #tpu.memory_space<vmem_shared>>) target_semaphore(%run_scoped3A : memref<!tpu.dma_semaphore, #tpu.memory_space<semaphore_mem>>)
      %dma_wait3A = arith.constant 0 : i32
      %dma_wait3A_48 = tpu.memref_slice %arg6[%add3A_15, %dma_wait3A] : memref<10000x128xf32, #tpu.memory_space<vmem_shared>> -> memref<80x128xf32, #tpu.memory_space<vmem_shared>>
      %dma_wait3A_49 = arith.constant 0 : i32
      %dma_wait3A_50 = tpu.memref_slice %arg6[%add3A_15, %dma_wait3A_49] : memref<10000x128xf32, #tpu.memory_space<vmem_shared>> -> memref<80x128xf32, #tpu.memory_space<vmem_shared>>
      tpu.wait_dma2 semaphore(%run_scoped3A : memref<!tpu.dma_semaphore, #tpu.memory_space<semaphore_mem>>) src(%arg9 : memref<80x128xf32, #tpu.memory_space<vmem>>) dst(%dma_wait3A_50 : memref<80x128xf32, #tpu.memory_space<vmem_shared>>)
      tpu.yield
    }) : () -> ()
    %add3A_16 = arith.constant 400 : i32
    %add3A_17 = arith.addi %mul3A_6, %add3A_16 : i32
    "tpu.region"() ({
      %run_scoped3A = tpu.sem_alloc : memref<!tpu.dma_semaphore, #tpu.memory_space<semaphore_mem>>
      %dma_start3A = arith.constant 0 : i32
      %dma_start3A_45 = tpu.memref_slice %arg6[%add3A_17, %dma_start3A] : memref<10000x128xf32, #tpu.memory_space<vmem_shared>> -> memref<80x128xf32, #tpu.memory_space<vmem_shared>>
      %dma_start3A_46 = arith.constant 0 : i32
      %dma_start3A_47 = tpu.memref_slice %arg6[%add3A_17, %dma_start3A_46] : memref<10000x128xf32, #tpu.memory_space<vmem_shared>> -> memref<80x128xf32, #tpu.memory_space<vmem_shared>>
      tpu.enqueue_dma source(%arg9 : memref<80x128xf32, #tpu.memory_space<vmem>>) target(%dma_start3A_47 : memref<80x128xf32, #tpu.memory_space<vmem_shared>>) target_semaphore(%run_scoped3A : memref<!tpu.dma_semaphore, #tpu.memory_space<semaphore_mem>>)
      %dma_wait3A = arith.constant 0 : i32
      %dma_wait3A_48 = tpu.memref_slice %arg6[%add3A_17, %dma_wait3A] : memref<10000x128xf32, #tpu.memory_space<vmem_shared>> -> memref<80x128xf32, #tpu.memory_space<vmem_shared>>
      %dma_wait3A_49 = arith.constant 0 : i32
      %dma_wait3A_50 = tpu.memref_slice %arg6[%add3A_17, %dma_wait3A_49] : memref<10000x128xf32, #tpu.memory_space<vmem_shared>> -> memref<80x128xf32, #tpu.memory_space<vmem_shared>>
      tpu.wait_dma2 semaphore(%run_scoped3A : memref<!tpu.dma_semaphore, #tpu.memory_space<semaphore_mem>>) src(%arg9 : memref<80x128xf32, #tpu.memory_space<vmem>>) dst(%dma_wait3A_50 : memref<80x128xf32, #tpu.memory_space<vmem_shared>>)
      tpu.yield
    }) : () -> ()
    %add3A_18 = arith.constant 480 : i32
    %add3A_19 = arith.addi %mul3A_6, %add3A_18 : i32
    "tpu.region"() ({
      %run_scoped3A = tpu.sem_alloc : memref<!tpu.dma_semaphore, #tpu.memory_space<semaphore_mem>>
      %dma_start3A = arith.constant 0 : i32
      %dma_start3A_45 = tpu.memref_slice %arg6[%add3A_19, %dma_start3A] : memref<10000x128xf32, #tpu.memory_space<vmem_shared>> -> memref<80x128xf32, #tpu.memory_space<vmem_shared>>
      %dma_start3A_46 = arith.constant 0 : i32
      %dma_start3A_47 = tpu.memref_slice %arg6[%add3A_19, %dma_start3A_46] : memref<10000x128xf32, #tpu.memory_space<vmem_shared>> -> memref<80x128xf32, #tpu.memory_space<vmem_shared>>
      tpu.enqueue_dma source(%arg9 : memref<80x128xf32, #tpu.memory_space<vmem>>) target(%dma_start3A_47 : memref<80x128xf32, #tpu.memory_space<vmem_shared>>) target_semaphore(%run_scoped3A : memref<!tpu.dma_semaphore, #tpu.memory_space<semaphore_mem>>)
      %dma_wait3A = arith.constant 0 : i32
      %dma_wait3A_48 = tpu.memref_slice %arg6[%add3A_19, %dma_wait3A] : memref<10000x128xf32, #tpu.memory_space<vmem_shared>> -> memref<80x128xf32, #tpu.memory_space<vmem_shared>>
      %dma_wait3A_49 = arith.constant 0 : i32
      %dma_wait3A_50 = tpu.memref_slice %arg6[%add3A_19, %dma_wait3A_49] : memref<10000x128xf32, #tpu.memory_space<vmem_shared>> -> memref<80x128xf32, #tpu.memory_space<vmem_shared>>
      tpu.wait_dma2 semaphore(%run_scoped3A : memref<!tpu.dma_semaphore, #tpu.memory_space<semaphore_mem>>) src(%arg9 : memref<80x128xf32, #tpu.memory_space<vmem>>) dst(%dma_wait3A_50 : memref<80x128xf32, #tpu.memory_space<vmem_shared>>)
      tpu.yield
    }) : () -> ()
    %add3A_20 = arith.constant 560 : i32
    %add3A_21 = arith.addi %mul3A_6, %add3A_20 : i32
    "tpu.region"() ({
      %run_scoped3A = tpu.sem_alloc : memref<!tpu.dma_semaphore, #tpu.memory_space<semaphore_mem>>
      %dma_start3A = arith.constant 0 : i32
      %dma_start3A_45 = arith.constant 0 : i32
      %dma_start3A_46 = tpu.memref_slice %arg9[%dma_start3A, %dma_start3A_45] : memref<80x128xf32, #tpu.memory_space<vmem>> -> memref<64x128xf32, #tpu.memory_space<vmem>>
      %dma_start3A_47 = arith.constant 0 : i32
      %dma_start3A_48 = tpu.memref_slice %arg6[%add3A_21, %dma_start3A_47] : memref<10000x128xf32, #tpu.memory_space<vmem_shared>> -> memref<64x128xf32, #tpu.memory_space<vmem_shared>>
      %dma_start3A_49 = arith.constant 0 : i32
      %dma_start3A_50 = tpu.memref_slice %arg6[%add3A_21, %dma_start3A_49] : memref<10000x128xf32, #tpu.memory_space<vmem_shared>> -> memref<64x128xf32, #tpu.memory_space<vmem_shared>>
      %dma_start3A_51 = arith.constant 0 : i32
      %dma_start3A_52 = arith.constant 0 : i32
      %dma_start3A_53 = tpu.memref_slice %arg9[%dma_start3A_51, %dma_start3A_52] : memref<80x128xf32, #tpu.memory_space<vmem>> -> memref<64x128xf32, #tpu.memory_space<vmem>>
      tpu.enqueue_dma source(%dma_start3A_53 : memref<64x128xf32, #tpu.memory_space<vmem>>) target(%dma_start3A_50 : memref<64x128xf32, #tpu.memory_space<vmem_shared>>) target_semaphore(%run_scoped3A : memref<!tpu.dma_semaphore, #tpu.memory_space<semaphore_mem>>)
      %dma_wait3A = arith.constant 0 : i32
      %dma_wait3A_54 = arith.constant 0 : i32
      %dma_wait3A_55 = tpu.memref_slice %arg9[%dma_wait3A, %dma_wait3A_54] : memref<80x128xf32, #tpu.memory_space<vmem>> -> memref<64x128xf32, #tpu.memory_space<vmem>>
      %dma_wait3A_56 = arith.constant 0 : i32
      %dma_wait3A_57 = tpu.memref_slice %arg6[%add3A_21, %dma_wait3A_56] : memref<10000x128xf32, #tpu.memory_space<vmem_shared>> -> memref<64x128xf32, #tpu.memory_space<vmem_shared>>
      %dma_wait3A_58 = arith.constant 0 : i32
      %dma_wait3A_59 = tpu.memref_slice %arg6[%add3A_21, %dma_wait3A_58] : memref<10000x128xf32, #tpu.memory_space<vmem_shared>> -> memref<64x128xf32, #tpu.memory_space<vmem_shared>>
      %dma_wait3A_60 = arith.constant 0 : i32
      %dma_wait3A_61 = arith.constant 0 : i32
      %dma_wait3A_62 = tpu.memref_slice %arg9[%dma_wait3A_60, %dma_wait3A_61] : memref<80x128xf32, #tpu.memory_space<vmem>> -> memref<64x128xf32, #tpu.memory_space<vmem>>
      tpu.wait_dma2 semaphore(%run_scoped3A : memref<!tpu.dma_semaphore, #tpu.memory_space<semaphore_mem>>) src(%dma_wait3A_62 : memref<64x128xf32, #tpu.memory_space<vmem>>) dst(%dma_wait3A_59 : memref<64x128xf32, #tpu.memory_space<vmem_shared>>)
      tpu.yield
    }) : () -> ()
    %eq3A = arith.constant 0 : i32
    %eq3A_22 = arith.cmpi eq, %arg1, %eq3A : i32
    %convert_element_type3A = arith.extui %eq3A_22 : i1 to i32
    %cond3A = arith.constant 0 : i32
    %cond3A_23 = arith.cmpi ne, %convert_element_type3A, %cond3A : i32
    scf.if %cond3A_23 {
      "tpu.region"() ({
        %run_scoped3A = tpu.sem_alloc : memref<!tpu.dma_semaphore, #tpu.memory_space<semaphore_mem>>
        %dma_start3A = arith.constant 0 : i32
        %dma_start3A_45 = arith.constant 0 : i32
        %dma_start3A_46 = tpu.memref_slice %arg9[%dma_start3A, %dma_start3A_45] : memref<80x128xf32, #tpu.memory_space<vmem>> -> memref<16x128xf32, #tpu.memory_space<vmem>>
        %dma_start3A_47 = arith.constant 9984 : i32
        %dma_start3A_48 = arith.constant 0 : i32
        %dma_start3A_49 = tpu.memref_slice %arg6[%dma_start3A_47, %dma_start3A_48] : memref<10000x128xf32, #tpu.memory_space<vmem_shared>> -> memref<16x128xf32, #tpu.memory_space<vmem_shared>>
        %dma_start3A_50 = arith.constant 9984 : i32
        %dma_start3A_51 = arith.constant 0 : i32
        %dma_start3A_52 = tpu.memref_slice %arg6[%dma_start3A_50, %dma_start3A_51] : memref<10000x128xf32, #tpu.memory_space<vmem_shared>> -> memref<16x128xf32, #tpu.memory_space<vmem_shared>>
        %dma_start3A_53 = arith.constant 0 : i32
        %dma_start3A_54 = arith.constant 0 : i32
        %dma_start3A_55 = tpu.memref_slice %arg9[%dma_start3A_53, %dma_start3A_54] : memref<80x128xf32, #tpu.memory_space<vmem>> -> memref<16x128xf32, #tpu.memory_space<vmem>>
        tpu.enqueue_dma source(%dma_start3A_55 : memref<16x128xf32, #tpu.memory_space<vmem>>) target(%dma_start3A_52 : memref<16x128xf32, #tpu.memory_space<vmem_shared>>) target_semaphore(%run_scoped3A : memref<!tpu.dma_semaphore, #tpu.memory_space<semaphore_mem>>)
        %dma_wait3A = arith.constant 0 : i32
        %dma_wait3A_56 = arith.constant 0 : i32
        %dma_wait3A_57 = tpu.memref_slice %arg9[%dma_wait3A, %dma_wait3A_56] : memref<80x128xf32, #tpu.memory_space<vmem>> -> memref<16x128xf32, #tpu.memory_space<vmem>>
        %dma_wait3A_58 = arith.constant 9984 : i32
        %dma_wait3A_59 = arith.constant 0 : i32
        %dma_wait3A_60 = tpu.memref_slice %arg6[%dma_wait3A_58, %dma_wait3A_59] : memref<10000x128xf32, #tpu.memory_space<vmem_shared>> -> memref<16x128xf32, #tpu.memory_space<vmem_shared>>
        %dma_wait3A_61 = arith.constant 9984 : i32
        %dma_wait3A_62 = arith.constant 0 : i32
        %dma_wait3A_63 = tpu.memref_slice %arg6[%dma_wait3A_61, %dma_wait3A_62] : memref<10000x128xf32, #tpu.memory_space<vmem_shared>> -> memref<16x128xf32, #tpu.memory_space<vmem_shared>>
        %dma_wait3A_64 = arith.constant 0 : i32
        %dma_wait3A_65 = arith.constant 0 : i32
        %dma_wait3A_66 = tpu.memref_slice %arg9[%dma_wait3A_64, %dma_wait3A_65] : memref<80x128xf32, #tpu.memory_space<vmem>> -> memref<16x128xf32, #tpu.memory_space<vmem>>
        tpu.wait_dma2 semaphore(%run_scoped3A : memref<!tpu.dma_semaphore, #tpu.memory_space<semaphore_mem>>) src(%dma_wait3A_66 : memref<16x128xf32, #tpu.memory_space<vmem>>) dst(%dma_wait3A_63 : memref<16x128xf32, #tpu.memory_space<vmem_shared>>)
        tpu.yield
      }) : () -> ()
    } else {
    }
    %barrier3A = arith.constant 0 : index
    tpu.barrier barrier_id(%barrier3A)
    %mul3A_24 = arith.constant 10000 : i32
    %mul3A_25 = arith.muli %arg1, %mul3A_24 : i32
    %mul3A_26 = arith.constant 10000 : i32
    %mul3A_27 = arith.muli %arg0, %mul3A_26 : i32
    %scan3A_28 = arith.constant 0 : i32
    %scan3A_29 = arith.constant 0 : i32
    %scan3A_30 = arith.constant 125 : i32
    %scan3A_31 = arith.addi %scan3A_29, %scan3A_30 : i32
    %scan3A_32 = arith.constant 1 : i32
    scf.for %scan3A_45 = %scan3A_29 to %scan3A_31 step %scan3A_32  : i32 {
      %mul3A_46 = arith.constant 80 : i32
      %mul3A_47 = arith.muli %scan3A_45, %mul3A_46 : i32
      %add3A_48 = arith.addi %mul3A_25, %mul3A_47 : i32
      "tpu.region"() ({
        %run_scoped3A = tpu.sem_alloc : memref<!tpu.dma_semaphore, #tpu.memory_space<semaphore_mem>>
        %dma_start3A_96 = tpu.memref_slice %arg3[%add3A_48] : memref<160000xi32, #tpu.memory_space<hbm>> -> memref<80xi32, #tpu.memory_space<hbm>>
        %dma_start3A_97 = tpu.memref_slice %arg3[%add3A_48] : memref<160000xi32, #tpu.memory_space<hbm>> -> memref<80xi32, #tpu.memory_space<hbm>>
        tpu.enqueue_dma source(%dma_start3A_97 : memref<80xi32, #tpu.memory_space<hbm>>) target(%arg7 : memref<80xi32, #tpu.memory_space<vmem>>) target_semaphore(%run_scoped3A : memref<!tpu.dma_semaphore, #tpu.memory_space<semaphore_mem>>)
        %dma_wait3A_98 = tpu.memref_slice %arg3[%add3A_48] : memref<160000xi32, #tpu.memory_space<hbm>> -> memref<80xi32, #tpu.memory_space<hbm>>
        %dma_wait3A_99 = tpu.memref_slice %arg3[%add3A_48] : memref<160000xi32, #tpu.memory_space<hbm>> -> memref<80xi32, #tpu.memory_space<hbm>>
        tpu.wait_dma2 semaphore(%run_scoped3A : memref<!tpu.dma_semaphore, #tpu.memory_space<semaphore_mem>>) src(%dma_wait3A_99 : memref<80xi32, #tpu.memory_space<hbm>>) dst(%arg7 : memref<80xi32, #tpu.memory_space<vmem>>)
        tpu.yield
      }) : () -> ()
      "tpu.region"() ({
        %run_scoped3A = tpu.sem_alloc : memref<!tpu.dma_semaphore, #tpu.memory_space<semaphore_mem>>
        %dma_start3A_96 = tpu.memref_slice %arg4[%add3A_48] : memref<160000xi32, #tpu.memory_space<hbm>> -> memref<80xi32, #tpu.memory_space<hbm>>
        %dma_start3A_97 = tpu.memref_slice %arg4[%add3A_48] : memref<160000xi32, #tpu.memory_space<hbm>> -> memref<80xi32, #tpu.memory_space<hbm>>
        tpu.enqueue_dma source(%dma_start3A_97 : memref<80xi32, #tpu.memory_space<hbm>>) target(%arg8 : memref<80xi32, #tpu.memory_space<vmem>>) target_semaphore(%run_scoped3A : memref<!tpu.dma_semaphore, #tpu.memory_space<semaphore_mem>>)
        %dma_wait3A_98 = tpu.memref_slice %arg4[%add3A_48] : memref<160000xi32, #tpu.memory_space<hbm>> -> memref<80xi32, #tpu.memory_space<hbm>>
        %dma_wait3A_99 = tpu.memref_slice %arg4[%add3A_48] : memref<160000xi32, #tpu.memory_space<hbm>> -> memref<80xi32, #tpu.memory_space<hbm>>
        tpu.wait_dma2 semaphore(%run_scoped3A : memref<!tpu.dma_semaphore, #tpu.memory_space<semaphore_mem>>) src(%dma_wait3A_99 : memref<80xi32, #tpu.memory_space<hbm>>) dst(%arg8 : memref<80xi32, #tpu.memory_space<vmem>>)
        tpu.yield
      }) : () -> ()
      %get3A = arith.constant 0 : index
      %get3A_49 = tpu.vector_load %arg8[%get3A] {strides = array<i32>} : memref<80xi32, #tpu.memory_space<vmem>>, vector<16xi32>,
      %get3A_50 = vector.shape_cast %get3A_49 : vector<16xi32> to vector<16xi32>
      %add3A_51 = vector.broadcast %mul3A_27 : i32 to vector<16xi32>
      %add3A_52 = arith.addi %get3A_50, %add3A_51 : vector<16xi32>
      %swap3A = arith.constant 0 : index
      %swap3A_53 = tpu.vector_load %arg8[%swap3A] {strides = array<i32>} : memref<80xi32, #tpu.memory_space<vmem>>, vector<16xi32>,
      %swap3A_54 = vector.shape_cast %swap3A_53 : vector<16xi32> to vector<16xi32>
      %swap3A_55 = vector.shape_cast %add3A_52 : vector<16xi32> to vector<16xi32>
      tpu.vector_store %arg8[%swap3A], %swap3A_55 {strides = array<i32>} : memref<80xi32, #tpu.memory_space<vmem>>, vector<16xi32>,
      %get3A_56 = arith.constant 16 : index
      %get3A_57 = tpu.vector_load %arg8[%get3A_56] {strides = array<i32>} : memref<80xi32, #tpu.memory_space<vmem>>, vector<16xi32>,
      %get3A_58 = vector.shape_cast %get3A_57 : vector<16xi32> to vector<16xi32>
      %add3A_59 = vector.broadcast %mul3A_27 : i32 to vector<16xi32>
      %add3A_60 = arith.addi %get3A_58, %add3A_59 : vector<16xi32>
      %swap3A_61 = arith.constant 16 : index
      %swap3A_62 = tpu.vector_load %arg8[%swap3A_61] {strides = array<i32>} : memref<80xi32, #tpu.memory_space<vmem>>, vector<16xi32>,
      %swap3A_63 = vector.shape_cast %swap3A_62 : vector<16xi32> to vector<16xi32>
      %swap3A_64 = vector.shape_cast %add3A_60 : vector<16xi32> to vector<16xi32>
      tpu.vector_store %arg8[%swap3A_61], %swap3A_64 {strides = array<i32>} : memref<80xi32, #tpu.memory_space<vmem>>, vector<16xi32>,
      %get3A_65 = arith.constant 32 : index
      %get3A_66 = tpu.vector_load %arg8[%get3A_65] {strides = array<i32>} : memref<80xi32, #tpu.memory_space<vmem>>, vector<16xi32>,
      %get3A_67 = vector.shape_cast %get3A_66 : vector<16xi32> to vector<16xi32>
      %add3A_68 = vector.broadcast %mul3A_27 : i32 to vector<16xi32>
      %add3A_69 = arith.addi %get3A_67, %add3A_68 : vector<16xi32>
      %swap3A_70 = arith.constant 32 : index
      %swap3A_71 = tpu.vector_load %arg8[%swap3A_70] {strides = array<i32>} : memref<80xi32, #tpu.memory_space<vmem>>, vector<16xi32>,
      %swap3A_72 = vector.shape_cast %swap3A_71 : vector<16xi32> to vector<16xi32>
      %swap3A_73 = vector.shape_cast %add3A_69 : vector<16xi32> to vector<16xi32>
      tpu.vector_store %arg8[%swap3A_70], %swap3A_73 {strides = array<i32>} : memref<80xi32, #tpu.memory_space<vmem>>, vector<16xi32>,
      %get3A_74 = arith.constant 48 : index
      %get3A_75 = tpu.vector_load %arg8[%get3A_74] {strides = array<i32>} : memref<80xi32, #tpu.memory_space<vmem>>, vector<16xi32>,
      %get3A_76 = vector.shape_cast %get3A_75 : vector<16xi32> to vector<16xi32>
      %add3A_77 = vector.broadcast %mul3A_27 : i32 to vector<16xi32>
      %add3A_78 = arith.addi %get3A_76, %add3A_77 : vector<16xi32>
      %swap3A_79 = arith.constant 48 : index
      %swap3A_80 = tpu.vector_load %arg8[%swap3A_79] {strides = array<i32>} : memref<80xi32, #tpu.memory_space<vmem>>, vector<16xi32>,
      %swap3A_81 = vector.shape_cast %swap3A_80 : vector<16xi32> to vector<16xi32>
      %swap3A_82 = vector.shape_cast %add3A_78 : vector<16xi32> to vector<16xi32>
      tpu.vector_store %arg8[%swap3A_79], %swap3A_82 {strides = array<i32>} : memref<80xi32, #tpu.memory_space<vmem>>, vector<16xi32>,
      %get3A_83 = arith.constant 64 : index
      %get3A_84 = tpu.vector_load %arg8[%get3A_83] {strides = array<i32>} : memref<80xi32, #tpu.memory_space<vmem>>, vector<16xi32>,
      %get3A_85 = vector.shape_cast %get3A_84 : vector<16xi32> to vector<16xi32>
      %add3A_86 = vector.broadcast %mul3A_27 : i32 to vector<16xi32>
      %add3A_87 = arith.addi %get3A_85, %add3A_86 : vector<16xi32>
      %swap3A_88 = arith.constant 64 : index
      %swap3A_89 = tpu.vector_load %arg8[%swap3A_88] {strides = array<i32>} : memref<80xi32, #tpu.memory_space<vmem>>, vector<16xi32>,
      %swap3A_90 = vector.shape_cast %swap3A_89 : vector<16xi32> to vector<16xi32>
      %swap3A_91 = vector.shape_cast %add3A_87 : vector<16xi32> to vector<16xi32>
      tpu.vector_store %arg8[%swap3A_88], %swap3A_91 {strides = array<i32>} : memref<80xi32, #tpu.memory_space<vmem>>, vector<16xi32>,
      %dma_start3A = arith.constant 0 : i32
      %dma_start3A_92 = arith.constant 0 : i32
      %dma_start3A_93 = tpu.memref_slice %arg2[%dma_start3A, %dma_start3A_92] : memref<20000x128xf32, #tpu.memory_space<hbm>> -> memref<20000x128xf32, #tpu.memory_space<hbm>>
      tpu.enqueue_indirect_dma source(%dma_start3A_93 : memref<20000x128xf32, #tpu.memory_space<hbm>>) target(%arg9 : memref<80x128xf32, #tpu.memory_space<vmem>>) offsets(%arg8 : memref<80xi32, #tpu.memory_space<vmem>>) semaphore(%arg10 : memref<!tpu.dma_semaphore, #tpu.memory_space<semaphore_mem>>)
      %dma_wait3A = arith.constant 0 : i32
      %dma_wait3A_94 = arith.constant 0 : i32
      %dma_wait3A_95 = tpu.memref_slice %arg2[%dma_wait3A, %dma_wait3A_94] : memref<20000x128xf32, #tpu.memory_space<hbm>> -> memref<20000x128xf32, #tpu.memory_space<hbm>>
      tpu.wait_indirect_dma semaphore(%arg10 : memref<!tpu.dma_semaphore, #tpu.memory_space<semaphore_mem>>) src(%dma_wait3A_95 : memref<20000x128xf32, #tpu.memory_space<hbm>>) dst(%arg9 : memref<80x128xf32, #tpu.memory_space<vmem>>)
      "tpu.region"() ({
        %run_scoped3A = tpu.sem_alloc : memref<!tpu.dma_semaphore, #tpu.memory_space<semaphore_mem>>
        %dma_start3A_96 = arith.constant 0 : i32
        %dma_start3A_97 = arith.constant 0 : i32
        %dma_start3A_98 = tpu.memref_slice %arg6[%dma_start3A_96, %dma_start3A_97] : memref<10000x128xf32, #tpu.memory_space<vmem_shared>> -> memref<10000x128xf32, #tpu.memory_space<vmem_shared>>
        tpu.enqueue_indirect_dma source(%arg9 : memref<80x128xf32, #tpu.memory_space<vmem>>) target(%dma_start3A_98 : memref<10000x128xf32, #tpu.memory_space<vmem_shared>>) offsets(%arg7 : memref<80xi32, #tpu.memory_space<vmem>>) semaphore(%run_scoped3A : memref<!tpu.dma_semaphore, #tpu.memory_space<semaphore_mem>>) {add = true}
        %dma_wait3A_99 = arith.constant 0 : i32
        %dma_wait3A_100 = arith.constant 0 : i32
        %dma_wait3A_101 = tpu.memref_slice %arg6[%dma_wait3A_99, %dma_wait3A_100] : memref<10000x128xf32, #tpu.memory_space<vmem_shared>> -> memref<10000x128xf32, #tpu.memory_space<vmem_shared>>
        tpu.wait_indirect_dma semaphore(%run_scoped3A : memref<!tpu.dma_semaphore, #tpu.memory_space<semaphore_mem>>) src(%arg9 : memref<80x128xf32, #tpu.memory_space<vmem>>) dst(%dma_wait3A_101 : memref<10000x128xf32, #tpu.memory_space<vmem_shared>>)
        tpu.yield
      }) : () -> ()
    }
    %scan3A_33 = arith.constant 125 : i32
    %barrier3A_34 = arith.constant 0 : index
    tpu.barrier barrier_id(%barrier3A_34)
    %mul3A_35 = arith.constant 624 : i32
    %mul3A_36 = arith.muli %arg1, %mul3A_35 : i32
    %mul3A_37 = arith.constant 10000 : i32
    %mul3A_38 = arith.muli %arg0, %mul3A_37 : i32
    %add3A_39 = arith.addi %mul3A_38, %mul3A_36 : i32
    "tpu.region"() ({
      %run_scoped3A = tpu.sem_alloc : memref<!tpu.dma_semaphore, #tpu.memory_space<semaphore_mem>>
      %dma_start3A = arith.constant 0 : i32
      %dma_start3A_45 = tpu.memref_slice %arg5[%add3A_39, %dma_start3A] : memref<20000x128xf32, #tpu.memory_space<hbm>> -> memref<624x128xf32, #tpu.memory_space<hbm>>
      %dma_start3A_46 = arith.constant 0 : i32
      %dma_start3A_47 = tpu.memref_slice %arg6[%mul3A_36, %dma_start3A_46] : memref<10000x128xf32, #tpu.memory_space<vmem_shared>> -> memref<624x128xf32, #tpu.memory_space<vmem_shared>>
      tpu.enqueue_dma source(%dma_start3A_47 : memref<624x128xf32, #tpu.memory_space<vmem_shared>>) target(%dma_start3A_45 : memref<624x128xf32, #tpu.memory_space<hbm>>) target_semaphore(%run_scoped3A : memref<!tpu.dma_semaphore, #tpu.memory_space<semaphore_mem>>)
      %dma_wait3A = arith.constant 0 : i32
      %dma_wait3A_48 = tpu.memref_slice %arg5[%add3A_39, %dma_wait3A] : memref<20000x128xf32, #tpu.memory_space<hbm>> -> memref<624x128xf32, #tpu.memory_space<hbm>>
      %dma_wait3A_49 = arith.constant 0 : i32
      %dma_wait3A_50 = tpu.memref_slice %arg6[%mul3A_36, %dma_wait3A_49] : memref<10000x128xf32, #tpu.memory_space<vmem_shared>> -> memref<624x128xf32, #tpu.memory_space<vmem_shared>>
      tpu.wait_dma2 semaphore(%run_scoped3A : memref<!tpu.dma_semaphore, #tpu.memory_space<semaphore_mem>>) src(%dma_wait3A_50 : memref<624x128xf32, #tpu.memory_space<vmem_shared>>) dst(%dma_wait3A_48 : memref<624x128xf32, #tpu.memory_space<hbm>>)
      tpu.yield
    }) : () -> ()
    %eq3A_40 = arith.constant 0 : i32
    %eq3A_41 = arith.cmpi eq, %arg1, %eq3A_40 : i32
    %convert_element_type3A_42 = arith.extui %eq3A_41 : i1 to i32
    %cond3A_43 = arith.constant 0 : i32
    %cond3A_44 = arith.cmpi ne, %convert_element_type3A_42, %cond3A_43 : i32
    scf.if %cond3A_44 {
      %mul3A_45 = arith.constant 10000 : i32
      %mul3A_46 = arith.muli %arg0, %mul3A_45 : i32
      %add3A_47 = arith.constant 10000 : i32
      %add3A_48 = arith.addi %mul3A_46, %add3A_47 : i32
      %sub3A = arith.constant 16 : i32
      %sub3A_49 = arith.subi %add3A_48, %sub3A : i32
      "tpu.region"() ({
        %run_scoped3A = tpu.sem_alloc : memref<!tpu.dma_semaphore, #tpu.memory_space<semaphore_mem>>
        %dma_start3A = arith.constant 0 : i32
        %dma_start3A_50 = tpu.memref_slice %arg5[%sub3A_49, %dma_start3A] : memref<20000x128xf32, #tpu.memory_space<hbm>> -> memref<16x128xf32, #tpu.memory_space<hbm>>
        %dma_start3A_51 = arith.constant 9984 : i32
        %dma_start3A_52 = arith.constant 0 : i32
        %dma_start3A_53 = tpu.memref_slice %arg6[%dma_start3A_51, %dma_start3A_52] : memref<10000x128xf32, #tpu.memory_space<vmem_shared>> -> memref<16x128xf32, #tpu.memory_space<vmem_shared>>
        tpu.enqueue_dma source(%dma_start3A_53 : memref<16x128xf32, #tpu.memory_space<vmem_shared>>) target(%dma_start3A_50 : memref<16x128xf32, #tpu.memory_space<hbm>>) target_semaphore(%run_scoped3A : memref<!tpu.dma_semaphore, #tpu.memory_space<semaphore_mem>>)
        %dma_wait3A = arith.constant 0 : i32
        %dma_wait3A_54 = tpu.memref_slice %arg5[%sub3A_49, %dma_wait3A] : memref<20000x128xf32, #tpu.memory_space<hbm>> -> memref<16x128xf32, #tpu.memory_space<hbm>>
        %dma_wait3A_55 = arith.constant 9984 : i32
        %dma_wait3A_56 = arith.constant 0 : i32
        %dma_wait3A_57 = tpu.memref_slice %arg6[%dma_wait3A_55, %dma_wait3A_56] : memref<10000x128xf32, #tpu.memory_space<vmem_shared>> -> memref<16x128xf32, #tpu.memory_space<vmem_shared>>
        tpu.wait_dma2 semaphore(%run_scoped3A : memref<!tpu.dma_semaphore, #tpu.memory_space<semaphore_mem>>) src(%dma_wait3A_57 : memref<16x128xf32, #tpu.memory_space<vmem_shared>>) dst(%dma_wait3A_54 : memref<16x128xf32, #tpu.memory_space<hbm>>)
        tpu.yield
      }) : () -> ()
    } else {
    }
    return
  }
}

module attributes {stable_mosaic.version = 14 : i64} {
  func.func @body(%arg0: i32, %arg1: i32, %arg2: memref<1000x128xf32, #tpu.memory_space<vmem>>, %arg3: memref<1000x256xf32, #tpu.memory_space<vmem>>, %arg4: memref<2x1000x128xf32, #tpu.memory_space<vmem>>, %arg5: memref<1x256x128xf32, #tpu.memory_space<vmem>>, %arg6: memref<1x8x128xf32, #tpu.memory_space<vmem>>, %arg7: memref<2x128x128xf32, #tpu.memory_space<vmem>>, %arg8: memref<2x8x128xf32, #tpu.memory_space<vmem>>, %arg9: memref<2x128x128xf32, #tpu.memory_space<vmem>>, %arg10: memref<2x8x128xf32, #tpu.memory_space<vmem>>, %arg11: memref<1x256x128xf32, #tpu.memory_space<vmem>>, %arg12: memref<1x8x128xf32, #tpu.memory_space<vmem>>, %arg13: memref<1x256x128xf32, #tpu.memory_space<vmem>>, %arg14: memref<1x1000x128xf32, #tpu.memory_space<vmem>>, %arg15: memref<1x1000x256xf32, #tpu.memory_space<vmem>>, %arg16: memref<1x1000x256xf32, #tpu.memory_space<vmem>>, %arg17: memref<1x1000x128xf32, #tpu.memory_space<vmem>>, %arg18: memref<1000x128xf32, #tpu.memory_space<vmem>>) attributes {dimension_semantics = [#tpu.dimension_semantics<arbitrary>, #tpu.dimension_semantics<arbitrary>], iteration_bounds = array<i64: 10, 2>, scalar_prefetch = 0 : i64, scratch_operands = 0 : i64, tpu.core_type = #tpu.core_type<tc>, window_params = [{transform_indices = @transform_0, window_bounds = array<i64: 1000, 128>}, {transform_indices = @transform_1, window_bounds = array<i64: 1000, 256>}, {transform_indices = @transform_2, window_bounds = array<i64: 2, 1000, 128>}, {transform_indices = @transform_3, window_bounds = array<i64: 1, 256, 128>}, {transform_indices = @transform_4, window_bounds = array<i64: 1, 8, 128>}, {transform_indices = @transform_5, window_bounds = array<i64: 2, 128, 128>}, {transform_indices = @transform_6, window_bounds = array<i64: 2, 8, 128>}, {transform_indices = @transform_7, window_bounds = array<i64: 2, 128, 128>}, {transform_indices = @transform_8, window_bounds = array<i64: 2, 8, 128>}, {transform_indices = @transform_9, window_bounds = array<i64: 1, 256, 128>}, {transform_indices = @transform_10, window_bounds = array<i64: 1, 8, 128>}, {transform_indices = @transform_11, window_bounds = array<i64: 1, 256, 128>}, {transform_indices = @transform_12, window_bounds = array<i64: 1, 1000, 128>}, {transform_indices = @transform_13, window_bounds = array<i64: 1, 1000, 256>}, {transform_indices = @transform_14, window_bounds = array<i64: 1, 1000, 256>}, {transform_indices = @transform_15, window_bounds = array<i64: 1, 1000, 128>}, {transform_indices = @transform_16, window_bounds = array<i64: 1000, 128>}]} {
    %get3A = arith.constant 0 : index
    %get3A_0 = arith.constant 0 : index
    %get3A_1 = vector.load %arg2[%get3A, %get3A_0] : memref<1000x128xf32, #tpu.memory_space<vmem>>, vector<1000x128xf32>
    %get3A_2 = arith.constant 0 : index
    %get3A_3 = arith.constant 0 : index
    %get3A_4 = vector.load %arg3[%get3A_2, %get3A_3] : memref<1000x256xf32, #tpu.memory_space<vmem>>, vector<1000x256xf32>
    %get3A_5 = arith.constant 0 : index
    %get3A_6 = arith.constant 0 : index
    %get3A_7 = arith.constant 0 : index
    %get3A_8 = vector.load %arg4[%get3A_5, %get3A_6, %get3A_7] : memref<2x1000x128xf32, #tpu.memory_space<vmem>>, vector<2x1000x128xf32>
    %reduce_sum3A = arith.constant dense<0.000000e+00> : vector<1000x128xf32>
    %reduce_sum3A_9 = vector.multi_reduction <add>, %get3A_8, %reduce_sum3A [0] : vector<2x1000x128xf32> to vector<1000x128xf32>
    %reduce_sum3A_10 = arith.constant dense<0.000000e+00> : vector<1000xf32>
    %reduce_sum3A_11 = vector.multi_reduction <add>, %reduce_sum3A_9, %reduce_sum3A_10 [1] : vector<1000x128xf32> to vector<1000xf32>
    %mul3A = arith.constant 3.906250e-03 : f32
    %mul3A_12 = vector.broadcast %mul3A : f32 to vector<1000xf32>
    %mul3A_13 = arith.mulf %mul3A_12, %reduce_sum3A_11 : vector<1000xf32>
    %add3A = arith.constant 1.000000e+00 : f32
    %add3A_14 = vector.broadcast %add3A : f32 to vector<1000xf32>
    %add3A_15 = arith.addf %add3A_14, %mul3A_13 : vector<1000xf32>
    %rsqrt3A = math.rsqrt %add3A_15 : vector<1000xf32>
    %broadcast_in_dim3A = vector.shape_cast %rsqrt3A : vector<1000xf32> to vector<1000x1xf32>
    %get3A_16 = arith.constant 0 : index
    %get3A_17 = arith.constant 0 : index
    %get3A_18 = arith.constant 0 : index
    %get3A_19 = vector.load %arg7[%get3A_16, %get3A_17, %get3A_18] : memref<2x128x128xf32, #tpu.memory_space<vmem>>, vector<1x128x128xf32>
    %get3A_20 = vector.shape_cast %get3A_19 : vector<1x128x128xf32> to vector<128x128xf32>
    %dot_general3A = arith.constant dense<0.000000e+00> : vector<1000x128xf32>
    %dot_general3A_21 = tpu.matmul %get3A_1, %get3A_20, %dot_general3A {dimension_numbers = #tpu.dot_dimension_numbers<[1], [0], [0], [1], [0, 0, 1, 1], [], []>, transpose_lhs_hint = false} : vector<1000x128xf32>, vector<128x128xf32>, vector<1000x128xf32> -> vector<1000x128xf32>
    %get3A_22 = arith.constant 0 : index
    %get3A_23 = arith.constant 0 : index
    %get3A_24 = arith.constant 0 : index
    %get3A_25 = vector.load %arg8[%get3A_22, %get3A_23, %get3A_24] : memref<2x8x128xf32, #tpu.memory_space<vmem>>, vector<1x1x128xf32>
    %get3A_26 = vector.shape_cast %get3A_25 : vector<1x1x128xf32> to vector<128xf32>
    %broadcast_in_dim3A_27 = vector.shape_cast %get3A_26 : vector<128xf32> to vector<1x128xf32>
    %add3A_28 = vector.broadcast %broadcast_in_dim3A_27 : vector<1x128xf32> to vector<1000x128xf32>
    %add3A_29 = arith.addf %dot_general3A_21, %add3A_28 : vector<1000x128xf32>
    %get3A_30 = arith.constant 0 : index
    %get3A_31 = arith.constant 0 : index
    %get3A_32 = arith.constant 0 : index
    %get3A_33 = vector.load %arg9[%get3A_30, %get3A_31, %get3A_32] : memref<2x128x128xf32, #tpu.memory_space<vmem>>, vector<1x128x128xf32>
    %get3A_34 = vector.shape_cast %get3A_33 : vector<1x128x128xf32> to vector<128x128xf32>
    %dot_general3A_35 = arith.constant dense<0.000000e+00> : vector<1000x128xf32>
    %dot_general3A_36 = tpu.matmul %get3A_1, %get3A_34, %dot_general3A_35 {dimension_numbers = #tpu.dot_dimension_numbers<[1], [0], [0], [1], [0, 0, 1, 1], [], []>, transpose_lhs_hint = false} : vector<1000x128xf32>, vector<128x128xf32>, vector<1000x128xf32> -> vector<1000x128xf32>
    %get3A_37 = arith.constant 0 : index
    %get3A_38 = arith.constant 0 : index
    %get3A_39 = arith.constant 0 : index
    %get3A_40 = vector.load %arg10[%get3A_37, %get3A_38, %get3A_39] : memref<2x8x128xf32, #tpu.memory_space<vmem>>, vector<1x1x128xf32>
    %get3A_41 = vector.shape_cast %get3A_40 : vector<1x1x128xf32> to vector<128xf32>
    %broadcast_in_dim3A_42 = vector.shape_cast %get3A_41 : vector<128xf32> to vector<1x128xf32>
    %add3A_43 = vector.broadcast %broadcast_in_dim3A_42 : vector<1x128xf32> to vector<1000x128xf32>
    %add3A_44 = arith.addf %dot_general3A_36, %add3A_43 : vector<1000x128xf32>
    %get3A_45 = arith.constant 1 : index
    %get3A_46 = arith.constant 0 : index
    %get3A_47 = arith.constant 0 : index
    %get3A_48 = vector.load %arg7[%get3A_45, %get3A_46, %get3A_47] : memref<2x128x128xf32, #tpu.memory_space<vmem>>, vector<1x128x128xf32>
    %get3A_49 = vector.shape_cast %get3A_48 : vector<1x128x128xf32> to vector<128x128xf32>
    %dot_general3A_50 = arith.constant dense<0.000000e+00> : vector<1000x128xf32>
    %dot_general3A_51 = tpu.matmul %get3A_1, %get3A_49, %dot_general3A_50 {dimension_numbers = #tpu.dot_dimension_numbers<[1], [0], [0], [1], [0, 0, 1, 1], [], []>, transpose_lhs_hint = false} : vector<1000x128xf32>, vector<128x128xf32>, vector<1000x128xf32> -> vector<1000x128xf32>
    %get3A_52 = arith.constant 1 : index
    %get3A_53 = arith.constant 0 : index
    %get3A_54 = arith.constant 0 : index
    %get3A_55 = vector.load %arg8[%get3A_52, %get3A_53, %get3A_54] : memref<2x8x128xf32, #tpu.memory_space<vmem>>, vector<1x1x128xf32>
    %get3A_56 = vector.shape_cast %get3A_55 : vector<1x1x128xf32> to vector<128xf32>
    %broadcast_in_dim3A_57 = vector.shape_cast %get3A_56 : vector<128xf32> to vector<1x128xf32>
    %add3A_58 = vector.broadcast %broadcast_in_dim3A_57 : vector<1x128xf32> to vector<1000x128xf32>
    %add3A_59 = arith.addf %dot_general3A_51, %add3A_58 : vector<1000x128xf32>
    %get3A_60 = arith.constant 1 : index
    %get3A_61 = arith.constant 0 : index
    %get3A_62 = arith.constant 0 : index
    %get3A_63 = vector.load %arg9[%get3A_60, %get3A_61, %get3A_62] : memref<2x128x128xf32, #tpu.memory_space<vmem>>, vector<1x128x128xf32>
    %get3A_64 = vector.shape_cast %get3A_63 : vector<1x128x128xf32> to vector<128x128xf32>
    %dot_general3A_65 = arith.constant dense<0.000000e+00> : vector<1000x128xf32>
    %dot_general3A_66 = tpu.matmul %get3A_1, %get3A_64, %dot_general3A_65 {dimension_numbers = #tpu.dot_dimension_numbers<[1], [0], [0], [1], [0, 0, 1, 1], [], []>, transpose_lhs_hint = false} : vector<1000x128xf32>, vector<128x128xf32>, vector<1000x128xf32> -> vector<1000x128xf32>
    %get3A_67 = arith.constant 1 : index
    %get3A_68 = arith.constant 0 : index
    %get3A_69 = arith.constant 0 : index
    %get3A_70 = vector.load %arg10[%get3A_67, %get3A_68, %get3A_69] : memref<2x8x128xf32, #tpu.memory_space<vmem>>, vector<1x1x128xf32>
    %get3A_71 = vector.shape_cast %get3A_70 : vector<1x1x128xf32> to vector<128xf32>
    %broadcast_in_dim3A_72 = vector.shape_cast %get3A_71 : vector<128xf32> to vector<1x128xf32>
    %add3A_73 = vector.broadcast %broadcast_in_dim3A_72 : vector<1x128xf32> to vector<1000x128xf32>
    %add3A_74 = arith.addf %dot_general3A_66, %add3A_73 : vector<1000x128xf32>
    %concatenate3A = tpu.concatenate %add3A_29, %add3A_44 in 1 : vector<1000x128xf32>, vector<1000x128xf32> -> vector<1000x256xf32>
    %swap3A = arith.constant 0 : index
    %swap3A_75 = arith.constant 0 : index
    %swap3A_76 = arith.constant 0 : index
    %swap3A_77 = vector.load %arg15[%swap3A, %swap3A_75, %swap3A_76] : memref<1x1000x256xf32, #tpu.memory_space<vmem>>, vector<1x1000x256xf32>
    %swap3A_78 = vector.shape_cast %swap3A_77 : vector<1x1000x256xf32> to vector<1000x256xf32>
    %swap3A_79 = vector.shape_cast %concatenate3A : vector<1000x256xf32> to vector<1x1000x256xf32>
    tpu.vector_store %arg15[%swap3A, %swap3A_75, %swap3A_76], %swap3A_79 {strides = array<i32>} : memref<1x1000x256xf32, #tpu.memory_space<vmem>>, vector<1x1000x256xf32>,
    %concatenate3A_80 = tpu.concatenate %add3A_59, %add3A_74 in 1 : vector<1000x128xf32>, vector<1000x128xf32> -> vector<1000x256xf32>
    %swap3A_81 = arith.constant 0 : index
    %swap3A_82 = arith.constant 0 : index
    %swap3A_83 = arith.constant 0 : index
    %swap3A_84 = vector.load %arg16[%swap3A_81, %swap3A_82, %swap3A_83] : memref<1x1000x256xf32, #tpu.memory_space<vmem>>, vector<1x1000x256xf32>
    %swap3A_85 = vector.shape_cast %swap3A_84 : vector<1x1000x256xf32> to vector<1000x256xf32>
    %swap3A_86 = vector.shape_cast %concatenate3A_80 : vector<1000x256xf32> to vector<1x1000x256xf32>
    tpu.vector_store %arg16[%swap3A_81, %swap3A_82, %swap3A_83], %swap3A_86 {strides = array<i32>} : memref<1x1000x256xf32, #tpu.memory_space<vmem>>, vector<1x1000x256xf32>,
    %get3A_87 = arith.constant 0 : index
    %get3A_88 = arith.constant 0 : index
    %get3A_89 = arith.constant 0 : index
    %get3A_90 = vector.load %arg5[%get3A_87, %get3A_88, %get3A_89] : memref<1x256x128xf32, #tpu.memory_space<vmem>>, vector<1x256x128xf32>
    %get3A_91 = vector.shape_cast %get3A_90 : vector<1x256x128xf32> to vector<256x128xf32>
    %dot_general3A_92 = arith.constant dense<0.000000e+00> : vector<1000x128xf32>
    %dot_general3A_93 = tpu.matmul %get3A_4, %get3A_91, %dot_general3A_92 {dimension_numbers = #tpu.dot_dimension_numbers<[1], [0], [0], [1], [0, 0, 1, 1], [], []>, transpose_lhs_hint = false} : vector<1000x256xf32>, vector<256x128xf32>, vector<1000x128xf32> -> vector<1000x128xf32>
    %get3A_94 = arith.constant 0 : index
    %get3A_95 = arith.constant 0 : index
    %get3A_96 = arith.constant 0 : index
    %get3A_97 = vector.load %arg6[%get3A_94, %get3A_95, %get3A_96] : memref<1x8x128xf32, #tpu.memory_space<vmem>>, vector<1x1x128xf32>
    %get3A_98 = vector.shape_cast %get3A_97 : vector<1x1x128xf32> to vector<128xf32>
    %broadcast_in_dim3A_99 = vector.shape_cast %get3A_98 : vector<128xf32> to vector<1x128xf32>
    %add3A_100 = vector.broadcast %broadcast_in_dim3A_99 : vector<1x128xf32> to vector<1000x128xf32>
    %add3A_101 = arith.addf %dot_general3A_93, %add3A_100 : vector<1000x128xf32>
    %swap3A_102 = arith.constant 0 : index
    %swap3A_103 = arith.constant 0 : index
    %swap3A_104 = arith.constant 0 : index
    %swap3A_105 = vector.load %arg14[%swap3A_102, %swap3A_103, %swap3A_104] : memref<1x1000x128xf32, #tpu.memory_space<vmem>>, vector<1x1000x128xf32>
    %swap3A_106 = vector.shape_cast %swap3A_105 : vector<1x1000x128xf32> to vector<1000x128xf32>
    %swap3A_107 = vector.shape_cast %add3A_101 : vector<1000x128xf32> to vector<1x1000x128xf32>
    tpu.vector_store %arg14[%swap3A_102, %swap3A_103, %swap3A_104], %swap3A_107 {strides = array<i32>} : memref<1x1000x128xf32, #tpu.memory_space<vmem>>, vector<1x1000x128xf32>,
    %get3A_108 = arith.constant 0 : index
    %get3A_109 = arith.constant 0 : index
    %get3A_110 = arith.constant 0 : index
    %get3A_111 = vector.load %arg13[%get3A_108, %get3A_109, %get3A_110] : memref<1x256x128xf32, #tpu.memory_space<vmem>>, vector<1x256x128xf32>
    %get3A_112 = vector.shape_cast %get3A_111 : vector<1x256x128xf32> to vector<256x128xf32>
    %dot_general3A_113 = arith.constant dense<0.000000e+00> : vector<1000x128xf32>
    %dot_general3A_114 = tpu.matmul %get3A_4, %get3A_112, %dot_general3A_113 {dimension_numbers = #tpu.dot_dimension_numbers<[1], [0], [0], [1], [0, 0, 1, 1], [], []>, transpose_lhs_hint = false} : vector<1000x256xf32>, vector<256x128xf32>, vector<1000x128xf32> -> vector<1000x128xf32>
    %mul3A_115 = vector.broadcast %broadcast_in_dim3A : vector<1000x1xf32> to vector<1000x128xf32>
    %mul3A_116 = arith.mulf %dot_general3A_114, %mul3A_115 : vector<1000x128xf32>
    %swap3A_117 = arith.constant 0 : index
    %swap3A_118 = arith.constant 0 : index
    %swap3A_119 = arith.constant 0 : index
    %swap3A_120 = vector.load %arg17[%swap3A_117, %swap3A_118, %swap3A_119] : memref<1x1000x128xf32, #tpu.memory_space<vmem>>, vector<1x1000x128xf32>
    %swap3A_121 = vector.shape_cast %swap3A_120 : vector<1x1000x128xf32> to vector<1000x128xf32>
    %swap3A_122 = vector.shape_cast %mul3A_116 : vector<1000x128xf32> to vector<1x1000x128xf32>
    tpu.vector_store %arg17[%swap3A_117, %swap3A_118, %swap3A_119], %swap3A_122 {strides = array<i32>} : memref<1x1000x128xf32, #tpu.memory_space<vmem>>, vector<1x1000x128xf32>,
    %get3A_123 = arith.constant 0 : index
    %get3A_124 = arith.constant 0 : index
    %get3A_125 = arith.constant 0 : index
    %get3A_126 = vector.load %arg11[%get3A_123, %get3A_124, %get3A_125] : memref<1x256x128xf32, #tpu.memory_space<vmem>>, vector<1x256x128xf32>
    %get3A_127 = vector.shape_cast %get3A_126 : vector<1x256x128xf32> to vector<256x128xf32>
    %dot_general3A_128 = arith.constant dense<0.000000e+00> : vector<1000x128xf32>
    %dot_general3A_129 = tpu.matmul %get3A_4, %get3A_127, %dot_general3A_128 {dimension_numbers = #tpu.dot_dimension_numbers<[1], [0], [0], [1], [0, 0, 1, 1], [], []>, transpose_lhs_hint = false} : vector<1000x256xf32>, vector<256x128xf32>, vector<1000x128xf32> -> vector<1000x128xf32>
    %get3A_130 = arith.constant 0 : index
    %get3A_131 = arith.constant 0 : index
    %get3A_132 = arith.constant 0 : index
    %get3A_133 = vector.load %arg12[%get3A_130, %get3A_131, %get3A_132] : memref<1x8x128xf32, #tpu.memory_space<vmem>>, vector<1x1x128xf32>
    %get3A_134 = vector.shape_cast %get3A_133 : vector<1x1x128xf32> to vector<128xf32>
    %broadcast_in_dim3A_135 = vector.shape_cast %get3A_134 : vector<128xf32> to vector<1x128xf32>
    %add3A_136 = vector.broadcast %broadcast_in_dim3A_135 : vector<1x128xf32> to vector<1000x128xf32>
    %add3A_137 = arith.addf %dot_general3A_129, %add3A_136 : vector<1000x128xf32>
    %swap3A_138 = arith.constant 0 : index
    %swap3A_139 = arith.constant 0 : index
    %swap3A_140 = vector.load %arg18[%swap3A_138, %swap3A_139] : memref<1000x128xf32, #tpu.memory_space<vmem>>, vector<1000x128xf32>
    tpu.vector_store %arg18[%swap3A_138, %swap3A_139], %add3A_137 {strides = array<i32>} : memref<1000x128xf32, #tpu.memory_space<vmem>>, vector<1000x128xf32>,
    return
  }
  func.func @transform_0(%arg0: i32, %arg1: i32) -> (i32, i32) {
    %c0_i32 = arith.constant 0 : i32
    %c0_i32_0 = arith.constant 0 : i32
    return %arg0, %c0_i32 : i32, i32
  }
  func.func @transform_1(%arg0: i32, %arg1: i32) -> (i32, i32) {
    %c0_i32 = arith.constant 0 : i32
    %c0_i32_0 = arith.constant 0 : i32
    return %arg0, %c0_i32 : i32, i32
  }
  func.func @transform_2(%arg0: i32, %arg1: i32) -> (i32, i32, i32) {
    %c0_i32 = arith.constant 0 : i32
    %c0_i32_0 = arith.constant 0 : i32
    %c0_i32_1 = arith.constant 0 : i32
    return %c0_i32, %arg0, %c0_i32_0 : i32, i32, i32
  }
  func.func @transform_3(%arg0: i32, %arg1: i32) -> (i32, i32, i32) {
    %c0_i32 = arith.constant 0 : i32
    %c0_i32_0 = arith.constant 0 : i32
    %c0_i32_1 = arith.constant 0 : i32
    return %c0_i32, %c0_i32_0, %arg1 : i32, i32, i32
  }
  func.func @transform_4(%arg0: i32, %arg1: i32) -> (i32, i32, i32) {
    %c0_i32 = arith.constant 0 : i32
    %c0_i32_0 = arith.constant 0 : i32
    %c0_i32_1 = arith.constant 0 : i32
    return %c0_i32, %c0_i32_0, %arg1 : i32, i32, i32
  }
  func.func @transform_5(%arg0: i32, %arg1: i32) -> (i32, i32, i32) {
    %c0_i32 = arith.constant 0 : i32
    %c0_i32_0 = arith.constant 0 : i32
    %c0_i32_1 = arith.constant 0 : i32
    return %c0_i32, %c0_i32_0, %arg1 : i32, i32, i32
  }
  func.func @transform_6(%arg0: i32, %arg1: i32) -> (i32, i32, i32) {
    %c0_i32 = arith.constant 0 : i32
    %c0_i32_0 = arith.constant 0 : i32
    %c0_i32_1 = arith.constant 0 : i32
    return %c0_i32, %c0_i32_0, %arg1 : i32, i32, i32
  }
  func.func @transform_7(%arg0: i32, %arg1: i32) -> (i32, i32, i32) {
    %c0_i32 = arith.constant 0 : i32
    %c0_i32_0 = arith.constant 0 : i32
    %c0_i32_1 = arith.constant 0 : i32
    return %c0_i32, %c0_i32_0, %arg1 : i32, i32, i32
  }
  func.func @transform_8(%arg0: i32, %arg1: i32) -> (i32, i32, i32) {
    %c0_i32 = arith.constant 0 : i32
    %c0_i32_0 = arith.constant 0 : i32
    %c0_i32_1 = arith.constant 0 : i32
    return %c0_i32, %c0_i32_0, %arg1 : i32, i32, i32
  }
  func.func @transform_9(%arg0: i32, %arg1: i32) -> (i32, i32, i32) {
    %c0_i32 = arith.constant 0 : i32
    %c0_i32_0 = arith.constant 0 : i32
    %c0_i32_1 = arith.constant 0 : i32
    return %c0_i32, %c0_i32_0, %arg1 : i32, i32, i32
  }
  func.func @transform_10(%arg0: i32, %arg1: i32) -> (i32, i32, i32) {
    %c0_i32 = arith.constant 0 : i32
    %c0_i32_0 = arith.constant 0 : i32
    %c0_i32_1 = arith.constant 0 : i32
    return %c0_i32, %c0_i32_0, %arg1 : i32, i32, i32
  }
  func.func @transform_11(%arg0: i32, %arg1: i32) -> (i32, i32, i32) {
    %c0_i32 = arith.constant 0 : i32
    %c0_i32_0 = arith.constant 0 : i32
    %c0_i32_1 = arith.constant 0 : i32
    return %c0_i32, %c0_i32_0, %arg1 : i32, i32, i32
  }
  func.func @transform_12(%arg0: i32, %arg1: i32) -> (i32, i32, i32) {
    %c0_i32 = arith.constant 0 : i32
    %c0_i32_0 = arith.constant 0 : i32
    return %arg1, %arg0, %c0_i32 : i32, i32, i32
  }
  func.func @transform_13(%arg0: i32, %arg1: i32) -> (i32, i32, i32) {
    %c0_i32 = arith.constant 0 : i32
    %c0_i32_0 = arith.constant 0 : i32
    return %arg1, %arg0, %c0_i32 : i32, i32, i32
  }
  func.func @transform_14(%arg0: i32, %arg1: i32) -> (i32, i32, i32) {
    %c0_i32 = arith.constant 0 : i32
    %c0_i32_0 = arith.constant 0 : i32
    return %arg1, %arg0, %c0_i32 : i32, i32, i32
  }
  func.func @transform_15(%arg0: i32, %arg1: i32) -> (i32, i32, i32) {
    %c0_i32 = arith.constant 0 : i32
    %c0_i32_0 = arith.constant 0 : i32
    return %arg1, %arg0, %c0_i32 : i32, i32, i32
  }
  func.func @transform_16(%arg0: i32, %arg1: i32) -> (i32, i32) {
    %c0_i32 = arith.constant 0 : i32
    return %arg0, %arg1 : i32, i32
  }
}

module attributes {stable_mosaic.version = 14 : i64} {
  func.func @body(%arg0: i32, %arg1: memref<2x1000x128xf32, #tpu.memory_space<vmem>>, %arg2: memref<2x1000x128xf32, #tpu.memory_space<vmem>>, %arg3: memref<2x1000x128xf32, #tpu.memory_space<vmem>>, %arg4: memref<1000x256xf32, #tpu.memory_space<vmem>>, %arg5: memref<2x1000x128xf32, #tpu.memory_space<vmem>>, %arg6: memref<1x8x256xf32, #tpu.memory_space<vmem>>, %arg7: memref<1x256x256xf32, #tpu.memory_space<vmem>>, %arg8: memref<1x8x256xf32, #tpu.memory_space<vmem>>, %arg9: memref<1x256x256xf32, #tpu.memory_space<vmem>>, %arg10: memref<1x8x256xf32, #tpu.memory_space<vmem>>, %arg11: memref<1x256x256xf32, #tpu.memory_space<vmem>>, %arg12: memref<2x1000x128xf32, #tpu.memory_space<vmem>>, %arg13: memref<2x1000x128xf32, #tpu.memory_space<vmem>>, %arg14: memref<1000x256xf32, #tpu.memory_space<vmem>>) attributes {dimension_semantics = [#tpu.dimension_semantics<arbitrary>], iteration_bounds = array<i64: 10>, scalar_prefetch = 0 : i64, scratch_operands = 0 : i64, tpu.core_type = #tpu.core_type<tc>, window_params = [{transform_indices = @transform_0, window_bounds = array<i64: 2, 1000, 128>}, {transform_indices = @transform_1, window_bounds = array<i64: 2, 1000, 128>}, {transform_indices = @transform_2, window_bounds = array<i64: 2, 1000, 128>}, {transform_indices = @transform_3, window_bounds = array<i64: 1000, 256>}, {transform_indices = @transform_4, window_bounds = array<i64: 2, 1000, 128>}, {transform_indices = @transform_5, window_bounds = array<i64: 1, 8, 256>}, {transform_indices = @transform_6, window_bounds = array<i64: 1, 256, 256>}, {transform_indices = @transform_7, window_bounds = array<i64: 1, 8, 256>}, {transform_indices = @transform_8, window_bounds = array<i64: 1, 256, 256>}, {transform_indices = @transform_9, window_bounds = array<i64: 1, 8, 256>}, {transform_indices = @transform_10, window_bounds = array<i64: 1, 256, 256>}, {transform_indices = @transform_11, window_bounds = array<i64: 2, 1000, 128>}, {transform_indices = @transform_12, window_bounds = array<i64: 2, 1000, 128>}, {transform_indices = @transform_13, window_bounds = array<i64: 1000, 256>}]} {
    %get3A = arith.constant 0 : index
    %get3A_0 = arith.constant 0 : index
    %get3A_1 = arith.constant 0 : index
    %get3A_2 = vector.load %arg5[%get3A, %get3A_0, %get3A_1] : memref<2x1000x128xf32, #tpu.memory_space<vmem>>, vector<2x1000x128xf32>
    %reduce_sum3A = arith.constant dense<0.000000e+00> : vector<1000x128xf32>
    %reduce_sum3A_3 = vector.multi_reduction <add>, %get3A_2, %reduce_sum3A [0] : vector<2x1000x128xf32> to vector<1000x128xf32>
    %reduce_sum3A_4 = arith.constant dense<0.000000e+00> : vector<1000xf32>
    %reduce_sum3A_5 = vector.multi_reduction <add>, %reduce_sum3A_3, %reduce_sum3A_4 [1] : vector<1000x128xf32> to vector<1000xf32>
    %mul3A = arith.constant 3.906250e-03 : f32
    %mul3A_6 = vector.broadcast %mul3A : f32 to vector<1000xf32>
    %mul3A_7 = arith.mulf %mul3A_6, %reduce_sum3A_5 : vector<1000xf32>
    %add3A = arith.constant 1.000000e+00 : f32
    %add3A_8 = vector.broadcast %add3A : f32 to vector<1000xf32>
    %add3A_9 = arith.addf %add3A_8, %mul3A_7 : vector<1000xf32>
    %rsqrt3A = math.rsqrt %add3A_9 : vector<1000xf32>
    %broadcast_in_dim3A = vector.shape_cast %rsqrt3A : vector<1000xf32> to vector<1000x1xf32>
    %get3A_10 = arith.constant 0 : index
    %get3A_11 = arith.constant 0 : index
    %get3A_12 = arith.constant 0 : index
    %get3A_13 = vector.load %arg1[%get3A_10, %get3A_11, %get3A_12] : memref<2x1000x128xf32, #tpu.memory_space<vmem>>, vector<1x1000x128xf32>
    %get3A_14 = vector.shape_cast %get3A_13 : vector<1x1000x128xf32> to vector<1000x128xf32>
    %get3A_15 = arith.constant 1 : index
    %get3A_16 = arith.constant 0 : index
    %get3A_17 = arith.constant 0 : index
    %get3A_18 = vector.load %arg1[%get3A_15, %get3A_16, %get3A_17] : memref<2x1000x128xf32, #tpu.memory_space<vmem>>, vector<1x1000x128xf32>
    %get3A_19 = vector.shape_cast %get3A_18 : vector<1x1000x128xf32> to vector<1000x128xf32>
    %concatenate3A = tpu.concatenate %get3A_14, %get3A_19 in 1 : vector<1000x128xf32>, vector<1000x128xf32> -> vector<1000x256xf32>
    %get3A_20 = arith.constant 0 : index
    %get3A_21 = arith.constant 0 : index
    %get3A_22 = arith.constant 0 : index
    %get3A_23 = vector.load %arg2[%get3A_20, %get3A_21, %get3A_22] : memref<2x1000x128xf32, #tpu.memory_space<vmem>>, vector<1x1000x128xf32>
    %get3A_24 = vector.shape_cast %get3A_23 : vector<1x1000x128xf32> to vector<1000x128xf32>
    %get3A_25 = arith.constant 1 : index
    %get3A_26 = arith.constant 0 : index
    %get3A_27 = arith.constant 0 : index
    %get3A_28 = vector.load %arg2[%get3A_25, %get3A_26, %get3A_27] : memref<2x1000x128xf32, #tpu.memory_space<vmem>>, vector<1x1000x128xf32>
    %get3A_29 = vector.shape_cast %get3A_28 : vector<1x1000x128xf32> to vector<1000x128xf32>
    %concatenate3A_30 = tpu.concatenate %get3A_24, %get3A_29 in 1 : vector<1000x128xf32>, vector<1000x128xf32> -> vector<1000x256xf32>
    %get3A_31 = arith.constant 0 : index
    %get3A_32 = arith.constant 0 : index
    %get3A_33 = arith.constant 0 : index
    %get3A_34 = vector.load %arg3[%get3A_31, %get3A_32, %get3A_33] : memref<2x1000x128xf32, #tpu.memory_space<vmem>>, vector<1x1000x128xf32>
    %get3A_35 = vector.shape_cast %get3A_34 : vector<1x1000x128xf32> to vector<1000x128xf32>
    %get3A_36 = arith.constant 1 : index
    %get3A_37 = arith.constant 0 : index
    %get3A_38 = arith.constant 0 : index
    %get3A_39 = vector.load %arg3[%get3A_36, %get3A_37, %get3A_38] : memref<2x1000x128xf32, #tpu.memory_space<vmem>>, vector<1x1000x128xf32>
    %get3A_40 = vector.shape_cast %get3A_39 : vector<1x1000x128xf32> to vector<1000x128xf32>
    %concatenate3A_41 = tpu.concatenate %get3A_35, %get3A_40 in 1 : vector<1000x128xf32>, vector<1000x128xf32> -> vector<1000x256xf32>
    %get3A_42 = arith.constant 0 : index
    %get3A_43 = arith.constant 0 : index
    %get3A_44 = vector.load %arg4[%get3A_42, %get3A_43] : memref<1000x256xf32, #tpu.memory_space<vmem>>, vector<1000x256xf32>
    %add3A_45 = arith.addf %concatenate3A, %get3A_44 : vector<1000x256xf32>
    %add3A_46 = arith.addf %concatenate3A_30, %concatenate3A_41 : vector<1000x256xf32>
    %mul3A_47 = vector.broadcast %broadcast_in_dim3A : vector<1000x1xf32> to vector<1000x256xf32>
    %mul3A_48 = arith.mulf %mul3A_47, %add3A_46 : vector<1000x256xf32>
    %add3A_49 = arith.addf %add3A_45, %mul3A_48 : vector<1000x256xf32>
    %get3A_50 = arith.constant 0 : index
    %get3A_51 = arith.constant 0 : index
    %get3A_52 = arith.constant 0 : index
    %get3A_53 = vector.load %arg6[%get3A_50, %get3A_51, %get3A_52] : memref<1x8x256xf32, #tpu.memory_space<vmem>>, vector<1x1x256xf32>
    %get3A_54 = vector.shape_cast %get3A_53 : vector<1x1x256xf32> to vector<256xf32>
    %broadcast_in_dim3A_55 = vector.shape_cast %get3A_54 : vector<256xf32> to vector<1x256xf32>
    %add3A_56 = vector.broadcast %broadcast_in_dim3A_55 : vector<1x256xf32> to vector<1000x256xf32>
    %add3A_57 = arith.addf %add3A_49, %add3A_56 : vector<1000x256xf32>
    %mul3A_58 = arith.constant 5.000000e-01 : f32
    %mul3A_59 = vector.broadcast %mul3A_58 : f32 to vector<1000x256xf32>
    %mul3A_60 = arith.mulf %mul3A_59, %add3A_57 : vector<1000x256xf32>
    %sqrt3A = arith.constant 2.000000e+00 : f32
    %sqrt3A_61 = math.sqrt %sqrt3A : f32
    %div3A = arith.constant 1.000000e+00 : f32
    %div3A_62 = arith.divf %div3A, %sqrt3A_61 : f32
    %mul3A_63 = vector.broadcast %div3A_62 : f32 to vector<1000x256xf32>
    %mul3A_64 = arith.mulf %add3A_57, %mul3A_63 : vector<1000x256xf32>
    %erf3A = math.erf %mul3A_64 : vector<1000x256xf32>
    %add3A_65 = arith.constant 1.000000e+00 : f32
    %add3A_66 = vector.broadcast %add3A_65 : f32 to vector<1000x256xf32>
    %add3A_67 = arith.addf %add3A_66, %erf3A : vector<1000x256xf32>
    %mul3A_68 = arith.mulf %mul3A_60, %add3A_67 : vector<1000x256xf32>
    %get3A_69 = arith.constant 0 : index
    %get3A_70 = arith.constant 0 : index
    %get3A_71 = arith.constant 0 : index
    %get3A_72 = vector.load %arg7[%get3A_69, %get3A_70, %get3A_71] : memref<1x256x256xf32, #tpu.memory_space<vmem>>, vector<1x256x256xf32>
    %get3A_73 = vector.shape_cast %get3A_72 : vector<1x256x256xf32> to vector<256x256xf32>
    %dot_general3A = arith.constant dense<0.000000e+00> : vector<1000x256xf32>
    %dot_general3A_74 = tpu.matmul %mul3A_68, %get3A_73, %dot_general3A {dimension_numbers = #tpu.dot_dimension_numbers<[1], [0], [0], [1], [0, 0, 1, 1], [], []>, transpose_lhs_hint = false} : vector<1000x256xf32>, vector<256x256xf32>, vector<1000x256xf32> -> vector<1000x256xf32>
    %get3A_75 = arith.constant 0 : index
    %get3A_76 = arith.constant 0 : index
    %get3A_77 = arith.constant 0 : index
    %get3A_78 = vector.load %arg8[%get3A_75, %get3A_76, %get3A_77] : memref<1x8x256xf32, #tpu.memory_space<vmem>>, vector<1x1x256xf32>
    %get3A_79 = vector.shape_cast %get3A_78 : vector<1x1x256xf32> to vector<256xf32>
    %broadcast_in_dim3A_80 = vector.shape_cast %get3A_79 : vector<256xf32> to vector<1x256xf32>
    %add3A_81 = vector.broadcast %broadcast_in_dim3A_80 : vector<1x256xf32> to vector<1000x256xf32>
    %add3A_82 = arith.addf %dot_general3A_74, %add3A_81 : vector<1000x256xf32>
    %slice3A = vector.extract_strided_slice %add3A_82 {offsets = [0, 0], sizes = [1000, 128], strides = [1, 1]} : vector<1000x256xf32> to vector<1000x128xf32>
    %swap3A = arith.constant 0 : index
    %swap3A_83 = arith.constant 0 : index
    %swap3A_84 = arith.constant 0 : index
    %swap3A_85 = vector.load %arg12[%swap3A, %swap3A_83, %swap3A_84] : memref<2x1000x128xf32, #tpu.memory_space<vmem>>, vector<1x1000x128xf32>
    %swap3A_86 = vector.shape_cast %swap3A_85 : vector<1x1000x128xf32> to vector<1000x128xf32>
    %swap3A_87 = vector.shape_cast %slice3A : vector<1000x128xf32> to vector<1x1000x128xf32>
    tpu.vector_store %arg12[%swap3A, %swap3A_83, %swap3A_84], %swap3A_87 {strides = array<i32>} : memref<2x1000x128xf32, #tpu.memory_space<vmem>>, vector<1x1000x128xf32>,
    %slice3A_88 = vector.extract_strided_slice %add3A_82 {offsets = [0, 128], sizes = [1000, 128], strides = [1, 1]} : vector<1000x256xf32> to vector<1000x128xf32>
    %swap3A_89 = arith.constant 1 : index
    %swap3A_90 = arith.constant 0 : index
    %swap3A_91 = arith.constant 0 : index
    %swap3A_92 = vector.load %arg12[%swap3A_89, %swap3A_90, %swap3A_91] : memref<2x1000x128xf32, #tpu.memory_space<vmem>>, vector<1x1000x128xf32>
    %swap3A_93 = vector.shape_cast %swap3A_92 : vector<1x1000x128xf32> to vector<1000x128xf32>
    %swap3A_94 = vector.shape_cast %slice3A_88 : vector<1000x128xf32> to vector<1x1000x128xf32>
    tpu.vector_store %arg12[%swap3A_89, %swap3A_90, %swap3A_91], %swap3A_94 {strides = array<i32>} : memref<2x1000x128xf32, #tpu.memory_space<vmem>>, vector<1x1000x128xf32>,
    %get3A_95 = arith.constant 0 : index
    %get3A_96 = arith.constant 0 : index
    %get3A_97 = arith.constant 0 : index
    %get3A_98 = vector.load %arg11[%get3A_95, %get3A_96, %get3A_97] : memref<1x256x256xf32, #tpu.memory_space<vmem>>, vector<1x256x256xf32>
    %get3A_99 = vector.shape_cast %get3A_98 : vector<1x256x256xf32> to vector<256x256xf32>
    %dot_general3A_100 = arith.constant dense<0.000000e+00> : vector<1000x256xf32>
    %dot_general3A_101 = tpu.matmul %mul3A_68, %get3A_99, %dot_general3A_100 {dimension_numbers = #tpu.dot_dimension_numbers<[1], [0], [0], [1], [0, 0, 1, 1], [], []>, transpose_lhs_hint = false} : vector<1000x256xf32>, vector<256x256xf32>, vector<1000x256xf32> -> vector<1000x256xf32>
    %mul3A_102 = vector.broadcast %broadcast_in_dim3A : vector<1000x1xf32> to vector<1000x256xf32>
    %mul3A_103 = arith.mulf %dot_general3A_101, %mul3A_102 : vector<1000x256xf32>
    %slice3A_104 = vector.extract_strided_slice %mul3A_103 {offsets = [0, 0], sizes = [1000, 128], strides = [1, 1]} : vector<1000x256xf32> to vector<1000x128xf32>
    %swap3A_105 = arith.constant 0 : index
    %swap3A_106 = arith.constant 0 : index
    %swap3A_107 = arith.constant 0 : index
    %swap3A_108 = vector.load %arg13[%swap3A_105, %swap3A_106, %swap3A_107] : memref<2x1000x128xf32, #tpu.memory_space<vmem>>, vector<1x1000x128xf32>
    %swap3A_109 = vector.shape_cast %swap3A_108 : vector<1x1000x128xf32> to vector<1000x128xf32>
    %swap3A_110 = vector.shape_cast %slice3A_104 : vector<1000x128xf32> to vector<1x1000x128xf32>
    tpu.vector_store %arg13[%swap3A_105, %swap3A_106, %swap3A_107], %swap3A_110 {strides = array<i32>} : memref<2x1000x128xf32, #tpu.memory_space<vmem>>, vector<1x1000x128xf32>,
    %slice3A_111 = vector.extract_strided_slice %mul3A_103 {offsets = [0, 128], sizes = [1000, 128], strides = [1, 1]} : vector<1000x256xf32> to vector<1000x128xf32>
    %swap3A_112 = arith.constant 1 : index
    %swap3A_113 = arith.constant 0 : index
    %swap3A_114 = arith.constant 0 : index
    %swap3A_115 = vector.load %arg13[%swap3A_112, %swap3A_113, %swap3A_114] : memref<2x1000x128xf32, #tpu.memory_space<vmem>>, vector<1x1000x128xf32>
    %swap3A_116 = vector.shape_cast %swap3A_115 : vector<1x1000x128xf32> to vector<1000x128xf32>
    %swap3A_117 = vector.shape_cast %slice3A_111 : vector<1000x128xf32> to vector<1x1000x128xf32>
    tpu.vector_store %arg13[%swap3A_112, %swap3A_113, %swap3A_114], %swap3A_117 {strides = array<i32>} : memref<2x1000x128xf32, #tpu.memory_space<vmem>>, vector<1x1000x128xf32>,
    %get3A_118 = arith.constant 0 : index
    %get3A_119 = arith.constant 0 : index
    %get3A_120 = arith.constant 0 : index
    %get3A_121 = vector.load %arg9[%get3A_118, %get3A_119, %get3A_120] : memref<1x256x256xf32, #tpu.memory_space<vmem>>, vector<1x256x256xf32>
    %get3A_122 = vector.shape_cast %get3A_121 : vector<1x256x256xf32> to vector<256x256xf32>
    %dot_general3A_123 = arith.constant dense<0.000000e+00> : vector<1000x256xf32>
    %dot_general3A_124 = tpu.matmul %mul3A_68, %get3A_122, %dot_general3A_123 {dimension_numbers = #tpu.dot_dimension_numbers<[1], [0], [0], [1], [0, 0, 1, 1], [], []>, transpose_lhs_hint = false} : vector<1000x256xf32>, vector<256x256xf32>, vector<1000x256xf32> -> vector<1000x256xf32>
    %get3A_125 = arith.constant 0 : index
    %get3A_126 = arith.constant 0 : index
    %get3A_127 = arith.constant 0 : index
    %get3A_128 = vector.load %arg10[%get3A_125, %get3A_126, %get3A_127] : memref<1x8x256xf32, #tpu.memory_space<vmem>>, vector<1x1x256xf32>
    %get3A_129 = vector.shape_cast %get3A_128 : vector<1x1x256xf32> to vector<256xf32>
    %broadcast_in_dim3A_130 = vector.shape_cast %get3A_129 : vector<256xf32> to vector<1x256xf32>
    %add3A_131 = vector.broadcast %broadcast_in_dim3A_130 : vector<1x256xf32> to vector<1000x256xf32>
    %add3A_132 = arith.addf %dot_general3A_124, %add3A_131 : vector<1000x256xf32>
    %swap3A_133 = arith.constant 0 : index
    %swap3A_134 = arith.constant 0 : index
    %swap3A_135 = vector.load %arg14[%swap3A_133, %swap3A_134] : memref<1000x256xf32, #tpu.memory_space<vmem>>, vector<1000x256xf32>
    tpu.vector_store %arg14[%swap3A_133, %swap3A_134], %add3A_132 {strides = array<i32>} : memref<1000x256xf32, #tpu.memory_space<vmem>>, vector<1000x256xf32>,
    return
  }
  func.func @transform_0(%arg0: i32) -> (i32, i32, i32) {
    %c0_i32 = arith.constant 0 : i32
    %c0_i32_0 = arith.constant 0 : i32
    %c0_i32_1 = arith.constant 0 : i32
    return %c0_i32, %arg0, %c0_i32_0 : i32, i32, i32
  }
  func.func @transform_1(%arg0: i32) -> (i32, i32, i32) {
    %c0_i32 = arith.constant 0 : i32
    %c0_i32_0 = arith.constant 0 : i32
    %c0_i32_1 = arith.constant 0 : i32
    return %c0_i32, %arg0, %c0_i32_0 : i32, i32, i32
  }
  func.func @transform_2(%arg0: i32) -> (i32, i32, i32) {
    %c0_i32 = arith.constant 0 : i32
    %c0_i32_0 = arith.constant 0 : i32
    %c0_i32_1 = arith.constant 0 : i32
    return %c0_i32, %arg0, %c0_i32_0 : i32, i32, i32
  }
  func.func @transform_3(%arg0: i32) -> (i32, i32) {
    %c0_i32 = arith.constant 0 : i32
    %c0_i32_0 = arith.constant 0 : i32
    return %arg0, %c0_i32 : i32, i32
  }
  func.func @transform_4(%arg0: i32) -> (i32, i32, i32) {
    %c0_i32 = arith.constant 0 : i32
    %c0_i32_0 = arith.constant 0 : i32
    %c0_i32_1 = arith.constant 0 : i32
    return %c0_i32, %arg0, %c0_i32_0 : i32, i32, i32
  }
  func.func @transform_5(%arg0: i32) -> (i32, i32, i32) {
    %c0_i32 = arith.constant 0 : i32
    %c0_i32_0 = arith.constant 0 : i32
    %c0_i32_1 = arith.constant 0 : i32
    %c0_i32_2 = arith.constant 0 : i32
    return %c0_i32, %c0_i32_0, %c0_i32_1 : i32, i32, i32
  }
  func.func @transform_6(%arg0: i32) -> (i32, i32, i32) {
    %c1_i32 = arith.constant 1 : i32
    %c0_i32 = arith.constant 0 : i32
    %c0_i32_0 = arith.constant 0 : i32
    %c0_i32_1 = arith.constant 0 : i32
    return %c1_i32, %c0_i32, %c0_i32_0 : i32, i32, i32
  }
  func.func @transform_7(%arg0: i32) -> (i32, i32, i32) {
    %c1_i32 = arith.constant 1 : i32
    %c0_i32 = arith.constant 0 : i32
    %c0_i32_0 = arith.constant 0 : i32
    %c0_i32_1 = arith.constant 0 : i32
    return %c1_i32, %c0_i32, %c0_i32_0 : i32, i32, i32
  }
  func.func @transform_8(%arg0: i32) -> (i32, i32, i32) {
    %c1_i32 = arith.constant 1 : i32
    %c0_i32 = arith.constant 0 : i32
    %c0_i32_0 = arith.constant 0 : i32
    %c0_i32_1 = arith.constant 0 : i32
    return %c1_i32, %c0_i32, %c0_i32_0 : i32, i32, i32
  }
  func.func @transform_9(%arg0: i32) -> (i32, i32, i32) {
    %c1_i32 = arith.constant 1 : i32
    %c0_i32 = arith.constant 0 : i32
    %c0_i32_0 = arith.constant 0 : i32
    %c0_i32_1 = arith.constant 0 : i32
    return %c1_i32, %c0_i32, %c0_i32_0 : i32, i32, i32
  }
  func.func @transform_10(%arg0: i32) -> (i32, i32, i32) {
    %c1_i32 = arith.constant 1 : i32
    %c0_i32 = arith.constant 0 : i32
    %c0_i32_0 = arith.constant 0 : i32
    %c0_i32_1 = arith.constant 0 : i32
    return %c1_i32, %c0_i32, %c0_i32_0 : i32, i32, i32
  }
  func.func @transform_11(%arg0: i32) -> (i32, i32, i32) {
    %c0_i32 = arith.constant 0 : i32
    %c0_i32_0 = arith.constant 0 : i32
    %c0_i32_1 = arith.constant 0 : i32
    return %c0_i32, %arg0, %c0_i32_0 : i32, i32, i32
  }
  func.func @transform_12(%arg0: i32) -> (i32, i32, i32) {
    %c0_i32 = arith.constant 0 : i32
    %c0_i32_0 = arith.constant 0 : i32
    %c0_i32_1 = arith.constant 0 : i32
    return %c0_i32, %arg0, %c0_i32_0 : i32, i32, i32
  }
  func.func @transform_13(%arg0: i32) -> (i32, i32) {
    %c0_i32 = arith.constant 0 : i32
    %c0_i32_0 = arith.constant 0 : i32
    return %arg0, %c0_i32 : i32, i32
  }
}

module attributes {stable_mosaic.version = 14 : i64} {
  func.func @body(%arg0: i32, %arg1: memref<2x1000x128xf32, #tpu.memory_space<vmem>>, %arg2: memref<2x1000x128xf32, #tpu.memory_space<vmem>>, %arg3: memref<2x1000x128xf32, #tpu.memory_space<vmem>>, %arg4: memref<1000x256xf32, #tpu.memory_space<vmem>>, %arg5: memref<2x1000x128xf32, #tpu.memory_space<vmem>>, %arg6: memref<1x8x256xf32, #tpu.memory_space<vmem>>, %arg7: memref<128x128xf32, #tpu.memory_space<vmem>>, %arg8: memref<1000x1xf32, #tpu.memory_space<vmem>>) attributes {dimension_semantics = [#tpu.dimension_semantics<arbitrary>], iteration_bounds = array<i64: 10>, scalar_prefetch = 0 : i64, scratch_operands = 0 : i64, tpu.core_type = #tpu.core_type<tc>, window_params = [{transform_indices = @transform_0, window_bounds = array<i64: 2, 1000, 128>}, {transform_indices = @transform_1, window_bounds = array<i64: 2, 1000, 128>}, {transform_indices = @transform_2, window_bounds = array<i64: 2, 1000, 128>}, {transform_indices = @transform_3, window_bounds = array<i64: 1000, 256>}, {transform_indices = @transform_4, window_bounds = array<i64: 2, 1000, 128>}, {transform_indices = @transform_5, window_bounds = array<i64: 1, 8, 256>}, {pipeline_mode = #tpu.pipeline_mode<synchronous>, transform_indices = @transform_6, window_bounds = array<i64: 128, 128>}, {transform_indices = @transform_7, window_bounds = array<i64: 1000, 1>}]} {
    %get3A = arith.constant 0 : index
    %get3A_0 = arith.constant 0 : index
    %get3A_1 = arith.constant 0 : index
    %get3A_2 = vector.load %arg5[%get3A, %get3A_0, %get3A_1] : memref<2x1000x128xf32, #tpu.memory_space<vmem>>, vector<2x1000x128xf32>
    %reduce_sum3A = arith.constant dense<0.000000e+00> : vector<1000x128xf32>
    %reduce_sum3A_3 = vector.multi_reduction <add>, %get3A_2, %reduce_sum3A [0] : vector<2x1000x128xf32> to vector<1000x128xf32>
    %reduce_sum3A_4 = arith.constant dense<0.000000e+00> : vector<1000xf32>
    %reduce_sum3A_5 = vector.multi_reduction <add>, %reduce_sum3A_3, %reduce_sum3A_4 [1] : vector<1000x128xf32> to vector<1000xf32>
    %mul3A = arith.constant 3.906250e-03 : f32
    %mul3A_6 = vector.broadcast %mul3A : f32 to vector<1000xf32>
    %mul3A_7 = arith.mulf %mul3A_6, %reduce_sum3A_5 : vector<1000xf32>
    %add3A = arith.constant 1.000000e+00 : f32
    %add3A_8 = vector.broadcast %add3A : f32 to vector<1000xf32>
    %add3A_9 = arith.addf %add3A_8, %mul3A_7 : vector<1000xf32>
    %rsqrt3A = math.rsqrt %add3A_9 : vector<1000xf32>
    %broadcast_in_dim3A = vector.shape_cast %rsqrt3A : vector<1000xf32> to vector<1000x1xf32>
    %get3A_10 = arith.constant 0 : index
    %get3A_11 = arith.constant 0 : index
    %get3A_12 = arith.constant 0 : index
    %get3A_13 = vector.load %arg1[%get3A_10, %get3A_11, %get3A_12] : memref<2x1000x128xf32, #tpu.memory_space<vmem>>, vector<1x1000x128xf32>
    %get3A_14 = vector.shape_cast %get3A_13 : vector<1x1000x128xf32> to vector<1000x128xf32>
    %get3A_15 = arith.constant 1 : index
    %get3A_16 = arith.constant 0 : index
    %get3A_17 = arith.constant 0 : index
    %get3A_18 = vector.load %arg1[%get3A_15, %get3A_16, %get3A_17] : memref<2x1000x128xf32, #tpu.memory_space<vmem>>, vector<1x1000x128xf32>
    %get3A_19 = vector.shape_cast %get3A_18 : vector<1x1000x128xf32> to vector<1000x128xf32>
    %concatenate3A = tpu.concatenate %get3A_14, %get3A_19 in 1 : vector<1000x128xf32>, vector<1000x128xf32> -> vector<1000x256xf32>
    %get3A_20 = arith.constant 0 : index
    %get3A_21 = arith.constant 0 : index
    %get3A_22 = arith.constant 0 : index
    %get3A_23 = vector.load %arg2[%get3A_20, %get3A_21, %get3A_22] : memref<2x1000x128xf32, #tpu.memory_space<vmem>>, vector<1x1000x128xf32>
    %get3A_24 = vector.shape_cast %get3A_23 : vector<1x1000x128xf32> to vector<1000x128xf32>
    %get3A_25 = arith.constant 1 : index
    %get3A_26 = arith.constant 0 : index
    %get3A_27 = arith.constant 0 : index
    %get3A_28 = vector.load %arg2[%get3A_25, %get3A_26, %get3A_27] : memref<2x1000x128xf32, #tpu.memory_space<vmem>>, vector<1x1000x128xf32>
    %get3A_29 = vector.shape_cast %get3A_28 : vector<1x1000x128xf32> to vector<1000x128xf32>
    %concatenate3A_30 = tpu.concatenate %get3A_24, %get3A_29 in 1 : vector<1000x128xf32>, vector<1000x128xf32> -> vector<1000x256xf32>
    %get3A_31 = arith.constant 0 : index
    %get3A_32 = arith.constant 0 : index
    %get3A_33 = arith.constant 0 : index
    %get3A_34 = vector.load %arg3[%get3A_31, %get3A_32, %get3A_33] : memref<2x1000x128xf32, #tpu.memory_space<vmem>>, vector<1x1000x128xf32>
    %get3A_35 = vector.shape_cast %get3A_34 : vector<1x1000x128xf32> to vector<1000x128xf32>
    %get3A_36 = arith.constant 1 : index
    %get3A_37 = arith.constant 0 : index
    %get3A_38 = arith.constant 0 : index
    %get3A_39 = vector.load %arg3[%get3A_36, %get3A_37, %get3A_38] : memref<2x1000x128xf32, #tpu.memory_space<vmem>>, vector<1x1000x128xf32>
    %get3A_40 = vector.shape_cast %get3A_39 : vector<1x1000x128xf32> to vector<1000x128xf32>
    %concatenate3A_41 = tpu.concatenate %get3A_35, %get3A_40 in 1 : vector<1000x128xf32>, vector<1000x128xf32> -> vector<1000x256xf32>
    %get3A_42 = arith.constant 0 : index
    %get3A_43 = arith.constant 0 : index
    %get3A_44 = vector.load %arg4[%get3A_42, %get3A_43] : memref<1000x256xf32, #tpu.memory_space<vmem>>, vector<1000x256xf32>
    %add3A_45 = arith.addf %concatenate3A, %get3A_44 : vector<1000x256xf32>
    %add3A_46 = arith.addf %concatenate3A_30, %concatenate3A_41 : vector<1000x256xf32>
    %mul3A_47 = vector.broadcast %broadcast_in_dim3A : vector<1000x1xf32> to vector<1000x256xf32>
    %mul3A_48 = arith.mulf %mul3A_47, %add3A_46 : vector<1000x256xf32>
    %add3A_49 = arith.addf %add3A_45, %mul3A_48 : vector<1000x256xf32>
    %get3A_50 = arith.constant 0 : index
    %get3A_51 = arith.constant 0 : index
    %get3A_52 = arith.constant 0 : index
    %get3A_53 = vector.load %arg6[%get3A_50, %get3A_51, %get3A_52] : memref<1x8x256xf32, #tpu.memory_space<vmem>>, vector<1x1x256xf32>
    %get3A_54 = vector.shape_cast %get3A_53 : vector<1x1x256xf32> to vector<256xf32>
    %broadcast_in_dim3A_55 = vector.shape_cast %get3A_54 : vector<256xf32> to vector<1x256xf32>
    %add3A_56 = vector.broadcast %broadcast_in_dim3A_55 : vector<1x256xf32> to vector<1000x256xf32>
    %add3A_57 = arith.addf %add3A_49, %add3A_56 : vector<1000x256xf32>
    %mul3A_58 = arith.constant 5.000000e-01 : f32
    %mul3A_59 = vector.broadcast %mul3A_58 : f32 to vector<1000x256xf32>
    %mul3A_60 = arith.mulf %mul3A_59, %add3A_57 : vector<1000x256xf32>
    %sqrt3A = arith.constant 2.000000e+00 : f32
    %sqrt3A_61 = math.sqrt %sqrt3A : f32
    %div3A = arith.constant 1.000000e+00 : f32
    %div3A_62 = arith.divf %div3A, %sqrt3A_61 : f32
    %mul3A_63 = vector.broadcast %div3A_62 : f32 to vector<1000x256xf32>
    %mul3A_64 = arith.mulf %add3A_57, %mul3A_63 : vector<1000x256xf32>
    %erf3A = math.erf %mul3A_64 : vector<1000x256xf32>
    %add3A_65 = arith.constant 1.000000e+00 : f32
    %add3A_66 = vector.broadcast %add3A_65 : f32 to vector<1000x256xf32>
    %add3A_67 = arith.addf %add3A_66, %erf3A : vector<1000x256xf32>
    %mul3A_68 = arith.mulf %mul3A_60, %add3A_67 : vector<1000x256xf32>
    %slice3A = vector.extract_strided_slice %mul3A_68 {offsets = [0, 0], sizes = [1000, 128], strides = [1, 1]} : vector<1000x256xf32> to vector<1000x128xf32>
    %slice3A_69 = vector.extract_strided_slice %mul3A_68 {offsets = [0, 128], sizes = [1000, 128], strides = [1, 1]} : vector<1000x256xf32> to vector<1000x128xf32>
    %get3A_70 = arith.constant 0 : index
    %get3A_71 = arith.constant 0 : index
    %get3A_72 = vector.load %arg7[%get3A_70, %get3A_71] : memref<128x128xf32, #tpu.memory_space<vmem>>, vector<128x128xf32>
    %dot_general3A = arith.constant dense<0.000000e+00> : vector<1000x128xf32>
    %dot_general3A_73 = tpu.matmul %slice3A, %get3A_72, %dot_general3A {dimension_numbers = #tpu.dot_dimension_numbers<[1], [0], [0], [1], [0, 0, 1, 1], [], []>, transpose_lhs_hint = false} : vector<1000x128xf32>, vector<128x128xf32>, vector<1000x128xf32> -> vector<1000x128xf32>
    %dot_general3A_74 = arith.constant dense<0.000000e+00> : vector<1000x128xf32>
    %dot_general3A_75 = tpu.matmul %slice3A, %get3A_72, %dot_general3A_74 {dimension_numbers = #tpu.dot_dimension_numbers<[1], [1], [0], [0], [0, 0, 1, 0], [], []>, transpose_lhs_hint = false} : vector<1000x128xf32>, vector<128x128xf32>, vector<1000x128xf32> -> vector<1000x128xf32>
    %sub3A = arith.subf %dot_general3A_73, %dot_general3A_75 : vector<1000x128xf32>
    %mul3A_76 = arith.mulf %sub3A, %slice3A_69 : vector<1000x128xf32>
    %reduce_sum3A_77 = arith.constant dense<0.000000e+00> : vector<1000xf32>
    %reduce_sum3A_78 = vector.multi_reduction <add>, %mul3A_76, %reduce_sum3A_77 [1] : vector<1000x128xf32> to vector<1000xf32>
    %broadcast_in_dim3A_79 = vector.shape_cast %reduce_sum3A_78 : vector<1000xf32> to vector<1000x1xf32>
    %swap3A = arith.constant 0 : index
    %swap3A_80 = arith.constant 0 : index
    %swap3A_81 = vector.load %arg8[%swap3A, %swap3A_80] : memref<1000x1xf32, #tpu.memory_space<vmem>>, vector<1000x1xf32>
    tpu.vector_store %arg8[%swap3A, %swap3A_80], %broadcast_in_dim3A_79 {strides = array<i32>} : memref<1000x1xf32, #tpu.memory_space<vmem>>, vector<1000x1xf32>,
    return
  }
  func.func @transform_0(%arg0: i32) -> (i32, i32, i32) {
    %c0_i32 = arith.constant 0 : i32
    %c0_i32_0 = arith.constant 0 : i32
    %c0_i32_1 = arith.constant 0 : i32
    return %c0_i32, %arg0, %c0_i32_0 : i32, i32, i32
  }
  func.func @transform_1(%arg0: i32) -> (i32, i32, i32) {
    %c0_i32 = arith.constant 0 : i32
    %c0_i32_0 = arith.constant 0 : i32
    %c0_i32_1 = arith.constant 0 : i32
    return %c0_i32, %arg0, %c0_i32_0 : i32, i32, i32
  }
  func.func @transform_2(%arg0: i32) -> (i32, i32, i32) {
    %c0_i32 = arith.constant 0 : i32
    %c0_i32_0 = arith.constant 0 : i32
    %c0_i32_1 = arith.constant 0 : i32
    return %c0_i32, %arg0, %c0_i32_0 : i32, i32, i32
  }
  func.func @transform_3(%arg0: i32) -> (i32, i32) {
    %c0_i32 = arith.constant 0 : i32
    %c0_i32_0 = arith.constant 0 : i32
    return %arg0, %c0_i32 : i32, i32
  }
  func.func @transform_4(%arg0: i32) -> (i32, i32, i32) {
    %c0_i32 = arith.constant 0 : i32
    %c0_i32_0 = arith.constant 0 : i32
    %c0_i32_1 = arith.constant 0 : i32
    return %c0_i32, %arg0, %c0_i32_0 : i32, i32, i32
  }
  func.func @transform_5(%arg0: i32) -> (i32, i32, i32) {
    %c1_i32 = arith.constant 1 : i32
    %c0_i32 = arith.constant 0 : i32
    %c0_i32_0 = arith.constant 0 : i32
    %c0_i32_1 = arith.constant 0 : i32
    return %c1_i32, %c0_i32, %c0_i32_0 : i32, i32, i32
  }
  func.func @transform_6(%arg0: i32) -> (i32, i32) {
    %c0_i32 = arith.constant 0 : i32
    %c0_i32_0 = arith.constant 0 : i32
    %c0_i32_1 = arith.constant 0 : i32
    return %c0_i32, %c0_i32_0 : i32, i32
  }
  func.func @transform_7(%arg0: i32) -> (i32, i32) {
    %c0_i32 = arith.constant 0 : i32
    %c0_i32_0 = arith.constant 0 : i32
    return %arg0, %c0_i32 : i32, i32
  }
}

</mosaic_0001>

<sc_bundles>
// kernel: kernel.10.cloned.1.call-start
scs
__scs_entry_jumppad:
0x0: {  	(pc) =	sbr.rel $0x88, $3  }
0x1: {  	(tag) =	ssettag $0x0;
	lr =	simm.s32 $0x1  }
0x2: {  	[smem:$0x3F92] =	sst lr;
	_ =	strace $0xD0000000  }
0x3: {  	_ = 	snop  }
0x4: {  	_ = 	snop  }
0x5: {  	_ = 	snop  }
0x6: {  	_ = 	snop  }
0x7: {  	_ = 	snop  }
__scs_overlays_trampoline_lowered:
0x8: {  	[smem:$0x3FA1] =	sst s0  }
0x9: {  	[smem:$0x3FA2] =	sst s1  }
0xa: {  	[smem:$0x3FA3] =	sst s2  }
0xb: {  	[smem:$0x3FA4] =	sst s3  }
0xc: {  	[smem:$0x3FA5] =	sst s4  }
0xd: {  	[smem:$0x3FA6] =	sst s5  }
0xe: {  	[smem:$0x3FA7] =	sst s6  }
0xf: {  	[smem:$0x3FA8] =	sst s7  }
0x10: {  	[smem:$0x3FA9] =	sst s8  }
0x11: {  	[smem:$0x3FAA] =	sst s9;
	s0 =	simm.s32 @!p0 $0x0  }
0x12: {  	s1 =	sld [smem:$0x3F90];
	s0 =	simm.s32 @p0 $0x1  }
0x13: {  	[smem:$0x3FAB] =	sst s0;
	s0 =	simm.s32 @!p1 $0x0  }
0x14: {  	s2 =	sld [smem:$0x3F8F];
	s0 =	simm.s32 @p1 $0x1  }
0x15: {  	[smem:$0x3FAC] =	sst s0;
	s0 =	simm.s32 @!p2 $0x0  }
0x16: {  	s3 =	sld [smem:$0x3FDB];
	s0 =	simm.s32 @p2 $0x1  }
0x17: {  	s4 =	simm.s32 $0x1BF5;
	[smem:$0x3FAE] =	sst s0  }
0x18: {  	s0 =	sld [smem:$0x3F91];
	_ =	swait.ge [sflag:s4], $0x0  }
0x19: {  	s7 =	sld [smem:$0x3F92]  }
0x1a: {  	s8 =	sadd.s32 $0xFFFFE003, lr  }
0x1b: {  	s9 =	sadd.s32 $0xFFFFFEF7, lr;
	s5 =	simm.s32 $0xFFFFFFFF;
	p2 =	slt.u32 s8, $0xFFFFF086  }
0x1c: {  	p1 =	slt.u32 s9, $0xF7A;
	s5 =	simm.s32 @!p2 $0x0  }
0x1d: {  	s5 =	simm.s32 @p1 $0x1;
	p0 =	seq.s32 s7, s2  }
0x1e: {  	s7 =	smul.u32 @!p0 $0xF7A, s2;
	p2 =	seq.s32 @!p0 s5, $0x0  }
0x1f: {  	s9 =	smul.u32 $0xF7A, s1;
	s8 =	simm.s32 @!p0 $0x1BF5;
	p2 =	por !p2, p0  }
0x20: {  	[sflag:s8] =	ssyncset.s32 @!p0 $0xFFFFF086;
	s6 =	sadd.s32 @!p0 s3, s7;
	s7 =	simm.s32 @!p0 $0x108  }
0x21: {  	s3 =	sadd.s32 s3, s9;
	s6 =	sadd.s32 @!p0 $0x88, s6;
	s7 =	simm.s32 @p2 $0x1082  }
0x22: {  	[simem:s7], [sflag:s8] =	dma.local @!p0 [hbm:s6], $0xF7A  }
0x23: {  	s9 =	sor.u32 $0xD0000000, s2;
	s6 =	simm.s32 $0x108;
	_ =	swait.ge @!p0 [sflag:s8], $0x0  }
0x24: {  	s3 =	sadd.s32 $0x88, s3;
	s6 =	simm.s32 @!p1 $0x1082;
	[sflag:s4] =	ssyncset.s32 $0xFFFFF086  }
0x25: {  	[simem:s6], [sflag:s4] =	dma.local [hbm:s3], $0xF7A  }
0x26: {  	[smem:$0x3F92] =	sst s1;
	(tag) =	ssettag s2;
	_ =	strace s9  }
0x27: {  	s1 =	sld [smem:$0x3FA2]  }
0x28: {  	s2 =	sld [smem:$0x3FA3]  }
0x29: {  	s4 =	sld [smem:$0x3FA5]  }
0x2a: {  	p0 =	seq.s32 s5, $0x0;
	s5 =	sld [smem:$0x3FA6]  }
0x2b: {  	s6 =	sld [smem:$0x3FA7]  }
0x2c: {  	s7 =	sld [smem:$0x3FA8]  }
0x2d: {  	s3 =	simm.s32 $0x108;
	s8 =	sld [smem:$0x3FA9]  }
0x2e: {  	s3 =	simm.s32 @!p0 $0x1082;
	s9 =	sld [smem:$0x3FAA]  }
0x2f: {  	lr =	sadd.s32 s0, s3;
	s0 =	sld [smem:$0x3FA1]  }
0x30: {  	s3 =	sld [smem:$0x3FA4]  }
0x31: {  	[smem:$0x3FAD] =	sst s10  }
0x32: {  	s10 =	sld [smem:$0x3FAB];
	_ =	sdelay $0x3  }
0x33: {  	p0 =	seq.s32 s10, $0x1;
	s10 =	sld [smem:$0x3FAD];
	_ =	sdelay $0x3  }
0x34: {  	[smem:$0x3FAD] =	sst s10  }
0x35: {  	s10 =	sld [smem:$0x3FAC];
	_ =	sdelay $0x3  }
0x36: {  	p1 =	seq.s32 s10, $0x1;
	s10 =	sld [smem:$0x3FAD];
	_ =	sdelay $0x3  }
0x37: {  	[smem:$0x3FAD] =	sst s10  }
0x38: {  	s10 =	sld [smem:$0x3FAE]  }
0x39: {  	_ = 	snop;
	(pc) =	sbr.ind lr, $3  }
0x3a: {  	_ = 	snop  }
0x3b: {  	_ = 	snop  }
0x3c: {  	p2 =	seq.s32 s10, $0x1;
	s10 =	sld [smem:$0x3FAD]  }
0x3d: {  	_ =	shalt  }
0x3e: {  	_ =	shalt  }
0x3f: {  	_ =	shalt  }
0x40: {  	_ =	shalt  }
0x41: {  	_ =	shalt  }
0x42: {  	_ =	shalt  }
0x43: {  	_ =	shalt  }
0x44: {  	_ =	shalt  }
0x45: {  	_ =	shalt  }
0x46: {  	_ =	shalt  }
0x47: {  	_ =	shalt  }
0x48: {  	_ =	shalt  }
0x49: {  	_ =	shalt  }
0x4a: {  	_ =	shalt  }
0x4b: {  	_ =	shalt  }
0x4c: {  	_ =	shalt  }
0x4d: {  	_ =	shalt  }
0x4e: {  	_ =	shalt  }
0x4f: {  	_ =	shalt  }
0x50: {  	_ =	shalt  }
0x51: {  	_ =	shalt  }
0x52: {  	_ =	shalt  }
0x53: {  	_ =	shalt  }
0x54: {  	_ =	shalt  }
0x55: {  	_ =	shalt  }
0x56: {  	_ =	shalt  }
0x57: {  	_ =	shalt  }
0x58: {  	_ =	shalt  }
0x59: {  	_ =	shalt  }
0x5a: {  	_ =	shalt  }
0x5b: {  	_ =	shalt  }
0x5c: {  	_ =	shalt  }
0x5d: {  	_ =	shalt  }
0x5e: {  	_ =	shalt  }
0x5f: {  	_ =	shalt  }
0x60: {  	_ =	shalt  }
0x61: {  	_ =	shalt  }
0x62: {  	_ =	shalt  }
0x63: {  	_ =	shalt  }
0x64: {  	_ =	shalt  }
0x65: {  	_ =	shalt  }
0x66: {  	_ =	shalt  }
0x67: {  	_ =	shalt  }
0x68: {  	_ =	shalt  }
0x69: {  	_ =	shalt  }
0x6a: {  	_ =	shalt  }
0x6b: {  	_ =	shalt  }
0x6c: {  	_ =	shalt  }
0x6d: {  	_ =	shalt  }
0x6e: {  	_ =	shalt  }
0x6f: {  	_ =	shalt  }
0x70: {  	_ =	shalt  }
0x71: {  	_ =	shalt  }
0x72: {  	_ =	shalt  }
0x73: {  	_ =	shalt  }
0x74: {  	_ =	shalt  }
0x75: {  	_ =	shalt  }
0x76: {  	_ =	shalt  }
0x77: {  	_ =	shalt  }
0x78: {  	_ =	shalt  }
0x79: {  	_ =	shalt  }
0x7a: {  	_ =	shalt  }
0x7b: {  	_ =	shalt  }
0x7c: {  	_ =	shalt  }
0x7d: {  	_ =	shalt  }
0x7e: {  	_ =	shalt  }
0x7f: {  	_ =	shalt  }
0x80: {  	_ =	shalt  }
0x81: {  	_ =	shalt  }
0x82: {  	_ =	shalt  }
0x83: {  	_ =	shalt  }
0x84: {  	_ =	shalt  }
0x85: {  	_ =	shalt  }
0x86: {  	_ =	shalt  }
0x87: {  	_ =	shalt  }
.Lfunc_end0:
.L_simem_size_0:
called_computation_lowered:
.L_overlay_start_0:
0x88: {  	s2 =	sld [smem:$0x3FD9]  }
0x89: {  	s3 =	sld [smem:$0x3FFE];
	_ =	sdelay $0x1  }
0x8a: {  	s1 =	srdreg.scid  }
0x8b: {  	s0 =	sand.u32 $0x1, s1  }
0x8c: {  	s16 =	sshll.u32 s0, $0xA;
	s2 =	sadd.s32 s3, s2  }
0x8d: {  	s2 =	sadd.s32 s2, s16  }
0x8e: {  	[smem:$0x3FB9] =	sst s2  }
0x8f: {  	_ = 	snop  }
0x90: {  	(tm) =	ssettm $0x1  }
0x91: {  	s17 =	sld [smem:$0x3FFB];
	_ =	sdelay $0x3  }
0x92: {  	_ =	strace s17  }
0x93: {  	s2 =	sld [smem:$0x3FFC];
	_ =	sdelay $0x3  }
0x94: {  	_ =	strace s2  }
0x95: {  	s2 =	sld [smem:$0x3FFD];
	_ =	sdelay $0x3  }
0x96: {  	_ =	strace s2  }
0x97: {  	_ =	strace $0x8FFFFFFF  }
0x98: {  	s18 =	sld [smem:$0x3FDB];
	_ =	sdelay $0x1  }
0x99: {  	s19 =	simm.s32 $_scs_section_size  }
0x9a: {  	s4 =	simm.s32 $_size__tile_overlayer_lowered;
	s5 =	simm.s32 $_tile_overlayer_lowered  }
0x9b: {  	s22 =	simm.s32 $0x1BFF;
	s21 =	sshll.u32 s5, $0x1;
	s2 =	sadd.s32 s19, s18  }
0x9c: {  	s6 =	simm.s32 $0x0;
	s20 =	sshll.u32 s4, $0x1;
	s4 =	sadd.s32 s21, s2  }
0x9d: {  	[timem:s6], [sflag:s22] =	dma.local [hbm:s4], s20  }
0x9e: {  	_ =	swait.ge [sflag:s22], s20  }
0x9f: {  	s3 =	ssub.s32 $0x0, s20;
	[sflag:s22] =	ssyncset.done $0x0  }
0xa0: {  	[sflag:s22] =	ssyncadd.s32 s3;
	_ =	sdelay $0x1  }
0xa1: {  	s23 =	simm.s32 $0x1B8B  }
0xa2: {  	_ =	swait.ge [sflag:s23], $0x1  }
0xa3: {  	[sflag:s23] =	ssyncset.done $0x0  }
0xa4: {  	s25 =	simm.s32 $0x1B8E;
	s24 =	sld [smem:$0x3FFE];
	[sflag:s23] =	ssyncadd.s32 $0xFFFFFFFF  }
0xa5: {  	s26 =	simm.s32 $execute0_lowered;
	[smem:$0x3FD2] =	sst s25  }
0xa6: {  	s4 =	sshll.u32 s26, $0x1;
	_ =	strace $0x80000046;
	[dreg:$0x1] =	wrdreg $0xFFFFFFFF  }
0xa7: {  	s28 =	simm.s32 $_size_execute0_lowered;
	s2 =	sadd.s32 s2, s4;
	[dreg:$0x0] =	wrdreg $0x0  }
0xa8: {  	s4 =	sshll.u32 s28, $0x1;
	[dreg:$0x2] =	wrdreg s2  }
0xa9: {  	[dreg:$0x3] =	wrdreg s4  }
0xaa: {  	[dreg:$0x4] =	wrdreg $0xC0  }
0xab: {  	_ =	task [dreg:s6], $0x5FFFF  }
0xac: {  	[dreg:$0x1] =	wrdreg $0xFFFFFFFF  }
0xad: {  	[dreg:$0x0] =	wrdreg $0x60  }
0xae: {  	[dreg:$0x2] =	wrdreg s24  }
0xaf: {  	[dreg:$0x3] =	wrdreg $0x0  }
0xb0: {  	[dreg:$0x4] =	wrdreg $0x9  }
0xb1: {  	_ =	task.clear_ibuf [dreg:s6], $0x5FFFF;
	_ =	strace $0x90000046  }
0xb2: {  	s29 =	simm.s32 $0x9;
	_ =	strace $0x80000048  }
0xb3: {  	_ =	swait.ge [sflag:s29], $0x1  }
0xb4: {  	[sflag:s29] =	ssyncadd.s32 $0xFFFFFFFF  }
0xb5: {  	_ =	strace $0x90000048  }
0xb6: {  	_ =	sfence  }
0xb7: {  	s30 =	sld [smem:$0x0];
	_ =	sdelay $0x2  }
0xb8: {  	s31 =	sshll.u32 s1, $0xD;
	s1 =	sshrl.u32 s1, $0x2  }
0xb9: {  	s3 =	sand.u32 $0x4000, s31;
	s1 =	sadd.s32 s1, s30  }
0xba: {  	s0 =	sor.u32 s3, s0;
	s1 =	sshll.u32 s1, $0x11  }
0xbb: {  	s0 =	sor.u32 s1, s0  }
0xbc: {  	s0 =	sadd.s32 $0x8F2B, s0  }
0xbd: {  	[sflag:s0] =	ssyncadd.remote.s32 $0x1  }
0xbe: {  	_ =	sfence.sel $0xFFFF  }
0xbf: {  	[dreg:$0x0] =	wrdreg $0xFFFFFFFF;
	(pc) =	sbr.abs _section_cstart, $3  }
0xc0: {  	[dreg:$0x1] =	wrdreg $0xFFFFFFFF  }
0xc1: {  	_ =	task.clear_ibuf [dreg:s6], $0x2FFFF;
	_ =	strace $0x9FFFFFFF  }
0xc2: {  	(tm) =	ssettm $0x7FFFFFFF  }
0xc3: {  	_ =	shalt  }
tec
execute0_lowered:
.L_overlay_start_1:
0x0: {  	(tag) =	ssettag $0x1  }
0x1: {  	s4 =	rddreg [dreg:$0x0]  }
0x2: {  	s1 =	rddreg [dreg:$0x1]  }
0x3: {  	s0 =	rddreg [dreg:$0x2];
	s2 =	stileid.u32  }
0x4: {  	s3 =	simm.s32 $0x0;
	s6 =	srdreg.scid;
	s18 =	simm.s32 $0x1  }
0x5: {  	s19 =	simm.s32 $0x13880;
	s20 =	simm.s32 $0x50;
	s5 =	smul.u32 $0x4E2, s2  }
0x6: {  	s21 =	simm.s32 $0x13900;
	s22 =	simm.s32 $0x0;
	s29 =	smul.u32 $0x4E000, s2  }
0x7: {  	[smem:$0x7FF] =	sst s3;
	s9 =	sand.u32 $0x1, s6;
	s12 =	smul.u32 $0x2700, s2  }
0x8: {  	s13 =	sadd.s32 $0xC800, s4;
	p0 =	sne.s32 s2, $0x0;
	s11 =	smul.u32 $0x138800, s9  }
0x9: {  	_ =	strace $0x80000047;
	s30 =	ssub.s32 $0x2, s9;
	s14 =	smul.u32 $0x27100, s9  }
0xa: {  	s16 =	sadd.s32 s5, s4;
	s31 =	sshrl.u32 s30, $0x1;
	s6 =	sshrl.u32 s29, $0x2  }
0xb: {  	s15 =	ssub.s32 s30, s31;
	s4 =	sadd.s32 s6, s1;
	s17 =	sshrl.u32 s11, $0x3  }
0xc: {  	s14 =	sadd.s32 s12, s14;
	s12 =	sadd.s32 $0x138000, s1;
	s16 =	sadd.s32 $0x7800, s16  }
0xd: {  	s5 =	sadd.s32 $0x2800, s4;
	s6 =	sadd.s32 $0x5000, s4;
	s7 =	sadd.s32 $0x7800, s4  }
0xe: {  	s8 =	sadd.s32 $0xA000, s4;
	s9 =	sadd.s32 $0xC800, s4;
	s10 =	sadd.s32 $0xF000, s4  }
0xf: {  	s11 =	sadd.s32 $0x11800, s4;
	s17 =	sadd.s32 s13, s17;
	s13 =	sadd.s32 s13, s14  }
0x10: {  	v0 =	vimm.f32 $0.0e+00;
	v1 =	vimm.f32 $1.000000000e+00;
	s15 =	smax.u32 s15, $0x1;
	s14 =	sadd.s32 $0x27000, s17;
	s17 =	simm.s32 $0x16100  }
.LBB2_1:
0x11: {  	s23 =	simm.s32 $0x0;
	s24 =	simm.s32 $0x200  }
.LBB2_2:
0x12: {  	p1 =	sne.s32 s24, $0x9E00;
	[tilespmem:s23+$0x16170] =	vst v0  }
0x13: {  	[tilespmem:s23+$0x16100] =	vst v0  }
0x14: {  	[tilespmem:s23+$0x16110] =	vst v0  }
.Ltmp0:
0x15: {  	[tilespmem:s23+$0x16120] =	vst v0;
	(pc) =	sbr.rel @p1 .LBB2_2-.Ltmp0, $4  }
0x16: {  	[tilespmem:s23+$0x16130] =	vst v0  }
0x17: {  	[tilespmem:s23+$0x16140] =	vst v0  }
0x18: {  	[tilespmem:s23+$0x16150] =	vst v0  }
0x19: {  	[tilespmem:s23+$0x16160] =	vst v0;
	s23 =	sshra.s32 s24, $0x2;
	s24 =	sadd.s32 $0x200, s24  }
0x1a: {  	[tilespmem:s23+$0x16170] =	vst v0  }
0x1b: {  	[tilespmem:s23+$0x16100] =	vst v0  }
0x1c: {  	[tilespmem:s23+$0x16110] =	vst v0  }
0x1d: {  	[tilespmem:s23+$0x16120] =	vst v0  }
0x1e: {  	[tilespmem:s23+$0x16130] =	vst v0  }
0x1f: {  	[tilespmem:s23+$0x16140] =	vst v0  }
0x20: {  	[tilespmem:s23+$0x16150] =	vst v0  }
0x21: {  	[tilespmem:s23+$0x16160] =	vst v0;
	s23 =	simm.s32 $0x0;
	s24 =	simm.s32 $0x200  }
.LBB2_4:
0x22: {  	p1 =	sne.s32 s24, $0x9E00;
	[tilespmem:s23+$0x13970] =	vst v1  }
0x23: {  	[tilespmem:s23+$0x13900] =	vst v1  }
0x24: {  	[tilespmem:s23+$0x13910] =	vst v1  }
.Ltmp1:
0x25: {  	[tilespmem:s23+$0x13920] =	vst v1;
	(pc) =	sbr.rel @p1 .LBB2_4-.Ltmp1, $4  }
0x26: {  	[tilespmem:s23+$0x13930] =	vst v1  }
0x27: {  	[tilespmem:s23+$0x13940] =	vst v1  }
0x28: {  	[tilespmem:s23+$0x13950] =	vst v1  }
0x29: {  	[tilespmem:s23+$0x13960] =	vst v1;
	s23 =	sshra.s32 s24, $0x2;
	s24 =	sadd.s32 $0x200, s24  }
0x2a: {  	[tilespmem:s23+$0x13970] =	vst v1  }
0x2b: {  	[tilespmem:s23+$0x13900] =	vst v1  }
0x2c: {  	[tilespmem:s23+$0x13910] =	vst v1  }
0x2d: {  	[tilespmem:s23+$0x13920] =	vst v1  }
0x2e: {  	[tilespmem:s23+$0x13930] =	vst v1  }
0x2f: {  	[tilespmem:s23+$0x13940] =	vst v1  }
0x30: {  	[tilespmem:s23+$0x13950] =	vst v1  }
0x31: {  	[tilespmem:s23+$0x13960] =	vst v1  }
0x32: {  	[spmem:s4] =	stream.linear.scatter [tilespmem:s17], [sflag:$0x1], $0x2800, $0x38;
	[tilespmem:$0x18900] =	vst v63  }
0x33: {  	_ =	swait.ge [sflag:s18], $0x2800  }
0x34: {  	[sflag:s18] =	ssyncset.done $0x0  }
0x35: {  	[sflag:s18] =	ssyncadd.s32 $0xFFFFD800  }
0x36: {  	[spmem:s5] =	stream.linear.scatter [tilespmem:s17], [sflag:$0x1], $0x2800, $0x38;
	[tilespmem:$0x18900] =	vst v63  }
0x37: {  	_ =	swait.ge [sflag:s18], $0x2800  }
0x38: {  	[sflag:s18] =	ssyncset.done $0x0  }
0x39: {  	[sflag:s18] =	ssyncadd.s32 $0xFFFFD800  }
0x3a: {  	[spmem:s6] =	stream.linear.scatter [tilespmem:s17], [sflag:$0x1], $0x2800, $0x38;
	[tilespmem:$0x18900] =	vst v63  }
0x3b: {  	_ =	swait.ge [sflag:s18], $0x2800  }
0x3c: {  	[sflag:s18] =	ssyncset.done $0x0  }
0x3d: {  	[sflag:s18] =	ssyncadd.s32 $0xFFFFD800  }
0x3e: {  	[spmem:s7] =	stream.linear.scatter [tilespmem:s17], [sflag:$0x1], $0x2800, $0x38;
	[tilespmem:$0x18900] =	vst v63  }
0x3f: {  	_ =	swait.ge [sflag:s18], $0x2800  }
0x40: {  	[sflag:s18] =	ssyncset.done $0x0  }
0x41: {  	[sflag:s18] =	ssyncadd.s32 $0xFFFFD800  }
0x42: {  	[spmem:s8] =	stream.linear.scatter [tilespmem:s17], [sflag:$0x1], $0x2800, $0x38;
	[tilespmem:$0x18900] =	vst v63  }
0x43: {  	_ =	swait.ge [sflag:s18], $0x2800  }
0x44: {  	[sflag:s18] =	ssyncset.done $0x0  }
0x45: {  	[sflag:s18] =	ssyncadd.s32 $0xFFFFD800  }
0x46: {  	[spmem:s9] =	stream.linear.scatter [tilespmem:s17], [sflag:$0x1], $0x2800, $0x38;
	[tilespmem:$0x18900] =	vst v63  }
0x47: {  	_ =	swait.ge [sflag:s18], $0x2800  }
0x48: {  	[sflag:s18] =	ssyncset.done $0x0  }
0x49: {  	[sflag:s18] =	ssyncadd.s32 $0xFFFFD800  }
0x4a: {  	[spmem:s10] =	stream.linear.scatter [tilespmem:s17], [sflag:$0x1], $0x2800, $0x38;
	[tilespmem:$0x18900] =	vst v63  }
0x4b: {  	_ =	swait.ge [sflag:s18], $0x2800  }
0x4c: {  	[sflag:s18] =	ssyncset.done $0x0  }
0x4d: {  	[sflag:s18] =	ssyncadd.s32 $0xFFFFD800  }
0x4e: {  	[spmem:s11] =	stream.linear.scatter [tilespmem:s17], [sflag:$0x1], $0x2000, $0x38;
	[tilespmem:$0x18900] =	vst v63  }
0x4f: {  	_ =	swait.ge [sflag:s18], $0x2000  }
0x50: {  	[sflag:s18] =	ssyncset.done $0x0  }
0x51: {  	s23 =	simm.s32 @!p0 $0x16100;
	[sflag:s18] =	ssyncadd.s32 $0xFFFFE000  }
0x52: {  	[spmem:s12] =	stream.linear.scatter @!p0 [tilespmem:s23], [sflag:$0x1], $0x800, $0x38;
	[tilespmem:$0x18900] =	vst v63  }
0x53: {  	s23 =	simm.s32 @!p0 $0x1  }
0x54: {  	_ =	swait.ge @!p0 [sflag:s23], $0x800  }
0x55: {  	[sflag:s23] =	ssyncset.done @!p0 $0x0  }
0x56: {  	[sflag:s23] =	ssyncadd.s32 @!p0 $0xFFFFF800  }
0x57: {  	s31 =	sadd.s32 $0x0, s16;
	[bflag:$0x0] =	sbarrier.arrive $0xFFFF  }
0x58: {  	[tilespmem:s19], [sflag:$0x1] =	stream.linear.gather [hbm4b:s31+s3], $0x50, $0x38;
	[tilespmem:$0x18900] =	vst v63  }
0x59: {  	_ =	swait.ge [sflag:s18], $0x50  }
0x5a: {  	[sflag:s18] =	ssyncset.done $0x0  }
0x5b: {  	[sflag:s18] =	ssyncadd.s32 $0xFFFFFFB0  }
0x5c: {  	[spmem:s1] =	stream.indirect.scatter.add.f32 [tilespmem:s21], [sflag:$0x1], $0x80, s19, s20, $0xb8;
	[tilespmem:$0x18900] =	vst v63  }
0x5d: {  	_ =	swait.ge [sflag:s18], $0x2800  }
0x5e: {  	s24 =	simm.s32 $0x14;
	s23 =	simm.s32 $0xA;
	[sflag:s18] =	ssyncset.done $0x0  }
.LBB2_6:
0x5f: {  	s25 =	sadd.s32 s23, s16  }
0x60: {  	[sflag:s18] =	ssyncadd.s32 $0xFFFFD800;
	s23 =	smov.u32 s24;
	s26 =	sadd.s32 $0xA, s24  }
0x61: {  	[tilespmem:s19], [sflag:$0x1] =	stream.linear.gather [hbm4b:s25+s3], $0x50, $0x38;
	[tilespmem:$0x18900] =	vst v63  }
0x62: {  	p1 =	sne.s32 s24, $0x4D8;
	_ =	swait.ge [sflag:s18], $0x50  }
.Ltmp2:
0x63: {  	[sflag:s18] =	ssyncset.done $0x0;
	(pc) =	sbr.rel @p1 .LBB2_6-.Ltmp2, $4  }
0x64: {  	[sflag:s18] =	ssyncadd.s32 $0xFFFFFFB0  }
0x65: {  	[spmem:s1] =	stream.indirect.scatter.add.f32 [tilespmem:s21], [sflag:$0x1], $0x80, s19, s20, $0xb8;
	[tilespmem:$0x18900] =	vst v63  }
0x66: {  	_ =	swait.ge [sflag:s18], $0x2800  }
0x67: {  	s24 =	smov.u32 s26;
	[sflag:s18] =	ssyncset.done $0x0  }
0x68: {  	s23 =	sadd.s32 s23, s16;
	[sflag:s18] =	ssyncadd.s32 $0xFFFFD800  }
0x69: {  	[tilespmem:s19], [sflag:$0x1] =	stream.linear.gather [hbm4b:s23+s3], $0x50, $0x38;
	[tilespmem:$0x18900] =	vst v63  }
0x6a: {  	_ =	swait.ge [sflag:s18], $0x50  }
0x6b: {  	[sflag:s18] =	ssyncset.done $0x0  }
0x6c: {  	[sflag:s18] =	ssyncadd.s32 $0xFFFFFFB0  }
0x6d: {  	[spmem:s1] =	stream.indirect.scatter.add.f32 [tilespmem:s21], [sflag:$0x1], $0x80, s19, s20, $0xb8;
	[tilespmem:$0x18900] =	vst v63  }
0x6e: {  	_ =	swait.ge [sflag:s18], $0x2800  }
0x6f: {  	[sflag:s18] =	ssyncset.done $0x0  }
0x70: {  	s31 =	sshll.u32 s2, $0x6;
	[sflag:s18] =	ssyncadd.s32 $0xFFFFD800  }
0x71: {  	s24 =	sshrl.u32 s4, $0x3;
	s23 =	sor.u32 $0x1C01, s31;
	[bflag:$0x0] =	sbarrier.arrive $0xFFFF  }
0x72: {  	[hbm:s13], [sflag:s23] =	dma.local [spmem:s24], $0x2700  }
0x73: {  	_ =	swait.ge [sflag:s18], $0x2700  }
0x74: {  	s22 =	sadd.s32 $0x1, s22;
	[sflag:s18] =	ssyncset.done $0x0  }
0x75: {  	p1 =	sne.s32 s22, s15;
	s24 =	sshrl.u32 @!p0 s12, $0x3;
	[sflag:s18] =	ssyncadd.s32 $0xFFFFD900  }
0x76: {  	[hbm:s14], [sflag:s23] =	dma.local @!p0 [spmem:s24], $0x100  }
.Ltmp3:
0x77: {  	_ = 	snop;
	(pc) =	sbr.rel @p1 .LBB2_1-.Ltmp3, $4  }
0x78: {  	s23 =	simm.s32 @!p0 $0x1  }
0x79: {  	_ =	swait.ge @!p0 [sflag:s23], $0x100  }
0x7a: {  	[sflag:s23] =	ssyncset.done @!p0 $0x0  }
0x7b: {  	[sflag:s23] =	ssyncadd.s32 @!p0 $0xFFFFFF00  }
0x7c: {  	_ =	sfence.sel $0x180000  }
0x7d: {  	[bflag:$0x0] =	sbarrier.arrive $0xFFFF  }
0x7e: {  	_ =	strace $0x90000047  }
0x7f: {  	s0 =	sadd.s32 @!p0 $0x100000, s0;
	[bflag:$0x2] =	sbarrier.arrive $0xFFFF  }
0x80: {  	[sflag:s0] =	ssyncadd.tile.s32 @!p0 $0x1;
	_ =	shalt  }
.Lfunc_end2:
_tile_overlayer_lowered:
.L_overlay_start_2:
0x81: {  	(tag) =	ssettag $0x2  }
0x82: {  	s0 =	rddreg [dreg:$0x0];
	s2 =	stileid.u32  }
0x83: {  	s1 =	rddreg [dreg:$0x1];
	p0 =	sne.s32 s2, $0x0  }
0x84: {  	s3 =	rddreg [dreg:$0x2];
	[bflag:$0x3] =	sbarrier.arrive $0xFFFF;
	s2 =	simm.s32 @!p0 $0x1C01  }
0x85: {  	[timem:s3], [sflag:s2] =	dma.local @!p0 [hbm:s0], s1  }
0x86: {  	s0 =	simm.s32 @!p0 $0x1  }
0x87: {  	_ =	swait.ge @!p0 [sflag:s0], s1  }
0x88: {  	s1 =	ssub.s32 @!p0 $0x0, s1;
	[sflag:s0] =	ssyncset.done @!p0 $0x0  }
0x89: {  	[sflag:s0] =	ssyncadd.s32 @!p0 s1  }
0x8a: {  	[bflag:$0x3] =	sbarrier.arrive $0xFFFF  }
0x8b: {  	_ =	shalt  }

// kernel: kernel.13.cloned.1.call-start
scs
__scs_entry_jumppad:
0x0: {  	(pc) =	sbr.rel $0x88, $3  }
0x1: {  	(tag) =	ssettag $0x0;
	lr =	simm.s32 $0x1  }
0x2: {  	[smem:$0x3F92] =	sst lr;
	_ =	strace $0xD0000000  }
0x3: {  	_ = 	snop  }
0x4: {  	_ = 	snop  }
0x5: {  	_ = 	snop  }
0x6: {  	_ = 	snop  }
0x7: {  	_ = 	snop  }
__scs_overlays_trampoline_lowered:
0x8: {  	[smem:$0x3FA1] =	sst s0  }
0x9: {  	[smem:$0x3FA2] =	sst s1  }
0xa: {  	[smem:$0x3FA3] =	sst s2  }
0xb: {  	[smem:$0x3FA4] =	sst s3  }
0xc: {  	[smem:$0x3FA5] =	sst s4  }
0xd: {  	[smem:$0x3FA6] =	sst s5  }
0xe: {  	[smem:$0x3FA7] =	sst s6  }
0xf: {  	[smem:$0x3FA8] =	sst s7  }
0x10: {  	[smem:$0x3FA9] =	sst s8  }
0x11: {  	[smem:$0x3FAA] =	sst s9;
	s0 =	simm.s32 @!p0 $0x0  }
0x12: {  	s1 =	sld [smem:$0x3F90];
	s0 =	simm.s32 @p0 $0x1  }
0x13: {  	[smem:$0x3FAB] =	sst s0;
	s0 =	simm.s32 @!p1 $0x0  }
0x14: {  	s2 =	sld [smem:$0x3F8F];
	s0 =	simm.s32 @p1 $0x1  }
0x15: {  	[smem:$0x3FAC] =	sst s0;
	s0 =	simm.s32 @!p2 $0x0  }
0x16: {  	s3 =	sld [smem:$0x3FDB];
	s0 =	simm.s32 @p2 $0x1  }
0x17: {  	s4 =	simm.s32 $0x1BF5;
	[smem:$0x3FAE] =	sst s0  }
0x18: {  	s0 =	sld [smem:$0x3F91];
	_ =	swait.ge [sflag:s4], $0x0  }
0x19: {  	s7 =	sld [smem:$0x3F92]  }
0x1a: {  	s8 =	sadd.s32 $0xFFFFE003, lr  }
0x1b: {  	s9 =	sadd.s32 $0xFFFFFEF7, lr;
	s5 =	simm.s32 $0xFFFFFFFF;
	p2 =	slt.u32 s8, $0xFFFFF086  }
0x1c: {  	p1 =	slt.u32 s9, $0xF7A;
	s5 =	simm.s32 @!p2 $0x0  }
0x1d: {  	s5 =	simm.s32 @p1 $0x1;
	p0 =	seq.s32 s7, s2  }
0x1e: {  	s7 =	smul.u32 @!p0 $0xF7A, s2;
	p2 =	seq.s32 @!p0 s5, $0x0  }
0x1f: {  	s9 =	smul.u32 $0xF7A, s1;
	s8 =	simm.s32 @!p0 $0x1BF5;
	p2 =	por !p2, p0  }
0x20: {  	[sflag:s8] =	ssyncset.s32 @!p0 $0xFFFFF086;
	s6 =	sadd.s32 @!p0 s3, s7;
	s7 =	simm.s32 @!p0 $0x108  }
0x21: {  	s3 =	sadd.s32 s3, s9;
	s6 =	sadd.s32 @!p0 $0x88, s6;
	s7 =	simm.s32 @p2 $0x1082  }
0x22: {  	[simem:s7], [sflag:s8] =	dma.local @!p0 [hbm:s6], $0xF7A  }
0x23: {  	s9 =	sor.u32 $0xD0000000, s2;
	s6 =	simm.s32 $0x108;
	_ =	swait.ge @!p0 [sflag:s8], $0x0  }
0x24: {  	s3 =	sadd.s32 $0x88, s3;
	s6 =	simm.s32 @!p1 $0x1082;
	[sflag:s4] =	ssyncset.s32 $0xFFFFF086  }
0x25: {  	[simem:s6], [sflag:s4] =	dma.local [hbm:s3], $0xF7A  }
0x26: {  	[smem:$0x3F92] =	sst s1;
	(tag) =	ssettag s2;
	_ =	strace s9  }
0x27: {  	s1 =	sld [smem:$0x3FA2]  }
0x28: {  	s2 =	sld [smem:$0x3FA3]  }
0x29: {  	s4 =	sld [smem:$0x3FA5]  }
0x2a: {  	p0 =	seq.s32 s5, $0x0;
	s5 =	sld [smem:$0x3FA6]  }
0x2b: {  	s6 =	sld [smem:$0x3FA7]  }
0x2c: {  	s7 =	sld [smem:$0x3FA8]  }
0x2d: {  	s3 =	simm.s32 $0x108;
	s8 =	sld [smem:$0x3FA9]  }
0x2e: {  	s3 =	simm.s32 @!p0 $0x1082;
	s9 =	sld [smem:$0x3FAA]  }
0x2f: {  	lr =	sadd.s32 s0, s3;
	s0 =	sld [smem:$0x3FA1]  }
0x30: {  	s3 =	sld [smem:$0x3FA4]  }
0x31: {  	[smem:$0x3FAD] =	sst s10  }
0x32: {  	s10 =	sld [smem:$0x3FAB];
	_ =	sdelay $0x3  }
0x33: {  	p0 =	seq.s32 s10, $0x1;
	s10 =	sld [smem:$0x3FAD];
	_ =	sdelay $0x3  }
0x34: {  	[smem:$0x3FAD] =	sst s10  }
0x35: {  	s10 =	sld [smem:$0x3FAC];
	_ =	sdelay $0x3  }
0x36: {  	p1 =	seq.s32 s10, $0x1;
	s10 =	sld [smem:$0x3FAD];
	_ =	sdelay $0x3  }
0x37: {  	[smem:$0x3FAD] =	sst s10  }
0x38: {  	s10 =	sld [smem:$0x3FAE]  }
0x39: {  	_ = 	snop;
	(pc) =	sbr.ind lr, $3  }
0x3a: {  	_ = 	snop  }
0x3b: {  	_ = 	snop  }
0x3c: {  	p2 =	seq.s32 s10, $0x1;
	s10 =	sld [smem:$0x3FAD]  }
0x3d: {  	_ =	shalt  }
0x3e: {  	_ =	shalt  }
0x3f: {  	_ =	shalt  }
0x40: {  	_ =	shalt  }
0x41: {  	_ =	shalt  }
0x42: {  	_ =	shalt  }
0x43: {  	_ =	shalt  }
0x44: {  	_ =	shalt  }
0x45: {  	_ =	shalt  }
0x46: {  	_ =	shalt  }
0x47: {  	_ =	shalt  }
0x48: {  	_ =	shalt  }
0x49: {  	_ =	shalt  }
0x4a: {  	_ =	shalt  }
0x4b: {  	_ =	shalt  }
0x4c: {  	_ =	shalt  }
0x4d: {  	_ =	shalt  }
0x4e: {  	_ =	shalt  }
0x4f: {  	_ =	shalt  }
0x50: {  	_ =	shalt  }
0x51: {  	_ =	shalt  }
0x52: {  	_ =	shalt  }
0x53: {  	_ =	shalt  }
0x54: {  	_ =	shalt  }
0x55: {  	_ =	shalt  }
0x56: {  	_ =	shalt  }
0x57: {  	_ =	shalt  }
0x58: {  	_ =	shalt  }
0x59: {  	_ =	shalt  }
0x5a: {  	_ =	shalt  }
0x5b: {  	_ =	shalt  }
0x5c: {  	_ =	shalt  }
0x5d: {  	_ =	shalt  }
0x5e: {  	_ =	shalt  }
0x5f: {  	_ =	shalt  }
0x60: {  	_ =	shalt  }
0x61: {  	_ =	shalt  }
0x62: {  	_ =	shalt  }
0x63: {  	_ =	shalt  }
0x64: {  	_ =	shalt  }
0x65: {  	_ =	shalt  }
0x66: {  	_ =	shalt  }
0x67: {  	_ =	shalt  }
0x68: {  	_ =	shalt  }
0x69: {  	_ =	shalt  }
0x6a: {  	_ =	shalt  }
0x6b: {  	_ =	shalt  }
0x6c: {  	_ =	shalt  }
0x6d: {  	_ =	shalt  }
0x6e: {  	_ =	shalt  }
0x6f: {  	_ =	shalt  }
0x70: {  	_ =	shalt  }
0x71: {  	_ =	shalt  }
0x72: {  	_ =	shalt  }
0x73: {  	_ =	shalt  }
0x74: {  	_ =	shalt  }
0x75: {  	_ =	shalt  }
0x76: {  	_ =	shalt  }
0x77: {  	_ =	shalt  }
0x78: {  	_ =	shalt  }
0x79: {  	_ =	shalt  }
0x7a: {  	_ =	shalt  }
0x7b: {  	_ =	shalt  }
0x7c: {  	_ =	shalt  }
0x7d: {  	_ =	shalt  }
0x7e: {  	_ =	shalt  }
0x7f: {  	_ =	shalt  }
0x80: {  	_ =	shalt  }
0x81: {  	_ =	shalt  }
0x82: {  	_ =	shalt  }
0x83: {  	_ =	shalt  }
0x84: {  	_ =	shalt  }
0x85: {  	_ =	shalt  }
0x86: {  	_ =	shalt  }
0x87: {  	_ =	shalt  }
.Lfunc_end0:
.L_simem_size_0:
called_computation.1_lowered:
.L_overlay_start_0:
0x88: {  	s2 =	sld [smem:$0x3FD9]  }
0x89: {  	s3 =	sld [smem:$0x3FFE];
	_ =	sdelay $0x1  }
0x8a: {  	s1 =	srdreg.scid  }
0x8b: {  	s0 =	sand.u32 $0x1, s1  }
0x8c: {  	s16 =	sshll.u32 s0, $0xA;
	s2 =	sadd.s32 s3, s2  }
0x8d: {  	s2 =	sadd.s32 s2, s16  }
0x8e: {  	[smem:$0x3FB9] =	sst s2  }
0x8f: {  	_ = 	snop  }
0x90: {  	(tm) =	ssettm $0x1  }
0x91: {  	s17 =	sld [smem:$0x3FFB];
	_ =	sdelay $0x3  }
0x92: {  	_ =	strace s17  }
0x93: {  	s2 =	sld [smem:$0x3FFC];
	_ =	sdelay $0x3  }
0x94: {  	_ =	strace s2  }
0x95: {  	s2 =	sld [smem:$0x3FFD];
	_ =	sdelay $0x3  }
0x96: {  	_ =	strace s2  }
0x97: {  	_ =	strace $0x8FFFFFFF  }
0x98: {  	s18 =	sld [smem:$0x3FDB];
	_ =	sdelay $0x1  }
0x99: {  	s19 =	simm.s32 $_scs_section_size  }
0x9a: {  	s4 =	simm.s32 $_size__tile_overlayer_lowered;
	s5 =	simm.s32 $_tile_overlayer_lowered  }
0x9b: {  	s22 =	simm.s32 $0x1BFF;
	s21 =	sshll.u32 s5, $0x1;
	s2 =	sadd.s32 s19, s18  }
0x9c: {  	s6 =	simm.s32 $0x0;
	s20 =	sshll.u32 s4, $0x1;
	s4 =	sadd.s32 s21, s2  }
0x9d: {  	[timem:s6], [sflag:s22] =	dma.local [hbm:s4], s20  }
0x9e: {  	_ =	swait.ge [sflag:s22], s20  }
0x9f: {  	s3 =	ssub.s32 $0x0, s20;
	[sflag:s22] =	ssyncset.done $0x0  }
0xa0: {  	[sflag:s22] =	ssyncadd.s32 s3;
	_ =	sdelay $0x1  }
0xa1: {  	s23 =	simm.s32 $0x1B8B  }
0xa2: {  	_ =	swait.ge [sflag:s23], $0x1  }
0xa3: {  	[sflag:s23] =	ssyncset.done $0x0  }
0xa4: {  	s25 =	simm.s32 $0x1B8E;
	s24 =	sld [smem:$0x3FFE];
	[sflag:s23] =	ssyncadd.s32 $0xFFFFFFFF  }
0xa5: {  	s26 =	simm.s32 $execute0_lowered;
	[smem:$0x3FD2] =	sst s25  }
0xa6: {  	s4 =	sshll.u32 s26, $0x1;
	_ =	strace $0x80000049;
	[dreg:$0x1] =	wrdreg $0xFFFFFFFF  }
0xa7: {  	s28 =	simm.s32 $_size_execute0_lowered;
	s2 =	sadd.s32 s2, s4;
	[dreg:$0x0] =	wrdreg $0x0  }
0xa8: {  	s4 =	sshll.u32 s28, $0x1;
	[dreg:$0x2] =	wrdreg s2  }
0xa9: {  	[dreg:$0x3] =	wrdreg s4  }
0xaa: {  	[dreg:$0x4] =	wrdreg $0xC0  }
0xab: {  	_ =	task [dreg:s6], $0x5FFFF  }
0xac: {  	[dreg:$0x1] =	wrdreg $0xFFFFFFFF  }
0xad: {  	[dreg:$0x0] =	wrdreg $0x60  }
0xae: {  	[dreg:$0x2] =	wrdreg s24  }
0xaf: {  	[dreg:$0x3] =	wrdreg $0x0  }
0xb0: {  	[dreg:$0x4] =	wrdreg $0x9  }
0xb1: {  	_ =	task.clear_ibuf [dreg:s6], $0x5FFFF;
	_ =	strace $0x90000049  }
0xb2: {  	s29 =	simm.s32 $0x9;
	_ =	strace $0x8000004B  }
0xb3: {  	_ =	swait.ge [sflag:s29], $0x1  }
0xb4: {  	[sflag:s29] =	ssyncadd.s32 $0xFFFFFFFF  }
0xb5: {  	_ =	strace $0x9000004B  }
0xb6: {  	_ =	sfence  }
0xb7: {  	s30 =	sld [smem:$0x0];
	_ =	sdelay $0x2  }
0xb8: {  	s31 =	sshll.u32 s1, $0xD;
	s1 =	sshrl.u32 s1, $0x2  }
0xb9: {  	s3 =	sand.u32 $0x4000, s31;
	s1 =	sadd.s32 s1, s30  }
0xba: {  	s0 =	sor.u32 s3, s0;
	s1 =	sshll.u32 s1, $0x11  }
0xbb: {  	s0 =	sor.u32 s1, s0  }
0xbc: {  	s0 =	sadd.s32 $0x8F2B, s0  }
0xbd: {  	[sflag:s0] =	ssyncadd.remote.s32 $0x1  }
0xbe: {  	_ =	sfence.sel $0xFFFF  }
0xbf: {  	[dreg:$0x0] =	wrdreg $0xFFFFFFFF;
	(pc) =	sbr.abs _section_cstart, $3  }
0xc0: {  	[dreg:$0x1] =	wrdreg $0xFFFFFFFF  }
0xc1: {  	_ =	task.clear_ibuf [dreg:s6], $0x2FFFF;
	_ =	strace $0x9FFFFFFF  }
0xc2: {  	(tm) =	ssettm $0x7FFFFFFF  }
0xc3: {  	_ =	shalt  }
tec
execute0_lowered:
.L_overlay_start_1:
0x0: {  	(tag) =	ssettag $0x1  }
0x1: {  	s0 =	rddreg [dreg:$0x0]  }
0x2: {  	s10 =	rddreg [dreg:$0x1];
	s16 =	simm.s32 $0x0  }
0x3: {  	s11 =	stileid.u32;
	s1 =	srdreg.scid;
	s28 =	simm.s32 $0x13A00  }
0x4: {  	s29 =	simm.s32 $0x16200;
	s30 =	simm.s32 $0x16A00;
	s31 =	simm.s32 $0x17200  }
0x5: {  	s12 =	simm.s32 $0x1A200;
	[smem:$0x7FF] =	sst s16;
	s3 =	sadd.s32 $0x239600, s0  }
0x6: {  	s5 =	sadd.s32 $0x64A00, s0;
	s2 =	smul.u32 $0x4E000, s11;
	s6 =	sadd.s32 $0x5FA00, s0  }
0x7: {  	s7 =	sadd.s32 $0x5AA00, s0;
	s1 =	sand.u32 $0x1, s1;
	s9 =	smul.u32 $0x270, s11  }
0x8: {  	s0 =	sadd.s32 $0x287800, s0;
	p0 =	sne.s32 s11, $0x0;
	s15 =	smul.u32 $0x2710, s1  }
0x9: {  	s4 =	ssub.s32 $0x2, s1;
	s1 =	smul.u32 $0x138800, s1;
	s2 =	sshrl.u32 s2, $0x2  }
0xa: {  	_ =	strace $0x8000004A;
	s8 =	sshrl.u32 s4, $0x1;
	s18 =	sadd.s32 s2, s10  }
0xb: {  	s13 =	ssub.s32 s4, s8;
	s24 =	sadd.s32 s9, s15;
	s1 =	sshrl.u32 s1, $0x3  }
0xc: {  	s4 =	simm.s32 $0x18200;
	s14 =	sadd.s32 $0x2800, s18;
	[dreg:$0x4] =	wrdreg s18  }
0xd: {  	s9 =	simm.s32 $0x18A00;
	s17 =	sadd.s32 $0x5000, s18;
	[dreg:$0x5] =	wrdreg s14  }
0xe: {  	v0 =	vmov s15;
	s15 =	simm.s32 $0x2;
	s19 =	sadd.s32 $0x7800, s18;
	[dreg:$0x6] =	wrdreg s17  }
0xf: {  	s20 =	sadd.s32 $0xA000, s18;
	s21 =	sadd.s32 $0xC800, s18;
	[dreg:$0x7] =	wrdreg s19  }
0x10: {  	s22 =	sadd.s32 $0xF000, s18;
	s23 =	sadd.s32 $0x11800, s18;
	[dreg:$0x8] =	wrdreg s20  }
0x11: {  	s8 =	sshll.u32 s24, $0x4;
	s1 =	sadd.s32 s0, s1;
	[dreg:$0x9] =	wrdreg s21  }
0x12: {  	s26 =	smax.u32 s13, $0x1;
	s13 =	simm.s32 $0x1AA00;
	[dreg:$0xa] =	wrdreg s22  }
0x13: {  	[dreg:$0xb] =	wrdreg s23;
	s19 =	sadd.s32 $0x138000, s10;
	s17 =	smul.u32 $0x2710, s11  }
0x14: {  	s0 =	sadd.s32 s0, s8;
	s25 =	sadd.s32 $0x27000, s1;
	[dreg:$0xf] =	wrdreg s26  }
0x15: {  	s21 =	simm.s32 $0x1B200;
	s22 =	simm.s32 $0x3;
	s23 =	simm.s32 $0x13880  }
0x16: {  	v4 =	vlaneseq.u32;
	s26 =	simm.s32 $0x13900;
	s10 =	simm.s32 $0x19200;
	[dreg:$0xd] =	wrdreg s0  }
0x17: {  	v1 =	vimm.f32 $0.0e+00;
	vm0 =	vmmov $0xffff;
	v3 =	vshrl.u32 v4, $0x3;
	s11 =	simm.s32 $0x19A00;
	s14 =	simm.s32 $0x1;
	[dreg:$0xe] =	wrdreg s25  }
0x18: {  	v2 =	vand.u32 $0x7, v4;
	v4 =	vor.u32 $0x8, v4;
	v3 =	vmul.u32 $0x8, v3;
	s25 =	simm.s32 $0x50;
	s0 =	simm.s32 $0x17A00;
	[dreg:$0xc] =	wrdreg s19  }
.LBB2_1:
0x19: {  	[dreg:$0x3] =	wrdreg s16;
	s1 =	simm.s32 $0x0;
	s2 =	simm.s32 $0x200  }
.LBB2_2:
0x1a: {  	p1 =	sne.s32 s2, $0x9E00;
	[tilespmem:s1+$0x1B270] =	vst v1  }
0x1b: {  	[tilespmem:s1+$0x1B200] =	vst v1  }
0x1c: {  	[tilespmem:s1+$0x1B210] =	vst v1  }
.Ltmp0:
0x1d: {  	[tilespmem:s1+$0x1B220] =	vst v1;
	(pc) =	sbr.rel @p1 .LBB2_2-.Ltmp0, $4  }
0x1e: {  	[tilespmem:s1+$0x1B230] =	vst v1  }
0x1f: {  	[tilespmem:s1+$0x1B240] =	vst v1  }
0x20: {  	[tilespmem:s1+$0x1B250] =	vst v1  }
0x21: {  	[tilespmem:s1+$0x1B260] =	vst v1;
	s1 =	sshra.s32 s2, $0x2;
	s2 =	sadd.s32 $0x200, s2  }
0x22: {  	[tilespmem:s1+$0x1B270] =	vst v1  }
0x23: {  	[tilespmem:s1+$0x1B200] =	vst v1  }
0x24: {  	[tilespmem:s1+$0x1B210] =	vst v1  }
0x25: {  	[tilespmem:s1+$0x1B220] =	vst v1  }
0x26: {  	[tilespmem:s1+$0x1B230] =	vst v1  }
0x27: {  	[tilespmem:s1+$0x1B240] =	vst v1  }
0x28: {  	[tilespmem:s1+$0x1B250] =	vst v1  }
0x29: {  	[tilespmem:s1+$0x1B260] =	vst v1  }
0x2a: {  	[spmem:s18] =	stream.linear.scatter [tilespmem:s21], [sflag:$0x3], $0x2800, $0x38;
	[tilespmem:$0x1DA00] =	vst v63  }
0x2b: {  	_ =	swait.ge [sflag:s22], $0x2800  }
0x2c: {  	[sflag:s22] =	ssyncset.done $0x0  }
0x2d: {  	s24 =	rddreg [dreg:$0x5];
	[sflag:s22] =	ssyncadd.s32 $0xFFFFD800  }
0x2e: {  	[spmem:s24] =	stream.linear.scatter [tilespmem:s21], [sflag:$0x3], $0x2800, $0x38;
	[tilespmem:$0x1DA00] =	vst v63  }
0x2f: {  	_ =	swait.ge [sflag:s22], $0x2800  }
0x30: {  	[sflag:s22] =	ssyncset.done $0x0  }
0x31: {  	s2 =	rddreg [dreg:$0x6];
	[sflag:s22] =	ssyncadd.s32 $0xFFFFD800  }
0x32: {  	[spmem:s2] =	stream.linear.scatter [tilespmem:s21], [sflag:$0x3], $0x2800, $0x38;
	[tilespmem:$0x1DA00] =	vst v63  }
0x33: {  	_ =	swait.ge [sflag:s22], $0x2800  }
0x34: {  	[sflag:s22] =	ssyncset.done $0x0  }
0x35: {  	s8 =	rddreg [dreg:$0x7];
	[sflag:s22] =	ssyncadd.s32 $0xFFFFD800  }
0x36: {  	[spmem:s8] =	stream.linear.scatter [tilespmem:s21], [sflag:$0x3], $0x2800, $0x38;
	[tilespmem:$0x1DA00] =	vst v63  }
0x37: {  	_ =	swait.ge [sflag:s22], $0x2800  }
0x38: {  	[sflag:s22] =	ssyncset.done $0x0  }
0x39: {  	s16 =	rddreg [dreg:$0x8];
	[sflag:s22] =	ssyncadd.s32 $0xFFFFD800  }
0x3a: {  	[spmem:s16] =	stream.linear.scatter [tilespmem:s21], [sflag:$0x3], $0x2800, $0x38;
	[tilespmem:$0x1DA00] =	vst v63  }
0x3b: {  	_ =	swait.ge [sflag:s22], $0x2800  }
0x3c: {  	[sflag:s22] =	ssyncset.done $0x0  }
0x3d: {  	s18 =	rddreg [dreg:$0x9];
	[sflag:s22] =	ssyncadd.s32 $0xFFFFD800  }
0x3e: {  	[spmem:s18] =	stream.linear.scatter [tilespmem:s21], [sflag:$0x3], $0x2800, $0x38;
	[tilespmem:$0x1DA00] =	vst v63  }
0x3f: {  	_ =	swait.ge [sflag:s22], $0x2800  }
0x40: {  	[sflag:s22] =	ssyncset.done $0x0  }
0x41: {  	s20 =	rddreg [dreg:$0xa];
	[sflag:s22] =	ssyncadd.s32 $0xFFFFD800  }
0x42: {  	[spmem:s20] =	stream.linear.scatter [tilespmem:s21], [sflag:$0x3], $0x2800, $0x38;
	[tilespmem:$0x1DA00] =	vst v63  }
0x43: {  	_ =	swait.ge [sflag:s22], $0x2800  }
0x44: {  	[sflag:s22] =	ssyncset.done $0x0  }
0x45: {  	s24 =	rddreg [dreg:$0xb];
	[sflag:s22] =	ssyncadd.s32 $0xFFFFD800  }
0x46: {  	[spmem:s24] =	stream.linear.scatter [tilespmem:s21], [sflag:$0x3], $0x2000, $0x38;
	[tilespmem:$0x1DA00] =	vst v63  }
0x47: {  	_ =	swait.ge [sflag:s22], $0x2000  }
0x48: {  	[sflag:s22] =	ssyncset.done $0x0  }
0x49: {  	s1 =	simm.s32 @!p0 $0x1B200;
	[sflag:s22] =	ssyncadd.s32 $0xFFFFE000  }
0x4a: {  	[spmem:s19] =	stream.linear.scatter @!p0 [tilespmem:s1], [sflag:$0x3], $0x800, $0x38;
	[tilespmem:$0x1DA00] =	vst v63  }
0x4b: {  	s1 =	simm.s32 @!p0 $0x3  }
0x4c: {  	_ =	swait.ge @!p0 [sflag:s1], $0x800  }
0x4d: {  	[sflag:s1] =	ssyncset.done @!p0 $0x0  }
0x4e: {  	[sflag:s1] =	ssyncadd.s32 @!p0 $0xFFFFF800  }
0x4f: {  	s18 =	simm.s32 $0x0;
	s19 =	simm.s32 $0x0;
	[bflag:$0x0] =	sbarrier.arrive $0xFFFF  }
.LBB2_4:
0x50: {  	s1 =	smul.u32 $0x50, s19;
	_ =	sdelay $0x1  }
0x51: {  	s1 =	sadd.s32 s17, s1  }
0x52: {  	s1 =	sshrl.u32 s1, $0x3  }
0x53: {  	s2 =	sadd.s32 s6, s1  }
0x54: {  	[tilespmem:s23], [sflag:$0x3] =	stream.linear.gather [hbm4b:s2+s18], $0x50, $0x38;
	[tilespmem:$0x1DA00] =	vst v63  }
0x55: {  	_ =	swait.ge [sflag:s22], $0x50  }
0x56: {  	[sflag:s22] =	ssyncset.done $0x0  }
0x57: {  	s24 =	simm.s32 $0x13980;
	s1 =	sadd.s32 s7, s1;
	[sflag:s22] =	ssyncadd.s32 $0xFFFFFFB0  }
0x58: {  	[tilespmem:s24], [sflag:$0x3] =	stream.linear.gather [hbm4b:s1+s18], $0x50, $0x38;
	[tilespmem:$0x1DA00] =	vst v63  }
0x59: {  	_ =	swait.ge [sflag:s22], $0x50  }
0x5a: {  	[sflag:s22] =	ssyncset.done $0x0  }
0x5b: {  	[sflag:s22] =	ssyncadd.s32 $0xFFFFFFB0  }
0x5c: {  	v5 =	vld [tilespmem:$0x13880]  }
0x5d: {  	v6 =	vld [tilespmem:$0x13980]  }
0x5e: {  	v7 =	vld [tilespmem:$0x13890]  }
0x5f: {  	v8 =	vld [tilespmem:$0x13990]  }
0x60: {  	v9 =	vld [tilespmem:$0x138A0]  }
0x61: {  	v10 =	vld [tilespmem:$0x139A0];
	v5 =	vadd.s32 v0, v5  }
0x62: {  	[tilespmem:$0x13900] =	vst v5;
	v5 =	vadd.s32 v0, v6;
	v6 =	vld [tilespmem:$0x138B0]  }
0x63: {  	[tilespmem:$0x13980] =	vst v5;
	v5 =	vadd.s32 v0, v7;
	v7 =	vld [tilespmem:$0x139B0]  }
0x64: {  	v62 =	vld [tilespmem:$0x138C0];
	[tilespmem:$0x13910] =	vst v5;
	v5 =	vadd.s32 v0, v8  }
0x65: {  	v63 =	vld [tilespmem:$0x139C0];
	[tilespmem:$0x13990] =	vst v5;
	v5 =	vadd.s32 v0, v9  }
0x66: {  	[tilespmem:$0x13920] =	vst v5;
	v5 =	vadd.s32 v0, v10  }
0x67: {  	[tilespmem:$0x139A0] =	vst v5;
	v5 =	vadd.s32 v0, v6  }
0x68: {  	[tilespmem:$0x13930] =	vst v5;
	v5 =	vadd.s32 v0, v7  }
0x69: {  	[tilespmem:$0x139B0] =	vst v5;
	v5 =	vadd.s32 v0, v62  }
0x6a: {  	[tilespmem:$0x13940] =	vst v5;
	v5 =	vadd.s32 v0, v63  }
0x6b: {  	[tilespmem:$0x139C0] =	vst v5  }
0x6c: {  	[tilespmem:s28], [sflag:$0x1] =	stream.indirect.gather [hbm4b:s3+s25], $0x80, s26, s25, $0xb8;
	[tilespmem:$0x1DA00] =	vst v63  }
0x6d: {  	v5 =	vld [tilespmem:$0x13980];
	_ =	sdelay $0x4  }
0x6e: {  	v6 =	vshll.u32 v5, $0x1  }
0x6f: {  	v5 =	vand.u32 $0x7, v5;
	v6 =	vand.u32 $0xFFFFFFF0, v6  }
0x70: {  	v5 =	vor.u32 v5, v6  }
0x71: {  	v6 =	vperm.xlane v5, v2;
	_ =	sdelay $0x1  }
0x72: {  	v5 =	vperm.xlane v5, v4;
	v6 =	vadd.s32 v3, v6;
	_ =	sdelay $0x1  }
0x73: {  	v5 =	vadd.s32 v3, v5;
	_ =	sdelay $0x2  }
0x74: {  	[tilespmem:s29], [sflag:$0x2] =	stream.indirect_vreg.gather [hbm4b:s5+s18], $0x80, v6, vm0, $0xb8;
	[tilespmem:$0x1DA00] =	vst v63  }
0x75: {  	_ = 	snop  }
0x76: {  	[tilespmem:s30], [sflag:$0x2] =	stream.indirect_vreg.gather [hbm4b:s5+s18], $0x80, v5, vm0, $0xb8;
	[tilespmem:$0x1DA00] =	vst v63  }
0x77: {  	v5 =	vld [tilespmem:$0x13990];
	_ =	sdelay $0x4  }
0x78: {  	v6 =	vshll.u32 v5, $0x1  }
0x79: {  	v5 =	vand.u32 $0x7, v5;
	v6 =	vand.u32 $0xFFFFFFF0, v6  }
0x7a: {  	v5 =	vor.u32 v5, v6  }
0x7b: {  	v6 =	vperm.xlane v5, v2;
	_ =	sdelay $0x1  }
0x7c: {  	v5 =	vperm.xlane v5, v4;
	v6 =	vadd.s32 v3, v6;
	_ =	sdelay $0x1  }
0x7d: {  	v5 =	vadd.s32 v3, v5;
	_ =	sdelay $0x2  }
0x7e: {  	[tilespmem:s31], [sflag:$0x2] =	stream.indirect_vreg.gather [hbm4b:s5+s18], $0x80, v6, vm0, $0xb8;
	[tilespmem:$0x1DA00] =	vst v63  }
0x7f: {  	_ = 	snop  }
0x80: {  	[tilespmem:s0], [sflag:$0x2] =	stream.indirect_vreg.gather [hbm4b:s5+s18], $0x80, v5, vm0, $0xb8;
	[tilespmem:$0x1DA00] =	vst v63  }
0x81: {  	v5 =	vld [tilespmem:$0x139A0];
	_ =	sdelay $0x4  }
0x82: {  	v6 =	vshll.u32 v5, $0x1  }
0x83: {  	v5 =	vand.u32 $0x7, v5;
	v6 =	vand.u32 $0xFFFFFFF0, v6  }
0x84: {  	v5 =	vor.u32 v5, v6  }
0x85: {  	v6 =	vperm.xlane v5, v2;
	_ =	sdelay $0x1  }
0x86: {  	v5 =	vperm.xlane v5, v4;
	v6 =	vadd.s32 v3, v6;
	_ =	sdelay $0x1  }
0x87: {  	v5 =	vadd.s32 v3, v5;
	_ =	sdelay $0x2  }
0x88: {  	[tilespmem:s4], [sflag:$0x2] =	stream.indirect_vreg.gather [hbm4b:s5+s18], $0x80, v6, vm0, $0xb8;
	[tilespmem:$0x1DA00] =	vst v63  }
0x89: {  	_ = 	snop  }
0x8a: {  	[tilespmem:s9], [sflag:$0x2] =	stream.indirect_vreg.gather [hbm4b:s5+s18], $0x80, v5, vm0, $0xb8;
	[tilespmem:$0x1DA00] =	vst v63  }
0x8b: {  	v5 =	vld [tilespmem:$0x139B0];
	_ =	sdelay $0x4  }
0x8c: {  	v6 =	vshll.u32 v5, $0x1  }
0x8d: {  	v5 =	vand.u32 $0x7, v5;
	v6 =	vand.u32 $0xFFFFFFF0, v6  }
0x8e: {  	v5 =	vor.u32 v5, v6  }
0x8f: {  	v6 =	vperm.xlane v5, v2;
	_ =	sdelay $0x1  }
0x90: {  	v5 =	vperm.xlane v5, v4;
	v6 =	vadd.s32 v3, v6;
	_ =	sdelay $0x1  }
0x91: {  	v5 =	vadd.s32 v3, v5;
	_ =	sdelay $0x2  }
0x92: {  	[tilespmem:s10], [sflag:$0x2] =	stream.indirect_vreg.gather [hbm4b:s5+s18], $0x80, v6, vm0, $0xb8;
	[tilespmem:$0x1DA00] =	vst v63  }
0x93: {  	_ = 	snop  }
0x94: {  	[tilespmem:s11], [sflag:$0x2] =	stream.indirect_vreg.gather [hbm4b:s5+s18], $0x80, v5, vm0, $0xb8;
	[tilespmem:$0x1DA00] =	vst v63  }
0x95: {  	v5 =	vld [tilespmem:$0x139C0];
	_ =	sdelay $0x4  }
0x96: {  	v6 =	vshll.u32 v5, $0x1  }
0x97: {  	v5 =	vand.u32 $0x7, v5;
	v6 =	vand.u32 $0xFFFFFFF0, v6  }
0x98: {  	v5 =	vor.u32 v5, v6  }
0x99: {  	v6 =	vperm.xlane v5, v2;
	_ =	sdelay $0x1  }
0x9a: {  	v5 =	vperm.xlane v5, v4;
	v6 =	vadd.s32 v3, v6;
	_ =	sdelay $0x1  }
0x9b: {  	v5 =	vadd.s32 v3, v5;
	_ =	sdelay $0x2  }
0x9c: {  	[tilespmem:s12], [sflag:$0x2] =	stream.indirect_vreg.gather [hbm4b:s5+s18], $0x80, v6, vm0, $0xb8;
	[tilespmem:$0x1DA00] =	vst v63  }
0x9d: {  	_ = 	snop  }
0x9e: {  	[tilespmem:s13], [sflag:$0x2] =	stream.indirect_vreg.gather [hbm4b:s5+s18], $0x80, v5, vm0, $0xb8;
	[tilespmem:$0x1DA00] =	vst v63  }
0x9f: {  	_ =	swait.ge [sflag:s14], $0x2800  }
0xa0: {  	[sflag:s14] =	ssyncset.done $0x0  }
0xa1: {  	[sflag:s14] =	ssyncadd.s32 $0xFFFFD800  }
0xa2: {  	_ =	swait.ge [sflag:s15], $0x5000  }
0xa3: {  	s20 =	simm.s32 $0x13A40;
	s16 =	simm.s32 $0x1B240;
	[sflag:s15] =	ssyncset.done $0x0  }
0xa4: {  	s8 =	simm.s32 $0x0;
	s2 =	simm.s32 $0x0;
	[sflag:s15] =	ssyncadd.s32 $0xFFFFB000  }
.LBB2_5:
0xa5: {  	s1 =	sand.u32 $0x7800, s8;
	s24 =	sand.u32 $0x380, s2  }
0xa6: {  	v5 =	vld [tilespmem:s20+$0xFFFFFFC0];
	s1 =	sor.u32 s24, s1  }
0xa7: {  	v6 =	vld [tilespmem:s1+$0x16200];
	_ =	sdelay $0x4  }
0xa8: {  	v5 =	vadd.f32 v6, v5;
	_ =	sdelay $0x1  }
0xa9: {  	v5 =	vsub.f32 $0.0e+00, v5;
	_ =	sdelay $0x1  }
0xaa: {  	v5 =	vmul.f32 $1.442695020e+00, v5;
	_ =	sdelay $0x1  }
0xab: {  	(erf) = vpow2.f32 v5;
	_ =	sdelay $0x8  }
0xac: {  	v5 =	vpop (erf)  }
0xad: {  	v5 =	vadd.f32 $1.000000000e+00, v5;
	_ =	sdelay $0x1  }
0xae: {  	(erf) = vrcp.f32 v5;
	_ =	sdelay $0x3  }
0xaf: {  	s1 =	sadd.s32 $0x16200, s1  }
0xb0: {  	v5 =	vld [tilespmem:s1+$0x400];
	_ =	sdelay $0x3  }
0xb1: {  	v6 =	vpop (erf)  }
0xb2: {  	v5 =	vmul.f32 v6, v5;
	_ =	sdelay $0x1  }
0xb3: {  	[tilespmem:s16+$0xFFFFFFC0] =	vst v5  }
0xb4: {  	v5 =	vld [tilespmem:s20+$0xFFFFFFD0]  }
0xb5: {  	v6 =	vld [tilespmem:s1+$0x10];
	_ =	sdelay $0x4  }
0xb6: {  	v5 =	vadd.f32 v6, v5;
	_ =	sdelay $0x1  }
0xb7: {  	v5 =	vsub.f32 $0.0e+00, v5;
	_ =	sdelay $0x1  }
0xb8: {  	v5 =	vmul.f32 $1.442695020e+00, v5;
	_ =	sdelay $0x1  }
0xb9: {  	(erf) = vpow2.f32 v5;
	_ =	sdelay $0x8  }
0xba: {  	v5 =	vpop (erf)  }
0xbb: {  	v5 =	vadd.f32 $1.000000000e+00, v5;
	_ =	sdelay $0x1  }
0xbc: {  	(erf) = vrcp.f32 v5;
	_ =	sdelay $0x4  }
0xbd: {  	v5 =	vld [tilespmem:s1+$0x410];
	_ =	sdelay $0x3  }
0xbe: {  	v6 =	vpop (erf)  }
0xbf: {  	v5 =	vmul.f32 v6, v5;
	_ =	sdelay $0x1  }
0xc0: {  	[tilespmem:s16+$0xFFFFFFD0] =	vst v5  }
0xc1: {  	v5 =	vld [tilespmem:s20+$0xFFFFFFE0]  }
0xc2: {  	v6 =	vld [tilespmem:s1+$0x20];
	_ =	sdelay $0x4  }
0xc3: {  	v5 =	vadd.f32 v6, v5;
	_ =	sdelay $0x1  }
0xc4: {  	v5 =	vsub.f32 $0.0e+00, v5;
	_ =	sdelay $0x1  }
0xc5: {  	v5 =	vmul.f32 $1.442695020e+00, v5;
	_ =	sdelay $0x1  }
0xc6: {  	(erf) = vpow2.f32 v5;
	_ =	sdelay $0x8  }
0xc7: {  	v5 =	vpop (erf)  }
0xc8: {  	v5 =	vadd.f32 $1.000000000e+00, v5;
	_ =	sdelay $0x1  }
0xc9: {  	(erf) = vrcp.f32 v5;
	_ =	sdelay $0x4  }
0xca: {  	v5 =	vld [tilespmem:s1+$0x420];
	_ =	sdelay $0x3  }
0xcb: {  	v6 =	vpop (erf)  }
0xcc: {  	v5 =	vmul.f32 v6, v5;
	_ =	sdelay $0x1  }
0xcd: {  	[tilespmem:s16+$0xFFFFFFE0] =	vst v5  }
0xce: {  	v5 =	vld [tilespmem:s20+$0xFFFFFFF0]  }
0xcf: {  	v6 =	vld [tilespmem:s1+$0x30];
	_ =	sdelay $0x4  }
0xd0: {  	v5 =	vadd.f32 v6, v5;
	_ =	sdelay $0x1  }
0xd1: {  	v5 =	vsub.f32 $0.0e+00, v5;
	_ =	sdelay $0x1  }
0xd2: {  	v5 =	vmul.f32 $1.442695020e+00, v5;
	_ =	sdelay $0x1  }
0xd3: {  	(erf) = vpow2.f32 v5;
	_ =	sdelay $0x8  }
0xd4: {  	v5 =	vpop (erf)  }
0xd5: {  	v5 =	vadd.f32 $1.000000000e+00, v5;
	_ =	sdelay $0x1  }
0xd6: {  	(erf) = vrcp.f32 v5;
	_ =	sdelay $0x4  }
0xd7: {  	v5 =	vld [tilespmem:s1+$0x430];
	_ =	sdelay $0x3  }
0xd8: {  	v6 =	vpop (erf)  }
0xd9: {  	v5 =	vmul.f32 v6, v5;
	_ =	sdelay $0x1  }
0xda: {  	[tilespmem:s16+$0xFFFFFFF0] =	vst v5  }
0xdb: {  	v5 =	vld [tilespmem:s20+$0x0]  }
0xdc: {  	v6 =	vld [tilespmem:s1+$0x40];
	_ =	sdelay $0x4  }
0xdd: {  	v5 =	vadd.f32 v6, v5;
	_ =	sdelay $0x1  }
0xde: {  	v5 =	vsub.f32 $0.0e+00, v5;
	_ =	sdelay $0x1  }
0xdf: {  	v5 =	vmul.f32 $1.442695020e+00, v5;
	_ =	sdelay $0x1  }
0xe0: {  	(erf) = vpow2.f32 v5;
	_ =	sdelay $0x8  }
0xe1: {  	v5 =	vpop (erf)  }
0xe2: {  	v5 =	vadd.f32 $1.000000000e+00, v5;
	_ =	sdelay $0x1  }
0xe3: {  	(erf) = vrcp.f32 v5;
	_ =	sdelay $0x4  }
0xe4: {  	v5 =	vld [tilespmem:s1+$0x440];
	_ =	sdelay $0x3  }
0xe5: {  	v6 =	vpop (erf)  }
0xe6: {  	v5 =	vmul.f32 v6, v5;
	_ =	sdelay $0x1  }
0xe7: {  	[tilespmem:s16+$0x0] =	vst v5  }
0xe8: {  	v5 =	vld [tilespmem:s20+$0x10]  }
0xe9: {  	v6 =	vld [tilespmem:s1+$0x50];
	_ =	sdelay $0x4  }
0xea: {  	v5 =	vadd.f32 v6, v5;
	_ =	sdelay $0x1  }
0xeb: {  	v5 =	vsub.f32 $0.0e+00, v5;
	_ =	sdelay $0x1  }
0xec: {  	v5 =	vmul.f32 $1.442695020e+00, v5;
	_ =	sdelay $0x1  }
0xed: {  	(erf) = vpow2.f32 v5;
	_ =	sdelay $0x8  }
0xee: {  	v5 =	vpop (erf)  }
0xef: {  	v5 =	vadd.f32 $1.000000000e+00, v5;
	_ =	sdelay $0x1  }
0xf0: {  	(erf) = vrcp.f32 v5;
	_ =	sdelay $0x4  }
0xf1: {  	v5 =	vld [tilespmem:s1+$0x450];
	_ =	sdelay $0x3  }
0xf2: {  	v6 =	vpop (erf)  }
0xf3: {  	v5 =	vmul.f32 v6, v5;
	_ =	sdelay $0x1  }
0xf4: {  	[tilespmem:s16+$0x10] =	vst v5  }
0xf5: {  	v5 =	vld [tilespmem:s20+$0x20]  }
0xf6: {  	v6 =	vld [tilespmem:s1+$0x60];
	_ =	sdelay $0x4  }
0xf7: {  	v5 =	vadd.f32 v6, v5;
	_ =	sdelay $0x1  }
0xf8: {  	v5 =	vsub.f32 $0.0e+00, v5;
	_ =	sdelay $0x1  }
0xf9: {  	v5 =	vmul.f32 $1.442695020e+00, v5;
	_ =	sdelay $0x1  }
0xfa: {  	(erf) = vpow2.f32 v5;
	_ =	sdelay $0x8  }
0xfb: {  	v5 =	vpop (erf)  }
0xfc: {  	v5 =	vadd.f32 $1.000000000e+00, v5;
	_ =	sdelay $0x1  }
0xfd: {  	(erf) = vrcp.f32 v5;
	_ =	sdelay $0x4  }
0xfe: {  	v5 =	vld [tilespmem:s1+$0x460];
	_ =	sdelay $0x3  }
0xff: {  	v6 =	vpop (erf)  }
0x100: {  	v5 =	vmul.f32 v6, v5;
	_ =	sdelay $0x1  }
0x101: {  	[tilespmem:s16+$0x20] =	vst v5  }
0x102: {  	v5 =	vld [tilespmem:s20+$0x30]  }
0x103: {  	v6 =	vld [tilespmem:s1+$0x70];
	_ =	sdelay $0x4  }
0x104: {  	v5 =	vadd.f32 v6, v5;
	_ =	sdelay $0x1  }
0x105: {  	v5 =	vsub.f32 $0.0e+00, v5;
	_ =	sdelay $0x1  }
0x106: {  	v5 =	vmul.f32 $1.442695020e+00, v5;
	_ =	sdelay $0x1  }
0x107: {  	(erf) = vpow2.f32 v5;
	_ =	sdelay $0x8  }
0x108: {  	v5 =	vpop (erf)  }
0x109: {  	v5 =	vadd.f32 $1.000000000e+00, v5;
	_ =	sdelay $0x1  }
0x10a: {  	(erf) = vrcp.f32 v5;
	_ =	sdelay $0x4  }
0x10b: {  	v5 =	vld [tilespmem:s1+$0x470];
	_ =	sdelay $0x1  }
0x10c: {  	p1 =	sne.s32 s2, $0x2780  }
.Ltmp1:
0x10d: {  	_ = 	snop;
	(pc) =	sbr.rel @p1 .LBB2_5-.Ltmp1, $4  }
0x10e: {  	v6 =	vpop (erf)  }
0x10f: {  	v5 =	vmul.f32 v6, v5  }
0x110: {  	s8 =	sadd.s32 $0x100, s8  }
0x111: {  	s2 =	sadd.s32 $0x80, s2;
	s20 =	sadd.s32 $0x80, s20;
	[tilespmem:s16+$0x30] =	vst v5;
	s16 =	sadd.s32 $0x80, s16  }
0x112: {  	s19 =	sadd.s32 $0x1, s19  }
0x113: {  	p1 =	sne.s32 s19, $0x7D  }
.Ltmp2:
0x114: {  	s1 =	rddreg [dreg:$0x1];
	(pc) =	sbr.rel @p1 .LBB2_4-.Ltmp2, $4  }
0x115: {  	[spmem:s1] =	stream.indirect.scatter.add.f32 [tilespmem:s21], [sflag:$0x3], $0x80, s23, s25, $0xb8;
	[tilespmem:$0x1DA00] =	vst v63  }
0x116: {  	_ =	swait.ge [sflag:s22], $0x2800  }
0x117: {  	[sflag:s22] =	ssyncset.done $0x0  }
0x118: {  	[sflag:s22] =	ssyncadd.s32 $0xFFFFD800  }
0x119: {  	s1 =	stileid.u32;
	[bflag:$0x0] =	sbarrier.arrive $0xFFFF  }
0x11a: {  	s1 =	sshll.u32 s1, $0x6;
	s18 =	rddreg [dreg:$0x4]  }
0x11b: {  	s8 =	rddreg [dreg:$0xd];
	s1 =	sor.u32 $0x1C03, s1;
	s2 =	sshrl.u32 s18, $0x3  }
0x11c: {  	[hbm:s8], [sflag:s1] =	dma.local [spmem:s2], $0x2700  }
0x11d: {  	_ =	swait.ge [sflag:s22], $0x2700  }
0x11e: {  	[sflag:s22] =	ssyncset.done $0x0;
	s19 =	rddreg [dreg:$0xc]  }
0x11f: {  	s8 =	rddreg [dreg:$0xe];
	[sflag:s22] =	ssyncadd.s32 $0xFFFFD900;
	s2 =	sshrl.u32 @!p0 s19, $0x3  }
0x120: {  	[hbm:s8], [sflag:s1] =	dma.local @!p0 [spmem:s2], $0x100  }
0x121: {  	s1 =	simm.s32 @!p0 $0x3  }
0x122: {  	_ =	swait.ge @!p0 [sflag:s1], $0x100  }
0x123: {  	s16 =	rddreg [dreg:$0x3]  }
0x124: {  	s24 =	rddreg [dreg:$0xf];
	s16 =	sadd.s32 $0x1, s16  }
0x125: {  	p1 =	sne.s32 s16, s24  }
.Ltmp3:
0x126: {  	_ = 	snop;
	(pc) =	sbr.rel @p1 .LBB2_1-.Ltmp3, $3  }
0x127: {  	_ =	sdelay $0x1  }
0x128: {  	[sflag:s1] =	ssyncset.done @!p0 $0x0  }
0x129: {  	[sflag:s1] =	ssyncadd.s32 @!p0 $0xFFFFFF00  }
0x12a: {  	_ =	sfence.sel $0x180000  }
0x12b: {  	[bflag:$0x0] =	sbarrier.arrive $0xFFFF  }
0x12c: {  	_ =	strace $0x9000004A  }
0x12d: {  	[bflag:$0x2] =	sbarrier.arrive $0xFFFF  }
0x12e: {  	s0 =	rddreg [dreg:$0x2]  }
0x12f: {  	s0 =	sadd.s32 @!p0 $0x100000, s0  }
0x130: {  	[sflag:s0] =	ssyncadd.tile.s32 @!p0 $0x1;
	_ =	shalt  }
.Lfunc_end2:
_tile_overlayer_lowered:
.L_overlay_start_2:
0x131: {  	(tag) =	ssettag $0x2  }
0x132: {  	s0 =	rddreg [dreg:$0x0];
	s2 =	stileid.u32  }
0x133: {  	s1 =	rddreg [dreg:$0x1];
	p0 =	sne.s32 s2, $0x0  }
0x134: {  	s3 =	rddreg [dreg:$0x2];
	[bflag:$0x3] =	sbarrier.arrive $0xFFFF;
	s2 =	simm.s32 @!p0 $0x1C03  }
0x135: {  	[timem:s3], [sflag:s2] =	dma.local @!p0 [hbm:s0], s1  }
0x136: {  	s0 =	simm.s32 @!p0 $0x3  }
0x137: {  	_ =	swait.ge @!p0 [sflag:s0], s1  }
0x138: {  	s1 =	ssub.s32 @!p0 $0x0, s1;
	[sflag:s0] =	ssyncset.done @!p0 $0x0  }
0x139: {  	[sflag:s0] =	ssyncadd.s32 @!p0 s1  }
0x13a: {  	[bflag:$0x3] =	sbarrier.arrive $0xFFFF  }
0x13b: {  	_ =	shalt  }

// kernel: kernel.16.cloned.1.call-start
scs
__scs_entry_jumppad:
0x0: {  	(pc) =	sbr.rel $0x88, $3  }
0x1: {  	(tag) =	ssettag $0x0;
	lr =	simm.s32 $0x1  }
0x2: {  	[smem:$0x3F92] =	sst lr;
	_ =	strace $0xD0000000  }
0x3: {  	_ = 	snop  }
0x4: {  	_ = 	snop  }
0x5: {  	_ = 	snop  }
0x6: {  	_ = 	snop  }
0x7: {  	_ = 	snop  }
__scs_overlays_trampoline_lowered:
0x8: {  	[smem:$0x3FA1] =	sst s0  }
0x9: {  	[smem:$0x3FA2] =	sst s1  }
0xa: {  	[smem:$0x3FA3] =	sst s2  }
0xb: {  	[smem:$0x3FA4] =	sst s3  }
0xc: {  	[smem:$0x3FA5] =	sst s4  }
0xd: {  	[smem:$0x3FA6] =	sst s5  }
0xe: {  	[smem:$0x3FA7] =	sst s6  }
0xf: {  	[smem:$0x3FA8] =	sst s7  }
0x10: {  	[smem:$0x3FA9] =	sst s8  }
0x11: {  	[smem:$0x3FAA] =	sst s9;
	s0 =	simm.s32 @!p0 $0x0  }
0x12: {  	s1 =	sld [smem:$0x3F90];
	s0 =	simm.s32 @p0 $0x1  }
0x13: {  	[smem:$0x3FAB] =	sst s0;
	s0 =	simm.s32 @!p1 $0x0  }
0x14: {  	s2 =	sld [smem:$0x3F8F];
	s0 =	simm.s32 @p1 $0x1  }
0x15: {  	[smem:$0x3FAC] =	sst s0;
	s0 =	simm.s32 @!p2 $0x0  }
0x16: {  	s3 =	sld [smem:$0x3FDB];
	s0 =	simm.s32 @p2 $0x1  }
0x17: {  	s4 =	simm.s32 $0x1BF5;
	[smem:$0x3FAE] =	sst s0  }
0x18: {  	s0 =	sld [smem:$0x3F91];
	_ =	swait.ge [sflag:s4], $0x0  }
0x19: {  	s7 =	sld [smem:$0x3F92]  }
0x1a: {  	s8 =	sadd.s32 $0xFFFFE003, lr  }
0x1b: {  	s9 =	sadd.s32 $0xFFFFFEF7, lr;
	s5 =	simm.s32 $0xFFFFFFFF;
	p2 =	slt.u32 s8, $0xFFFFF086  }
0x1c: {  	p1 =	slt.u32 s9, $0xF7A;
	s5 =	simm.s32 @!p2 $0x0  }
0x1d: {  	s5 =	simm.s32 @p1 $0x1;
	p0 =	seq.s32 s7, s2  }
0x1e: {  	s7 =	smul.u32 @!p0 $0xF7A, s2;
	p2 =	seq.s32 @!p0 s5, $0x0  }
0x1f: {  	s9 =	smul.u32 $0xF7A, s1;
	s8 =	simm.s32 @!p0 $0x1BF5;
	p2 =	por !p2, p0  }
0x20: {  	[sflag:s8] =	ssyncset.s32 @!p0 $0xFFFFF086;
	s6 =	sadd.s32 @!p0 s3, s7;
	s7 =	simm.s32 @!p0 $0x108  }
0x21: {  	s3 =	sadd.s32 s3, s9;
	s6 =	sadd.s32 @!p0 $0x88, s6;
	s7 =	simm.s32 @p2 $0x1082  }
0x22: {  	[simem:s7], [sflag:s8] =	dma.local @!p0 [hbm:s6], $0xF7A  }
0x23: {  	s9 =	sor.u32 $0xD0000000, s2;
	s6 =	simm.s32 $0x108;
	_ =	swait.ge @!p0 [sflag:s8], $0x0  }
0x24: {  	s3 =	sadd.s32 $0x88, s3;
	s6 =	simm.s32 @!p1 $0x1082;
	[sflag:s4] =	ssyncset.s32 $0xFFFFF086  }
0x25: {  	[simem:s6], [sflag:s4] =	dma.local [hbm:s3], $0xF7A  }
0x26: {  	[smem:$0x3F92] =	sst s1;
	(tag) =	ssettag s2;
	_ =	strace s9  }
0x27: {  	s1 =	sld [smem:$0x3FA2]  }
0x28: {  	s2 =	sld [smem:$0x3FA3]  }
0x29: {  	s4 =	sld [smem:$0x3FA5]  }
0x2a: {  	p0 =	seq.s32 s5, $0x0;
	s5 =	sld [smem:$0x3FA6]  }
0x2b: {  	s6 =	sld [smem:$0x3FA7]  }
0x2c: {  	s7 =	sld [smem:$0x3FA8]  }
0x2d: {  	s3 =	simm.s32 $0x108;
	s8 =	sld [smem:$0x3FA9]  }
0x2e: {  	s3 =	simm.s32 @!p0 $0x1082;
	s9 =	sld [smem:$0x3FAA]  }
0x2f: {  	lr =	sadd.s32 s0, s3;
	s0 =	sld [smem:$0x3FA1]  }
0x30: {  	s3 =	sld [smem:$0x3FA4]  }
0x31: {  	[smem:$0x3FAD] =	sst s10  }
0x32: {  	s10 =	sld [smem:$0x3FAB];
	_ =	sdelay $0x3  }
0x33: {  	p0 =	seq.s32 s10, $0x1;
	s10 =	sld [smem:$0x3FAD];
	_ =	sdelay $0x3  }
0x34: {  	[smem:$0x3FAD] =	sst s10  }
0x35: {  	s10 =	sld [smem:$0x3FAC];
	_ =	sdelay $0x3  }
0x36: {  	p1 =	seq.s32 s10, $0x1;
	s10 =	sld [smem:$0x3FAD];
	_ =	sdelay $0x3  }
0x37: {  	[smem:$0x3FAD] =	sst s10  }
0x38: {  	s10 =	sld [smem:$0x3FAE]  }
0x39: {  	_ = 	snop;
	(pc) =	sbr.ind lr, $3  }
0x3a: {  	_ = 	snop  }
0x3b: {  	_ = 	snop  }
0x3c: {  	p2 =	seq.s32 s10, $0x1;
	s10 =	sld [smem:$0x3FAD]  }
0x3d: {  	_ =	shalt  }
0x3e: {  	_ =	shalt  }
0x3f: {  	_ =	shalt  }
0x40: {  	_ =	shalt  }
0x41: {  	_ =	shalt  }
0x42: {  	_ =	shalt  }
0x43: {  	_ =	shalt  }
0x44: {  	_ =	shalt  }
0x45: {  	_ =	shalt  }
0x46: {  	_ =	shalt  }
0x47: {  	_ =	shalt  }
0x48: {  	_ =	shalt  }
0x49: {  	_ =	shalt  }
0x4a: {  	_ =	shalt  }
0x4b: {  	_ =	shalt  }
0x4c: {  	_ =	shalt  }
0x4d: {  	_ =	shalt  }
0x4e: {  	_ =	shalt  }
0x4f: {  	_ =	shalt  }
0x50: {  	_ =	shalt  }
0x51: {  	_ =	shalt  }
0x52: {  	_ =	shalt  }
0x53: {  	_ =	shalt  }
0x54: {  	_ =	shalt  }
0x55: {  	_ =	shalt  }
0x56: {  	_ =	shalt  }
0x57: {  	_ =	shalt  }
0x58: {  	_ =	shalt  }
0x59: {  	_ =	shalt  }
0x5a: {  	_ =	shalt  }
0x5b: {  	_ =	shalt  }
0x5c: {  	_ =	shalt  }
0x5d: {  	_ =	shalt  }
0x5e: {  	_ =	shalt  }
0x5f: {  	_ =	shalt  }
0x60: {  	_ =	shalt  }
0x61: {  	_ =	shalt  }
0x62: {  	_ =	shalt  }
0x63: {  	_ =	shalt  }
0x64: {  	_ =	shalt  }
0x65: {  	_ =	shalt  }
0x66: {  	_ =	shalt  }
0x67: {  	_ =	shalt  }
0x68: {  	_ =	shalt  }
0x69: {  	_ =	shalt  }
0x6a: {  	_ =	shalt  }
0x6b: {  	_ =	shalt  }
0x6c: {  	_ =	shalt  }
0x6d: {  	_ =	shalt  }
0x6e: {  	_ =	shalt  }
0x6f: {  	_ =	shalt  }
0x70: {  	_ =	shalt  }
0x71: {  	_ =	shalt  }
0x72: {  	_ =	shalt  }
0x73: {  	_ =	shalt  }
0x74: {  	_ =	shalt  }
0x75: {  	_ =	shalt  }
0x76: {  	_ =	shalt  }
0x77: {  	_ =	shalt  }
0x78: {  	_ =	shalt  }
0x79: {  	_ =	shalt  }
0x7a: {  	_ =	shalt  }
0x7b: {  	_ =	shalt  }
0x7c: {  	_ =	shalt  }
0x7d: {  	_ =	shalt  }
0x7e: {  	_ =	shalt  }
0x7f: {  	_ =	shalt  }
0x80: {  	_ =	shalt  }
0x81: {  	_ =	shalt  }
0x82: {  	_ =	shalt  }
0x83: {  	_ =	shalt  }
0x84: {  	_ =	shalt  }
0x85: {  	_ =	shalt  }
0x86: {  	_ =	shalt  }
0x87: {  	_ =	shalt  }
.Lfunc_end0:
.L_simem_size_0:
called_computation.2_lowered:
.L_overlay_start_0:
0x88: {  	s2 =	sld [smem:$0x3FD9]  }
0x89: {  	s3 =	sld [smem:$0x3FFE];
	_ =	sdelay $0x1  }
0x8a: {  	s1 =	srdreg.scid  }
0x8b: {  	s0 =	sand.u32 $0x1, s1  }
0x8c: {  	s17 =	sshll.u32 s0, $0xA;
	s2 =	sadd.s32 s3, s2  }
0x8d: {  	s2 =	sadd.s32 s2, s17  }
0x8e: {  	[smem:$0x3FB9] =	sst s2  }
0x8f: {  	_ = 	snop  }
0x90: {  	(tm) =	ssettm $0x1  }
0x91: {  	s18 =	sld [smem:$0x3FFB];
	_ =	sdelay $0x3  }
0x92: {  	_ =	strace s18  }
0x93: {  	s2 =	sld [smem:$0x3FFC];
	_ =	sdelay $0x3  }
0x94: {  	_ =	strace s2  }
0x95: {  	s2 =	sld [smem:$0x3FFD];
	_ =	sdelay $0x3  }
0x96: {  	_ =	strace s2  }
0x97: {  	_ =	strace $0x8FFFFFFF  }
0x98: {  	s19 =	sld [smem:$0x3FDB];
	_ =	sdelay $0x1  }
0x99: {  	s20 =	simm.s32 $_scs_section_size  }
0x9a: {  	s4 =	simm.s32 $_size__tile_overlayer_lowered;
	s5 =	simm.s32 $_tile_overlayer_lowered  }
0x9b: {  	s6 =	simm.s32 $0x1BFF;
	s21 =	sshll.u32 s5, $0x1;
	s3 =	sadd.s32 s20, s19  }
0x9c: {  	s22 =	simm.s32 $0x0;
	s4 =	sshll.u32 s4, $0x1;
	s5 =	sadd.s32 s21, s3  }
0x9d: {  	[timem:s22], [sflag:s6] =	dma.local [hbm:s5], s4  }
0x9e: {  	_ =	swait.ge [sflag:s6], s4  }
0x9f: {  	s4 =	ssub.s32 $0x0, s4;
	[sflag:s6] =	ssyncset.done $0x0  }
0xa0: {  	[sflag:s6] =	ssyncadd.s32 s4;
	_ =	sdelay $0x1  }
0xa1: {  	s23 =	simm.s32 $0x1B8B  }
0xa2: {  	_ =	swait.ge [sflag:s23], $0x1  }
0xa3: {  	[sflag:s23] =	ssyncset.done $0x0  }
0xa4: {  	[sflag:s23] =	ssyncadd.s32 $0xFFFFFFFF  }
0xa5: {  	s4 =	sld [smem:$0x0]  }
0xa6: {  	s5 =	sand.u32 $0xFFFFFFFE, s1  }
0xa7: {  	p0 =	sne.s32 s1, s5  }
0xa8: {  	s5 =	sshll.u32 @p0 s5, $0xE  }
0xa9: {  	s5 =	sadd.s32 @p0 $0x11B8D, s5;
	s6 =	sshll.u32 @p0 s4, $0x11  }
0xaa: {  	s5 =	sor.u32 @p0 s6, s5  }
0xab: {  	[sflag:s5] =	ssyncadd.remote.s32 @p0 $0x1;
	_ =	sdelay $0x1  }
0xac: {  	s5 =	simm.s32 @p0 $0x1B8D  }
0xad: {  	_ =	swait.eq @p0 [sflag:s5], $0x1  }
0xae: {  	[sflag:s5] =	ssyncadd.s32 @p0 $0xFFFFFFFF  }
0xaf: {  	s6 =	sshll.u32 @!p0 s1, $0xE  }
0xb0: {  	s6 =	sor.u32 @!p0 $0x4000, s6;
	s5 =	simm.s32 @!p0 $0x1B8D  }
0xb1: {  	s4 =	sshll.u32 @!p0 s4, $0x11;
	s6 =	sadd.s32 @!p0 $0x11B8D, s6;
	_ =	swait.eq @!p0 [sflag:s5], $0x1  }
0xb2: {  	s4 =	sor.u32 @!p0 s4, s6;
	[sflag:s5] =	ssyncadd.s32 @!p0 $0xFFFFFFFF  }
0xb3: {  	s25 =	simm.s32 $0x1B8E;
	s24 =	sld [smem:$0x3FFE];
	[sflag:s4] =	ssyncadd.remote.s32 @!p0 $0x1  }
0xb4: {  	s26 =	simm.s32 $execute0_lowered;
	[smem:$0x3FD2] =	sst s25  }
0xb5: {  	s5 =	sshll.u32 s26, $0x1;
	_ =	strace $0x8000004C;
	[dreg:$0x1] =	wrdreg $0xFFFFFFFF  }
0xb6: {  	s28 =	simm.s32 $_size_execute0_lowered;
	s3 =	sadd.s32 s3, s5;
	[dreg:$0x0] =	wrdreg $0x0  }
0xb7: {  	s5 =	sshll.u32 s28, $0x1;
	[dreg:$0x2] =	wrdreg s3  }
0xb8: {  	[dreg:$0x3] =	wrdreg s5  }
0xb9: {  	[dreg:$0x4] =	wrdreg $0xC0  }
0xba: {  	_ =	task [dreg:s22], $0x5FFFF  }
0xbb: {  	[dreg:$0x1] =	wrdreg $0xFFFFFFFF  }
0xbc: {  	[dreg:$0x0] =	wrdreg $0x60  }
0xbd: {  	[dreg:$0x2] =	wrdreg s24  }
0xbe: {  	[dreg:$0x3] =	wrdreg $0x0  }
0xbf: {  	[dreg:$0x4] =	wrdreg $0xA  }
0xc0: {  	_ =	task.clear_ibuf [dreg:s22], $0x5FFFF;
	_ =	strace $0x9000004C  }
0xc1: {  	s29 =	simm.s32 $0xA;
	_ =	strace $0x8000004E  }
0xc2: {  	_ =	swait.ge [sflag:s29], $0x1  }
0xc3: {  	[sflag:s29] =	ssyncadd.s32 $0xFFFFFFFF  }
0xc4: {  	_ =	strace $0x9000004E  }
0xc5: {  	_ =	sfence  }
0xc6: {  	s30 =	sld [smem:$0x0];
	_ =	sdelay $0x2  }
0xc7: {  	s31 =	sshll.u32 s1, $0xD;
	s1 =	sshrl.u32 s1, $0x2  }
0xc8: {  	s4 =	sand.u32 $0x4000, s31;
	s1 =	sadd.s32 s1, s30  }
0xc9: {  	s0 =	sor.u32 s4, s0;
	s1 =	sshll.u32 s1, $0x11  }
0xca: {  	s0 =	sor.u32 s1, s0  }
0xcb: {  	s0 =	sadd.s32 $0x8F2B, s0  }
0xcc: {  	[sflag:s0] =	ssyncadd.remote.s32 $0x1  }
0xcd: {  	_ =	sfence.sel $0xFFFF  }
0xce: {  	[dreg:$0x0] =	wrdreg $0xFFFFFFFF;
	(pc) =	sbr.abs _section_cstart, $3  }
0xcf: {  	[dreg:$0x1] =	wrdreg $0xFFFFFFFF  }
0xd0: {  	_ =	task.clear_ibuf [dreg:s22], $0x2FFFF;
	_ =	strace $0x9FFFFFFF  }
0xd1: {  	(tm) =	ssettm $0x7FFFFFFF  }
tec
execute0_lowered:
.L_overlay_start_1:
0x0: {  	(tag) =	ssettag $0x1  }
0x1: {  	s5 =	rddreg [dreg:$0x0]  }
0x2: {  	s1 =	rddreg [dreg:$0x1]  }
0x3: {  	s0 =	rddreg [dreg:$0x2];
	s2 =	simm.s32 $0x0;
	s3 =	stileid.u32  }
0x4: {  	s4 =	srdreg.scid;
	s19 =	simm.s32 $0x13980;
	s20 =	simm.s32 $0x2  }
0x5: {  	s21 =	simm.s32 $0x13880;
	s22 =	simm.s32 $0x13900;
	s24 =	simm.s32 $0x1  }
0x6: {  	s25 =	simm.s32 $0x0;
	[smem:$0x7FF] =	sst s2;
	s6 =	smul.u32 $0x4E2, s3  }
0x7: {  	s10 =	sand.u32 $0x1, s4;
	s7 =	smul.u32 $0x4E000, s3;
	s4 =	sadd.s32 $0x100E00, s5  }
0x8: {  	s15 =	sadd.s32 $0x2D5A00, s5;
	s12 =	smul.u32 $0x270, s3;
	p0 =	sne.s32 s3, $0x0  }
0x9: {  	_ =	strace $0x8000004D;
	s30 =	ssub.s32 $0x2, s10;
	s23 =	smul.u32 $0x2710, s10  }
0xa: {  	s13 =	smul.u32 $0x138800, s10;
	s31 =	sshrl.u32 s30, $0x1;
	s7 =	sshrl.u32 s7, $0x2  }
0xb: {  	s18 =	sadd.s32 s6, s5;
	s16 =	ssub.s32 s30, s31;
	s5 =	sadd.s32 s7, s1  }
0xc: {  	s14 =	sadd.s32 s12, s23;
	s17 =	sshrl.u32 s13, $0x3;
	s13 =	sadd.s32 $0x138000, s1  }
0xd: {  	v0 =	vmov s23;
	s23 =	simm.s32 $0x50;
	s6 =	sadd.s32 $0x2800, s5;
	s7 =	sadd.s32 $0x5000, s5  }
0xe: {  	s8 =	sadd.s32 $0x7800, s5;
	s9 =	sadd.s32 $0xA000, s5;
	s10 =	sadd.s32 $0xC800, s5  }
0xf: {  	s11 =	sadd.s32 $0xF000, s5;
	s12 =	sadd.s32 $0x11800, s5;
	s14 =	sshll.u32 s14, $0x4  }
0x10: {  	s16 =	smax.u32 s16, $0x1;
	s14 =	sadd.s32 s15, s14;
	s15 =	sadd.s32 s15, s17  }
0x11: {  	v1 =	vimm.f32 $0.0e+00;
	s17 =	sadd.s32 $0x2800, s18;
	s18 =	sadd.s32 $0x7800, s18;
	s15 =	sadd.s32 $0x27000, s15  }
.LBB2_1:
0x12: {  	s26 =	simm.s32 $0x0;
	s28 =	simm.s32 $0x200  }
.LBB2_2:
0x13: {  	p1 =	sne.s32 s28, $0x9E00;
	[tilespmem:s26+$0x139F0] =	vst v1  }
0x14: {  	[tilespmem:s26+$0x13980] =	vst v1  }
0x15: {  	[tilespmem:s26+$0x13990] =	vst v1  }
.Ltmp0:
0x16: {  	[tilespmem:s26+$0x139A0] =	vst v1;
	(pc) =	sbr.rel @p1 .LBB2_2-.Ltmp0, $4  }
0x17: {  	[tilespmem:s26+$0x139B0] =	vst v1  }
0x18: {  	[tilespmem:s26+$0x139C0] =	vst v1  }
0x19: {  	[tilespmem:s26+$0x139D0] =	vst v1  }
0x1a: {  	[tilespmem:s26+$0x139E0] =	vst v1;
	s26 =	sshra.s32 s28, $0x2;
	s28 =	sadd.s32 $0x200, s28  }
0x1b: {  	[tilespmem:s26+$0x139F0] =	vst v1  }
0x1c: {  	[tilespmem:s26+$0x13980] =	vst v1  }
0x1d: {  	[tilespmem:s26+$0x13990] =	vst v1  }
0x1e: {  	[tilespmem:s26+$0x139A0] =	vst v1  }
0x1f: {  	[tilespmem:s26+$0x139B0] =	vst v1  }
0x20: {  	[tilespmem:s26+$0x139C0] =	vst v1  }
0x21: {  	[tilespmem:s26+$0x139D0] =	vst v1  }
0x22: {  	[tilespmem:s26+$0x139E0] =	vst v1  }
0x23: {  	[spmem:s5] =	stream.linear.scatter [tilespmem:s19], [sflag:$0x2], $0x2800, $0x38;
	[tilespmem:$0x16180] =	vst v63  }
0x24: {  	_ =	swait.ge [sflag:s20], $0x2800  }
0x25: {  	[sflag:s20] =	ssyncset.done $0x0  }
0x26: {  	[sflag:s20] =	ssyncadd.s32 $0xFFFFD800  }
0x27: {  	[spmem:s6] =	stream.linear.scatter [tilespmem:s19], [sflag:$0x2], $0x2800, $0x38;
	[tilespmem:$0x16180] =	vst v63  }
0x28: {  	_ =	swait.ge [sflag:s20], $0x2800  }
0x29: {  	[sflag:s20] =	ssyncset.done $0x0  }
0x2a: {  	[sflag:s20] =	ssyncadd.s32 $0xFFFFD800  }
0x2b: {  	[spmem:s7] =	stream.linear.scatter [tilespmem:s19], [sflag:$0x2], $0x2800, $0x38;
	[tilespmem:$0x16180] =	vst v63  }
0x2c: {  	_ =	swait.ge [sflag:s20], $0x2800  }
0x2d: {  	[sflag:s20] =	ssyncset.done $0x0  }
0x2e: {  	[sflag:s20] =	ssyncadd.s32 $0xFFFFD800  }
0x2f: {  	[spmem:s8] =	stream.linear.scatter [tilespmem:s19], [sflag:$0x2], $0x2800, $0x38;
	[tilespmem:$0x16180] =	vst v63  }
0x30: {  	_ =	swait.ge [sflag:s20], $0x2800  }
0x31: {  	[sflag:s20] =	ssyncset.done $0x0  }
0x32: {  	[sflag:s20] =	ssyncadd.s32 $0xFFFFD800  }
0x33: {  	[spmem:s9] =	stream.linear.scatter [tilespmem:s19], [sflag:$0x2], $0x2800, $0x38;
	[tilespmem:$0x16180] =	vst v63  }
0x34: {  	_ =	swait.ge [sflag:s20], $0x2800  }
0x35: {  	[sflag:s20] =	ssyncset.done $0x0  }
0x36: {  	[sflag:s20] =	ssyncadd.s32 $0xFFFFD800  }
0x37: {  	[spmem:s10] =	stream.linear.scatter [tilespmem:s19], [sflag:$0x2], $0x2800, $0x38;
	[tilespmem:$0x16180] =	vst v63  }
0x38: {  	_ =	swait.ge [sflag:s20], $0x2800  }
0x39: {  	[sflag:s20] =	ssyncset.done $0x0  }
0x3a: {  	[sflag:s20] =	ssyncadd.s32 $0xFFFFD800  }
0x3b: {  	[spmem:s11] =	stream.linear.scatter [tilespmem:s19], [sflag:$0x2], $0x2800, $0x38;
	[tilespmem:$0x16180] =	vst v63  }
0x3c: {  	_ =	swait.ge [sflag:s20], $0x2800  }
0x3d: {  	[sflag:s20] =	ssyncset.done $0x0  }
0x3e: {  	[sflag:s20] =	ssyncadd.s32 $0xFFFFD800  }
0x3f: {  	[spmem:s12] =	stream.linear.scatter [tilespmem:s19], [sflag:$0x2], $0x2000, $0x38;
	[tilespmem:$0x16180] =	vst v63  }
0x40: {  	_ =	swait.ge [sflag:s20], $0x2000  }
0x41: {  	[sflag:s20] =	ssyncset.done $0x0  }
0x42: {  	s26 =	simm.s32 @!p0 $0x13980;
	[sflag:s20] =	ssyncadd.s32 $0xFFFFE000  }
0x43: {  	[spmem:s13] =	stream.linear.scatter @!p0 [tilespmem:s26], [sflag:$0x2], $0x800, $0x38;
	[tilespmem:$0x16180] =	vst v63  }
0x44: {  	s26 =	simm.s32 @!p0 $0x2  }
0x45: {  	_ =	swait.ge @!p0 [sflag:s26], $0x800  }
0x46: {  	[sflag:s26] =	ssyncset.done @!p0 $0x0  }
0x47: {  	[sflag:s26] =	ssyncadd.s32 @!p0 $0xFFFFF800  }
0x48: {  	s30 =	sadd.s32 $0x0, s18;
	[bflag:$0x0] =	sbarrier.arrive $0xFFFF  }
0x49: {  	[tilespmem:s21], [sflag:$0x2] =	stream.linear.gather [hbm4b:s30+s2], $0x50, $0x38;
	[tilespmem:$0x16180] =	vst v63  }
0x4a: {  	_ =	swait.ge [sflag:s20], $0x50  }
0x4b: {  	[sflag:s20] =	ssyncset.done $0x0  }
0x4c: {  	s31 =	sadd.s32 $0x0, s17;
	[sflag:s20] =	ssyncadd.s32 $0xFFFFFFB0  }
0x4d: {  	[tilespmem:s22], [sflag:$0x2] =	stream.linear.gather [hbm4b:s31+s2], $0x50, $0x38;
	[tilespmem:$0x16180] =	vst v63  }
0x4e: {  	_ =	swait.ge [sflag:s20], $0x50  }
0x4f: {  	[sflag:s20] =	ssyncset.done $0x0  }
0x50: {  	[sflag:s20] =	ssyncadd.s32 $0xFFFFFFB0  }
0x51: {  	v2 =	vld [tilespmem:$0x13940]  }
0x52: {  	v3 =	vld [tilespmem:$0x13920]  }
0x53: {  	v4 =	vld [tilespmem:$0x13930]  }
0x54: {  	v5 =	vld [tilespmem:$0x13910]  }
0x55: {  	v6 =	vld [tilespmem:$0x13900]  }
0x56: {  	v2 =	vadd.s32 v0, v2  }
0x57: {  	v3 =	vadd.s32 v0, v3;
	[tilespmem:$0x13940] =	vst v2  }
0x58: {  	[tilespmem:$0x13920] =	vst v3;
	v2 =	vadd.s32 v0, v4  }
0x59: {  	v3 =	vadd.s32 v0, v5;
	[tilespmem:$0x13930] =	vst v2  }
0x5a: {  	v2 =	vadd.s32 v0, v6;
	[tilespmem:$0x13910] =	vst v3  }
0x5b: {  	[tilespmem:$0x13900] =	vst v2  }
0x5c: {  	[tilespmem:s19], [sflag:$0x1] =	stream.indirect.gather [hbm4b:s4+s23], $0x80, s22, s23, $0xb8;
	[tilespmem:$0x16180] =	vst v63  }
0x5d: {  	_ =	swait.ge [sflag:s24], $0x2800  }
0x5e: {  	s26 =	simm.s32 $0xA;
	[sflag:s24] =	ssyncset.done $0x0  }
.LBB2_4:
0x5f: {  	p1 =	sne.s32 s26, $0x4D8  }
0x60: {  	[sflag:s24] =	ssyncadd.s32 $0xFFFFD800;
	s28 =	smov.u32 s26;
	s26 =	sadd.s32 $0xA, s26  }
0x61: {  	[spmem:s1] =	stream.indirect.scatter.add.f32 [tilespmem:s19], [sflag:$0x2], $0x80, s21, s23, $0xb8;
	[tilespmem:$0x16180] =	vst v63  }
0x62: {  	_ =	swait.ge [sflag:s20], $0x2800  }
0x63: {  	[sflag:s20] =	ssyncset.done $0x0  }
0x64: {  	s29 =	sadd.s32 s28, s18;
	[sflag:s20] =	ssyncadd.s32 $0xFFFFD800  }
0x65: {  	[tilespmem:s21], [sflag:$0x2] =	stream.linear.gather [hbm4b:s29+s2], $0x50, $0x38;
	[tilespmem:$0x16180] =	vst v63  }
0x66: {  	_ =	swait.ge [sflag:s20], $0x50  }
0x67: {  	[sflag:s20] =	ssyncset.done $0x0  }
0x68: {  	s28 =	sadd.s32 s28, s17;
	[sflag:s20] =	ssyncadd.s32 $0xFFFFFFB0  }
0x69: {  	[tilespmem:s22], [sflag:$0x2] =	stream.linear.gather [hbm4b:s28+s2], $0x50, $0x38;
	[tilespmem:$0x16180] =	vst v63  }
0x6a: {  	_ =	swait.ge [sflag:s20], $0x50  }
0x6b: {  	[sflag:s20] =	ssyncset.done $0x0  }
0x6c: {  	[sflag:s20] =	ssyncadd.s32 $0xFFFFFFB0  }
0x6d: {  	v2 =	vld [tilespmem:$0x13940]  }
0x6e: {  	v3 =	vld [tilespmem:$0x13920]  }
0x6f: {  	v4 =	vld [tilespmem:$0x13930]  }
0x70: {  	v5 =	vld [tilespmem:$0x13910]  }
0x71: {  	v6 =	vld [tilespmem:$0x13900]  }
0x72: {  	v2 =	vadd.s32 v0, v2  }
0x73: {  	v3 =	vadd.s32 v0, v3;
	[tilespmem:$0x13940] =	vst v2  }
0x74: {  	[tilespmem:$0x13920] =	vst v3;
	v2 =	vadd.s32 v0, v4  }
0x75: {  	v3 =	vadd.s32 v0, v5;
	[tilespmem:$0x13930] =	vst v2  }
.Ltmp1:
0x76: {  	v2 =	vadd.s32 v0, v6;
	[tilespmem:$0x13910] =	vst v3;
	(pc) =	sbr.rel @p1 .LBB2_4-.Ltmp1, $4  }
0x77: {  	[tilespmem:$0x13900] =	vst v2  }
0x78: {  	[tilespmem:s19], [sflag:$0x1] =	stream.indirect.gather [hbm4b:s4+s23], $0x80, s22, s23, $0xb8;
	[tilespmem:$0x16180] =	vst v63  }
0x79: {  	_ =	swait.ge [sflag:s24], $0x2800  }
0x7a: {  	[sflag:s24] =	ssyncset.done $0x0  }
0x7b: {  	[sflag:s24] =	ssyncadd.s32 $0xFFFFD800  }
0x7c: {  	[spmem:s1] =	stream.indirect.scatter.add.f32 [tilespmem:s19], [sflag:$0x2], $0x80, s21, s23, $0xb8;
	[tilespmem:$0x16180] =	vst v63  }
0x7d: {  	_ =	swait.ge [sflag:s20], $0x2800  }
0x7e: {  	[sflag:s20] =	ssyncset.done $0x0  }
0x7f: {  	s26 =	sshll.u32 s3, $0x6;
	[sflag:s20] =	ssyncadd.s32 $0xFFFFD800  }
0x80: {  	s28 =	sshrl.u32 s5, $0x3;
	s26 =	sor.u32 $0x1C02, s26;
	[bflag:$0x0] =	sbarrier.arrive $0xFFFF  }
0x81: {  	[hbm:s14], [sflag:s26] =	dma.local [spmem:s28], $0x2700  }
0x82: {  	_ =	swait.ge [sflag:s20], $0x2700  }
0x83: {  	s25 =	sadd.s32 $0x1, s25;
	[sflag:s20] =	ssyncset.done $0x0  }
0x84: {  	p1 =	sne.s32 s25, s16;
	s28 =	sshrl.u32 @!p0 s13, $0x3;
	[sflag:s20] =	ssyncadd.s32 $0xFFFFD900  }
0x85: {  	[hbm:s15], [sflag:s26] =	dma.local @!p0 [spmem:s28], $0x100  }
.Ltmp2:
0x86: {  	_ = 	snop;
	(pc) =	sbr.rel @p1 .LBB2_1-.Ltmp2, $4  }
0x87: {  	s26 =	simm.s32 @!p0 $0x2  }
0x88: {  	_ =	swait.ge @!p0 [sflag:s26], $0x100  }
0x89: {  	[sflag:s26] =	ssyncset.done @!p0 $0x0  }
0x8a: {  	[sflag:s26] =	ssyncadd.s32 @!p0 $0xFFFFFF00  }
0x8b: {  	_ =	sfence.sel $0x180000  }
0x8c: {  	[bflag:$0x0] =	sbarrier.arrive $0xFFFF  }
0x8d: {  	_ =	strace $0x9000004D  }
0x8e: {  	s0 =	sadd.s32 @!p0 $0x100000, s0;
	[bflag:$0x2] =	sbarrier.arrive $0xFFFF  }
0x8f: {  	[sflag:s0] =	ssyncadd.tile.s32 @!p0 $0x1;
	_ =	shalt  }
.Lfunc_end2:
_tile_overlayer_lowered:
.L_overlay_start_2:
0x90: {  	(tag) =	ssettag $0x2  }
0x91: {  	s0 =	rddreg [dreg:$0x0];
	s2 =	stileid.u32  }
0x92: {  	s1 =	rddreg [dreg:$0x1];
	p0 =	sne.s32 s2, $0x0  }
0x93: {  	s3 =	rddreg [dreg:$0x2];
	[bflag:$0x3] =	sbarrier.arrive $0xFFFF;
	s2 =	simm.s32 @!p0 $0x1C02  }
0x94: {  	[timem:s3], [sflag:s2] =	dma.local @!p0 [hbm:s0], s1  }
0x95: {  	s0 =	simm.s32 @!p0 $0x2  }
0x96: {  	_ =	swait.ge @!p0 [sflag:s0], s1  }
0x97: {  	s1 =	ssub.s32 @!p0 $0x0, s1;
	[sflag:s0] =	ssyncset.done @!p0 $0x0  }
0x98: {  	[sflag:s0] =	ssyncadd.s32 @!p0 s1  }
0x99: {  	[bflag:$0x3] =	sbarrier.arrive $0xFFFF  }
0x9a: {  	_ =	shalt  }

// kernel: kernel.19.cloned.1.call-start
scs
__scs_entry_jumppad:
0x0: {  	(pc) =	sbr.rel $0x88, $3  }
0x1: {  	(tag) =	ssettag $0x0;
	lr =	simm.s32 $0x1  }
0x2: {  	[smem:$0x3F92] =	sst lr;
	_ =	strace $0xD0000000  }
0x3: {  	_ = 	snop  }
0x4: {  	_ = 	snop  }
0x5: {  	_ = 	snop  }
0x6: {  	_ = 	snop  }
0x7: {  	_ = 	snop  }
__scs_overlays_trampoline_lowered:
0x8: {  	[smem:$0x3FA1] =	sst s0  }
0x9: {  	[smem:$0x3FA2] =	sst s1  }
0xa: {  	[smem:$0x3FA3] =	sst s2  }
0xb: {  	[smem:$0x3FA4] =	sst s3  }
0xc: {  	[smem:$0x3FA5] =	sst s4  }
0xd: {  	[smem:$0x3FA6] =	sst s5  }
0xe: {  	[smem:$0x3FA7] =	sst s6  }
0xf: {  	[smem:$0x3FA8] =	sst s7  }
0x10: {  	[smem:$0x3FA9] =	sst s8  }
0x11: {  	[smem:$0x3FAA] =	sst s9;
	s0 =	simm.s32 @!p0 $0x0  }
0x12: {  	s1 =	sld [smem:$0x3F90];
	s0 =	simm.s32 @p0 $0x1  }
0x13: {  	[smem:$0x3FAB] =	sst s0;
	s0 =	simm.s32 @!p1 $0x0  }
0x14: {  	s2 =	sld [smem:$0x3F8F];
	s0 =	simm.s32 @p1 $0x1  }
0x15: {  	[smem:$0x3FAC] =	sst s0;
	s0 =	simm.s32 @!p2 $0x0  }
0x16: {  	s3 =	sld [smem:$0x3FDB];
	s0 =	simm.s32 @p2 $0x1  }
0x17: {  	s4 =	simm.s32 $0x1BF5;
	[smem:$0x3FAE] =	sst s0  }
0x18: {  	s0 =	sld [smem:$0x3F91];
	_ =	swait.ge [sflag:s4], $0x0  }
0x19: {  	s7 =	sld [smem:$0x3F92]  }
0x1a: {  	s8 =	sadd.s32 $0xFFFFE003, lr  }
0x1b: {  	s9 =	sadd.s32 $0xFFFFFEF7, lr;
	s5 =	simm.s32 $0xFFFFFFFF;
	p2 =	slt.u32 s8, $0xFFFFF086  }
0x1c: {  	p1 =	slt.u32 s9, $0xF7A;
	s5 =	simm.s32 @!p2 $0x0  }
0x1d: {  	s5 =	simm.s32 @p1 $0x1;
	p0 =	seq.s32 s7, s2  }
0x1e: {  	s7 =	smul.u32 @!p0 $0xF7A, s2;
	p2 =	seq.s32 @!p0 s5, $0x0  }
0x1f: {  	s9 =	smul.u32 $0xF7A, s1;
	s8 =	simm.s32 @!p0 $0x1BF5;
	p2 =	por !p2, p0  }
0x20: {  	[sflag:s8] =	ssyncset.s32 @!p0 $0xFFFFF086;
	s6 =	sadd.s32 @!p0 s3, s7;
	s7 =	simm.s32 @!p0 $0x108  }
0x21: {  	s3 =	sadd.s32 s3, s9;
	s6 =	sadd.s32 @!p0 $0x88, s6;
	s7 =	simm.s32 @p2 $0x1082  }
0x22: {  	[simem:s7], [sflag:s8] =	dma.local @!p0 [hbm:s6], $0xF7A  }
0x23: {  	s9 =	sor.u32 $0xD0000000, s2;
	s6 =	simm.s32 $0x108;
	_ =	swait.ge @!p0 [sflag:s8], $0x0  }
0x24: {  	s3 =	sadd.s32 $0x88, s3;
	s6 =	simm.s32 @!p1 $0x1082;
	[sflag:s4] =	ssyncset.s32 $0xFFFFF086  }
0x25: {  	[simem:s6], [sflag:s4] =	dma.local [hbm:s3], $0xF7A  }
0x26: {  	[smem:$0x3F92] =	sst s1;
	(tag) =	ssettag s2;
	_ =	strace s9  }
0x27: {  	s1 =	sld [smem:$0x3FA2]  }
0x28: {  	s2 =	sld [smem:$0x3FA3]  }
0x29: {  	s4 =	sld [smem:$0x3FA5]  }
0x2a: {  	p0 =	seq.s32 s5, $0x0;
	s5 =	sld [smem:$0x3FA6]  }
0x2b: {  	s6 =	sld [smem:$0x3FA7]  }
0x2c: {  	s7 =	sld [smem:$0x3FA8]  }
0x2d: {  	s3 =	simm.s32 $0x108;
	s8 =	sld [smem:$0x3FA9]  }
0x2e: {  	s3 =	simm.s32 @!p0 $0x1082;
	s9 =	sld [smem:$0x3FAA]  }
0x2f: {  	lr =	sadd.s32 s0, s3;
	s0 =	sld [smem:$0x3FA1]  }
0x30: {  	s3 =	sld [smem:$0x3FA4]  }
0x31: {  	[smem:$0x3FAD] =	sst s10  }
0x32: {  	s10 =	sld [smem:$0x3FAB];
	_ =	sdelay $0x3  }
0x33: {  	p0 =	seq.s32 s10, $0x1;
	s10 =	sld [smem:$0x3FAD];
	_ =	sdelay $0x3  }
0x34: {  	[smem:$0x3FAD] =	sst s10  }
0x35: {  	s10 =	sld [smem:$0x3FAC];
	_ =	sdelay $0x3  }
0x36: {  	p1 =	seq.s32 s10, $0x1;
	s10 =	sld [smem:$0x3FAD];
	_ =	sdelay $0x3  }
0x37: {  	[smem:$0x3FAD] =	sst s10  }
0x38: {  	s10 =	sld [smem:$0x3FAE]  }
0x39: {  	_ = 	snop;
	(pc) =	sbr.ind lr, $3  }
0x3a: {  	_ = 	snop  }
0x3b: {  	_ = 	snop  }
0x3c: {  	p2 =	seq.s32 s10, $0x1;
	s10 =	sld [smem:$0x3FAD]  }
0x3d: {  	_ =	shalt  }
0x3e: {  	_ =	shalt  }
0x3f: {  	_ =	shalt  }
0x40: {  	_ =	shalt  }
0x41: {  	_ =	shalt  }
0x42: {  	_ =	shalt  }
0x43: {  	_ =	shalt  }
0x44: {  	_ =	shalt  }
0x45: {  	_ =	shalt  }
0x46: {  	_ =	shalt  }
0x47: {  	_ =	shalt  }
0x48: {  	_ =	shalt  }
0x49: {  	_ =	shalt  }
0x4a: {  	_ =	shalt  }
0x4b: {  	_ =	shalt  }
0x4c: {  	_ =	shalt  }
0x4d: {  	_ =	shalt  }
0x4e: {  	_ =	shalt  }
0x4f: {  	_ =	shalt  }
0x50: {  	_ =	shalt  }
0x51: {  	_ =	shalt  }
0x52: {  	_ =	shalt  }
0x53: {  	_ =	shalt  }
0x54: {  	_ =	shalt  }
0x55: {  	_ =	shalt  }
0x56: {  	_ =	shalt  }
0x57: {  	_ =	shalt  }
0x58: {  	_ =	shalt  }
0x59: {  	_ =	shalt  }
0x5a: {  	_ =	shalt  }
0x5b: {  	_ =	shalt  }
0x5c: {  	_ =	shalt  }
0x5d: {  	_ =	shalt  }
0x5e: {  	_ =	shalt  }
0x5f: {  	_ =	shalt  }
0x60: {  	_ =	shalt  }
0x61: {  	_ =	shalt  }
0x62: {  	_ =	shalt  }
0x63: {  	_ =	shalt  }
0x64: {  	_ =	shalt  }
0x65: {  	_ =	shalt  }
0x66: {  	_ =	shalt  }
0x67: {  	_ =	shalt  }
0x68: {  	_ =	shalt  }
0x69: {  	_ =	shalt  }
0x6a: {  	_ =	shalt  }
0x6b: {  	_ =	shalt  }
0x6c: {  	_ =	shalt  }
0x6d: {  	_ =	shalt  }
0x6e: {  	_ =	shalt  }
0x6f: {  	_ =	shalt  }
0x70: {  	_ =	shalt  }
0x71: {  	_ =	shalt  }
0x72: {  	_ =	shalt  }
0x73: {  	_ =	shalt  }
0x74: {  	_ =	shalt  }
0x75: {  	_ =	shalt  }
0x76: {  	_ =	shalt  }
0x77: {  	_ =	shalt  }
0x78: {  	_ =	shalt  }
0x79: {  	_ =	shalt  }
0x7a: {  	_ =	shalt  }
0x7b: {  	_ =	shalt  }
0x7c: {  	_ =	shalt  }
0x7d: {  	_ =	shalt  }
0x7e: {  	_ =	shalt  }
0x7f: {  	_ =	shalt  }
0x80: {  	_ =	shalt  }
0x81: {  	_ =	shalt  }
0x82: {  	_ =	shalt  }
0x83: {  	_ =	shalt  }
0x84: {  	_ =	shalt  }
0x85: {  	_ =	shalt  }
0x86: {  	_ =	shalt  }
0x87: {  	_ =	shalt  }
.Lfunc_end0:
.L_simem_size_0:
called_computation.3_lowered:
.L_overlay_start_0:
0x88: {  	s2 =	sld [smem:$0x3FD9]  }
0x89: {  	s3 =	sld [smem:$0x3FFE];
	_ =	sdelay $0x1  }
0x8a: {  	s1 =	srdreg.scid  }
0x8b: {  	s0 =	sand.u32 $0x1, s1  }
0x8c: {  	s16 =	sshll.u32 s0, $0xA;
	s2 =	sadd.s32 s3, s2  }
0x8d: {  	s2 =	sadd.s32 s2, s16  }
0x8e: {  	[smem:$0x3FB9] =	sst s2  }
0x8f: {  	_ = 	snop  }
0x90: {  	(tm) =	ssettm $0x1  }
0x91: {  	s17 =	sld [smem:$0x3FFB];
	_ =	sdelay $0x3  }
0x92: {  	_ =	strace s17  }
0x93: {  	s2 =	sld [smem:$0x3FFC];
	_ =	sdelay $0x3  }
0x94: {  	_ =	strace s2  }
0x95: {  	s2 =	sld [smem:$0x3FFD];
	_ =	sdelay $0x3  }
0x96: {  	_ =	strace s2  }
0x97: {  	_ =	strace $0x8FFFFFFF  }
0x98: {  	s18 =	sld [smem:$0x3FDB];
	_ =	sdelay $0x1  }
0x99: {  	s19 =	simm.s32 $_scs_section_size  }
0x9a: {  	s4 =	simm.s32 $_size__tile_overlayer_lowered;
	s5 =	simm.s32 $_tile_overlayer_lowered  }
0x9b: {  	s22 =	simm.s32 $0x1BFF;
	s21 =	sshll.u32 s5, $0x1;
	s2 =	sadd.s32 s19, s18  }
0x9c: {  	s6 =	simm.s32 $0x0;
	s20 =	sshll.u32 s4, $0x1;
	s4 =	sadd.s32 s21, s2  }
0x9d: {  	[timem:s6], [sflag:s22] =	dma.local [hbm:s4], s20  }
0x9e: {  	_ =	swait.ge [sflag:s22], s20  }
0x9f: {  	s3 =	ssub.s32 $0x0, s20;
	[sflag:s22] =	ssyncset.done $0x0  }
0xa0: {  	[sflag:s22] =	ssyncadd.s32 s3;
	_ =	sdelay $0x1  }
0xa1: {  	s23 =	simm.s32 $0x1B8B  }
0xa2: {  	_ =	swait.ge [sflag:s23], $0x1  }
0xa3: {  	[sflag:s23] =	ssyncset.done $0x0  }
0xa4: {  	s25 =	simm.s32 $0x1B8E;
	s24 =	sld [smem:$0x3FFE];
	[sflag:s23] =	ssyncadd.s32 $0xFFFFFFFF  }
0xa5: {  	s26 =	simm.s32 $execute0_lowered;
	[smem:$0x3FD2] =	sst s25  }
0xa6: {  	s4 =	sshll.u32 s26, $0x1;
	_ =	strace $0x8000004F;
	[dreg:$0x1] =	wrdreg $0xFFFFFFFF  }
0xa7: {  	s28 =	simm.s32 $_size_execute0_lowered;
	s2 =	sadd.s32 s2, s4;
	[dreg:$0x0] =	wrdreg $0x0  }
0xa8: {  	s4 =	sshll.u32 s28, $0x1;
	[dreg:$0x2] =	wrdreg s2  }
0xa9: {  	[dreg:$0x3] =	wrdreg s4  }
0xaa: {  	[dreg:$0x4] =	wrdreg $0xC0  }
0xab: {  	_ =	task [dreg:s6], $0x5FFFF  }
0xac: {  	[dreg:$0x1] =	wrdreg $0xFFFFFFFF  }
0xad: {  	[dreg:$0x0] =	wrdreg $0x60  }
0xae: {  	[dreg:$0x2] =	wrdreg s24  }
0xaf: {  	[dreg:$0x3] =	wrdreg $0x0  }
0xb0: {  	[dreg:$0x4] =	wrdreg $0x9  }
0xb1: {  	_ =	task.clear_ibuf [dreg:s6], $0x5FFFF;
	_ =	strace $0x9000004F  }
0xb2: {  	s29 =	simm.s32 $0x9;
	_ =	strace $0x80000051  }
0xb3: {  	_ =	swait.ge [sflag:s29], $0x1  }
0xb4: {  	[sflag:s29] =	ssyncadd.s32 $0xFFFFFFFF  }
0xb5: {  	_ =	strace $0x90000051  }
0xb6: {  	_ =	sfence  }
0xb7: {  	s30 =	sld [smem:$0x0];
	_ =	sdelay $0x2  }
0xb8: {  	s31 =	sshll.u32 s1, $0xD;
	s1 =	sshrl.u32 s1, $0x2  }
0xb9: {  	s3 =	sand.u32 $0x4000, s31;
	s1 =	sadd.s32 s1, s30  }
0xba: {  	s0 =	sor.u32 s3, s0;
	s1 =	sshll.u32 s1, $0x11  }
0xbb: {  	s0 =	sor.u32 s1, s0  }
0xbc: {  	s0 =	sadd.s32 $0x8F2B, s0  }
0xbd: {  	[sflag:s0] =	ssyncadd.remote.s32 $0x1  }
0xbe: {  	_ =	sfence.sel $0xFFFF  }
0xbf: {  	[dreg:$0x0] =	wrdreg $0xFFFFFFFF;
	(pc) =	sbr.abs _section_cstart, $3  }
0xc0: {  	[dreg:$0x1] =	wrdreg $0xFFFFFFFF  }
0xc1: {  	_ =	task.clear_ibuf [dreg:s6], $0x2FFFF;
	_ =	strace $0x9FFFFFFF  }
0xc2: {  	(tm) =	ssettm $0x7FFFFFFF  }
0xc3: {  	_ =	shalt  }
tec
execute0_lowered:
.L_overlay_start_1:
0x0: {  	(tag) =	ssettag $0x1  }
0x1: {  	s0 =	rddreg [dreg:$0x0]  }
0x2: {  	s10 =	rddreg [dreg:$0x1];
	s16 =	simm.s32 $0x0  }
0x3: {  	s11 =	stileid.u32;
	s1 =	srdreg.scid;
	s28 =	simm.s32 $0x13A00  }
0x4: {  	s29 =	simm.s32 $0x16200;
	s30 =	simm.s32 $0x16A00;
	s31 =	simm.s32 $0x17200  }
0x5: {  	s12 =	simm.s32 $0x1A200;
	[smem:$0x7FF] =	sst s16;
	s3 =	sadd.s32 $0x64A00, s0  }
0x6: {  	s5 =	sadd.s32 $0x19D200, s0;
	s2 =	smul.u32 $0x4E000, s11;
	s6 =	sadd.s32 $0x5FA00, s0  }
0x7: {  	s7 =	sadd.s32 $0x5AA00, s0;
	s1 =	sand.u32 $0x1, s1;
	s9 =	smul.u32 $0x270, s11  }
0x8: {  	s0 =	sadd.s32 $0x100E00, s0;
	p0 =	sne.s32 s11, $0x0;
	s15 =	smul.u32 $0x2710, s1  }
0x9: {  	s4 =	ssub.s32 $0x2, s1;
	s1 =	smul.u32 $0x138800, s1;
	s2 =	sshrl.u32 s2, $0x2  }
0xa: {  	_ =	strace $0x80000050;
	s8 =	sshrl.u32 s4, $0x1;
	s18 =	sadd.s32 s2, s10  }
0xb: {  	s13 =	ssub.s32 s4, s8;
	s24 =	sadd.s32 s9, s15;
	s1 =	sshrl.u32 s1, $0x3  }
0xc: {  	s4 =	simm.s32 $0x18200;
	s14 =	sadd.s32 $0x2800, s18;
	[dreg:$0x4] =	wrdreg s18  }
0xd: {  	s9 =	simm.s32 $0x18A00;
	s17 =	sadd.s32 $0x5000, s18;
	[dreg:$0x5] =	wrdreg s14  }
0xe: {  	v0 =	vmov s15;
	s15 =	simm.s32 $0x2;
	s19 =	sadd.s32 $0x7800, s18;
	[dreg:$0x6] =	wrdreg s17  }
0xf: {  	s20 =	sadd.s32 $0xA000, s18;
	s21 =	sadd.s32 $0xC800, s18;
	[dreg:$0x7] =	wrdreg s19  }
0x10: {  	s22 =	sadd.s32 $0xF000, s18;
	s23 =	sadd.s32 $0x11800, s18;
	[dreg:$0x8] =	wrdreg s20  }
0x11: {  	s8 =	sshll.u32 s24, $0x4;
	s1 =	sadd.s32 s0, s1;
	[dreg:$0x9] =	wrdreg s21  }
0x12: {  	s26 =	smax.u32 s13, $0x1;
	s13 =	simm.s32 $0x1AA00;
	[dreg:$0xa] =	wrdreg s22  }
0x13: {  	[dreg:$0xb] =	wrdreg s23;
	s19 =	sadd.s32 $0x138000, s10;
	s17 =	smul.u32 $0x2710, s11  }
0x14: {  	s0 =	sadd.s32 s0, s8;
	s25 =	sadd.s32 $0x27000, s1;
	[dreg:$0xf] =	wrdreg s26  }
0x15: {  	s21 =	simm.s32 $0x1B200;
	s22 =	simm.s32 $0x3;
	s23 =	simm.s32 $0x13880  }
0x16: {  	v4 =	vlaneseq.u32;
	s26 =	simm.s32 $0x13900;
	s10 =	simm.s32 $0x19200;
	[dreg:$0xd] =	wrdreg s0  }
0x17: {  	v1 =	vimm.f32 $0.0e+00;
	vm0 =	vmmov $0xffff;
	v3 =	vshrl.u32 v4, $0x3;
	s11 =	simm.s32 $0x19A00;
	s14 =	simm.s32 $0x1;
	[dreg:$0xe] =	wrdreg s25  }
0x18: {  	v2 =	vand.u32 $0x7, v4;
	v4 =	vor.u32 $0x8, v4;
	v3 =	vmul.u32 $0x8, v3;
	s25 =	simm.s32 $0x50;
	s0 =	simm.s32 $0x17A00;
	[dreg:$0xc] =	wrdreg s19  }
.LBB2_1:
0x19: {  	[dreg:$0x3] =	wrdreg s16;
	s1 =	simm.s32 $0x0;
	s2 =	simm.s32 $0x200  }
.LBB2_2:
0x1a: {  	p1 =	sne.s32 s2, $0x9E00;
	[tilespmem:s1+$0x1B270] =	vst v1  }
0x1b: {  	[tilespmem:s1+$0x1B200] =	vst v1  }
0x1c: {  	[tilespmem:s1+$0x1B210] =	vst v1  }
.Ltmp0:
0x1d: {  	[tilespmem:s1+$0x1B220] =	vst v1;
	(pc) =	sbr.rel @p1 .LBB2_2-.Ltmp0, $4  }
0x1e: {  	[tilespmem:s1+$0x1B230] =	vst v1  }
0x1f: {  	[tilespmem:s1+$0x1B240] =	vst v1  }
0x20: {  	[tilespmem:s1+$0x1B250] =	vst v1  }
0x21: {  	[tilespmem:s1+$0x1B260] =	vst v1;
	s1 =	sshra.s32 s2, $0x2;
	s2 =	sadd.s32 $0x200, s2  }
0x22: {  	[tilespmem:s1+$0x1B270] =	vst v1  }
0x23: {  	[tilespmem:s1+$0x1B200] =	vst v1  }
0x24: {  	[tilespmem:s1+$0x1B210] =	vst v1  }
0x25: {  	[tilespmem:s1+$0x1B220] =	vst v1  }
0x26: {  	[tilespmem:s1+$0x1B230] =	vst v1  }
0x27: {  	[tilespmem:s1+$0x1B240] =	vst v1  }
0x28: {  	[tilespmem:s1+$0x1B250] =	vst v1  }
0x29: {  	[tilespmem:s1+$0x1B260] =	vst v1  }
0x2a: {  	[spmem:s18] =	stream.linear.scatter [tilespmem:s21], [sflag:$0x3], $0x2800, $0x38;
	[tilespmem:$0x1DA00] =	vst v63  }
0x2b: {  	_ =	swait.ge [sflag:s22], $0x2800  }
0x2c: {  	[sflag:s22] =	ssyncset.done $0x0  }
0x2d: {  	s24 =	rddreg [dreg:$0x5];
	[sflag:s22] =	ssyncadd.s32 $0xFFFFD800  }
0x2e: {  	[spmem:s24] =	stream.linear.scatter [tilespmem:s21], [sflag:$0x3], $0x2800, $0x38;
	[tilespmem:$0x1DA00] =	vst v63  }
0x2f: {  	_ =	swait.ge [sflag:s22], $0x2800  }
0x30: {  	[sflag:s22] =	ssyncset.done $0x0  }
0x31: {  	s2 =	rddreg [dreg:$0x6];
	[sflag:s22] =	ssyncadd.s32 $0xFFFFD800  }
0x32: {  	[spmem:s2] =	stream.linear.scatter [tilespmem:s21], [sflag:$0x3], $0x2800, $0x38;
	[tilespmem:$0x1DA00] =	vst v63  }
0x33: {  	_ =	swait.ge [sflag:s22], $0x2800  }
0x34: {  	[sflag:s22] =	ssyncset.done $0x0  }
0x35: {  	s8 =	rddreg [dreg:$0x7];
	[sflag:s22] =	ssyncadd.s32 $0xFFFFD800  }
0x36: {  	[spmem:s8] =	stream.linear.scatter [tilespmem:s21], [sflag:$0x3], $0x2800, $0x38;
	[tilespmem:$0x1DA00] =	vst v63  }
0x37: {  	_ =	swait.ge [sflag:s22], $0x2800  }
0x38: {  	[sflag:s22] =	ssyncset.done $0x0  }
0x39: {  	s16 =	rddreg [dreg:$0x8];
	[sflag:s22] =	ssyncadd.s32 $0xFFFFD800  }
0x3a: {  	[spmem:s16] =	stream.linear.scatter [tilespmem:s21], [sflag:$0x3], $0x2800, $0x38;
	[tilespmem:$0x1DA00] =	vst v63  }
0x3b: {  	_ =	swait.ge [sflag:s22], $0x2800  }
0x3c: {  	[sflag:s22] =	ssyncset.done $0x0  }
0x3d: {  	s18 =	rddreg [dreg:$0x9];
	[sflag:s22] =	ssyncadd.s32 $0xFFFFD800  }
0x3e: {  	[spmem:s18] =	stream.linear.scatter [tilespmem:s21], [sflag:$0x3], $0x2800, $0x38;
	[tilespmem:$0x1DA00] =	vst v63  }
0x3f: {  	_ =	swait.ge [sflag:s22], $0x2800  }
0x40: {  	[sflag:s22] =	ssyncset.done $0x0  }
0x41: {  	s20 =	rddreg [dreg:$0xa];
	[sflag:s22] =	ssyncadd.s32 $0xFFFFD800  }
0x42: {  	[spmem:s20] =	stream.linear.scatter [tilespmem:s21], [sflag:$0x3], $0x2800, $0x38;
	[tilespmem:$0x1DA00] =	vst v63  }
0x43: {  	_ =	swait.ge [sflag:s22], $0x2800  }
0x44: {  	[sflag:s22] =	ssyncset.done $0x0  }
0x45: {  	s24 =	rddreg [dreg:$0xb];
	[sflag:s22] =	ssyncadd.s32 $0xFFFFD800  }
0x46: {  	[spmem:s24] =	stream.linear.scatter [tilespmem:s21], [sflag:$0x3], $0x2000, $0x38;
	[tilespmem:$0x1DA00] =	vst v63  }
0x47: {  	_ =	swait.ge [sflag:s22], $0x2000  }
0x48: {  	[sflag:s22] =	ssyncset.done $0x0  }
0x49: {  	s1 =	simm.s32 @!p0 $0x1B200;
	[sflag:s22] =	ssyncadd.s32 $0xFFFFE000  }
0x4a: {  	[spmem:s19] =	stream.linear.scatter @!p0 [tilespmem:s1], [sflag:$0x3], $0x800, $0x38;
	[tilespmem:$0x1DA00] =	vst v63  }
0x4b: {  	s1 =	simm.s32 @!p0 $0x3  }
0x4c: {  	_ =	swait.ge @!p0 [sflag:s1], $0x800  }
0x4d: {  	[sflag:s1] =	ssyncset.done @!p0 $0x0  }
0x4e: {  	[sflag:s1] =	ssyncadd.s32 @!p0 $0xFFFFF800  }
0x4f: {  	s18 =	simm.s32 $0x0;
	s19 =	simm.s32 $0x0;
	[bflag:$0x0] =	sbarrier.arrive $0xFFFF  }
.LBB2_4:
0x50: {  	s1 =	smul.u32 $0x50, s19;
	_ =	sdelay $0x1  }
0x51: {  	s1 =	sadd.s32 s17, s1  }
0x52: {  	s1 =	sshrl.u32 s1, $0x3  }
0x53: {  	s2 =	sadd.s32 s6, s1  }
0x54: {  	[tilespmem:s23], [sflag:$0x3] =	stream.linear.gather [hbm4b:s2+s18], $0x50, $0x38;
	[tilespmem:$0x1DA00] =	vst v63  }
0x55: {  	_ =	swait.ge [sflag:s22], $0x50  }
0x56: {  	[sflag:s22] =	ssyncset.done $0x0  }
0x57: {  	s24 =	simm.s32 $0x13980;
	s1 =	sadd.s32 s7, s1;
	[sflag:s22] =	ssyncadd.s32 $0xFFFFFFB0  }
0x58: {  	[tilespmem:s24], [sflag:$0x3] =	stream.linear.gather [hbm4b:s1+s18], $0x50, $0x38;
	[tilespmem:$0x1DA00] =	vst v63  }
0x59: {  	_ =	swait.ge [sflag:s22], $0x50  }
0x5a: {  	[sflag:s22] =	ssyncset.done $0x0  }
0x5b: {  	[sflag:s22] =	ssyncadd.s32 $0xFFFFFFB0  }
0x5c: {  	v5 =	vld [tilespmem:$0x13880]  }
0x5d: {  	v6 =	vld [tilespmem:$0x13980]  }
0x5e: {  	v7 =	vld [tilespmem:$0x13890]  }
0x5f: {  	v8 =	vld [tilespmem:$0x13990]  }
0x60: {  	v9 =	vld [tilespmem:$0x138A0]  }
0x61: {  	v10 =	vld [tilespmem:$0x139A0];
	v5 =	vadd.s32 v0, v5  }
0x62: {  	[tilespmem:$0x13900] =	vst v5;
	v5 =	vadd.s32 v0, v6;
	v6 =	vld [tilespmem:$0x138B0]  }
0x63: {  	[tilespmem:$0x13980] =	vst v5;
	v5 =	vadd.s32 v0, v7;
	v7 =	vld [tilespmem:$0x139B0]  }
0x64: {  	v62 =	vld [tilespmem:$0x138C0];
	[tilespmem:$0x13910] =	vst v5;
	v5 =	vadd.s32 v0, v8  }
0x65: {  	v63 =	vld [tilespmem:$0x139C0];
	[tilespmem:$0x13990] =	vst v5;
	v5 =	vadd.s32 v0, v9  }
0x66: {  	[tilespmem:$0x13920] =	vst v5;
	v5 =	vadd.s32 v0, v10  }
0x67: {  	[tilespmem:$0x139A0] =	vst v5;
	v5 =	vadd.s32 v0, v6  }
0x68: {  	[tilespmem:$0x13930] =	vst v5;
	v5 =	vadd.s32 v0, v7  }
0x69: {  	[tilespmem:$0x139B0] =	vst v5;
	v5 =	vadd.s32 v0, v62  }
0x6a: {  	[tilespmem:$0x13940] =	vst v5;
	v5 =	vadd.s32 v0, v63  }
0x6b: {  	[tilespmem:$0x139C0] =	vst v5  }
0x6c: {  	[tilespmem:s28], [sflag:$0x1] =	stream.indirect.gather [hbm4b:s3+s25], $0x80, s26, s25, $0xb8;
	[tilespmem:$0x1DA00] =	vst v63  }
0x6d: {  	v5 =	vld [tilespmem:$0x13980];
	_ =	sdelay $0x4  }
0x6e: {  	v6 =	vshll.u32 v5, $0x1  }
0x6f: {  	v5 =	vand.u32 $0x7, v5;
	v6 =	vand.u32 $0xFFFFFFF0, v6  }
0x70: {  	v5 =	vor.u32 v5, v6  }
0x71: {  	v6 =	vperm.xlane v5, v2;
	_ =	sdelay $0x1  }
0x72: {  	v5 =	vperm.xlane v5, v4;
	v6 =	vadd.s32 v3, v6;
	_ =	sdelay $0x1  }
0x73: {  	v5 =	vadd.s32 v3, v5;
	_ =	sdelay $0x2  }
0x74: {  	[tilespmem:s29], [sflag:$0x2] =	stream.indirect_vreg.gather [hbm4b:s5+s18], $0x80, v6, vm0, $0xb8;
	[tilespmem:$0x1DA00] =	vst v63  }
0x75: {  	_ = 	snop  }
0x76: {  	[tilespmem:s30], [sflag:$0x2] =	stream.indirect_vreg.gather [hbm4b:s5+s18], $0x80, v5, vm0, $0xb8;
	[tilespmem:$0x1DA00] =	vst v63  }
0x77: {  	v5 =	vld [tilespmem:$0x13990];
	_ =	sdelay $0x4  }
0x78: {  	v6 =	vshll.u32 v5, $0x1  }
0x79: {  	v5 =	vand.u32 $0x7, v5;
	v6 =	vand.u32 $0xFFFFFFF0, v6  }
0x7a: {  	v5 =	vor.u32 v5, v6  }
0x7b: {  	v6 =	vperm.xlane v5, v2;
	_ =	sdelay $0x1  }
0x7c: {  	v5 =	vperm.xlane v5, v4;
	v6 =	vadd.s32 v3, v6;
	_ =	sdelay $0x1  }
0x7d: {  	v5 =	vadd.s32 v3, v5;
	_ =	sdelay $0x2  }
0x7e: {  	[tilespmem:s31], [sflag:$0x2] =	stream.indirect_vreg.gather [hbm4b:s5+s18], $0x80, v6, vm0, $0xb8;
	[tilespmem:$0x1DA00] =	vst v63  }
0x7f: {  	_ = 	snop  }
0x80: {  	[tilespmem:s0], [sflag:$0x2] =	stream.indirect_vreg.gather [hbm4b:s5+s18], $0x80, v5, vm0, $0xb8;
	[tilespmem:$0x1DA00] =	vst v63  }
0x81: {  	v5 =	vld [tilespmem:$0x139A0];
	_ =	sdelay $0x4  }
0x82: {  	v6 =	vshll.u32 v5, $0x1  }
0x83: {  	v5 =	vand.u32 $0x7, v5;
	v6 =	vand.u32 $0xFFFFFFF0, v6  }
0x84: {  	v5 =	vor.u32 v5, v6  }
0x85: {  	v6 =	vperm.xlane v5, v2;
	_ =	sdelay $0x1  }
0x86: {  	v5 =	vperm.xlane v5, v4;
	v6 =	vadd.s32 v3, v6;
	_ =	sdelay $0x1  }
0x87: {  	v5 =	vadd.s32 v3, v5;
	_ =	sdelay $0x2  }
0x88: {  	[tilespmem:s4], [sflag:$0x2] =	stream.indirect_vreg.gather [hbm4b:s5+s18], $0x80, v6, vm0, $0xb8;
	[tilespmem:$0x1DA00] =	vst v63  }
0x89: {  	_ = 	snop  }
0x8a: {  	[tilespmem:s9], [sflag:$0x2] =	stream.indirect_vreg.gather [hbm4b:s5+s18], $0x80, v5, vm0, $0xb8;
	[tilespmem:$0x1DA00] =	vst v63  }
0x8b: {  	v5 =	vld [tilespmem:$0x139B0];
	_ =	sdelay $0x4  }
0x8c: {  	v6 =	vshll.u32 v5, $0x1  }
0x8d: {  	v5 =	vand.u32 $0x7, v5;
	v6 =	vand.u32 $0xFFFFFFF0, v6  }
0x8e: {  	v5 =	vor.u32 v5, v6  }
0x8f: {  	v6 =	vperm.xlane v5, v2;
	_ =	sdelay $0x1  }
0x90: {  	v5 =	vperm.xlane v5, v4;
	v6 =	vadd.s32 v3, v6;
	_ =	sdelay $0x1  }
0x91: {  	v5 =	vadd.s32 v3, v5;
	_ =	sdelay $0x2  }
0x92: {  	[tilespmem:s10], [sflag:$0x2] =	stream.indirect_vreg.gather [hbm4b:s5+s18], $0x80, v6, vm0, $0xb8;
	[tilespmem:$0x1DA00] =	vst v63  }
0x93: {  	_ = 	snop  }
0x94: {  	[tilespmem:s11], [sflag:$0x2] =	stream.indirect_vreg.gather [hbm4b:s5+s18], $0x80, v5, vm0, $0xb8;
	[tilespmem:$0x1DA00] =	vst v63  }
0x95: {  	v5 =	vld [tilespmem:$0x139C0];
	_ =	sdelay $0x4  }
0x96: {  	v6 =	vshll.u32 v5, $0x1  }
0x97: {  	v5 =	vand.u32 $0x7, v5;
	v6 =	vand.u32 $0xFFFFFFF0, v6  }
0x98: {  	v5 =	vor.u32 v5, v6  }
0x99: {  	v6 =	vperm.xlane v5, v2;
	_ =	sdelay $0x1  }
0x9a: {  	v5 =	vperm.xlane v5, v4;
	v6 =	vadd.s32 v3, v6;
	_ =	sdelay $0x1  }
0x9b: {  	v5 =	vadd.s32 v3, v5;
	_ =	sdelay $0x2  }
0x9c: {  	[tilespmem:s12], [sflag:$0x2] =	stream.indirect_vreg.gather [hbm4b:s5+s18], $0x80, v6, vm0, $0xb8;
	[tilespmem:$0x1DA00] =	vst v63  }
0x9d: {  	_ = 	snop  }
0x9e: {  	[tilespmem:s13], [sflag:$0x2] =	stream.indirect_vreg.gather [hbm4b:s5+s18], $0x80, v5, vm0, $0xb8;
	[tilespmem:$0x1DA00] =	vst v63  }
0x9f: {  	_ =	swait.ge [sflag:s14], $0x2800  }
0xa0: {  	[sflag:s14] =	ssyncset.done $0x0  }
0xa1: {  	[sflag:s14] =	ssyncadd.s32 $0xFFFFD800  }
0xa2: {  	_ =	swait.ge [sflag:s15], $0x5000  }
0xa3: {  	s20 =	simm.s32 $0x13A40;
	s16 =	simm.s32 $0x1B240;
	[sflag:s15] =	ssyncset.done $0x0  }
0xa4: {  	s8 =	simm.s32 $0x0;
	s2 =	simm.s32 $0x0;
	[sflag:s15] =	ssyncadd.s32 $0xFFFFB000  }
.LBB2_5:
0xa5: {  	s1 =	sand.u32 $0x7800, s8;
	s24 =	sand.u32 $0x380, s2  }
0xa6: {  	v5 =	vld [tilespmem:s20+$0xFFFFFFC0];
	s1 =	sor.u32 s24, s1  }
0xa7: {  	v6 =	vld [tilespmem:s1+$0x16200];
	_ =	sdelay $0x4  }
0xa8: {  	v5 =	vadd.f32 v6, v5;
	_ =	sdelay $0x1  }
0xa9: {  	v5 =	vsub.f32 $0.0e+00, v5;
	_ =	sdelay $0x1  }
0xaa: {  	v5 =	vmul.f32 $1.442695020e+00, v5;
	_ =	sdelay $0x1  }
0xab: {  	(erf) = vpow2.f32 v5;
	_ =	sdelay $0x8  }
0xac: {  	v5 =	vpop (erf)  }
0xad: {  	v5 =	vadd.f32 $1.000000000e+00, v5;
	_ =	sdelay $0x1  }
0xae: {  	(erf) = vrcp.f32 v5;
	_ =	sdelay $0x3  }
0xaf: {  	s1 =	sadd.s32 $0x16200, s1  }
0xb0: {  	v5 =	vld [tilespmem:s1+$0x400];
	_ =	sdelay $0x3  }
0xb1: {  	v6 =	vpop (erf)  }
0xb2: {  	v5 =	vmul.f32 v6, v5;
	_ =	sdelay $0x1  }
0xb3: {  	[tilespmem:s16+$0xFFFFFFC0] =	vst v5  }
0xb4: {  	v5 =	vld [tilespmem:s20+$0xFFFFFFD0]  }
0xb5: {  	v6 =	vld [tilespmem:s1+$0x10];
	_ =	sdelay $0x4  }
0xb6: {  	v5 =	vadd.f32 v6, v5;
	_ =	sdelay $0x1  }
0xb7: {  	v5 =	vsub.f32 $0.0e+00, v5;
	_ =	sdelay $0x1  }
0xb8: {  	v5 =	vmul.f32 $1.442695020e+00, v5;
	_ =	sdelay $0x1  }
0xb9: {  	(erf) = vpow2.f32 v5;
	_ =	sdelay $0x8  }
0xba: {  	v5 =	vpop (erf)  }
0xbb: {  	v5 =	vadd.f32 $1.000000000e+00, v5;
	_ =	sdelay $0x1  }
0xbc: {  	(erf) = vrcp.f32 v5;
	_ =	sdelay $0x4  }
0xbd: {  	v5 =	vld [tilespmem:s1+$0x410];
	_ =	sdelay $0x3  }
0xbe: {  	v6 =	vpop (erf)  }
0xbf: {  	v5 =	vmul.f32 v6, v5;
	_ =	sdelay $0x1  }
0xc0: {  	[tilespmem:s16+$0xFFFFFFD0] =	vst v5  }
0xc1: {  	v5 =	vld [tilespmem:s20+$0xFFFFFFE0]  }
0xc2: {  	v6 =	vld [tilespmem:s1+$0x20];
	_ =	sdelay $0x4  }
0xc3: {  	v5 =	vadd.f32 v6, v5;
	_ =	sdelay $0x1  }
0xc4: {  	v5 =	vsub.f32 $0.0e+00, v5;
	_ =	sdelay $0x1  }
0xc5: {  	v5 =	vmul.f32 $1.442695020e+00, v5;
	_ =	sdelay $0x1  }
0xc6: {  	(erf) = vpow2.f32 v5;
	_ =	sdelay $0x8  }
0xc7: {  	v5 =	vpop (erf)  }
0xc8: {  	v5 =	vadd.f32 $1.000000000e+00, v5;
	_ =	sdelay $0x1  }
0xc9: {  	(erf) = vrcp.f32 v5;
	_ =	sdelay $0x4  }
0xca: {  	v5 =	vld [tilespmem:s1+$0x420];
	_ =	sdelay $0x3  }
0xcb: {  	v6 =	vpop (erf)  }
0xcc: {  	v5 =	vmul.f32 v6, v5;
	_ =	sdelay $0x1  }
0xcd: {  	[tilespmem:s16+$0xFFFFFFE0] =	vst v5  }
0xce: {  	v5 =	vld [tilespmem:s20+$0xFFFFFFF0]  }
0xcf: {  	v6 =	vld [tilespmem:s1+$0x30];
	_ =	sdelay $0x4  }
0xd0: {  	v5 =	vadd.f32 v6, v5;
	_ =	sdelay $0x1  }
0xd1: {  	v5 =	vsub.f32 $0.0e+00, v5;
	_ =	sdelay $0x1  }
0xd2: {  	v5 =	vmul.f32 $1.442695020e+00, v5;
	_ =	sdelay $0x1  }
0xd3: {  	(erf) = vpow2.f32 v5;
	_ =	sdelay $0x8  }
0xd4: {  	v5 =	vpop (erf)  }
0xd5: {  	v5 =	vadd.f32 $1.000000000e+00, v5;
	_ =	sdelay $0x1  }
0xd6: {  	(erf) = vrcp.f32 v5;
	_ =	sdelay $0x4  }
0xd7: {  	v5 =	vld [tilespmem:s1+$0x430];
	_ =	sdelay $0x3  }
0xd8: {  	v6 =	vpop (erf)  }
0xd9: {  	v5 =	vmul.f32 v6, v5;
	_ =	sdelay $0x1  }
0xda: {  	[tilespmem:s16+$0xFFFFFFF0] =	vst v5  }
0xdb: {  	v5 =	vld [tilespmem:s20+$0x0]  }
0xdc: {  	v6 =	vld [tilespmem:s1+$0x40];
	_ =	sdelay $0x4  }
0xdd: {  	v5 =	vadd.f32 v6, v5;
	_ =	sdelay $0x1  }
0xde: {  	v5 =	vsub.f32 $0.0e+00, v5;
	_ =	sdelay $0x1  }
0xdf: {  	v5 =	vmul.f32 $1.442695020e+00, v5;
	_ =	sdelay $0x1  }
0xe0: {  	(erf) = vpow2.f32 v5;
	_ =	sdelay $0x8  }
0xe1: {  	v5 =	vpop (erf)  }
0xe2: {  	v5 =	vadd.f32 $1.000000000e+00, v5;
	_ =	sdelay $0x1  }
0xe3: {  	(erf) = vrcp.f32 v5;
	_ =	sdelay $0x4  }
0xe4: {  	v5 =	vld [tilespmem:s1+$0x440];
	_ =	sdelay $0x3  }
0xe5: {  	v6 =	vpop (erf)  }
0xe6: {  	v5 =	vmul.f32 v6, v5;
	_ =	sdelay $0x1  }
0xe7: {  	[tilespmem:s16+$0x0] =	vst v5  }
0xe8: {  	v5 =	vld [tilespmem:s20+$0x10]  }
0xe9: {  	v6 =	vld [tilespmem:s1+$0x50];
	_ =	sdelay $0x4  }
0xea: {  	v5 =	vadd.f32 v6, v5;
	_ =	sdelay $0x1  }
0xeb: {  	v5 =	vsub.f32 $0.0e+00, v5;
	_ =	sdelay $0x1  }
0xec: {  	v5 =	vmul.f32 $1.442695020e+00, v5;
	_ =	sdelay $0x1  }
0xed: {  	(erf) = vpow2.f32 v5;
	_ =	sdelay $0x8  }
0xee: {  	v5 =	vpop (erf)  }
0xef: {  	v5 =	vadd.f32 $1.000000000e+00, v5;
	_ =	sdelay $0x1  }
0xf0: {  	(erf) = vrcp.f32 v5;
	_ =	sdelay $0x4  }
0xf1: {  	v5 =	vld [tilespmem:s1+$0x450];
	_ =	sdelay $0x3  }
0xf2: {  	v6 =	vpop (erf)  }
0xf3: {  	v5 =	vmul.f32 v6, v5;
	_ =	sdelay $0x1  }
0xf4: {  	[tilespmem:s16+$0x10] =	vst v5  }
0xf5: {  	v5 =	vld [tilespmem:s20+$0x20]  }
0xf6: {  	v6 =	vld [tilespmem:s1+$0x60];
	_ =	sdelay $0x4  }
0xf7: {  	v5 =	vadd.f32 v6, v5;
	_ =	sdelay $0x1  }
0xf8: {  	v5 =	vsub.f32 $0.0e+00, v5;
	_ =	sdelay $0x1  }
0xf9: {  	v5 =	vmul.f32 $1.442695020e+00, v5;
	_ =	sdelay $0x1  }
0xfa: {  	(erf) = vpow2.f32 v5;
	_ =	sdelay $0x8  }
0xfb: {  	v5 =	vpop (erf)  }
0xfc: {  	v5 =	vadd.f32 $1.000000000e+00, v5;
	_ =	sdelay $0x1  }
0xfd: {  	(erf) = vrcp.f32 v5;
	_ =	sdelay $0x4  }
0xfe: {  	v5 =	vld [tilespmem:s1+$0x460];
	_ =	sdelay $0x3  }
0xff: {  	v6 =	vpop (erf)  }
0x100: {  	v5 =	vmul.f32 v6, v5;
	_ =	sdelay $0x1  }
0x101: {  	[tilespmem:s16+$0x20] =	vst v5  }
0x102: {  	v5 =	vld [tilespmem:s20+$0x30]  }
0x103: {  	v6 =	vld [tilespmem:s1+$0x70];
	_ =	sdelay $0x4  }
0x104: {  	v5 =	vadd.f32 v6, v5;
	_ =	sdelay $0x1  }
0x105: {  	v5 =	vsub.f32 $0.0e+00, v5;
	_ =	sdelay $0x1  }
0x106: {  	v5 =	vmul.f32 $1.442695020e+00, v5;
	_ =	sdelay $0x1  }
0x107: {  	(erf) = vpow2.f32 v5;
	_ =	sdelay $0x8  }
0x108: {  	v5 =	vpop (erf)  }
0x109: {  	v5 =	vadd.f32 $1.000000000e+00, v5;
	_ =	sdelay $0x1  }
0x10a: {  	(erf) = vrcp.f32 v5;
	_ =	sdelay $0x4  }
0x10b: {  	v5 =	vld [tilespmem:s1+$0x470];
	_ =	sdelay $0x1  }
0x10c: {  	p1 =	sne.s32 s2, $0x2780  }
.Ltmp1:
0x10d: {  	_ = 	snop;
	(pc) =	sbr.rel @p1 .LBB2_5-.Ltmp1, $4  }
0x10e: {  	v6 =	vpop (erf)  }
0x10f: {  	v5 =	vmul.f32 v6, v5  }
0x110: {  	s8 =	sadd.s32 $0x100, s8  }
0x111: {  	s2 =	sadd.s32 $0x80, s2;
	s20 =	sadd.s32 $0x80, s20;
	[tilespmem:s16+$0x30] =	vst v5;
	s16 =	sadd.s32 $0x80, s16  }
0x112: {  	s19 =	sadd.s32 $0x1, s19  }
0x113: {  	p1 =	sne.s32 s19, $0x7D  }
.Ltmp2:
0x114: {  	s1 =	rddreg [dreg:$0x1];
	(pc) =	sbr.rel @p1 .LBB2_4-.Ltmp2, $4  }
0x115: {  	[spmem:s1] =	stream.indirect.scatter.add.f32 [tilespmem:s21], [sflag:$0x3], $0x80, s23, s25, $0xb8;
	[tilespmem:$0x1DA00] =	vst v63  }
0x116: {  	_ =	swait.ge [sflag:s22], $0x2800  }
0x117: {  	[sflag:s22] =	ssyncset.done $0x0  }
0x118: {  	[sflag:s22] =	ssyncadd.s32 $0xFFFFD800  }
0x119: {  	s1 =	stileid.u32;
	[bflag:$0x0] =	sbarrier.arrive $0xFFFF  }
0x11a: {  	s1 =	sshll.u32 s1, $0x6;
	s18 =	rddreg [dreg:$0x4]  }
0x11b: {  	s8 =	rddreg [dreg:$0xd];
	s1 =	sor.u32 $0x1C03, s1;
	s2 =	sshrl.u32 s18, $0x3  }
0x11c: {  	[hbm:s8], [sflag:s1] =	dma.local [spmem:s2], $0x2700  }
0x11d: {  	_ =	swait.ge [sflag:s22], $0x2700  }
0x11e: {  	[sflag:s22] =	ssyncset.done $0x0;
	s19 =	rddreg [dreg:$0xc]  }
0x11f: {  	s8 =	rddreg [dreg:$0xe];
	[sflag:s22] =	ssyncadd.s32 $0xFFFFD900;
	s2 =	sshrl.u32 @!p0 s19, $0x3  }
0x120: {  	[hbm:s8], [sflag:s1] =	dma.local @!p0 [spmem:s2], $0x100  }
0x121: {  	s1 =	simm.s32 @!p0 $0x3  }
0x122: {  	_ =	swait.ge @!p0 [sflag:s1], $0x100  }
0x123: {  	s16 =	rddreg [dreg:$0x3]  }
0x124: {  	s24 =	rddreg [dreg:$0xf];
	s16 =	sadd.s32 $0x1, s16  }
0x125: {  	p1 =	sne.s32 s16, s24  }
.Ltmp3:
0x126: {  	_ = 	snop;
	(pc) =	sbr.rel @p1 .LBB2_1-.Ltmp3, $3  }
0x127: {  	_ =	sdelay $0x1  }
0x128: {  	[sflag:s1] =	ssyncset.done @!p0 $0x0  }
0x129: {  	[sflag:s1] =	ssyncadd.s32 @!p0 $0xFFFFFF00  }
0x12a: {  	_ =	sfence.sel $0x180000  }
0x12b: {  	[bflag:$0x0] =	sbarrier.arrive $0xFFFF  }
0x12c: {  	_ =	strace $0x90000050  }
0x12d: {  	[bflag:$0x2] =	sbarrier.arrive $0xFFFF  }
0x12e: {  	s0 =	rddreg [dreg:$0x2]  }
0x12f: {  	s0 =	sadd.s32 @!p0 $0x100000, s0  }
0x130: {  	[sflag:s0] =	ssyncadd.tile.s32 @!p0 $0x1;
	_ =	shalt  }
.Lfunc_end2:
_tile_overlayer_lowered:
.L_overlay_start_2:
0x131: {  	(tag) =	ssettag $0x2  }
0x132: {  	s0 =	rddreg [dreg:$0x0];
	s2 =	stileid.u32  }
0x133: {  	s1 =	rddreg [dreg:$0x1];
	p0 =	sne.s32 s2, $0x0  }
0x134: {  	s3 =	rddreg [dreg:$0x2];
	[bflag:$0x3] =	sbarrier.arrive $0xFFFF;
	s2 =	simm.s32 @!p0 $0x1C03  }
0x135: {  	[timem:s3], [sflag:s2] =	dma.local @!p0 [hbm:s0], s1  }
0x136: {  	s0 =	simm.s32 @!p0 $0x3  }
0x137: {  	_ =	swait.ge @!p0 [sflag:s0], s1  }
0x138: {  	s1 =	ssub.s32 @!p0 $0x0, s1;
	[sflag:s0] =	ssyncset.done @!p0 $0x0  }
0x139: {  	[sflag:s0] =	ssyncadd.s32 @!p0 s1  }
0x13a: {  	[bflag:$0x3] =	sbarrier.arrive $0xFFFF  }
0x13b: {  	_ =	shalt  }

// kernel: kernel.22.cloned.1.call-start
scs
__scs_entry_jumppad:
0x0: {  	(pc) =	sbr.rel $0x88, $3  }
0x1: {  	(tag) =	ssettag $0x0;
	lr =	simm.s32 $0x1  }
0x2: {  	[smem:$0x3F92] =	sst lr;
	_ =	strace $0xD0000000  }
0x3: {  	_ = 	snop  }
0x4: {  	_ = 	snop  }
0x5: {  	_ = 	snop  }
0x6: {  	_ = 	snop  }
0x7: {  	_ = 	snop  }
__scs_overlays_trampoline_lowered:
0x8: {  	[smem:$0x3FA1] =	sst s0  }
0x9: {  	[smem:$0x3FA2] =	sst s1  }
0xa: {  	[smem:$0x3FA3] =	sst s2  }
0xb: {  	[smem:$0x3FA4] =	sst s3  }
0xc: {  	[smem:$0x3FA5] =	sst s4  }
0xd: {  	[smem:$0x3FA6] =	sst s5  }
0xe: {  	[smem:$0x3FA7] =	sst s6  }
0xf: {  	[smem:$0x3FA8] =	sst s7  }
0x10: {  	[smem:$0x3FA9] =	sst s8  }
0x11: {  	[smem:$0x3FAA] =	sst s9;
	s0 =	simm.s32 @!p0 $0x0  }
0x12: {  	s1 =	sld [smem:$0x3F90];
	s0 =	simm.s32 @p0 $0x1  }
0x13: {  	[smem:$0x3FAB] =	sst s0;
	s0 =	simm.s32 @!p1 $0x0  }
0x14: {  	s2 =	sld [smem:$0x3F8F];
	s0 =	simm.s32 @p1 $0x1  }
0x15: {  	[smem:$0x3FAC] =	sst s0;
	s0 =	simm.s32 @!p2 $0x0  }
0x16: {  	s3 =	sld [smem:$0x3FDB];
	s0 =	simm.s32 @p2 $0x1  }
0x17: {  	s4 =	simm.s32 $0x1BF5;
	[smem:$0x3FAE] =	sst s0  }
0x18: {  	s0 =	sld [smem:$0x3F91];
	_ =	swait.ge [sflag:s4], $0x0  }
0x19: {  	s7 =	sld [smem:$0x3F92]  }
0x1a: {  	s8 =	sadd.s32 $0xFFFFE003, lr  }
0x1b: {  	s9 =	sadd.s32 $0xFFFFFEF7, lr;
	s5 =	simm.s32 $0xFFFFFFFF;
	p2 =	slt.u32 s8, $0xFFFFF086  }
0x1c: {  	p1 =	slt.u32 s9, $0xF7A;
	s5 =	simm.s32 @!p2 $0x0  }
0x1d: {  	s5 =	simm.s32 @p1 $0x1;
	p0 =	seq.s32 s7, s2  }
0x1e: {  	s7 =	smul.u32 @!p0 $0xF7A, s2;
	p2 =	seq.s32 @!p0 s5, $0x0  }
0x1f: {  	s9 =	smul.u32 $0xF7A, s1;
	s8 =	simm.s32 @!p0 $0x1BF5;
	p2 =	por !p2, p0  }
0x20: {  	[sflag:s8] =	ssyncset.s32 @!p0 $0xFFFFF086;
	s6 =	sadd.s32 @!p0 s3, s7;
	s7 =	simm.s32 @!p0 $0x108  }
0x21: {  	s3 =	sadd.s32 s3, s9;
	s6 =	sadd.s32 @!p0 $0x88, s6;
	s7 =	simm.s32 @p2 $0x1082  }
0x22: {  	[simem:s7], [sflag:s8] =	dma.local @!p0 [hbm:s6], $0xF7A  }
0x23: {  	s9 =	sor.u32 $0xD0000000, s2;
	s6 =	simm.s32 $0x108;
	_ =	swait.ge @!p0 [sflag:s8], $0x0  }
0x24: {  	s3 =	sadd.s32 $0x88, s3;
	s6 =	simm.s32 @!p1 $0x1082;
	[sflag:s4] =	ssyncset.s32 $0xFFFFF086  }
0x25: {  	[simem:s6], [sflag:s4] =	dma.local [hbm:s3], $0xF7A  }
0x26: {  	[smem:$0x3F92] =	sst s1;
	(tag) =	ssettag s2;
	_ =	strace s9  }
0x27: {  	s1 =	sld [smem:$0x3FA2]  }
0x28: {  	s2 =	sld [smem:$0x3FA3]  }
0x29: {  	s4 =	sld [smem:$0x3FA5]  }
0x2a: {  	p0 =	seq.s32 s5, $0x0;
	s5 =	sld [smem:$0x3FA6]  }
0x2b: {  	s6 =	sld [smem:$0x3FA7]  }
0x2c: {  	s7 =	sld [smem:$0x3FA8]  }
0x2d: {  	s3 =	simm.s32 $0x108;
	s8 =	sld [smem:$0x3FA9]  }
0x2e: {  	s3 =	simm.s32 @!p0 $0x1082;
	s9 =	sld [smem:$0x3FAA]  }
0x2f: {  	lr =	sadd.s32 s0, s3;
	s0 =	sld [smem:$0x3FA1]  }
0x30: {  	s3 =	sld [smem:$0x3FA4]  }
0x31: {  	[smem:$0x3FAD] =	sst s10  }
0x32: {  	s10 =	sld [smem:$0x3FAB];
	_ =	sdelay $0x3  }
0x33: {  	p0 =	seq.s32 s10, $0x1;
	s10 =	sld [smem:$0x3FAD];
	_ =	sdelay $0x3  }
0x34: {  	[smem:$0x3FAD] =	sst s10  }
0x35: {  	s10 =	sld [smem:$0x3FAC];
	_ =	sdelay $0x3  }
0x36: {  	p1 =	seq.s32 s10, $0x1;
	s10 =	sld [smem:$0x3FAD];
	_ =	sdelay $0x3  }
0x37: {  	[smem:$0x3FAD] =	sst s10  }
0x38: {  	s10 =	sld [smem:$0x3FAE]  }
0x39: {  	_ = 	snop;
	(pc) =	sbr.ind lr, $3  }
0x3a: {  	_ = 	snop  }
0x3b: {  	_ = 	snop  }
0x3c: {  	p2 =	seq.s32 s10, $0x1;
	s10 =	sld [smem:$0x3FAD]  }
0x3d: {  	_ =	shalt  }
0x3e: {  	_ =	shalt  }
0x3f: {  	_ =	shalt  }
0x40: {  	_ =	shalt  }
0x41: {  	_ =	shalt  }
0x42: {  	_ =	shalt  }
0x43: {  	_ =	shalt  }
0x44: {  	_ =	shalt  }
0x45: {  	_ =	shalt  }
0x46: {  	_ =	shalt  }
0x47: {  	_ =	shalt  }
0x48: {  	_ =	shalt  }
0x49: {  	_ =	shalt  }
0x4a: {  	_ =	shalt  }
0x4b: {  	_ =	shalt  }
0x4c: {  	_ =	shalt  }
0x4d: {  	_ =	shalt  }
0x4e: {  	_ =	shalt  }
0x4f: {  	_ =	shalt  }
0x50: {  	_ =	shalt  }
0x51: {  	_ =	shalt  }
0x52: {  	_ =	shalt  }
0x53: {  	_ =	shalt  }
0x54: {  	_ =	shalt  }
0x55: {  	_ =	shalt  }
0x56: {  	_ =	shalt  }
0x57: {  	_ =	shalt  }
0x58: {  	_ =	shalt  }
0x59: {  	_ =	shalt  }
0x5a: {  	_ =	shalt  }
0x5b: {  	_ =	shalt  }
0x5c: {  	_ =	shalt  }
0x5d: {  	_ =	shalt  }
0x5e: {  	_ =	shalt  }
0x5f: {  	_ =	shalt  }
0x60: {  	_ =	shalt  }
0x61: {  	_ =	shalt  }
0x62: {  	_ =	shalt  }
0x63: {  	_ =	shalt  }
0x64: {  	_ =	shalt  }
0x65: {  	_ =	shalt  }
0x66: {  	_ =	shalt  }
0x67: {  	_ =	shalt  }
0x68: {  	_ =	shalt  }
0x69: {  	_ =	shalt  }
0x6a: {  	_ =	shalt  }
0x6b: {  	_ =	shalt  }
0x6c: {  	_ =	shalt  }
0x6d: {  	_ =	shalt  }
0x6e: {  	_ =	shalt  }
0x6f: {  	_ =	shalt  }
0x70: {  	_ =	shalt  }
0x71: {  	_ =	shalt  }
0x72: {  	_ =	shalt  }
0x73: {  	_ =	shalt  }
0x74: {  	_ =	shalt  }
0x75: {  	_ =	shalt  }
0x76: {  	_ =	shalt  }
0x77: {  	_ =	shalt  }
0x78: {  	_ =	shalt  }
0x79: {  	_ =	shalt  }
0x7a: {  	_ =	shalt  }
0x7b: {  	_ =	shalt  }
0x7c: {  	_ =	shalt  }
0x7d: {  	_ =	shalt  }
0x7e: {  	_ =	shalt  }
0x7f: {  	_ =	shalt  }
0x80: {  	_ =	shalt  }
0x81: {  	_ =	shalt  }
0x82: {  	_ =	shalt  }
0x83: {  	_ =	shalt  }
0x84: {  	_ =	shalt  }
0x85: {  	_ =	shalt  }
0x86: {  	_ =	shalt  }
0x87: {  	_ =	shalt  }
.Lfunc_end0:
.L_simem_size_0:
called_computation.4_lowered:
.L_overlay_start_0:
0x88: {  	s2 =	sld [smem:$0x3FD9]  }
0x89: {  	s3 =	sld [smem:$0x3FFE];
	_ =	sdelay $0x1  }
0x8a: {  	s1 =	srdreg.scid  }
0x8b: {  	s0 =	sand.u32 $0x1, s1  }
0x8c: {  	s17 =	sshll.u32 s0, $0xA;
	s2 =	sadd.s32 s3, s2  }
0x8d: {  	s2 =	sadd.s32 s2, s17  }
0x8e: {  	[smem:$0x3FB9] =	sst s2  }
0x8f: {  	_ = 	snop  }
0x90: {  	(tm) =	ssettm $0x1  }
0x91: {  	s18 =	sld [smem:$0x3FFB];
	_ =	sdelay $0x3  }
0x92: {  	_ =	strace s18  }
0x93: {  	s2 =	sld [smem:$0x3FFC];
	_ =	sdelay $0x3  }
0x94: {  	_ =	strace s2  }
0x95: {  	s2 =	sld [smem:$0x3FFD];
	_ =	sdelay $0x3  }
0x96: {  	_ =	strace s2  }
0x97: {  	_ =	strace $0x8FFFFFFF  }
0x98: {  	s19 =	sld [smem:$0x3FDB];
	_ =	sdelay $0x1  }
0x99: {  	s20 =	simm.s32 $_scs_section_size  }
0x9a: {  	s4 =	simm.s32 $_size__tile_overlayer_lowered;
	s5 =	simm.s32 $_tile_overlayer_lowered  }
0x9b: {  	s6 =	simm.s32 $0x1BFF;
	s21 =	sshll.u32 s5, $0x1;
	s3 =	sadd.s32 s20, s19  }
0x9c: {  	s22 =	simm.s32 $0x0;
	s4 =	sshll.u32 s4, $0x1;
	s5 =	sadd.s32 s21, s3  }
0x9d: {  	[timem:s22], [sflag:s6] =	dma.local [hbm:s5], s4  }
0x9e: {  	_ =	swait.ge [sflag:s6], s4  }
0x9f: {  	s4 =	ssub.s32 $0x0, s4;
	[sflag:s6] =	ssyncset.done $0x0  }
0xa0: {  	[sflag:s6] =	ssyncadd.s32 s4;
	_ =	sdelay $0x1  }
0xa1: {  	s23 =	simm.s32 $0x1B8B  }
0xa2: {  	_ =	swait.ge [sflag:s23], $0x1  }
0xa3: {  	[sflag:s23] =	ssyncset.done $0x0  }
0xa4: {  	[sflag:s23] =	ssyncadd.s32 $0xFFFFFFFF  }
0xa5: {  	s4 =	sld [smem:$0x0]  }
0xa6: {  	s5 =	sand.u32 $0xFFFFFFFE, s1  }
0xa7: {  	p0 =	sne.s32 s1, s5  }
0xa8: {  	s5 =	sshll.u32 @p0 s5, $0xE  }
0xa9: {  	s5 =	sadd.s32 @p0 $0x11B8D, s5;
	s6 =	sshll.u32 @p0 s4, $0x11  }
0xaa: {  	s5 =	sor.u32 @p0 s6, s5  }
0xab: {  	[sflag:s5] =	ssyncadd.remote.s32 @p0 $0x1;
	_ =	sdelay $0x1  }
0xac: {  	s5 =	simm.s32 @p0 $0x1B8D  }
0xad: {  	_ =	swait.eq @p0 [sflag:s5], $0x1  }
0xae: {  	[sflag:s5] =	ssyncadd.s32 @p0 $0xFFFFFFFF  }
0xaf: {  	s6 =	sshll.u32 @!p0 s1, $0xE  }
0xb0: {  	s6 =	sor.u32 @!p0 $0x4000, s6;
	s5 =	simm.s32 @!p0 $0x1B8D  }
0xb1: {  	s4 =	sshll.u32 @!p0 s4, $0x11;
	s6 =	sadd.s32 @!p0 $0x11B8D, s6;
	_ =	swait.eq @!p0 [sflag:s5], $0x1  }
0xb2: {  	s4 =	sor.u32 @!p0 s4, s6;
	[sflag:s5] =	ssyncadd.s32 @!p0 $0xFFFFFFFF  }
0xb3: {  	s25 =	simm.s32 $0x1B8E;
	s24 =	sld [smem:$0x3FFE];
	[sflag:s4] =	ssyncadd.remote.s32 @!p0 $0x1  }
0xb4: {  	s26 =	simm.s32 $execute0_lowered;
	[smem:$0x3FD2] =	sst s25  }
0xb5: {  	s5 =	sshll.u32 s26, $0x1;
	_ =	strace $0x80000052;
	[dreg:$0x1] =	wrdreg $0xFFFFFFFF  }
0xb6: {  	s28 =	simm.s32 $_size_execute0_lowered;
	s3 =	sadd.s32 s3, s5;
	[dreg:$0x0] =	wrdreg $0x0  }
0xb7: {  	s5 =	sshll.u32 s28, $0x1;
	[dreg:$0x2] =	wrdreg s3  }
0xb8: {  	[dreg:$0x3] =	wrdreg s5  }
0xb9: {  	[dreg:$0x4] =	wrdreg $0xC0  }
0xba: {  	_ =	task [dreg:s22], $0x5FFFF  }
0xbb: {  	[dreg:$0x1] =	wrdreg $0xFFFFFFFF  }
0xbc: {  	[dreg:$0x0] =	wrdreg $0x60  }
0xbd: {  	[dreg:$0x2] =	wrdreg s24  }
0xbe: {  	[dreg:$0x3] =	wrdreg $0x0  }
0xbf: {  	[dreg:$0x4] =	wrdreg $0xA  }
0xc0: {  	_ =	task.clear_ibuf [dreg:s22], $0x5FFFF;
	_ =	strace $0x90000052  }
0xc1: {  	s29 =	simm.s32 $0xA;
	_ =	strace $0x80000054  }
0xc2: {  	_ =	swait.ge [sflag:s29], $0x1  }
0xc3: {  	[sflag:s29] =	ssyncadd.s32 $0xFFFFFFFF  }
0xc4: {  	_ =	strace $0x90000054  }
0xc5: {  	_ =	sfence  }
0xc6: {  	s30 =	sld [smem:$0x0];
	_ =	sdelay $0x2  }
0xc7: {  	s31 =	sshll.u32 s1, $0xD;
	s1 =	sshrl.u32 s1, $0x2  }
0xc8: {  	s4 =	sand.u32 $0x4000, s31;
	s1 =	sadd.s32 s1, s30  }
0xc9: {  	s0 =	sor.u32 s4, s0;
	s1 =	sshll.u32 s1, $0x11  }
0xca: {  	s0 =	sor.u32 s1, s0  }
0xcb: {  	s0 =	sadd.s32 $0x8F2B, s0  }
0xcc: {  	[sflag:s0] =	ssyncadd.remote.s32 $0x1  }
0xcd: {  	_ =	sfence.sel $0xFFFF  }
0xce: {  	[dreg:$0x0] =	wrdreg $0xFFFFFFFF;
	(pc) =	sbr.abs _section_cstart, $3  }
0xcf: {  	[dreg:$0x1] =	wrdreg $0xFFFFFFFF  }
0xd0: {  	_ =	task.clear_ibuf [dreg:s22], $0x2FFFF;
	_ =	strace $0x9FFFFFFF  }
0xd1: {  	(tm) =	ssettm $0x7FFFFFFF  }
tec
execute0_lowered:
.L_overlay_start_1:
0x0: {  	(tag) =	ssettag $0x1  }
0x1: {  	s5 =	rddreg [dreg:$0x0]  }
0x2: {  	s1 =	rddreg [dreg:$0x1]  }
0x3: {  	s0 =	rddreg [dreg:$0x2];
	s2 =	simm.s32 $0x0;
	s3 =	stileid.u32  }
0x4: {  	s4 =	srdreg.scid;
	s19 =	simm.s32 $0x13980;
	s20 =	simm.s32 $0x2  }
0x5: {  	s21 =	simm.s32 $0x13880;
	s22 =	simm.s32 $0x13900;
	s24 =	simm.s32 $0x1  }
0x6: {  	s25 =	simm.s32 $0x0;
	[smem:$0x7FF] =	sst s2;
	s6 =	smul.u32 $0x4E2, s3  }
0x7: {  	s10 =	sand.u32 $0x1, s4;
	s7 =	smul.u32 $0x4E000, s3;
	s4 =	sadd.s32 $0xB2C00, s5  }
0x8: {  	s15 =	sadd.s32 $0x14F000, s5;
	s12 =	smul.u32 $0x270, s3;
	p0 =	sne.s32 s3, $0x0  }
0x9: {  	_ =	strace $0x80000053;
	s30 =	ssub.s32 $0x2, s10;
	s23 =	smul.u32 $0x2710, s10  }
0xa: {  	s13 =	smul.u32 $0x138800, s10;
	s31 =	sshrl.u32 s30, $0x1;
	s7 =	sshrl.u32 s7, $0x2  }
0xb: {  	s18 =	sadd.s32 s6, s5;
	s16 =	ssub.s32 s30, s31;
	s5 =	sadd.s32 s7, s1  }
0xc: {  	s14 =	sadd.s32 s12, s23;
	s17 =	sshrl.u32 s13, $0x3;
	s13 =	sadd.s32 $0x138000, s1  }
0xd: {  	v0 =	vmov s23;
	s23 =	simm.s32 $0x50;
	s6 =	sadd.s32 $0x2800, s5;
	s7 =	sadd.s32 $0x5000, s5  }
0xe: {  	s8 =	sadd.s32 $0x7800, s5;
	s9 =	sadd.s32 $0xA000, s5;
	s10 =	sadd.s32 $0xC800, s5  }
0xf: {  	s11 =	sadd.s32 $0xF000, s5;
	s12 =	sadd.s32 $0x11800, s5;
	s14 =	sshll.u32 s14, $0x4  }
0x10: {  	s16 =	smax.u32 s16, $0x1;
	s14 =	sadd.s32 s15, s14;
	s15 =	sadd.s32 s15, s17  }
0x11: {  	v1 =	vimm.f32 $0.0e+00;
	s17 =	sadd.s32 $0x2800, s18;
	s18 =	sadd.s32 $0x7800, s18;
	s15 =	sadd.s32 $0x27000, s15  }
.LBB2_1:
0x12: {  	s26 =	simm.s32 $0x0;
	s28 =	simm.s32 $0x200  }
.LBB2_2:
0x13: {  	p1 =	sne.s32 s28, $0x9E00;
	[tilespmem:s26+$0x139F0] =	vst v1  }
0x14: {  	[tilespmem:s26+$0x13980] =	vst v1  }
0x15: {  	[tilespmem:s26+$0x13990] =	vst v1  }
.Ltmp0:
0x16: {  	[tilespmem:s26+$0x139A0] =	vst v1;
	(pc) =	sbr.rel @p1 .LBB2_2-.Ltmp0, $4  }
0x17: {  	[tilespmem:s26+$0x139B0] =	vst v1  }
0x18: {  	[tilespmem:s26+$0x139C0] =	vst v1  }
0x19: {  	[tilespmem:s26+$0x139D0] =	vst v1  }
0x1a: {  	[tilespmem:s26+$0x139E0] =	vst v1;
	s26 =	sshra.s32 s28, $0x2;
	s28 =	sadd.s32 $0x200, s28  }
0x1b: {  	[tilespmem:s26+$0x139F0] =	vst v1  }
0x1c: {  	[tilespmem:s26+$0x13980] =	vst v1  }
0x1d: {  	[tilespmem:s26+$0x13990] =	vst v1  }
0x1e: {  	[tilespmem:s26+$0x139A0] =	vst v1  }
0x1f: {  	[tilespmem:s26+$0x139B0] =	vst v1  }
0x20: {  	[tilespmem:s26+$0x139C0] =	vst v1  }
0x21: {  	[tilespmem:s26+$0x139D0] =	vst v1  }
0x22: {  	[tilespmem:s26+$0x139E0] =	vst v1  }
0x23: {  	[spmem:s5] =	stream.linear.scatter [tilespmem:s19], [sflag:$0x2], $0x2800, $0x38;
	[tilespmem:$0x16180] =	vst v63  }
0x24: {  	_ =	swait.ge [sflag:s20], $0x2800  }
0x25: {  	[sflag:s20] =	ssyncset.done $0x0  }
0x26: {  	[sflag:s20] =	ssyncadd.s32 $0xFFFFD800  }
0x27: {  	[spmem:s6] =	stream.linear.scatter [tilespmem:s19], [sflag:$0x2], $0x2800, $0x38;
	[tilespmem:$0x16180] =	vst v63  }
0x28: {  	_ =	swait.ge [sflag:s20], $0x2800  }
0x29: {  	[sflag:s20] =	ssyncset.done $0x0  }
0x2a: {  	[sflag:s20] =	ssyncadd.s32 $0xFFFFD800  }
0x2b: {  	[spmem:s7] =	stream.linear.scatter [tilespmem:s19], [sflag:$0x2], $0x2800, $0x38;
	[tilespmem:$0x16180] =	vst v63  }
0x2c: {  	_ =	swait.ge [sflag:s20], $0x2800  }
0x2d: {  	[sflag:s20] =	ssyncset.done $0x0  }
0x2e: {  	[sflag:s20] =	ssyncadd.s32 $0xFFFFD800  }
0x2f: {  	[spmem:s8] =	stream.linear.scatter [tilespmem:s19], [sflag:$0x2], $0x2800, $0x38;
	[tilespmem:$0x16180] =	vst v63  }
0x30: {  	_ =	swait.ge [sflag:s20], $0x2800  }
0x31: {  	[sflag:s20] =	ssyncset.done $0x0  }
0x32: {  	[sflag:s20] =	ssyncadd.s32 $0xFFFFD800  }
0x33: {  	[spmem:s9] =	stream.linear.scatter [tilespmem:s19], [sflag:$0x2], $0x2800, $0x38;
	[tilespmem:$0x16180] =	vst v63  }
0x34: {  	_ =	swait.ge [sflag:s20], $0x2800  }
0x35: {  	[sflag:s20] =	ssyncset.done $0x0  }
0x36: {  	[sflag:s20] =	ssyncadd.s32 $0xFFFFD800  }
0x37: {  	[spmem:s10] =	stream.linear.scatter [tilespmem:s19], [sflag:$0x2], $0x2800, $0x38;
	[tilespmem:$0x16180] =	vst v63  }
0x38: {  	_ =	swait.ge [sflag:s20], $0x2800  }
0x39: {  	[sflag:s20] =	ssyncset.done $0x0  }
0x3a: {  	[sflag:s20] =	ssyncadd.s32 $0xFFFFD800  }
0x3b: {  	[spmem:s11] =	stream.linear.scatter [tilespmem:s19], [sflag:$0x2], $0x2800, $0x38;
	[tilespmem:$0x16180] =	vst v63  }
0x3c: {  	_ =	swait.ge [sflag:s20], $0x2800  }
0x3d: {  	[sflag:s20] =	ssyncset.done $0x0  }
0x3e: {  	[sflag:s20] =	ssyncadd.s32 $0xFFFFD800  }
0x3f: {  	[spmem:s12] =	stream.linear.scatter [tilespmem:s19], [sflag:$0x2], $0x2000, $0x38;
	[tilespmem:$0x16180] =	vst v63  }
0x40: {  	_ =	swait.ge [sflag:s20], $0x2000  }
0x41: {  	[sflag:s20] =	ssyncset.done $0x0  }
0x42: {  	s26 =	simm.s32 @!p0 $0x13980;
	[sflag:s20] =	ssyncadd.s32 $0xFFFFE000  }
0x43: {  	[spmem:s13] =	stream.linear.scatter @!p0 [tilespmem:s26], [sflag:$0x2], $0x800, $0x38;
	[tilespmem:$0x16180] =	vst v63  }
0x44: {  	s26 =	simm.s32 @!p0 $0x2  }
0x45: {  	_ =	swait.ge @!p0 [sflag:s26], $0x800  }
0x46: {  	[sflag:s26] =	ssyncset.done @!p0 $0x0  }
0x47: {  	[sflag:s26] =	ssyncadd.s32 @!p0 $0xFFFFF800  }
0x48: {  	s30 =	sadd.s32 $0x0, s18;
	[bflag:$0x0] =	sbarrier.arrive $0xFFFF  }
0x49: {  	[tilespmem:s21], [sflag:$0x2] =	stream.linear.gather [hbm4b:s30+s2], $0x50, $0x38;
	[tilespmem:$0x16180] =	vst v63  }
0x4a: {  	_ =	swait.ge [sflag:s20], $0x50  }
0x4b: {  	[sflag:s20] =	ssyncset.done $0x0  }
0x4c: {  	s31 =	sadd.s32 $0x0, s17;
	[sflag:s20] =	ssyncadd.s32 $0xFFFFFFB0  }
0x4d: {  	[tilespmem:s22], [sflag:$0x2] =	stream.linear.gather [hbm4b:s31+s2], $0x50, $0x38;
	[tilespmem:$0x16180] =	vst v63  }
0x4e: {  	_ =	swait.ge [sflag:s20], $0x50  }
0x4f: {  	[sflag:s20] =	ssyncset.done $0x0  }
0x50: {  	[sflag:s20] =	ssyncadd.s32 $0xFFFFFFB0  }
0x51: {  	v2 =	vld [tilespmem:$0x13940]  }
0x52: {  	v3 =	vld [tilespmem:$0x13920]  }
0x53: {  	v4 =	vld [tilespmem:$0x13930]  }
0x54: {  	v5 =	vld [tilespmem:$0x13910]  }
0x55: {  	v6 =	vld [tilespmem:$0x13900]  }
0x56: {  	v2 =	vadd.s32 v0, v2  }
0x57: {  	v3 =	vadd.s32 v0, v3;
	[tilespmem:$0x13940] =	vst v2  }
0x58: {  	[tilespmem:$0x13920] =	vst v3;
	v2 =	vadd.s32 v0, v4  }
0x59: {  	v3 =	vadd.s32 v0, v5;
	[tilespmem:$0x13930] =	vst v2  }
0x5a: {  	v2 =	vadd.s32 v0, v6;
	[tilespmem:$0x13910] =	vst v3  }
0x5b: {  	[tilespmem:$0x13900] =	vst v2  }
0x5c: {  	[tilespmem:s19], [sflag:$0x1] =	stream.indirect.gather [hbm4b:s4+s23], $0x80, s22, s23, $0xb8;
	[tilespmem:$0x16180] =	vst v63  }
0x5d: {  	_ =	swait.ge [sflag:s24], $0x2800  }
0x5e: {  	s26 =	simm.s32 $0xA;
	[sflag:s24] =	ssyncset.done $0x0  }
.LBB2_4:
0x5f: {  	p1 =	sne.s32 s26, $0x4D8  }
0x60: {  	[sflag:s24] =	ssyncadd.s32 $0xFFFFD800;
	s28 =	smov.u32 s26;
	s26 =	sadd.s32 $0xA, s26  }
0x61: {  	[spmem:s1] =	stream.indirect.scatter.add.f32 [tilespmem:s19], [sflag:$0x2], $0x80, s21, s23, $0xb8;
	[tilespmem:$0x16180] =	vst v63  }
0x62: {  	_ =	swait.ge [sflag:s20], $0x2800  }
0x63: {  	[sflag:s20] =	ssyncset.done $0x0  }
0x64: {  	s29 =	sadd.s32 s28, s18;
	[sflag:s20] =	ssyncadd.s32 $0xFFFFD800  }
0x65: {  	[tilespmem:s21], [sflag:$0x2] =	stream.linear.gather [hbm4b:s29+s2], $0x50, $0x38;
	[tilespmem:$0x16180] =	vst v63  }
0x66: {  	_ =	swait.ge [sflag:s20], $0x50  }
0x67: {  	[sflag:s20] =	ssyncset.done $0x0  }
0x68: {  	s28 =	sadd.s32 s28, s17;
	[sflag:s20] =	ssyncadd.s32 $0xFFFFFFB0  }
0x69: {  	[tilespmem:s22], [sflag:$0x2] =	stream.linear.gather [hbm4b:s28+s2], $0x50, $0x38;
	[tilespmem:$0x16180] =	vst v63  }
0x6a: {  	_ =	swait.ge [sflag:s20], $0x50  }
0x6b: {  	[sflag:s20] =	ssyncset.done $0x0  }
0x6c: {  	[sflag:s20] =	ssyncadd.s32 $0xFFFFFFB0  }
0x6d: {  	v2 =	vld [tilespmem:$0x13940]  }
0x6e: {  	v3 =	vld [tilespmem:$0x13920]  }
0x6f: {  	v4 =	vld [tilespmem:$0x13930]  }
0x70: {  	v5 =	vld [tilespmem:$0x13910]  }
0x71: {  	v6 =	vld [tilespmem:$0x13900]  }
0x72: {  	v2 =	vadd.s32 v0, v2  }
0x73: {  	v3 =	vadd.s32 v0, v3;
	[tilespmem:$0x13940] =	vst v2  }
0x74: {  	[tilespmem:$0x13920] =	vst v3;
	v2 =	vadd.s32 v0, v4  }
0x75: {  	v3 =	vadd.s32 v0, v5;
	[tilespmem:$0x13930] =	vst v2  }
.Ltmp1:
0x76: {  	v2 =	vadd.s32 v0, v6;
	[tilespmem:$0x13910] =	vst v3;
	(pc) =	sbr.rel @p1 .LBB2_4-.Ltmp1, $4  }
0x77: {  	[tilespmem:$0x13900] =	vst v2  }
0x78: {  	[tilespmem:s19], [sflag:$0x1] =	stream.indirect.gather [hbm4b:s4+s23], $0x80, s22, s23, $0xb8;
	[tilespmem:$0x16180] =	vst v63  }
0x79: {  	_ =	swait.ge [sflag:s24], $0x2800  }
0x7a: {  	[sflag:s24] =	ssyncset.done $0x0  }
0x7b: {  	[sflag:s24] =	ssyncadd.s32 $0xFFFFD800  }
0x7c: {  	[spmem:s1] =	stream.indirect.scatter.add.f32 [tilespmem:s19], [sflag:$0x2], $0x80, s21, s23, $0xb8;
	[tilespmem:$0x16180] =	vst v63  }
0x7d: {  	_ =	swait.ge [sflag:s20], $0x2800  }
0x7e: {  	[sflag:s20] =	ssyncset.done $0x0  }
0x7f: {  	s26 =	sshll.u32 s3, $0x6;
	[sflag:s20] =	ssyncadd.s32 $0xFFFFD800  }
0x80: {  	s28 =	sshrl.u32 s5, $0x3;
	s26 =	sor.u32 $0x1C02, s26;
	[bflag:$0x0] =	sbarrier.arrive $0xFFFF  }
0x81: {  	[hbm:s14], [sflag:s26] =	dma.local [spmem:s28], $0x2700  }
0x82: {  	_ =	swait.ge [sflag:s20], $0x2700  }
0x83: {  	s25 =	sadd.s32 $0x1, s25;
	[sflag:s20] =	ssyncset.done $0x0  }
0x84: {  	p1 =	sne.s32 s25, s16;
	s28 =	sshrl.u32 @!p0 s13, $0x3;
	[sflag:s20] =	ssyncadd.s32 $0xFFFFD900  }
0x85: {  	[hbm:s15], [sflag:s26] =	dma.local @!p0 [spmem:s28], $0x100  }
.Ltmp2:
0x86: {  	_ = 	snop;
	(pc) =	sbr.rel @p1 .LBB2_1-.Ltmp2, $4  }
0x87: {  	s26 =	simm.s32 @!p0 $0x2  }
0x88: {  	_ =	swait.ge @!p0 [sflag:s26], $0x100  }
0x89: {  	[sflag:s26] =	ssyncset.done @!p0 $0x0  }
0x8a: {  	[sflag:s26] =	ssyncadd.s32 @!p0 $0xFFFFFF00  }
0x8b: {  	_ =	sfence.sel $0x180000  }
0x8c: {  	[bflag:$0x0] =	sbarrier.arrive $0xFFFF  }
0x8d: {  	_ =	strace $0x90000053  }
0x8e: {  	s0 =	sadd.s32 @!p0 $0x100000, s0;
	[bflag:$0x2] =	sbarrier.arrive $0xFFFF  }
0x8f: {  	[sflag:s0] =	ssyncadd.tile.s32 @!p0 $0x1;
	_ =	shalt  }
.Lfunc_end2:
_tile_overlayer_lowered:
.L_overlay_start_2:
0x90: {  	(tag) =	ssettag $0x2  }
0x91: {  	s0 =	rddreg [dreg:$0x0];
	s2 =	stileid.u32  }
0x92: {  	s1 =	rddreg [dreg:$0x1];
	p0 =	sne.s32 s2, $0x0  }
0x93: {  	s3 =	rddreg [dreg:$0x2];
	[bflag:$0x3] =	sbarrier.arrive $0xFFFF;
	s2 =	simm.s32 @!p0 $0x1C02  }
0x94: {  	[timem:s3], [sflag:s2] =	dma.local @!p0 [hbm:s0], s1  }
0x95: {  	s0 =	simm.s32 @!p0 $0x2  }
0x96: {  	_ =	swait.ge @!p0 [sflag:s0], s1  }
0x97: {  	s1 =	ssub.s32 @!p0 $0x0, s1;
	[sflag:s0] =	ssyncset.done @!p0 $0x0  }
0x98: {  	[sflag:s0] =	ssyncadd.s32 @!p0 s1  }
0x99: {  	[bflag:$0x3] =	sbarrier.arrive $0xFFFF  }
0x9a: {  	_ =	shalt  }

</sc_bundles>
